<compile_context>
chip_gen: v7x
topology: tpu7x:2x2x1
jax: 0.10.2.dev20260603
libtpu: 0.0.44.dev20260713+nightly
codegen_flags: <defaults>
</compile_context>

<pallas_src>
import functools

import jax
import jax.numpy as jnp
from jax import lax
from jax.experimental import pallas as pl
from jax.experimental.pallas import tpu as pltpu
from jax.experimental.pallas import tpu_sc as plsc

N = 10000
D = 128
NI = 320000
NP = 10240
NC, NS = 2, 16
NW = NC * NS
BLK = 128
NB = -(-NI // (NW * BLK))
NI_PAD = NW * NB * BLK
RPT = NP // NW
RPS = NP // NS

_mesh = plsc.VectorSubcoreMesh(core_axis_name="c", subcore_axis_name="s")
_sc_params = pltpu.CompilerParams(needs_layout_passes=False,
                                  use_tc_tiling_on_sc=False)


def _zero_rows(ref, nrows):
    z = jnp.zeros((16,), jnp.float32)

    def body(i, carry):
        for k in range(D // 16):
            ref[i, pl.ds(k * 16, 16)] = z
        return carry

    lax.fori_loop(0, nrows, body, 0, unroll=False)


def _zero_vec(ref, n):
    z = jnp.zeros((16,), jnp.float32)

    def body(i, carry):
        ref[pl.ds(i * 16, 16)] = z
        return carry

    lax.fori_loop(0, n // 16, body, 0, unroll=False)


def _incidence_pass(tab_hbm, gidx_hbm, sidx_hbm,
                    e_part, gidx_v, sidx_v, rows_v, e_sh, sem):
    c = lax.axis_index("c")
    s = lax.axis_index("s")
    wid = c * NS + s

    _zero_rows(rows_v, BLK)
    for t in range(RPS // BLK):
        pltpu.sync_copy(rows_v, e_sh.at[pl.ds(s * RPS + t * BLK, BLK)])

    pltpu.sync_copy(gidx_hbm.at[wid], gidx_v)
    pltpu.sync_copy(sidx_hbm.at[wid], sidx_v)

    plsc.subcore_barrier()

    def body(j, carry):
        pltpu.async_copy(tab_hbm.at[gidx_v.at[j]], rows_v, sem).wait()
        pltpu.sync_copy(rows_v, e_sh.at[sidx_v.at[j]], add=True)
        return carry

    lax.fori_loop(0, NB, body, 0, unroll=False)

    plsc.subcore_barrier()

    pltpu.sync_copy(e_sh.at[pl.ds(s * RPS, RPS)],
                    e_part.at[c, pl.ds(s * RPS, RPS)])


def _scalar_pass(gidx_hbm, sidx_hbm, ew_hbm,
                 degw_part, cnt_part,
                 gidx_v, sidx_v, ew_v, degw_v, cnt_v):
    c = lax.axis_index("c")
    s = lax.axis_index("s")
    wid = c * NS + s

    pltpu.sync_copy(gidx_hbm.at[wid], gidx_v)
    pltpu.sync_copy(sidx_hbm.at[wid], sidx_v)
    pltpu.sync_copy(ew_hbm, ew_v)
    _zero_vec(degw_v, NP)
    _zero_vec(cnt_v, NP)

    ones = jnp.full((16,), 1.0, jnp.float32)

    def body(j, carry):
        for k in range(BLK // 16):
            gv = gidx_v[j, pl.ds(k * 16, 16)]
            sv = sidx_v[j, pl.ds(k * 16, 16)]
            w = plsc.load_gather(ew_v, [sv])
            plsc.addupdate_scatter(degw_v, [gv], w)
            plsc.addupdate_scatter(cnt_v, [sv], ones)
        return carry

    lax.fori_loop(0, NB, body, 0, unroll=False)

    pltpu.sync_copy(degw_v, degw_part.at[wid])
    pltpu.sync_copy(cnt_v, cnt_part.at[wid])


def _combine_e(e_part, cnt_part, degw_part,
               e_feat, dinv_hbm,
               cbuf, dbuf, binv_v, dinv_v, f0, f1, sem):
    c = lax.axis_index("c")
    s = lax.axis_index("s")
    wid = c * NS + s
    r0 = wid * RPT

    for p in range(NW):
        pltpu.sync_copy(cnt_part.at[p, pl.ds(r0, RPT)], cbuf.at[p])
        pltpu.sync_copy(degw_part.at[p, pl.ds(r0, RPT)], dbuf.at[p])

    def scal_body(k, carry):
        accc = jnp.zeros((16,), jnp.float32)
        accd = jnp.zeros((16,), jnp.float32)
        for p in range(NW):
            accc = accc + cbuf[p, pl.ds(k * 16, 16)]
            accd = accd + dbuf[p, pl.ds(k * 16, 16)]
        one = jnp.full((16,), 1.0, jnp.float32)
        zero = jnp.zeros((16,), jnp.float32)
        binv_v[pl.ds(k * 16, 16)] = jnp.where(
            accc > 0, one / jnp.where(accc > 0, accc, one), zero)
        dinv_v[pl.ds(k * 16, 16)] = jnp.where(
            accd > 0, one / jnp.where(accd > 0, accd, one), zero)
        return carry

    lax.fori_loop(0, RPT // 16, scal_body, 0, unroll=False)
    pltpu.sync_copy(dinv_v, dinv_hbm.at[pl.ds(r0, RPT)])

    SUB = 64

    def feat_body(t, carry):
        pltpu.async_copy(e_part.at[0, pl.ds(r0 + t * SUB, SUB)], f0, sem).wait()
        pltpu.async_copy(e_part.at[1, pl.ds(r0 + t * SUB, SUB)], f1, sem).wait()

        def row_body(rr, carry2):
            bidx = jnp.broadcast_to(t * SUB + rr, (16,)).astype(jnp.int32)
            bv = plsc.load_gather(binv_v, [bidx])
            for k in range(D // 16):
                v = f0[rr, pl.ds(k * 16, 16)] + f1[rr, pl.ds(k * 16, 16)]
                f0[rr, pl.ds(k * 16, 16)] = v * bv
            return carry2

        lax.fori_loop(0, SUB, row_body, 0, unroll=False)
        pltpu.sync_copy(f0, e_feat.at[pl.ds(r0 + t * SUB, SUB)])
        return carry

    lax.fori_loop(0, RPT // SUB, feat_body, 0, unroll=False)


def _finalize(o_part, dinv_hbm, b_hbm,
              out_hbm,
              dv, bvv, f0, f1, sem):
    c = lax.axis_index("c")
    s = lax.axis_index("s")
    wid = c * NS + s
    r0 = wid * RPT

    pltpu.sync_copy(dinv_hbm.at[pl.ds(r0, RPT)], dv)
    pltpu.sync_copy(b_hbm, bvv)

    SUB = 64

    def feat_body(t, carry):
        pltpu.async_copy(o_part.at[0, pl.ds(r0 + t * SUB, SUB)], f0, sem).wait()
        pltpu.async_copy(o_part.at[1, pl.ds(r0 + t * SUB, SUB)], f1, sem).wait()

        def row_body(rr, carry2):
            didx = jnp.broadcast_to(t * SUB + rr, (16,)).astype(jnp.int32)
            dvec = plsc.load_gather(dv, [didx])
            for k in range(D // 16):
                v = f0[rr, pl.ds(k * 16, 16)] + f1[rr, pl.ds(k * 16, 16)]
                f0[rr, pl.ds(k * 16, 16)] = v * dvec + bvv[pl.ds(k * 16, 16)]
            return carry2

        lax.fori_loop(0, SUB, row_body, 0, unroll=False)
        pltpu.sync_copy(f0, out_hbm.at[pl.ds(r0 + t * SUB, SUB)])
        return carry

    lax.fori_loop(0, RPT // SUB, feat_body, 0, unroll=False)


def _matmul_body(x_ref, w_ref, o_ref):
    o_ref[...] = jnp.dot(x_ref[...], w_ref[...],
                         preferred_element_type=jnp.float32)


def _matmul(xpad, W):
    MB = 512
    return pl.pallas_call(
        _matmul_body,
        grid=(NP // MB,),
        in_specs=[
            pl.BlockSpec((MB, D), lambda i: (i, 0)),
            pl.BlockSpec((D, D), lambda i: (0, 0)),
        ],
        out_specs=pl.BlockSpec((MB, D), lambda i: (i, 0)),
        out_shape=jax.ShapeDtypeStruct((NP, D), jnp.float32),
    )(xpad, W)


_inc_pass = functools.partial(
    pl.kernel,
    out_type=[jax.ShapeDtypeStruct((NC, NP, D), jnp.float32)],
    mesh=_mesh,
    compiler_params=_sc_params,
    scratch_types=[
        pltpu.VMEM((NB, BLK), jnp.int32),
        pltpu.VMEM((NB, BLK), jnp.int32),
        pltpu.VMEM((BLK, D), jnp.float32),
        pltpu.VMEM_SHARED((NP, D), jnp.float32),
        pltpu.SemaphoreType.DMA,
    ],
)(_incidence_pass)

_scalars = functools.partial(
    pl.kernel,
    out_type=[
        jax.ShapeDtypeStruct((NW, NP), jnp.float32),
        jax.ShapeDtypeStruct((NW, NP), jnp.float32),
    ],
    mesh=_mesh,
    compiler_params=_sc_params,
    scratch_types=[
        pltpu.VMEM((NB, BLK), jnp.int32),
        pltpu.VMEM((NB, BLK), jnp.int32),
        pltpu.VMEM((NP,), jnp.float32),
        pltpu.VMEM((NP,), jnp.float32),
        pltpu.VMEM((NP,), jnp.float32),
    ],
)(_scalar_pass)

_combine = functools.partial(
    pl.kernel,
    out_type=[
        jax.ShapeDtypeStruct((NP, D), jnp.float32),
        jax.ShapeDtypeStruct((NP,), jnp.float32),
    ],
    mesh=_mesh,
    compiler_params=_sc_params,
    scratch_types=[
        pltpu.VMEM((NW, RPT), jnp.float32),
        pltpu.VMEM((NW, RPT), jnp.float32),
        pltpu.VMEM((RPT,), jnp.float32),
        pltpu.VMEM((RPT,), jnp.float32),
        pltpu.VMEM((64, D), jnp.float32),
        pltpu.VMEM((64, D), jnp.float32),
        pltpu.SemaphoreType.DMA,
    ],
)(_combine_e)

_final = functools.partial(
    pl.kernel,
    out_type=[jax.ShapeDtypeStruct((NP, D), jnp.float32)],
    mesh=_mesh,
    compiler_params=_sc_params,
    scratch_types=[
        pltpu.VMEM((RPT,), jnp.float32),
        pltpu.VMEM((D,), jnp.float32),
        pltpu.VMEM((64, D), jnp.float32),
        pltpu.VMEM((64, D), jnp.float32),
        pltpu.SemaphoreType.DMA,
    ],
)(_finalize)


def kernel(x, edge_index, edge_weight, W, b):
    xpad = jnp.pad(x, ((0, NP - N), (0, 0)))
    ew_pad = jnp.pad(edge_weight, (0, NP - N))
    idx = jnp.pad(edge_index, ((0, 0), (0, NI_PAD - NI)), constant_values=N)
    idx = idx.reshape(2, NW, NB, BLK)
    node_r, hedge_r = idx[0], idx[1]

    xw = _matmul(xpad, W)
    degw_part, cnt_part = _scalars(node_r, hedge_r, ew_pad)
    (e_part,) = _inc_pass(xw, node_r, hedge_r)
    e_feat, dinv = _combine(e_part, cnt_part, degw_part)
    (o_part,) = _inc_pass(e_feat, hedge_r, node_r)
    (out,) = _final(o_part, dinv, b)
    return out[:N]

# --- scband reference (transcript-rebuilt; emitter-appended) ---
"""Pipeline reference for scband-hypergraph-conv-layer-34333968564547 (READ-ONLY COPY).

The authoritative reference and input builder live on the scoring server;
editing this copy changes nothing except your own understanding.
"""

import jax, jax.numpy as jnp
import numpy as np
import math

N_NODES = 10000
N_HYPEREDGES = 10000
N_INC = 320000
D_IN = 128
D_OUT = 128

def setup_inputs(seed: int = 0) -> dict:
    key = jax.random.key(seed)
    k1, k2, k3, k4 = jax.random.split(key, 4)
    x = jax.random.normal(k1, (N_NODES, D_IN), dtype=jnp.float32)
    edge_index = jax.random.randint(k2, (2, N_INC), 0, N_NODES, dtype=jnp.int32)
    edge_weight = jax.random.uniform(k3, (N_HYPEREDGES,), dtype=jnp.float32)
    # PyG Linear(in, out, bias=False) with glorot init; module bias init zeros
    limit = math.sqrt(6.0 / (D_IN + D_OUT))
    W = jax.random.uniform(k4, (D_IN, D_OUT), minval=-limit, maxval=limit, dtype=jnp.float32)
    b = jnp.zeros((D_OUT,), dtype=jnp.float32)
    return {"x": x, "edge_index": edge_index, "edge_weight": edge_weight, "W": W, "b": b}

def reference(x, edge_index, edge_weight, W, b):
    # Faithful port of torch_geometric.nn.HypergraphConv (heads=1, use_attention=False)
    num_nodes = x.shape[0]
    num_edges = edge_weight.shape[0]
    node_idx = edge_index[0]       # node endpoint of each incidence
    hedge_idx = edge_index[1]      # hyperedge endpoint of each incidence

    x = x @ W  # self.lin(x)

    # D = scatter_add(hyperedge_weight[hyperedge_index[1]], hyperedge_index[0]); D = 1/D; inf -> 0
    D = jax.ops.segment_sum(edge_weight[hedge_idx], node_idx, num_segments=num_nodes)
    D = jnp.where(D > 0, 1.0 / jnp.where(D > 0, D, 1.0), 0.0)

    # B = scatter_add(ones, hyperedge_index[1]); B = 1/B; inf -> 0
    B = jax.ops.segment_sum(jnp.ones((edge_index.shape[1],), dtype=x.dtype), hedge_idx, num_segments=num_edges)
    B = jnp.where(B > 0, 1.0 / jnp.where(B > 0, B, 1.0), 0.0)

    # propagate 1 (node -> hyperedge): message = norm_i * x_j with norm=B, target=hyperedge
    m1 = B[hedge_idx][:, None] * x[node_idx]
    e_feat = jax.ops.segment_sum(m1, hedge_idx, num_segments=num_edges)

    # propagate 2 (hyperedge -> node, flipped index): norm=D, target=node
    m2 = D[node_idx][:, None] * e_feat[hedge_idx]
    out = jax.ops.segment_sum(m2, node_idx, num_segments=num_nodes)

    out = out + b
    return out

if __name__ == "__main__":
    import jax
    _d = setup_inputs()
    print(jax.jit(kernel)(*tuple(_d.values())))

</pallas_src>

<mosaic_0001>
#map = affine_map<(d0, d1) -> (0, 0, 0)>
#map1 = affine_map<(d0, d1) -> (0, 0)>
#map2 = affine_map<(d0, d1) -> (0)>
module attributes {stable_mosaic.version = 14 : i64} {
  func.func @_combine_e(%arg0: i32, %arg1: i32, %arg2: memref<2x10240x128xf32, #tpu.memory_space<hbm>>, %arg3: memref<32x10240xf32, #tpu.memory_space<hbm>>, %arg4: memref<32x10240xf32, #tpu.memory_space<hbm>>, %arg5: memref<10240x128xf32, #tpu.memory_space<hbm>>, %arg6: memref<10240xf32, #tpu.memory_space<hbm>>, %arg7: memref<32x320xf32, #tpu.memory_space<vmem>>, %arg8: memref<32x320xf32, #tpu.memory_space<vmem>>, %arg9: memref<320xf32, #tpu.memory_space<vmem>>, %arg10: memref<320xf32, #tpu.memory_space<vmem>>, %arg11: memref<64x128xf32, #tpu.memory_space<vmem>>, %arg12: memref<64x128xf32, #tpu.memory_space<vmem>>, %arg13: memref<!tpu.dma_semaphore, #tpu.memory_space<semaphore_mem>>) attributes {dimension_semantics = [#tpu.dimension_semantics<core_parallel>, #tpu.dimension_semantics<subcore_parallel>], iteration_bounds = array<i64: 2, 16>, scalar_prefetch = 0 : i64, scratch_operands = 7 : i64, tpu.core_type = #tpu.core_type<sc_vector_subcore>, window_params = [{transform_indices = #map}, {transform_indices = #map1}, {transform_indices = #map1}, {transform_indices = #map1}, {transform_indices = #map2}]} {
    %mul3A = arith.constant 16 : i32
    %mul3A_0 = arith.muli %arg0, %mul3A : i32
    %add3A = arith.addi %mul3A_0, %arg1 : i32
    %mul3A_1 = arith.constant 320 : i32
    %mul3A_2 = arith.muli %add3A, %mul3A_1 : i32
    %run_scoped3A = arith.constant 0 : i32
    %run_scoped3A_3 = arith.constant 0 : i32
    "tpu.region"() ({
      %run_scoped3A_141 = tpu.sem_alloc : memref<!tpu.dma_semaphore, #tpu.memory_space<semaphore_mem>>
      %dma_start3A = arith.constant 0 : i32
      %dma_start3A_142 = tpu.memref_slice %arg7[%run_scoped3A_3, %dma_start3A] : memref<32x320xf32, #tpu.memory_space<vmem>> -> memref<1x320xf32, #tpu.memory_space<vmem>>
      %dma_start3A_143 = tpu.memref_squeeze %dma_start3A_142 : memref<1x320xf32, #tpu.memory_space<vmem>> -> memref<320xf32, #tpu.memory_space<vmem>>
      %dma_start3A_144 = tpu.memref_slice %arg3[%run_scoped3A, %mul3A_2] : memref<32x10240xf32, #tpu.memory_space<hbm>> -> memref<1x320xf32, #tpu.memory_space<hbm>>
      %dma_start3A_145 = tpu.memref_squeeze %dma_start3A_144 : memref<1x320xf32, #tpu.memory_space<hbm>> -> memref<320xf32, #tpu.memory_space<hbm>>
      %dma_start3A_146 = arith.constant 0 : i32
      %dma_start3A_147 = tpu.memref_slice %arg7[%run_scoped3A_3, %dma_start3A_146] : memref<32x320xf32, #tpu.memory_space<vmem>> -> memref<1x320xf32, #tpu.memory_space<vmem>>
      %dma_start3A_148 = tpu.memref_squeeze %dma_start3A_147 : memref<1x320xf32, #tpu.memory_space<vmem>> -> memref<320xf32, #tpu.memory_space<vmem>>
      %dma_start3A_149 = tpu.memref_slice %arg3[%run_scoped3A, %mul3A_2] : memref<32x10240xf32, #tpu.memory_space<hbm>> -> memref<1x320xf32, #tpu.memory_space<hbm>>
      %dma_start3A_150 = tpu.memref_squeeze %dma_start3A_149 : memref<1x320xf32, #tpu.memory_space<hbm>> -> memref<320xf32, #tpu.memory_space<hbm>>
      tpu.enqueue_dma source(%dma_start3A_150 : memref<320xf32, #tpu.memory_space<hbm>>) target(%dma_start3A_148 : memref<320xf32, #tpu.memory_space<vmem>>) target_semaphore(%run_scoped3A_141 : memref<!tpu.dma_semaphore, #tpu.memory_space<semaphore_mem>>)
      %dma_wait3A = arith.constant 0 : i32
      %dma_wait3A_151 = tpu.memref_slice %arg7[%run_scoped3A_3, %dma_wait3A] : memref<32x320xf32, #tpu.memory_space<vmem>> -> memref<1x320xf32, #tpu.memory_space<vmem>>
      %dma_wait3A_152 = tpu.memref_squeeze %dma_wait3A_151 : memref<1x320xf32, #tpu.memory_space<vmem>> -> memref<320xf32, #tpu.memory_space<vmem>>
      %dma_wait3A_153 = tpu.memref_slice %arg3[%run_scoped3A, %mul3A_2] : memref<32x10240xf32, #tpu.memory_space<hbm>> -> memref<1x320xf32, #tpu.memory_space<hbm>>
      %dma_wait3A_154 = tpu.memref_squeeze %dma_wait3A_153 : memref<1x320xf32, #tpu.memory_space<hbm>> -> memref<320xf32, #tpu.memory_space<hbm>>
      %dma_wait3A_155 = arith.constant 0 : i32
      %dma_wait3A_156 = tpu.memref_slice %arg7[%run_scoped3A_3, %dma_wait3A_155] : memref<32x320xf32, #tpu.memory_space<vmem>> -> memref<1x320xf32, #tpu.memory_space<vmem>>
      %dma_wait3A_157 = tpu.memref_squeeze %dma_wait3A_156 : memref<1x320xf32, #tpu.memory_space<vmem>> -> memref<320xf32, #tpu.memory_space<vmem>>
      %dma_wait3A_158 = tpu.memref_slice %arg3[%run_scoped3A, %mul3A_2] : memref<32x10240xf32, #tpu.memory_space<hbm>> -> memref<1x320xf32, #tpu.memory_space<hbm>>
      %dma_wait3A_159 = tpu.memref_squeeze %dma_wait3A_158 : memref<1x320xf32, #tpu.memory_space<hbm>> -> memref<320xf32, #tpu.memory_space<hbm>>
      tpu.wait_dma2 semaphore(%run_scoped3A_141 : memref<!tpu.dma_semaphore, #tpu.memory_space<semaphore_mem>>) src(%dma_wait3A_159 : memref<320xf32, #tpu.memory_space<hbm>>) dst(%dma_wait3A_157 : memref<320xf32, #tpu.memory_space<vmem>>)
      tpu.yield
    }) : () -> ()
    %run_scoped3A_4 = arith.constant 0 : i32
    %run_scoped3A_5 = arith.constant 0 : i32
    "tpu.region"() ({
      %run_scoped3A_141 = tpu.sem_alloc : memref<!tpu.dma_semaphore, #tpu.memory_space<semaphore_mem>>
      %dma_start3A = arith.constant 0 : i32
      %dma_start3A_142 = tpu.memref_slice %arg8[%run_scoped3A_5, %dma_start3A] : memref<32x320xf32, #tpu.memory_space<vmem>> -> memref<1x320xf32, #tpu.memory_space<vmem>>
      %dma_start3A_143 = tpu.memref_squeeze %dma_start3A_142 : memref<1x320xf32, #tpu.memory_space<vmem>> -> memref<320xf32, #tpu.memory_space<vmem>>
      %dma_start3A_144 = tpu.memref_slice %arg4[%run_scoped3A_4, %mul3A_2] : memref<32x10240xf32, #tpu.memory_space<hbm>> -> memref<1x320xf32, #tpu.memory_space<hbm>>
      %dma_start3A_145 = tpu.memref_squeeze %dma_start3A_144 : memref<1x320xf32, #tpu.memory_space<hbm>> -> memref<320xf32, #tpu.memory_space<hbm>>
      %dma_start3A_146 = arith.constant 0 : i32
      %dma_start3A_147 = tpu.memref_slice %arg8[%run_scoped3A_5, %dma_start3A_146] : memref<32x320xf32, #tpu.memory_space<vmem>> -> memref<1x320xf32, #tpu.memory_space<vmem>>
      %dma_start3A_148 = tpu.memref_squeeze %dma_start3A_147 : memref<1x320xf32, #tpu.memory_space<vmem>> -> memref<320xf32, #tpu.memory_space<vmem>>
      %dma_start3A_149 = tpu.memref_slice %arg4[%run_scoped3A_4, %mul3A_2] : memref<32x10240xf32, #tpu.memory_space<hbm>> -> memref<1x320xf32, #tpu.memory_space<hbm>>
      %dma_start3A_150 = tpu.memref_squeeze %dma_start3A_149 : memref<1x320xf32, #tpu.memory_space<hbm>> -> memref<320xf32, #tpu.memory_space<hbm>>
      tpu.enqueue_dma source(%dma_start3A_150 : memref<320xf32, #tpu.memory_space<hbm>>) target(%dma_start3A_148 : memref<320xf32, #tpu.memory_space<vmem>>) target_semaphore(%run_scoped3A_141 : memref<!tpu.dma_semaphore, #tpu.memory_space<semaphore_mem>>)
      %dma_wait3A = arith.constant 0 : i32
      %dma_wait3A_151 = tpu.memref_slice %arg8[%run_scoped3A_5, %dma_wait3A] : memref<32x320xf32, #tpu.memory_space<vmem>> -> memref<1x320xf32, #tpu.memory_space<vmem>>
      %dma_wait3A_152 = tpu.memref_squeeze %dma_wait3A_151 : memref<1x320xf32, #tpu.memory_space<vmem>> -> memref<320xf32, #tpu.memory_space<vmem>>
      %dma_wait3A_153 = tpu.memref_slice %arg4[%run_scoped3A_4, %mul3A_2] : memref<32x10240xf32, #tpu.memory_space<hbm>> -> memref<1x320xf32, #tpu.memory_space<hbm>>
      %dma_wait3A_154 = tpu.memref_squeeze %dma_wait3A_153 : memref<1x320xf32, #tpu.memory_space<hbm>> -> memref<320xf32, #tpu.memory_space<hbm>>
      %dma_wait3A_155 = arith.constant 0 : i32
      %dma_wait3A_156 = tpu.memref_slice %arg8[%run_scoped3A_5, %dma_wait3A_155] : memref<32x320xf32, #tpu.memory_space<vmem>> -> memref<1x320xf32, #tpu.memory_space<vmem>>
      %dma_wait3A_157 = tpu.memref_squeeze %dma_wait3A_156 : memref<1x320xf32, #tpu.memory_space<vmem>> -> memref<320xf32, #tpu.memory_space<vmem>>
      %dma_wait3A_158 = tpu.memref_slice %arg4[%run_scoped3A_4, %mul3A_2] : memref<32x10240xf32, #tpu.memory_space<hbm>> -> memref<1x320xf32, #tpu.memory_space<hbm>>
      %dma_wait3A_159 = tpu.memref_squeeze %dma_wait3A_158 : memref<1x320xf32, #tpu.memory_space<hbm>> -> memref<320xf32, #tpu.memory_space<hbm>>
      tpu.wait_dma2 semaphore(%run_scoped3A_141 : memref<!tpu.dma_semaphore, #tpu.memory_space<semaphore_mem>>) src(%dma_wait3A_159 : memref<320xf32, #tpu.memory_space<hbm>>) dst(%dma_wait3A_157 : memref<320xf32, #tpu.memory_space<vmem>>)
      tpu.yield
    }) : () -> ()
    %run_scoped3A_6 = arith.constant 1 : i32
    %run_scoped3A_7 = arith.constant 1 : i32
    "tpu.region"() ({
      %run_scoped3A_141 = tpu.sem_alloc : memref<!tpu.dma_semaphore, #tpu.memory_space<semaphore_mem>>
      %dma_start3A = arith.constant 0 : i32
      %dma_start3A_142 = tpu.memref_slice %arg7[%run_scoped3A_7, %dma_start3A] : memref<32x320xf32, #tpu.memory_space<vmem>> -> memref<1x320xf32, #tpu.memory_space<vmem>>
      %dma_start3A_143 = tpu.memref_squeeze %dma_start3A_142 : memref<1x320xf32, #tpu.memory_space<vmem>> -> memref<320xf32, #tpu.memory_space<vmem>>
      %dma_start3A_144 = tpu.memref_slice %arg3[%run_scoped3A_6, %mul3A_2] : memref<32x10240xf32, #tpu.memory_space<hbm>> -> memref<1x320xf32, #tpu.memory_space<hbm>>
      %dma_start3A_145 = tpu.memref_squeeze %dma_start3A_144 : memref<1x320xf32, #tpu.memory_space<hbm>> -> memref<320xf32, #tpu.memory_space<hbm>>
      %dma_start3A_146 = arith.constant 0 : i32
      %dma_start3A_147 = tpu.memref_slice %arg7[%run_scoped3A_7, %dma_start3A_146] : memref<32x320xf32, #tpu.memory_space<vmem>> -> memref<1x320xf32, #tpu.memory_space<vmem>>
      %dma_start3A_148 = tpu.memref_squeeze %dma_start3A_147 : memref<1x320xf32, #tpu.memory_space<vmem>> -> memref<320xf32, #tpu.memory_space<vmem>>
      %dma_start3A_149 = tpu.memref_slice %arg3[%run_scoped3A_6, %mul3A_2] : memref<32x10240xf32, #tpu.memory_space<hbm>> -> memref<1x320xf32, #tpu.memory_space<hbm>>
      %dma_start3A_150 = tpu.memref_squeeze %dma_start3A_149 : memref<1x320xf32, #tpu.memory_space<hbm>> -> memref<320xf32, #tpu.memory_space<hbm>>
      tpu.enqueue_dma source(%dma_start3A_150 : memref<320xf32, #tpu.memory_space<hbm>>) target(%dma_start3A_148 : memref<320xf32, #tpu.memory_space<vmem>>) target_semaphore(%run_scoped3A_141 : memref<!tpu.dma_semaphore, #tpu.memory_space<semaphore_mem>>)
      %dma_wait3A = arith.constant 0 : i32
      %dma_wait3A_151 = tpu.memref_slice %arg7[%run_scoped3A_7, %dma_wait3A] : memref<32x320xf32, #tpu.memory_space<vmem>> -> memref<1x320xf32, #tpu.memory_space<vmem>>
      %dma_wait3A_152 = tpu.memref_squeeze %dma_wait3A_151 : memref<1x320xf32, #tpu.memory_space<vmem>> -> memref<320xf32, #tpu.memory_space<vmem>>
      %dma_wait3A_153 = tpu.memref_slice %arg3[%run_scoped3A_6, %mul3A_2] : memref<32x10240xf32, #tpu.memory_space<hbm>> -> memref<1x320xf32, #tpu.memory_space<hbm>>
      %dma_wait3A_154 = tpu.memref_squeeze %dma_wait3A_153 : memref<1x320xf32, #tpu.memory_space<hbm>> -> memref<320xf32, #tpu.memory_space<hbm>>
      %dma_wait3A_155 = arith.constant 0 : i32
      %dma_wait3A_156 = tpu.memref_slice %arg7[%run_scoped3A_7, %dma_wait3A_155] : memref<32x320xf32, #tpu.memory_space<vmem>> -> memref<1x320xf32, #tpu.memory_space<vmem>>
      %dma_wait3A_157 = tpu.memref_squeeze %dma_wait3A_156 : memref<1x320xf32, #tpu.memory_space<vmem>> -> memref<320xf32, #tpu.memory_space<vmem>>
      %dma_wait3A_158 = tpu.memref_slice %arg3[%run_scoped3A_6, %mul3A_2] : memref<32x10240xf32, #tpu.memory_space<hbm>> -> memref<1x320xf32, #tpu.memory_space<hbm>>
      %dma_wait3A_159 = tpu.memref_squeeze %dma_wait3A_158 : memref<1x320xf32, #tpu.memory_space<hbm>> -> memref<320xf32, #tpu.memory_space<hbm>>
      tpu.wait_dma2 semaphore(%run_scoped3A_141 : memref<!tpu.dma_semaphore, #tpu.memory_space<semaphore_mem>>) src(%dma_wait3A_159 : memref<320xf32, #tpu.memory_space<hbm>>) dst(%dma_wait3A_157 : memref<320xf32, #tpu.memory_space<vmem>>)
      tpu.yield
    }) : () -> ()
    %run_scoped3A_8 = arith.constant 1 : i32
    %run_scoped3A_9 = arith.constant 1 : i32
    "tpu.region"() ({
      %run_scoped3A_141 = tpu.sem_alloc : memref<!tpu.dma_semaphore, #tpu.memory_space<semaphore_mem>>
      %dma_start3A = arith.constant 0 : i32
      %dma_start3A_142 = tpu.memref_slice %arg8[%run_scoped3A_9, %dma_start3A] : memref<32x320xf32, #tpu.memory_space<vmem>> -> memref<1x320xf32, #tpu.memory_space<vmem>>
      %dma_start3A_143 = tpu.memref_squeeze %dma_start3A_142 : memref<1x320xf32, #tpu.memory_space<vmem>> -> memref<320xf32, #tpu.memory_space<vmem>>
      %dma_start3A_144 = tpu.memref_slice %arg4[%run_scoped3A_8, %mul3A_2] : memref<32x10240xf32, #tpu.memory_space<hbm>> -> memref<1x320xf32, #tpu.memory_space<hbm>>
      %dma_start3A_145 = tpu.memref_squeeze %dma_start3A_144 : memref<1x320xf32, #tpu.memory_space<hbm>> -> memref<320xf32, #tpu.memory_space<hbm>>
      %dma_start3A_146 = arith.constant 0 : i32
      %dma_start3A_147 = tpu.memref_slice %arg8[%run_scoped3A_9, %dma_start3A_146] : memref<32x320xf32, #tpu.memory_space<vmem>> -> memref<1x320xf32, #tpu.memory_space<vmem>>
      %dma_start3A_148 = tpu.memref_squeeze %dma_start3A_147 : memref<1x320xf32, #tpu.memory_space<vmem>> -> memref<320xf32, #tpu.memory_space<vmem>>
      %dma_start3A_149 = tpu.memref_slice %arg4[%run_scoped3A_8, %mul3A_2] : memref<32x10240xf32, #tpu.memory_space<hbm>> -> memref<1x320xf32, #tpu.memory_space<hbm>>
      %dma_start3A_150 = tpu.memref_squeeze %dma_start3A_149 : memref<1x320xf32, #tpu.memory_space<hbm>> -> memref<320xf32, #tpu.memory_space<hbm>>
      tpu.enqueue_dma source(%dma_start3A_150 : memref<320xf32, #tpu.memory_space<hbm>>) target(%dma_start3A_148 : memref<320xf32, #tpu.memory_space<vmem>>) target_semaphore(%run_scoped3A_141 : memref<!tpu.dma_semaphore, #tpu.memory_space<semaphore_mem>>)
      %dma_wait3A = arith.constant 0 : i32
      %dma_wait3A_151 = tpu.memref_slice %arg8[%run_scoped3A_9, %dma_wait3A] : memref<32x320xf32, #tpu.memory_space<vmem>> -> memref<1x320xf32, #tpu.memory_space<vmem>>
      %dma_wait3A_152 = tpu.memref_squeeze %dma_wait3A_151 : memref<1x320xf32, #tpu.memory_space<vmem>> -> memref<320xf32, #tpu.memory_space<vmem>>
      %dma_wait3A_153 = tpu.memref_slice %arg4[%run_scoped3A_8, %mul3A_2] : memref<32x10240xf32, #tpu.memory_space<hbm>> -> memref<1x320xf32, #tpu.memory_space<hbm>>
      %dma_wait3A_154 = tpu.memref_squeeze %dma_wait3A_153 : memref<1x320xf32, #tpu.memory_space<hbm>> -> memref<320xf32, #tpu.memory_space<hbm>>
      %dma_wait3A_155 = arith.constant 0 : i32
      %dma_wait3A_156 = tpu.memref_slice %arg8[%run_scoped3A_9, %dma_wait3A_155] : memref<32x320xf32, #tpu.memory_space<vmem>> -> memref<1x320xf32, #tpu.memory_space<vmem>>
      %dma_wait3A_157 = tpu.memref_squeeze %dma_wait3A_156 : memref<1x320xf32, #tpu.memory_space<vmem>> -> memref<320xf32, #tpu.memory_space<vmem>>
      %dma_wait3A_158 = tpu.memref_slice %arg4[%run_scoped3A_8, %mul3A_2] : memref<32x10240xf32, #tpu.memory_space<hbm>> -> memref<1x320xf32, #tpu.memory_space<hbm>>
      %dma_wait3A_159 = tpu.memref_squeeze %dma_wait3A_158 : memref<1x320xf32, #tpu.memory_space<hbm>> -> memref<320xf32, #tpu.memory_space<hbm>>
      tpu.wait_dma2 semaphore(%run_scoped3A_141 : memref<!tpu.dma_semaphore, #tpu.memory_space<semaphore_mem>>) src(%dma_wait3A_159 : memref<320xf32, #tpu.memory_space<hbm>>) dst(%dma_wait3A_157 : memref<320xf32, #tpu.memory_space<vmem>>)
      tpu.yield
    }) : () -> ()
    %run_scoped3A_10 = arith.constant 2 : i32
    %run_scoped3A_11 = arith.constant 2 : i32
    "tpu.region"() ({
      %run_scoped3A_141 = tpu.sem_alloc : memref<!tpu.dma_semaphore, #tpu.memory_space<semaphore_mem>>
      %dma_start3A = arith.constant 0 : i32
      %dma_start3A_142 = tpu.memref_slice %arg7[%run_scoped3A_11, %dma_start3A] : memref<32x320xf32, #tpu.memory_space<vmem>> -> memref<1x320xf32, #tpu.memory_space<vmem>>
      %dma_start3A_143 = tpu.memref_squeeze %dma_start3A_142 : memref<1x320xf32, #tpu.memory_space<vmem>> -> memref<320xf32, #tpu.memory_space<vmem>>
      %dma_start3A_144 = tpu.memref_slice %arg3[%run_scoped3A_10, %mul3A_2] : memref<32x10240xf32, #tpu.memory_space<hbm>> -> memref<1x320xf32, #tpu.memory_space<hbm>>
      %dma_start3A_145 = tpu.memref_squeeze %dma_start3A_144 : memref<1x320xf32, #tpu.memory_space<hbm>> -> memref<320xf32, #tpu.memory_space<hbm>>
      %dma_start3A_146 = arith.constant 0 : i32
      %dma_start3A_147 = tpu.memref_slice %arg7[%run_scoped3A_11, %dma_start3A_146] : memref<32x320xf32, #tpu.memory_space<vmem>> -> memref<1x320xf32, #tpu.memory_space<vmem>>
      %dma_start3A_148 = tpu.memref_squeeze %dma_start3A_147 : memref<1x320xf32, #tpu.memory_space<vmem>> -> memref<320xf32, #tpu.memory_space<vmem>>
      %dma_start3A_149 = tpu.memref_slice %arg3[%run_scoped3A_10, %mul3A_2] : memref<32x10240xf32, #tpu.memory_space<hbm>> -> memref<1x320xf32, #tpu.memory_space<hbm>>
      %dma_start3A_150 = tpu.memref_squeeze %dma_start3A_149 : memref<1x320xf32, #tpu.memory_space<hbm>> -> memref<320xf32, #tpu.memory_space<hbm>>
      tpu.enqueue_dma source(%dma_start3A_150 : memref<320xf32, #tpu.memory_space<hbm>>) target(%dma_start3A_148 : memref<320xf32, #tpu.memory_space<vmem>>) target_semaphore(%run_scoped3A_141 : memref<!tpu.dma_semaphore, #tpu.memory_space<semaphore_mem>>)
      %dma_wait3A = arith.constant 0 : i32
      %dma_wait3A_151 = tpu.memref_slice %arg7[%run_scoped3A_11, %dma_wait3A] : memref<32x320xf32, #tpu.memory_space<vmem>> -> memref<1x320xf32, #tpu.memory_space<vmem>>
      %dma_wait3A_152 = tpu.memref_squeeze %dma_wait3A_151 : memref<1x320xf32, #tpu.memory_space<vmem>> -> memref<320xf32, #tpu.memory_space<vmem>>
      %dma_wait3A_153 = tpu.memref_slice %arg3[%run_scoped3A_10, %mul3A_2] : memref<32x10240xf32, #tpu.memory_space<hbm>> -> memref<1x320xf32, #tpu.memory_space<hbm>>
      %dma_wait3A_154 = tpu.memref_squeeze %dma_wait3A_153 : memref<1x320xf32, #tpu.memory_space<hbm>> -> memref<320xf32, #tpu.memory_space<hbm>>
      %dma_wait3A_155 = arith.constant 0 : i32
      %dma_wait3A_156 = tpu.memref_slice %arg7[%run_scoped3A_11, %dma_wait3A_155] : memref<32x320xf32, #tpu.memory_space<vmem>> -> memref<1x320xf32, #tpu.memory_space<vmem>>
      %dma_wait3A_157 = tpu.memref_squeeze %dma_wait3A_156 : memref<1x320xf32, #tpu.memory_space<vmem>> -> memref<320xf32, #tpu.memory_space<vmem>>
      %dma_wait3A_158 = tpu.memref_slice %arg3[%run_scoped3A_10, %mul3A_2] : memref<32x10240xf32, #tpu.memory_space<hbm>> -> memref<1x320xf32, #tpu.memory_space<hbm>>
      %dma_wait3A_159 = tpu.memref_squeeze %dma_wait3A_158 : memref<1x320xf32, #tpu.memory_space<hbm>> -> memref<320xf32, #tpu.memory_space<hbm>>
      tpu.wait_dma2 semaphore(%run_scoped3A_141 : memref<!tpu.dma_semaphore, #tpu.memory_space<semaphore_mem>>) src(%dma_wait3A_159 : memref<320xf32, #tpu.memory_space<hbm>>) dst(%dma_wait3A_157 : memref<320xf32, #tpu.memory_space<vmem>>)
      tpu.yield
    }) : () -> ()
    %run_scoped3A_12 = arith.constant 2 : i32
    %run_scoped3A_13 = arith.constant 2 : i32
    "tpu.region"() ({
      %run_scoped3A_141 = tpu.sem_alloc : memref<!tpu.dma_semaphore, #tpu.memory_space<semaphore_mem>>
      %dma_start3A = arith.constant 0 : i32
      %dma_start3A_142 = tpu.memref_slice %arg8[%run_scoped3A_13, %dma_start3A] : memref<32x320xf32, #tpu.memory_space<vmem>> -> memref<1x320xf32, #tpu.memory_space<vmem>>
      %dma_start3A_143 = tpu.memref_squeeze %dma_start3A_142 : memref<1x320xf32, #tpu.memory_space<vmem>> -> memref<320xf32, #tpu.memory_space<vmem>>
      %dma_start3A_144 = tpu.memref_slice %arg4[%run_scoped3A_12, %mul3A_2] : memref<32x10240xf32, #tpu.memory_space<hbm>> -> memref<1x320xf32, #tpu.memory_space<hbm>>
      %dma_start3A_145 = tpu.memref_squeeze %dma_start3A_144 : memref<1x320xf32, #tpu.memory_space<hbm>> -> memref<320xf32, #tpu.memory_space<hbm>>
      %dma_start3A_146 = arith.constant 0 : i32
      %dma_start3A_147 = tpu.memref_slice %arg8[%run_scoped3A_13, %dma_start3A_146] : memref<32x320xf32, #tpu.memory_space<vmem>> -> memref<1x320xf32, #tpu.memory_space<vmem>>
      %dma_start3A_148 = tpu.memref_squeeze %dma_start3A_147 : memref<1x320xf32, #tpu.memory_space<vmem>> -> memref<320xf32, #tpu.memory_space<vmem>>
      %dma_start3A_149 = tpu.memref_slice %arg4[%run_scoped3A_12, %mul3A_2] : memref<32x10240xf32, #tpu.memory_space<hbm>> -> memref<1x320xf32, #tpu.memory_space<hbm>>
      %dma_start3A_150 = tpu.memref_squeeze %dma_start3A_149 : memref<1x320xf32, #tpu.memory_space<hbm>> -> memref<320xf32, #tpu.memory_space<hbm>>
      tpu.enqueue_dma source(%dma_start3A_150 : memref<320xf32, #tpu.memory_space<hbm>>) target(%dma_start3A_148 : memref<320xf32, #tpu.memory_space<vmem>>) target_semaphore(%run_scoped3A_141 : memref<!tpu.dma_semaphore, #tpu.memory_space<semaphore_mem>>)
      %dma_wait3A = arith.constant 0 : i32
      %dma_wait3A_151 = tpu.memref_slice %arg8[%run_scoped3A_13, %dma_wait3A] : memref<32x320xf32, #tpu.memory_space<vmem>> -> memref<1x320xf32, #tpu.memory_space<vmem>>
      %dma_wait3A_152 = tpu.memref_squeeze %dma_wait3A_151 : memref<1x320xf32, #tpu.memory_space<vmem>> -> memref<320xf32, #tpu.memory_space<vmem>>
      %dma_wait3A_153 = tpu.memref_slice %arg4[%run_scoped3A_12, %mul3A_2] : memref<32x10240xf32, #tpu.memory_space<hbm>> -> memref<1x320xf32, #tpu.memory_space<hbm>>
      %dma_wait3A_154 = tpu.memref_squeeze %dma_wait3A_153 : memref<1x320xf32, #tpu.memory_space<hbm>> -> memref<320xf32, #tpu.memory_space<hbm>>
      %dma_wait3A_155 = arith.constant 0 : i32
      %dma_wait3A_156 = tpu.memref_slice %arg8[%run_scoped3A_13, %dma_wait3A_155] : memref<32x320xf32, #tpu.memory_space<vmem>> -> memref<1x320xf32, #tpu.memory_space<vmem>>
      %dma_wait3A_157 = tpu.memref_squeeze %dma_wait3A_156 : memref<1x320xf32, #tpu.memory_space<vmem>> -> memref<320xf32, #tpu.memory_space<vmem>>
      %dma_wait3A_158 = tpu.memref_slice %arg4[%run_scoped3A_12, %mul3A_2] : memref<32x10240xf32, #tpu.memory_space<hbm>> -> memref<1x320xf32, #tpu.memory_space<hbm>>
      %dma_wait3A_159 = tpu.memref_squeeze %dma_wait3A_158 : memref<1x320xf32, #tpu.memory_space<hbm>> -> memref<320xf32, #tpu.memory_space<hbm>>
      tpu.wait_dma2 semaphore(%run_scoped3A_141 : memref<!tpu.dma_semaphore, #tpu.memory_space<semaphore_mem>>) src(%dma_wait3A_159 : memref<320xf32, #tpu.memory_space<hbm>>) dst(%dma_wait3A_157 : memref<320xf32, #tpu.memory_space<vmem>>)
      tpu.yield
    }) : () -> ()
    %run_scoped3A_14 = arith.constant 3 : i32
    %run_scoped3A_15 = arith.constant 3 : i32
    "tpu.region"() ({
      %run_scoped3A_141 = tpu.sem_alloc : memref<!tpu.dma_semaphore, #tpu.memory_space<semaphore_mem>>
      %dma_start3A = arith.constant 0 : i32
      %dma_start3A_142 = tpu.memref_slice %arg7[%run_scoped3A_15, %dma_start3A] : memref<32x320xf32, #tpu.memory_space<vmem>> -> memref<1x320xf32, #tpu.memory_space<vmem>>
      %dma_start3A_143 = tpu.memref_squeeze %dma_start3A_142 : memref<1x320xf32, #tpu.memory_space<vmem>> -> memref<320xf32, #tpu.memory_space<vmem>>
      %dma_start3A_144 = tpu.memref_slice %arg3[%run_scoped3A_14, %mul3A_2] : memref<32x10240xf32, #tpu.memory_space<hbm>> -> memref<1x320xf32, #tpu.memory_space<hbm>>
      %dma_start3A_145 = tpu.memref_squeeze %dma_start3A_144 : memref<1x320xf32, #tpu.memory_space<hbm>> -> memref<320xf32, #tpu.memory_space<hbm>>
      %dma_start3A_146 = arith.constant 0 : i32
      %dma_start3A_147 = tpu.memref_slice %arg7[%run_scoped3A_15, %dma_start3A_146] : memref<32x320xf32, #tpu.memory_space<vmem>> -> memref<1x320xf32, #tpu.memory_space<vmem>>
      %dma_start3A_148 = tpu.memref_squeeze %dma_start3A_147 : memref<1x320xf32, #tpu.memory_space<vmem>> -> memref<320xf32, #tpu.memory_space<vmem>>
      %dma_start3A_149 = tpu.memref_slice %arg3[%run_scoped3A_14, %mul3A_2] : memref<32x10240xf32, #tpu.memory_space<hbm>> -> memref<1x320xf32, #tpu.memory_space<hbm>>
      %dma_start3A_150 = tpu.memref_squeeze %dma_start3A_149 : memref<1x320xf32, #tpu.memory_space<hbm>> -> memref<320xf32, #tpu.memory_space<hbm>>
      tpu.enqueue_dma source(%dma_start3A_150 : memref<320xf32, #tpu.memory_space<hbm>>) target(%dma_start3A_148 : memref<320xf32, #tpu.memory_space<vmem>>) target_semaphore(%run_scoped3A_141 : memref<!tpu.dma_semaphore, #tpu.memory_space<semaphore_mem>>)
      %dma_wait3A = arith.constant 0 : i32
      %dma_wait3A_151 = tpu.memref_slice %arg7[%run_scoped3A_15, %dma_wait3A] : memref<32x320xf32, #tpu.memory_space<vmem>> -> memref<1x320xf32, #tpu.memory_space<vmem>>
      %dma_wait3A_152 = tpu.memref_squeeze %dma_wait3A_151 : memref<1x320xf32, #tpu.memory_space<vmem>> -> memref<320xf32, #tpu.memory_space<vmem>>
      %dma_wait3A_153 = tpu.memref_slice %arg3[%run_scoped3A_14, %mul3A_2] : memref<32x10240xf32, #tpu.memory_space<hbm>> -> memref<1x320xf32, #tpu.memory_space<hbm>>
      %dma_wait3A_154 = tpu.memref_squeeze %dma_wait3A_153 : memref<1x320xf32, #tpu.memory_space<hbm>> -> memref<320xf32, #tpu.memory_space<hbm>>
      %dma_wait3A_155 = arith.constant 0 : i32
      %dma_wait3A_156 = tpu.memref_slice %arg7[%run_scoped3A_15, %dma_wait3A_155] : memref<32x320xf32, #tpu.memory_space<vmem>> -> memref<1x320xf32, #tpu.memory_space<vmem>>
      %dma_wait3A_157 = tpu.memref_squeeze %dma_wait3A_156 : memref<1x320xf32, #tpu.memory_space<vmem>> -> memref<320xf32, #tpu.memory_space<vmem>>
      %dma_wait3A_158 = tpu.memref_slice %arg3[%run_scoped3A_14, %mul3A_2] : memref<32x10240xf32, #tpu.memory_space<hbm>> -> memref<1x320xf32, #tpu.memory_space<hbm>>
      %dma_wait3A_159 = tpu.memref_squeeze %dma_wait3A_158 : memref<1x320xf32, #tpu.memory_space<hbm>> -> memref<320xf32, #tpu.memory_space<hbm>>
      tpu.wait_dma2 semaphore(%run_scoped3A_141 : memref<!tpu.dma_semaphore, #tpu.memory_space<semaphore_mem>>) src(%dma_wait3A_159 : memref<320xf32, #tpu.memory_space<hbm>>) dst(%dma_wait3A_157 : memref<320xf32, #tpu.memory_space<vmem>>)
      tpu.yield
    }) : () -> ()
    %run_scoped3A_16 = arith.constant 3 : i32
    %run_scoped3A_17 = arith.constant 3 : i32
    "tpu.region"() ({
      %run_scoped3A_141 = tpu.sem_alloc : memref<!tpu.dma_semaphore, #tpu.memory_space<semaphore_mem>>
      %dma_start3A = arith.constant 0 : i32
      %dma_start3A_142 = tpu.memref_slice %arg8[%run_scoped3A_17, %dma_start3A] : memref<32x320xf32, #tpu.memory_space<vmem>> -> memref<1x320xf32, #tpu.memory_space<vmem>>
      %dma_start3A_143 = tpu.memref_squeeze %dma_start3A_142 : memref<1x320xf32, #tpu.memory_space<vmem>> -> memref<320xf32, #tpu.memory_space<vmem>>
      %dma_start3A_144 = tpu.memref_slice %arg4[%run_scoped3A_16, %mul3A_2] : memref<32x10240xf32, #tpu.memory_space<hbm>> -> memref<1x320xf32, #tpu.memory_space<hbm>>
      %dma_start3A_145 = tpu.memref_squeeze %dma_start3A_144 : memref<1x320xf32, #tpu.memory_space<hbm>> -> memref<320xf32, #tpu.memory_space<hbm>>
      %dma_start3A_146 = arith.constant 0 : i32
      %dma_start3A_147 = tpu.memref_slice %arg8[%run_scoped3A_17, %dma_start3A_146] : memref<32x320xf32, #tpu.memory_space<vmem>> -> memref<1x320xf32, #tpu.memory_space<vmem>>
      %dma_start3A_148 = tpu.memref_squeeze %dma_start3A_147 : memref<1x320xf32, #tpu.memory_space<vmem>> -> memref<320xf32, #tpu.memory_space<vmem>>
      %dma_start3A_149 = tpu.memref_slice %arg4[%run_scoped3A_16, %mul3A_2] : memref<32x10240xf32, #tpu.memory_space<hbm>> -> memref<1x320xf32, #tpu.memory_space<hbm>>
      %dma_start3A_150 = tpu.memref_squeeze %dma_start3A_149 : memref<1x320xf32, #tpu.memory_space<hbm>> -> memref<320xf32, #tpu.memory_space<hbm>>
      tpu.enqueue_dma source(%dma_start3A_150 : memref<320xf32, #tpu.memory_space<hbm>>) target(%dma_start3A_148 : memref<320xf32, #tpu.memory_space<vmem>>) target_semaphore(%run_scoped3A_141 : memref<!tpu.dma_semaphore, #tpu.memory_space<semaphore_mem>>)
      %dma_wait3A = arith.constant 0 : i32
      %dma_wait3A_151 = tpu.memref_slice %arg8[%run_scoped3A_17, %dma_wait3A] : memref<32x320xf32, #tpu.memory_space<vmem>> -> memref<1x320xf32, #tpu.memory_space<vmem>>
      %dma_wait3A_152 = tpu.memref_squeeze %dma_wait3A_151 : memref<1x320xf32, #tpu.memory_space<vmem>> -> memref<320xf32, #tpu.memory_space<vmem>>
      %dma_wait3A_153 = tpu.memref_slice %arg4[%run_scoped3A_16, %mul3A_2] : memref<32x10240xf32, #tpu.memory_space<hbm>> -> memref<1x320xf32, #tpu.memory_space<hbm>>
      %dma_wait3A_154 = tpu.memref_squeeze %dma_wait3A_153 : memref<1x320xf32, #tpu.memory_space<hbm>> -> memref<320xf32, #tpu.memory_space<hbm>>
      %dma_wait3A_155 = arith.constant 0 : i32
      %dma_wait3A_156 = tpu.memref_slice %arg8[%run_scoped3A_17, %dma_wait3A_155] : memref<32x320xf32, #tpu.memory_space<vmem>> -> memref<1x320xf32, #tpu.memory_space<vmem>>
      %dma_wait3A_157 = tpu.memref_squeeze %dma_wait3A_156 : memref<1x320xf32, #tpu.memory_space<vmem>> -> memref<320xf32, #tpu.memory_space<vmem>>
      %dma_wait3A_158 = tpu.memref_slice %arg4[%run_scoped3A_16, %mul3A_2] : memref<32x10240xf32, #tpu.memory_space<hbm>> -> memref<1x320xf32, #tpu.memory_space<hbm>>
      %dma_wait3A_159 = tpu.memref_squeeze %dma_wait3A_158 : memref<1x320xf32, #tpu.memory_space<hbm>> -> memref<320xf32, #tpu.memory_space<hbm>>
      tpu.wait_dma2 semaphore(%run_scoped3A_141 : memref<!tpu.dma_semaphore, #tpu.memory_space<semaphore_mem>>) src(%dma_wait3A_159 : memref<320xf32, #tpu.memory_space<hbm>>) dst(%dma_wait3A_157 : memref<320xf32, #tpu.memory_space<vmem>>)
      tpu.yield
    }) : () -> ()
    %run_scoped3A_18 = arith.constant 4 : i32
    %run_scoped3A_19 = arith.constant 4 : i32
    "tpu.region"() ({
      %run_scoped3A_141 = tpu.sem_alloc : memref<!tpu.dma_semaphore, #tpu.memory_space<semaphore_mem>>
      %dma_start3A = arith.constant 0 : i32
      %dma_start3A_142 = tpu.memref_slice %arg7[%run_scoped3A_19, %dma_start3A] : memref<32x320xf32, #tpu.memory_space<vmem>> -> memref<1x320xf32, #tpu.memory_space<vmem>>
      %dma_start3A_143 = tpu.memref_squeeze %dma_start3A_142 : memref<1x320xf32, #tpu.memory_space<vmem>> -> memref<320xf32, #tpu.memory_space<vmem>>
      %dma_start3A_144 = tpu.memref_slice %arg3[%run_scoped3A_18, %mul3A_2] : memref<32x10240xf32, #tpu.memory_space<hbm>> -> memref<1x320xf32, #tpu.memory_space<hbm>>
      %dma_start3A_145 = tpu.memref_squeeze %dma_start3A_144 : memref<1x320xf32, #tpu.memory_space<hbm>> -> memref<320xf32, #tpu.memory_space<hbm>>
      %dma_start3A_146 = arith.constant 0 : i32
      %dma_start3A_147 = tpu.memref_slice %arg7[%run_scoped3A_19, %dma_start3A_146] : memref<32x320xf32, #tpu.memory_space<vmem>> -> memref<1x320xf32, #tpu.memory_space<vmem>>
      %dma_start3A_148 = tpu.memref_squeeze %dma_start3A_147 : memref<1x320xf32, #tpu.memory_space<vmem>> -> memref<320xf32, #tpu.memory_space<vmem>>
      %dma_start3A_149 = tpu.memref_slice %arg3[%run_scoped3A_18, %mul3A_2] : memref<32x10240xf32, #tpu.memory_space<hbm>> -> memref<1x320xf32, #tpu.memory_space<hbm>>
      %dma_start3A_150 = tpu.memref_squeeze %dma_start3A_149 : memref<1x320xf32, #tpu.memory_space<hbm>> -> memref<320xf32, #tpu.memory_space<hbm>>
      tpu.enqueue_dma source(%dma_start3A_150 : memref<320xf32, #tpu.memory_space<hbm>>) target(%dma_start3A_148 : memref<320xf32, #tpu.memory_space<vmem>>) target_semaphore(%run_scoped3A_141 : memref<!tpu.dma_semaphore, #tpu.memory_space<semaphore_mem>>)
      %dma_wait3A = arith.constant 0 : i32
      %dma_wait3A_151 = tpu.memref_slice %arg7[%run_scoped3A_19, %dma_wait3A] : memref<32x320xf32, #tpu.memory_space<vmem>> -> memref<1x320xf32, #tpu.memory_space<vmem>>
      %dma_wait3A_152 = tpu.memref_squeeze %dma_wait3A_151 : memref<1x320xf32, #tpu.memory_space<vmem>> -> memref<320xf32, #tpu.memory_space<vmem>>
      %dma_wait3A_153 = tpu.memref_slice %arg3[%run_scoped3A_18, %mul3A_2] : memref<32x10240xf32, #tpu.memory_space<hbm>> -> memref<1x320xf32, #tpu.memory_space<hbm>>
      %dma_wait3A_154 = tpu.memref_squeeze %dma_wait3A_153 : memref<1x320xf32, #tpu.memory_space<hbm>> -> memref<320xf32, #tpu.memory_space<hbm>>
      %dma_wait3A_155 = arith.constant 0 : i32
      %dma_wait3A_156 = tpu.memref_slice %arg7[%run_scoped3A_19, %dma_wait3A_155] : memref<32x320xf32, #tpu.memory_space<vmem>> -> memref<1x320xf32, #tpu.memory_space<vmem>>
      %dma_wait3A_157 = tpu.memref_squeeze %dma_wait3A_156 : memref<1x320xf32, #tpu.memory_space<vmem>> -> memref<320xf32, #tpu.memory_space<vmem>>
      %dma_wait3A_158 = tpu.memref_slice %arg3[%run_scoped3A_18, %mul3A_2] : memref<32x10240xf32, #tpu.memory_space<hbm>> -> memref<1x320xf32, #tpu.memory_space<hbm>>
      %dma_wait3A_159 = tpu.memref_squeeze %dma_wait3A_158 : memref<1x320xf32, #tpu.memory_space<hbm>> -> memref<320xf32, #tpu.memory_space<hbm>>
      tpu.wait_dma2 semaphore(%run_scoped3A_141 : memref<!tpu.dma_semaphore, #tpu.memory_space<semaphore_mem>>) src(%dma_wait3A_159 : memref<320xf32, #tpu.memory_space<hbm>>) dst(%dma_wait3A_157 : memref<320xf32, #tpu.memory_space<vmem>>)
      tpu.yield
    }) : () -> ()
    %run_scoped3A_20 = arith.constant 4 : i32
    %run_scoped3A_21 = arith.constant 4 : i32
    "tpu.region"() ({
      %run_scoped3A_141 = tpu.sem_alloc : memref<!tpu.dma_semaphore, #tpu.memory_space<semaphore_mem>>
      %dma_start3A = arith.constant 0 : i32
      %dma_start3A_142 = tpu.memref_slice %arg8[%run_scoped3A_21, %dma_start3A] : memref<32x320xf32, #tpu.memory_space<vmem>> -> memref<1x320xf32, #tpu.memory_space<vmem>>
      %dma_start3A_143 = tpu.memref_squeeze %dma_start3A_142 : memref<1x320xf32, #tpu.memory_space<vmem>> -> memref<320xf32, #tpu.memory_space<vmem>>
      %dma_start3A_144 = tpu.memref_slice %arg4[%run_scoped3A_20, %mul3A_2] : memref<32x10240xf32, #tpu.memory_space<hbm>> -> memref<1x320xf32, #tpu.memory_space<hbm>>
      %dma_start3A_145 = tpu.memref_squeeze %dma_start3A_144 : memref<1x320xf32, #tpu.memory_space<hbm>> -> memref<320xf32, #tpu.memory_space<hbm>>
      %dma_start3A_146 = arith.constant 0 : i32
      %dma_start3A_147 = tpu.memref_slice %arg8[%run_scoped3A_21, %dma_start3A_146] : memref<32x320xf32, #tpu.memory_space<vmem>> -> memref<1x320xf32, #tpu.memory_space<vmem>>
      %dma_start3A_148 = tpu.memref_squeeze %dma_start3A_147 : memref<1x320xf32, #tpu.memory_space<vmem>> -> memref<320xf32, #tpu.memory_space<vmem>>
      %dma_start3A_149 = tpu.memref_slice %arg4[%run_scoped3A_20, %mul3A_2] : memref<32x10240xf32, #tpu.memory_space<hbm>> -> memref<1x320xf32, #tpu.memory_space<hbm>>
      %dma_start3A_150 = tpu.memref_squeeze %dma_start3A_149 : memref<1x320xf32, #tpu.memory_space<hbm>> -> memref<320xf32, #tpu.memory_space<hbm>>
      tpu.enqueue_dma source(%dma_start3A_150 : memref<320xf32, #tpu.memory_space<hbm>>) target(%dma_start3A_148 : memref<320xf32, #tpu.memory_space<vmem>>) target_semaphore(%run_scoped3A_141 : memref<!tpu.dma_semaphore, #tpu.memory_space<semaphore_mem>>)
      %dma_wait3A = arith.constant 0 : i32
      %dma_wait3A_151 = tpu.memref_slice %arg8[%run_scoped3A_21, %dma_wait3A] : memref<32x320xf32, #tpu.memory_space<vmem>> -> memref<1x320xf32, #tpu.memory_space<vmem>>
      %dma_wait3A_152 = tpu.memref_squeeze %dma_wait3A_151 : memref<1x320xf32, #tpu.memory_space<vmem>> -> memref<320xf32, #tpu.memory_space<vmem>>
      %dma_wait3A_153 = tpu.memref_slice %arg4[%run_scoped3A_20, %mul3A_2] : memref<32x10240xf32, #tpu.memory_space<hbm>> -> memref<1x320xf32, #tpu.memory_space<hbm>>
      %dma_wait3A_154 = tpu.memref_squeeze %dma_wait3A_153 : memref<1x320xf32, #tpu.memory_space<hbm>> -> memref<320xf32, #tpu.memory_space<hbm>>
      %dma_wait3A_155 = arith.constant 0 : i32
      %dma_wait3A_156 = tpu.memref_slice %arg8[%run_scoped3A_21, %dma_wait3A_155] : memref<32x320xf32, #tpu.memory_space<vmem>> -> memref<1x320xf32, #tpu.memory_space<vmem>>
      %dma_wait3A_157 = tpu.memref_squeeze %dma_wait3A_156 : memref<1x320xf32, #tpu.memory_space<vmem>> -> memref<320xf32, #tpu.memory_space<vmem>>
      %dma_wait3A_158 = tpu.memref_slice %arg4[%run_scoped3A_20, %mul3A_2] : memref<32x10240xf32, #tpu.memory_space<hbm>> -> memref<1x320xf32, #tpu.memory_space<hbm>>
      %dma_wait3A_159 = tpu.memref_squeeze %dma_wait3A_158 : memref<1x320xf32, #tpu.memory_space<hbm>> -> memref<320xf32, #tpu.memory_space<hbm>>
      tpu.wait_dma2 semaphore(%run_scoped3A_141 : memref<!tpu.dma_semaphore, #tpu.memory_space<semaphore_mem>>) src(%dma_wait3A_159 : memref<320xf32, #tpu.memory_space<hbm>>) dst(%dma_wait3A_157 : memref<320xf32, #tpu.memory_space<vmem>>)
      tpu.yield
    }) : () -> ()
    %run_scoped3A_22 = arith.constant 5 : i32
    %run_scoped3A_23 = arith.constant 5 : i32
    "tpu.region"() ({
      %run_scoped3A_141 = tpu.sem_alloc : memref<!tpu.dma_semaphore, #tpu.memory_space<semaphore_mem>>
      %dma_start3A = arith.constant 0 : i32
      %dma_start3A_142 = tpu.memref_slice %arg7[%run_scoped3A_23, %dma_start3A] : memref<32x320xf32, #tpu.memory_space<vmem>> -> memref<1x320xf32, #tpu.memory_space<vmem>>
      %dma_start3A_143 = tpu.memref_squeeze %dma_start3A_142 : memref<1x320xf32, #tpu.memory_space<vmem>> -> memref<320xf32, #tpu.memory_space<vmem>>
      %dma_start3A_144 = tpu.memref_slice %arg3[%run_scoped3A_22, %mul3A_2] : memref<32x10240xf32, #tpu.memory_space<hbm>> -> memref<1x320xf32, #tpu.memory_space<hbm>>
      %dma_start3A_145 = tpu.memref_squeeze %dma_start3A_144 : memref<1x320xf32, #tpu.memory_space<hbm>> -> memref<320xf32, #tpu.memory_space<hbm>>
      %dma_start3A_146 = arith.constant 0 : i32
      %dma_start3A_147 = tpu.memref_slice %arg7[%run_scoped3A_23, %dma_start3A_146] : memref<32x320xf32, #tpu.memory_space<vmem>> -> memref<1x320xf32, #tpu.memory_space<vmem>>
      %dma_start3A_148 = tpu.memref_squeeze %dma_start3A_147 : memref<1x320xf32, #tpu.memory_space<vmem>> -> memref<320xf32, #tpu.memory_space<vmem>>
      %dma_start3A_149 = tpu.memref_slice %arg3[%run_scoped3A_22, %mul3A_2] : memref<32x10240xf32, #tpu.memory_space<hbm>> -> memref<1x320xf32, #tpu.memory_space<hbm>>
      %dma_start3A_150 = tpu.memref_squeeze %dma_start3A_149 : memref<1x320xf32, #tpu.memory_space<hbm>> -> memref<320xf32, #tpu.memory_space<hbm>>
      tpu.enqueue_dma source(%dma_start3A_150 : memref<320xf32, #tpu.memory_space<hbm>>) target(%dma_start3A_148 : memref<320xf32, #tpu.memory_space<vmem>>) target_semaphore(%run_scoped3A_141 : memref<!tpu.dma_semaphore, #tpu.memory_space<semaphore_mem>>)
      %dma_wait3A = arith.constant 0 : i32
      %dma_wait3A_151 = tpu.memref_slice %arg7[%run_scoped3A_23, %dma_wait3A] : memref<32x320xf32, #tpu.memory_space<vmem>> -> memref<1x320xf32, #tpu.memory_space<vmem>>
      %dma_wait3A_152 = tpu.memref_squeeze %dma_wait3A_151 : memref<1x320xf32, #tpu.memory_space<vmem>> -> memref<320xf32, #tpu.memory_space<vmem>>
      %dma_wait3A_153 = tpu.memref_slice %arg3[%run_scoped3A_22, %mul3A_2] : memref<32x10240xf32, #tpu.memory_space<hbm>> -> memref<1x320xf32, #tpu.memory_space<hbm>>
      %dma_wait3A_154 = tpu.memref_squeeze %dma_wait3A_153 : memref<1x320xf32, #tpu.memory_space<hbm>> -> memref<320xf32, #tpu.memory_space<hbm>>
      %dma_wait3A_155 = arith.constant 0 : i32
      %dma_wait3A_156 = tpu.memref_slice %arg7[%run_scoped3A_23, %dma_wait3A_155] : memref<32x320xf32, #tpu.memory_space<vmem>> -> memref<1x320xf32, #tpu.memory_space<vmem>>
      %dma_wait3A_157 = tpu.memref_squeeze %dma_wait3A_156 : memref<1x320xf32, #tpu.memory_space<vmem>> -> memref<320xf32, #tpu.memory_space<vmem>>
      %dma_wait3A_158 = tpu.memref_slice %arg3[%run_scoped3A_22, %mul3A_2] : memref<32x10240xf32, #tpu.memory_space<hbm>> -> memref<1x320xf32, #tpu.memory_space<hbm>>
      %dma_wait3A_159 = tpu.memref_squeeze %dma_wait3A_158 : memref<1x320xf32, #tpu.memory_space<hbm>> -> memref<320xf32, #tpu.memory_space<hbm>>
      tpu.wait_dma2 semaphore(%run_scoped3A_141 : memref<!tpu.dma_semaphore, #tpu.memory_space<semaphore_mem>>) src(%dma_wait3A_159 : memref<320xf32, #tpu.memory_space<hbm>>) dst(%dma_wait3A_157 : memref<320xf32, #tpu.memory_space<vmem>>)
      tpu.yield
    }) : () -> ()
    %run_scoped3A_24 = arith.constant 5 : i32
    %run_scoped3A_25 = arith.constant 5 : i32
    "tpu.region"() ({
      %run_scoped3A_141 = tpu.sem_alloc : memref<!tpu.dma_semaphore, #tpu.memory_space<semaphore_mem>>
      %dma_start3A = arith.constant 0 : i32
      %dma_start3A_142 = tpu.memref_slice %arg8[%run_scoped3A_25, %dma_start3A] : memref<32x320xf32, #tpu.memory_space<vmem>> -> memref<1x320xf32, #tpu.memory_space<vmem>>
      %dma_start3A_143 = tpu.memref_squeeze %dma_start3A_142 : memref<1x320xf32, #tpu.memory_space<vmem>> -> memref<320xf32, #tpu.memory_space<vmem>>
      %dma_start3A_144 = tpu.memref_slice %arg4[%run_scoped3A_24, %mul3A_2] : memref<32x10240xf32, #tpu.memory_space<hbm>> -> memref<1x320xf32, #tpu.memory_space<hbm>>
      %dma_start3A_145 = tpu.memref_squeeze %dma_start3A_144 : memref<1x320xf32, #tpu.memory_space<hbm>> -> memref<320xf32, #tpu.memory_space<hbm>>
      %dma_start3A_146 = arith.constant 0 : i32
      %dma_start3A_147 = tpu.memref_slice %arg8[%run_scoped3A_25, %dma_start3A_146] : memref<32x320xf32, #tpu.memory_space<vmem>> -> memref<1x320xf32, #tpu.memory_space<vmem>>
      %dma_start3A_148 = tpu.memref_squeeze %dma_start3A_147 : memref<1x320xf32, #tpu.memory_space<vmem>> -> memref<320xf32, #tpu.memory_space<vmem>>
      %dma_start3A_149 = tpu.memref_slice %arg4[%run_scoped3A_24, %mul3A_2] : memref<32x10240xf32, #tpu.memory_space<hbm>> -> memref<1x320xf32, #tpu.memory_space<hbm>>
      %dma_start3A_150 = tpu.memref_squeeze %dma_start3A_149 : memref<1x320xf32, #tpu.memory_space<hbm>> -> memref<320xf32, #tpu.memory_space<hbm>>
      tpu.enqueue_dma source(%dma_start3A_150 : memref<320xf32, #tpu.memory_space<hbm>>) target(%dma_start3A_148 : memref<320xf32, #tpu.memory_space<vmem>>) target_semaphore(%run_scoped3A_141 : memref<!tpu.dma_semaphore, #tpu.memory_space<semaphore_mem>>)
      %dma_wait3A = arith.constant 0 : i32
      %dma_wait3A_151 = tpu.memref_slice %arg8[%run_scoped3A_25, %dma_wait3A] : memref<32x320xf32, #tpu.memory_space<vmem>> -> memref<1x320xf32, #tpu.memory_space<vmem>>
      %dma_wait3A_152 = tpu.memref_squeeze %dma_wait3A_151 : memref<1x320xf32, #tpu.memory_space<vmem>> -> memref<320xf32, #tpu.memory_space<vmem>>
      %dma_wait3A_153 = tpu.memref_slice %arg4[%run_scoped3A_24, %mul3A_2] : memref<32x10240xf32, #tpu.memory_space<hbm>> -> memref<1x320xf32, #tpu.memory_space<hbm>>
      %dma_wait3A_154 = tpu.memref_squeeze %dma_wait3A_153 : memref<1x320xf32, #tpu.memory_space<hbm>> -> memref<320xf32, #tpu.memory_space<hbm>>
      %dma_wait3A_155 = arith.constant 0 : i32
      %dma_wait3A_156 = tpu.memref_slice %arg8[%run_scoped3A_25, %dma_wait3A_155] : memref<32x320xf32, #tpu.memory_space<vmem>> -> memref<1x320xf32, #tpu.memory_space<vmem>>
      %dma_wait3A_157 = tpu.memref_squeeze %dma_wait3A_156 : memref<1x320xf32, #tpu.memory_space<vmem>> -> memref<320xf32, #tpu.memory_space<vmem>>
      %dma_wait3A_158 = tpu.memref_slice %arg4[%run_scoped3A_24, %mul3A_2] : memref<32x10240xf32, #tpu.memory_space<hbm>> -> memref<1x320xf32, #tpu.memory_space<hbm>>
      %dma_wait3A_159 = tpu.memref_squeeze %dma_wait3A_158 : memref<1x320xf32, #tpu.memory_space<hbm>> -> memref<320xf32, #tpu.memory_space<hbm>>
      tpu.wait_dma2 semaphore(%run_scoped3A_141 : memref<!tpu.dma_semaphore, #tpu.memory_space<semaphore_mem>>) src(%dma_wait3A_159 : memref<320xf32, #tpu.memory_space<hbm>>) dst(%dma_wait3A_157 : memref<320xf32, #tpu.memory_space<vmem>>)
      tpu.yield
    }) : () -> ()
    %run_scoped3A_26 = arith.constant 6 : i32
    %run_scoped3A_27 = arith.constant 6 : i32
    "tpu.region"() ({
      %run_scoped3A_141 = tpu.sem_alloc : memref<!tpu.dma_semaphore, #tpu.memory_space<semaphore_mem>>
      %dma_start3A = arith.constant 0 : i32
      %dma_start3A_142 = tpu.memref_slice %arg7[%run_scoped3A_27, %dma_start3A] : memref<32x320xf32, #tpu.memory_space<vmem>> -> memref<1x320xf32, #tpu.memory_space<vmem>>
      %dma_start3A_143 = tpu.memref_squeeze %dma_start3A_142 : memref<1x320xf32, #tpu.memory_space<vmem>> -> memref<320xf32, #tpu.memory_space<vmem>>
      %dma_start3A_144 = tpu.memref_slice %arg3[%run_scoped3A_26, %mul3A_2] : memref<32x10240xf32, #tpu.memory_space<hbm>> -> memref<1x320xf32, #tpu.memory_space<hbm>>
      %dma_start3A_145 = tpu.memref_squeeze %dma_start3A_144 : memref<1x320xf32, #tpu.memory_space<hbm>> -> memref<320xf32, #tpu.memory_space<hbm>>
      %dma_start3A_146 = arith.constant 0 : i32
      %dma_start3A_147 = tpu.memref_slice %arg7[%run_scoped3A_27, %dma_start3A_146] : memref<32x320xf32, #tpu.memory_space<vmem>> -> memref<1x320xf32, #tpu.memory_space<vmem>>
      %dma_start3A_148 = tpu.memref_squeeze %dma_start3A_147 : memref<1x320xf32, #tpu.memory_space<vmem>> -> memref<320xf32, #tpu.memory_space<vmem>>
      %dma_start3A_149 = tpu.memref_slice %arg3[%run_scoped3A_26, %mul3A_2] : memref<32x10240xf32, #tpu.memory_space<hbm>> -> memref<1x320xf32, #tpu.memory_space<hbm>>
      %dma_start3A_150 = tpu.memref_squeeze %dma_start3A_149 : memref<1x320xf32, #tpu.memory_space<hbm>> -> memref<320xf32, #tpu.memory_space<hbm>>
      tpu.enqueue_dma source(%dma_start3A_150 : memref<320xf32, #tpu.memory_space<hbm>>) target(%dma_start3A_148 : memref<320xf32, #tpu.memory_space<vmem>>) target_semaphore(%run_scoped3A_141 : memref<!tpu.dma_semaphore, #tpu.memory_space<semaphore_mem>>)
      %dma_wait3A = arith.constant 0 : i32
      %dma_wait3A_151 = tpu.memref_slice %arg7[%run_scoped3A_27, %dma_wait3A] : memref<32x320xf32, #tpu.memory_space<vmem>> -> memref<1x320xf32, #tpu.memory_space<vmem>>
      %dma_wait3A_152 = tpu.memref_squeeze %dma_wait3A_151 : memref<1x320xf32, #tpu.memory_space<vmem>> -> memref<320xf32, #tpu.memory_space<vmem>>
      %dma_wait3A_153 = tpu.memref_slice %arg3[%run_scoped3A_26, %mul3A_2] : memref<32x10240xf32, #tpu.memory_space<hbm>> -> memref<1x320xf32, #tpu.memory_space<hbm>>
      %dma_wait3A_154 = tpu.memref_squeeze %dma_wait3A_153 : memref<1x320xf32, #tpu.memory_space<hbm>> -> memref<320xf32, #tpu.memory_space<hbm>>
      %dma_wait3A_155 = arith.constant 0 : i32
      %dma_wait3A_156 = tpu.memref_slice %arg7[%run_scoped3A_27, %dma_wait3A_155] : memref<32x320xf32, #tpu.memory_space<vmem>> -> memref<1x320xf32, #tpu.memory_space<vmem>>
      %dma_wait3A_157 = tpu.memref_squeeze %dma_wait3A_156 : memref<1x320xf32, #tpu.memory_space<vmem>> -> memref<320xf32, #tpu.memory_space<vmem>>
      %dma_wait3A_158 = tpu.memref_slice %arg3[%run_scoped3A_26, %mul3A_2] : memref<32x10240xf32, #tpu.memory_space<hbm>> -> memref<1x320xf32, #tpu.memory_space<hbm>>
      %dma_wait3A_159 = tpu.memref_squeeze %dma_wait3A_158 : memref<1x320xf32, #tpu.memory_space<hbm>> -> memref<320xf32, #tpu.memory_space<hbm>>
      tpu.wait_dma2 semaphore(%run_scoped3A_141 : memref<!tpu.dma_semaphore, #tpu.memory_space<semaphore_mem>>) src(%dma_wait3A_159 : memref<320xf32, #tpu.memory_space<hbm>>) dst(%dma_wait3A_157 : memref<320xf32, #tpu.memory_space<vmem>>)
      tpu.yield
    }) : () -> ()
    %run_scoped3A_28 = arith.constant 6 : i32
    %run_scoped3A_29 = arith.constant 6 : i32
    "tpu.region"() ({
      %run_scoped3A_141 = tpu.sem_alloc : memref<!tpu.dma_semaphore, #tpu.memory_space<semaphore_mem>>
      %dma_start3A = arith.constant 0 : i32
      %dma_start3A_142 = tpu.memref_slice %arg8[%run_scoped3A_29, %dma_start3A] : memref<32x320xf32, #tpu.memory_space<vmem>> -> memref<1x320xf32, #tpu.memory_space<vmem>>
      %dma_start3A_143 = tpu.memref_squeeze %dma_start3A_142 : memref<1x320xf32, #tpu.memory_space<vmem>> -> memref<320xf32, #tpu.memory_space<vmem>>
      %dma_start3A_144 = tpu.memref_slice %arg4[%run_scoped3A_28, %mul3A_2] : memref<32x10240xf32, #tpu.memory_space<hbm>> -> memref<1x320xf32, #tpu.memory_space<hbm>>
      %dma_start3A_145 = tpu.memref_squeeze %dma_start3A_144 : memref<1x320xf32, #tpu.memory_space<hbm>> -> memref<320xf32, #tpu.memory_space<hbm>>
      %dma_start3A_146 = arith.constant 0 : i32
      %dma_start3A_147 = tpu.memref_slice %arg8[%run_scoped3A_29, %dma_start3A_146] : memref<32x320xf32, #tpu.memory_space<vmem>> -> memref<1x320xf32, #tpu.memory_space<vmem>>
      %dma_start3A_148 = tpu.memref_squeeze %dma_start3A_147 : memref<1x320xf32, #tpu.memory_space<vmem>> -> memref<320xf32, #tpu.memory_space<vmem>>
      %dma_start3A_149 = tpu.memref_slice %arg4[%run_scoped3A_28, %mul3A_2] : memref<32x10240xf32, #tpu.memory_space<hbm>> -> memref<1x320xf32, #tpu.memory_space<hbm>>
      %dma_start3A_150 = tpu.memref_squeeze %dma_start3A_149 : memref<1x320xf32, #tpu.memory_space<hbm>> -> memref<320xf32, #tpu.memory_space<hbm>>
      tpu.enqueue_dma source(%dma_start3A_150 : memref<320xf32, #tpu.memory_space<hbm>>) target(%dma_start3A_148 : memref<320xf32, #tpu.memory_space<vmem>>) target_semaphore(%run_scoped3A_141 : memref<!tpu.dma_semaphore, #tpu.memory_space<semaphore_mem>>)
      %dma_wait3A = arith.constant 0 : i32
      %dma_wait3A_151 = tpu.memref_slice %arg8[%run_scoped3A_29, %dma_wait3A] : memref<32x320xf32, #tpu.memory_space<vmem>> -> memref<1x320xf32, #tpu.memory_space<vmem>>
      %dma_wait3A_152 = tpu.memref_squeeze %dma_wait3A_151 : memref<1x320xf32, #tpu.memory_space<vmem>> -> memref<320xf32, #tpu.memory_space<vmem>>
      %dma_wait3A_153 = tpu.memref_slice %arg4[%run_scoped3A_28, %mul3A_2] : memref<32x10240xf32, #tpu.memory_space<hbm>> -> memref<1x320xf32, #tpu.memory_space<hbm>>
      %dma_wait3A_154 = tpu.memref_squeeze %dma_wait3A_153 : memref<1x320xf32, #tpu.memory_space<hbm>> -> memref<320xf32, #tpu.memory_space<hbm>>
      %dma_wait3A_155 = arith.constant 0 : i32
      %dma_wait3A_156 = tpu.memref_slice %arg8[%run_scoped3A_29, %dma_wait3A_155] : memref<32x320xf32, #tpu.memory_space<vmem>> -> memref<1x320xf32, #tpu.memory_space<vmem>>
      %dma_wait3A_157 = tpu.memref_squeeze %dma_wait3A_156 : memref<1x320xf32, #tpu.memory_space<vmem>> -> memref<320xf32, #tpu.memory_space<vmem>>
      %dma_wait3A_158 = tpu.memref_slice %arg4[%run_scoped3A_28, %mul3A_2] : memref<32x10240xf32, #tpu.memory_space<hbm>> -> memref<1x320xf32, #tpu.memory_space<hbm>>
      %dma_wait3A_159 = tpu.memref_squeeze %dma_wait3A_158 : memref<1x320xf32, #tpu.memory_space<hbm>> -> memref<320xf32, #tpu.memory_space<hbm>>
      tpu.wait_dma2 semaphore(%run_scoped3A_141 : memref<!tpu.dma_semaphore, #tpu.memory_space<semaphore_mem>>) src(%dma_wait3A_159 : memref<320xf32, #tpu.memory_space<hbm>>) dst(%dma_wait3A_157 : memref<320xf32, #tpu.memory_space<vmem>>)
      tpu.yield
    }) : () -> ()
    %run_scoped3A_30 = arith.constant 7 : i32
    %run_scoped3A_31 = arith.constant 7 : i32
    "tpu.region"() ({
      %run_scoped3A_141 = tpu.sem_alloc : memref<!tpu.dma_semaphore, #tpu.memory_space<semaphore_mem>>
      %dma_start3A = arith.constant 0 : i32
      %dma_start3A_142 = tpu.memref_slice %arg7[%run_scoped3A_31, %dma_start3A] : memref<32x320xf32, #tpu.memory_space<vmem>> -> memref<1x320xf32, #tpu.memory_space<vmem>>
      %dma_start3A_143 = tpu.memref_squeeze %dma_start3A_142 : memref<1x320xf32, #tpu.memory_space<vmem>> -> memref<320xf32, #tpu.memory_space<vmem>>
      %dma_start3A_144 = tpu.memref_slice %arg3[%run_scoped3A_30, %mul3A_2] : memref<32x10240xf32, #tpu.memory_space<hbm>> -> memref<1x320xf32, #tpu.memory_space<hbm>>
      %dma_start3A_145 = tpu.memref_squeeze %dma_start3A_144 : memref<1x320xf32, #tpu.memory_space<hbm>> -> memref<320xf32, #tpu.memory_space<hbm>>
      %dma_start3A_146 = arith.constant 0 : i32
      %dma_start3A_147 = tpu.memref_slice %arg7[%run_scoped3A_31, %dma_start3A_146] : memref<32x320xf32, #tpu.memory_space<vmem>> -> memref<1x320xf32, #tpu.memory_space<vmem>>
      %dma_start3A_148 = tpu.memref_squeeze %dma_start3A_147 : memref<1x320xf32, #tpu.memory_space<vmem>> -> memref<320xf32, #tpu.memory_space<vmem>>
      %dma_start3A_149 = tpu.memref_slice %arg3[%run_scoped3A_30, %mul3A_2] : memref<32x10240xf32, #tpu.memory_space<hbm>> -> memref<1x320xf32, #tpu.memory_space<hbm>>
      %dma_start3A_150 = tpu.memref_squeeze %dma_start3A_149 : memref<1x320xf32, #tpu.memory_space<hbm>> -> memref<320xf32, #tpu.memory_space<hbm>>
      tpu.enqueue_dma source(%dma_start3A_150 : memref<320xf32, #tpu.memory_space<hbm>>) target(%dma_start3A_148 : memref<320xf32, #tpu.memory_space<vmem>>) target_semaphore(%run_scoped3A_141 : memref<!tpu.dma_semaphore, #tpu.memory_space<semaphore_mem>>)
      %dma_wait3A = arith.constant 0 : i32
      %dma_wait3A_151 = tpu.memref_slice %arg7[%run_scoped3A_31, %dma_wait3A] : memref<32x320xf32, #tpu.memory_space<vmem>> -> memref<1x320xf32, #tpu.memory_space<vmem>>
      %dma_wait3A_152 = tpu.memref_squeeze %dma_wait3A_151 : memref<1x320xf32, #tpu.memory_space<vmem>> -> memref<320xf32, #tpu.memory_space<vmem>>
      %dma_wait3A_153 = tpu.memref_slice %arg3[%run_scoped3A_30, %mul3A_2] : memref<32x10240xf32, #tpu.memory_space<hbm>> -> memref<1x320xf32, #tpu.memory_space<hbm>>
      %dma_wait3A_154 = tpu.memref_squeeze %dma_wait3A_153 : memref<1x320xf32, #tpu.memory_space<hbm>> -> memref<320xf32, #tpu.memory_space<hbm>>
      %dma_wait3A_155 = arith.constant 0 : i32
      %dma_wait3A_156 = tpu.memref_slice %arg7[%run_scoped3A_31, %dma_wait3A_155] : memref<32x320xf32, #tpu.memory_space<vmem>> -> memref<1x320xf32, #tpu.memory_space<vmem>>
      %dma_wait3A_157 = tpu.memref_squeeze %dma_wait3A_156 : memref<1x320xf32, #tpu.memory_space<vmem>> -> memref<320xf32, #tpu.memory_space<vmem>>
      %dma_wait3A_158 = tpu.memref_slice %arg3[%run_scoped3A_30, %mul3A_2] : memref<32x10240xf32, #tpu.memory_space<hbm>> -> memref<1x320xf32, #tpu.memory_space<hbm>>
      %dma_wait3A_159 = tpu.memref_squeeze %dma_wait3A_158 : memref<1x320xf32, #tpu.memory_space<hbm>> -> memref<320xf32, #tpu.memory_space<hbm>>
      tpu.wait_dma2 semaphore(%run_scoped3A_141 : memref<!tpu.dma_semaphore, #tpu.memory_space<semaphore_mem>>) src(%dma_wait3A_159 : memref<320xf32, #tpu.memory_space<hbm>>) dst(%dma_wait3A_157 : memref<320xf32, #tpu.memory_space<vmem>>)
      tpu.yield
    }) : () -> ()
    %run_scoped3A_32 = arith.constant 7 : i32
    %run_scoped3A_33 = arith.constant 7 : i32
    "tpu.region"() ({
      %run_scoped3A_141 = tpu.sem_alloc : memref<!tpu.dma_semaphore, #tpu.memory_space<semaphore_mem>>
      %dma_start3A = arith.constant 0 : i32
      %dma_start3A_142 = tpu.memref_slice %arg8[%run_scoped3A_33, %dma_start3A] : memref<32x320xf32, #tpu.memory_space<vmem>> -> memref<1x320xf32, #tpu.memory_space<vmem>>
      %dma_start3A_143 = tpu.memref_squeeze %dma_start3A_142 : memref<1x320xf32, #tpu.memory_space<vmem>> -> memref<320xf32, #tpu.memory_space<vmem>>
      %dma_start3A_144 = tpu.memref_slice %arg4[%run_scoped3A_32, %mul3A_2] : memref<32x10240xf32, #tpu.memory_space<hbm>> -> memref<1x320xf32, #tpu.memory_space<hbm>>
      %dma_start3A_145 = tpu.memref_squeeze %dma_start3A_144 : memref<1x320xf32, #tpu.memory_space<hbm>> -> memref<320xf32, #tpu.memory_space<hbm>>
      %dma_start3A_146 = arith.constant 0 : i32
      %dma_start3A_147 = tpu.memref_slice %arg8[%run_scoped3A_33, %dma_start3A_146] : memref<32x320xf32, #tpu.memory_space<vmem>> -> memref<1x320xf32, #tpu.memory_space<vmem>>
      %dma_start3A_148 = tpu.memref_squeeze %dma_start3A_147 : memref<1x320xf32, #tpu.memory_space<vmem>> -> memref<320xf32, #tpu.memory_space<vmem>>
      %dma_start3A_149 = tpu.memref_slice %arg4[%run_scoped3A_32, %mul3A_2] : memref<32x10240xf32, #tpu.memory_space<hbm>> -> memref<1x320xf32, #tpu.memory_space<hbm>>
      %dma_start3A_150 = tpu.memref_squeeze %dma_start3A_149 : memref<1x320xf32, #tpu.memory_space<hbm>> -> memref<320xf32, #tpu.memory_space<hbm>>
      tpu.enqueue_dma source(%dma_start3A_150 : memref<320xf32, #tpu.memory_space<hbm>>) target(%dma_start3A_148 : memref<320xf32, #tpu.memory_space<vmem>>) target_semaphore(%run_scoped3A_141 : memref<!tpu.dma_semaphore, #tpu.memory_space<semaphore_mem>>)
      %dma_wait3A = arith.constant 0 : i32
      %dma_wait3A_151 = tpu.memref_slice %arg8[%run_scoped3A_33, %dma_wait3A] : memref<32x320xf32, #tpu.memory_space<vmem>> -> memref<1x320xf32, #tpu.memory_space<vmem>>
      %dma_wait3A_152 = tpu.memref_squeeze %dma_wait3A_151 : memref<1x320xf32, #tpu.memory_space<vmem>> -> memref<320xf32, #tpu.memory_space<vmem>>
      %dma_wait3A_153 = tpu.memref_slice %arg4[%run_scoped3A_32, %mul3A_2] : memref<32x10240xf32, #tpu.memory_space<hbm>> -> memref<1x320xf32, #tpu.memory_space<hbm>>
      %dma_wait3A_154 = tpu.memref_squeeze %dma_wait3A_153 : memref<1x320xf32, #tpu.memory_space<hbm>> -> memref<320xf32, #tpu.memory_space<hbm>>
      %dma_wait3A_155 = arith.constant 0 : i32
      %dma_wait3A_156 = tpu.memref_slice %arg8[%run_scoped3A_33, %dma_wait3A_155] : memref<32x320xf32, #tpu.memory_space<vmem>> -> memref<1x320xf32, #tpu.memory_space<vmem>>
      %dma_wait3A_157 = tpu.memref_squeeze %dma_wait3A_156 : memref<1x320xf32, #tpu.memory_space<vmem>> -> memref<320xf32, #tpu.memory_space<vmem>>
      %dma_wait3A_158 = tpu.memref_slice %arg4[%run_scoped3A_32, %mul3A_2] : memref<32x10240xf32, #tpu.memory_space<hbm>> -> memref<1x320xf32, #tpu.memory_space<hbm>>
      %dma_wait3A_159 = tpu.memref_squeeze %dma_wait3A_158 : memref<1x320xf32, #tpu.memory_space<hbm>> -> memref<320xf32, #tpu.memory_space<hbm>>
      tpu.wait_dma2 semaphore(%run_scoped3A_141 : memref<!tpu.dma_semaphore, #tpu.memory_space<semaphore_mem>>) src(%dma_wait3A_159 : memref<320xf32, #tpu.memory_space<hbm>>) dst(%dma_wait3A_157 : memref<320xf32, #tpu.memory_space<vmem>>)
      tpu.yield
    }) : () -> ()
    %run_scoped3A_34 = arith.constant 8 : i32
    %run_scoped3A_35 = arith.constant 8 : i32
    "tpu.region"() ({
      %run_scoped3A_141 = tpu.sem_alloc : memref<!tpu.dma_semaphore, #tpu.memory_space<semaphore_mem>>
      %dma_start3A = arith.constant 0 : i32
      %dma_start3A_142 = tpu.memref_slice %arg7[%run_scoped3A_35, %dma_start3A] : memref<32x320xf32, #tpu.memory_space<vmem>> -> memref<1x320xf32, #tpu.memory_space<vmem>>
      %dma_start3A_143 = tpu.memref_squeeze %dma_start3A_142 : memref<1x320xf32, #tpu.memory_space<vmem>> -> memref<320xf32, #tpu.memory_space<vmem>>
      %dma_start3A_144 = tpu.memref_slice %arg3[%run_scoped3A_34, %mul3A_2] : memref<32x10240xf32, #tpu.memory_space<hbm>> -> memref<1x320xf32, #tpu.memory_space<hbm>>
      %dma_start3A_145 = tpu.memref_squeeze %dma_start3A_144 : memref<1x320xf32, #tpu.memory_space<hbm>> -> memref<320xf32, #tpu.memory_space<hbm>>
      %dma_start3A_146 = arith.constant 0 : i32
      %dma_start3A_147 = tpu.memref_slice %arg7[%run_scoped3A_35, %dma_start3A_146] : memref<32x320xf32, #tpu.memory_space<vmem>> -> memref<1x320xf32, #tpu.memory_space<vmem>>
      %dma_start3A_148 = tpu.memref_squeeze %dma_start3A_147 : memref<1x320xf32, #tpu.memory_space<vmem>> -> memref<320xf32, #tpu.memory_space<vmem>>
      %dma_start3A_149 = tpu.memref_slice %arg3[%run_scoped3A_34, %mul3A_2] : memref<32x10240xf32, #tpu.memory_space<hbm>> -> memref<1x320xf32, #tpu.memory_space<hbm>>
      %dma_start3A_150 = tpu.memref_squeeze %dma_start3A_149 : memref<1x320xf32, #tpu.memory_space<hbm>> -> memref<320xf32, #tpu.memory_space<hbm>>
      tpu.enqueue_dma source(%dma_start3A_150 : memref<320xf32, #tpu.memory_space<hbm>>) target(%dma_start3A_148 : memref<320xf32, #tpu.memory_space<vmem>>) target_semaphore(%run_scoped3A_141 : memref<!tpu.dma_semaphore, #tpu.memory_space<semaphore_mem>>)
      %dma_wait3A = arith.constant 0 : i32
      %dma_wait3A_151 = tpu.memref_slice %arg7[%run_scoped3A_35, %dma_wait3A] : memref<32x320xf32, #tpu.memory_space<vmem>> -> memref<1x320xf32, #tpu.memory_space<vmem>>
      %dma_wait3A_152 = tpu.memref_squeeze %dma_wait3A_151 : memref<1x320xf32, #tpu.memory_space<vmem>> -> memref<320xf32, #tpu.memory_space<vmem>>
      %dma_wait3A_153 = tpu.memref_slice %arg3[%run_scoped3A_34, %mul3A_2] : memref<32x10240xf32, #tpu.memory_space<hbm>> -> memref<1x320xf32, #tpu.memory_space<hbm>>
      %dma_wait3A_154 = tpu.memref_squeeze %dma_wait3A_153 : memref<1x320xf32, #tpu.memory_space<hbm>> -> memref<320xf32, #tpu.memory_space<hbm>>
      %dma_wait3A_155 = arith.constant 0 : i32
      %dma_wait3A_156 = tpu.memref_slice %arg7[%run_scoped3A_35, %dma_wait3A_155] : memref<32x320xf32, #tpu.memory_space<vmem>> -> memref<1x320xf32, #tpu.memory_space<vmem>>
      %dma_wait3A_157 = tpu.memref_squeeze %dma_wait3A_156 : memref<1x320xf32, #tpu.memory_space<vmem>> -> memref<320xf32, #tpu.memory_space<vmem>>
      %dma_wait3A_158 = tpu.memref_slice %arg3[%run_scoped3A_34, %mul3A_2] : memref<32x10240xf32, #tpu.memory_space<hbm>> -> memref<1x320xf32, #tpu.memory_space<hbm>>
      %dma_wait3A_159 = tpu.memref_squeeze %dma_wait3A_158 : memref<1x320xf32, #tpu.memory_space<hbm>> -> memref<320xf32, #tpu.memory_space<hbm>>
      tpu.wait_dma2 semaphore(%run_scoped3A_141 : memref<!tpu.dma_semaphore, #tpu.memory_space<semaphore_mem>>) src(%dma_wait3A_159 : memref<320xf32, #tpu.memory_space<hbm>>) dst(%dma_wait3A_157 : memref<320xf32, #tpu.memory_space<vmem>>)
      tpu.yield
    }) : () -> ()
    %run_scoped3A_36 = arith.constant 8 : i32
    %run_scoped3A_37 = arith.constant 8 : i32
    "tpu.region"() ({
      %run_scoped3A_141 = tpu.sem_alloc : memref<!tpu.dma_semaphore, #tpu.memory_space<semaphore_mem>>
      %dma_start3A = arith.constant 0 : i32
      %dma_start3A_142 = tpu.memref_slice %arg8[%run_scoped3A_37, %dma_start3A] : memref<32x320xf32, #tpu.memory_space<vmem>> -> memref<1x320xf32, #tpu.memory_space<vmem>>
      %dma_start3A_143 = tpu.memref_squeeze %dma_start3A_142 : memref<1x320xf32, #tpu.memory_space<vmem>> -> memref<320xf32, #tpu.memory_space<vmem>>
      %dma_start3A_144 = tpu.memref_slice %arg4[%run_scoped3A_36, %mul3A_2] : memref<32x10240xf32, #tpu.memory_space<hbm>> -> memref<1x320xf32, #tpu.memory_space<hbm>>
      %dma_start3A_145 = tpu.memref_squeeze %dma_start3A_144 : memref<1x320xf32, #tpu.memory_space<hbm>> -> memref<320xf32, #tpu.memory_space<hbm>>
      %dma_start3A_146 = arith.constant 0 : i32
      %dma_start3A_147 = tpu.memref_slice %arg8[%run_scoped3A_37, %dma_start3A_146] : memref<32x320xf32, #tpu.memory_space<vmem>> -> memref<1x320xf32, #tpu.memory_space<vmem>>
      %dma_start3A_148 = tpu.memref_squeeze %dma_start3A_147 : memref<1x320xf32, #tpu.memory_space<vmem>> -> memref<320xf32, #tpu.memory_space<vmem>>
      %dma_start3A_149 = tpu.memref_slice %arg4[%run_scoped3A_36, %mul3A_2] : memref<32x10240xf32, #tpu.memory_space<hbm>> -> memref<1x320xf32, #tpu.memory_space<hbm>>
      %dma_start3A_150 = tpu.memref_squeeze %dma_start3A_149 : memref<1x320xf32, #tpu.memory_space<hbm>> -> memref<320xf32, #tpu.memory_space<hbm>>
      tpu.enqueue_dma source(%dma_start3A_150 : memref<320xf32, #tpu.memory_space<hbm>>) target(%dma_start3A_148 : memref<320xf32, #tpu.memory_space<vmem>>) target_semaphore(%run_scoped3A_141 : memref<!tpu.dma_semaphore, #tpu.memory_space<semaphore_mem>>)
      %dma_wait3A = arith.constant 0 : i32
      %dma_wait3A_151 = tpu.memref_slice %arg8[%run_scoped3A_37, %dma_wait3A] : memref<32x320xf32, #tpu.memory_space<vmem>> -> memref<1x320xf32, #tpu.memory_space<vmem>>
      %dma_wait3A_152 = tpu.memref_squeeze %dma_wait3A_151 : memref<1x320xf32, #tpu.memory_space<vmem>> -> memref<320xf32, #tpu.memory_space<vmem>>
      %dma_wait3A_153 = tpu.memref_slice %arg4[%run_scoped3A_36, %mul3A_2] : memref<32x10240xf32, #tpu.memory_space<hbm>> -> memref<1x320xf32, #tpu.memory_space<hbm>>
      %dma_wait3A_154 = tpu.memref_squeeze %dma_wait3A_153 : memref<1x320xf32, #tpu.memory_space<hbm>> -> memref<320xf32, #tpu.memory_space<hbm>>
      %dma_wait3A_155 = arith.constant 0 : i32
      %dma_wait3A_156 = tpu.memref_slice %arg8[%run_scoped3A_37, %dma_wait3A_155] : memref<32x320xf32, #tpu.memory_space<vmem>> -> memref<1x320xf32, #tpu.memory_space<vmem>>
      %dma_wait3A_157 = tpu.memref_squeeze %dma_wait3A_156 : memref<1x320xf32, #tpu.memory_space<vmem>> -> memref<320xf32, #tpu.memory_space<vmem>>
      %dma_wait3A_158 = tpu.memref_slice %arg4[%run_scoped3A_36, %mul3A_2] : memref<32x10240xf32, #tpu.memory_space<hbm>> -> memref<1x320xf32, #tpu.memory_space<hbm>>
      %dma_wait3A_159 = tpu.memref_squeeze %dma_wait3A_158 : memref<1x320xf32, #tpu.memory_space<hbm>> -> memref<320xf32, #tpu.memory_space<hbm>>
      tpu.wait_dma2 semaphore(%run_scoped3A_141 : memref<!tpu.dma_semaphore, #tpu.memory_space<semaphore_mem>>) src(%dma_wait3A_159 : memref<320xf32, #tpu.memory_space<hbm>>) dst(%dma_wait3A_157 : memref<320xf32, #tpu.memory_space<vmem>>)
      tpu.yield
    }) : () -> ()
    %run_scoped3A_38 = arith.constant 9 : i32
    %run_scoped3A_39 = arith.constant 9 : i32
    "tpu.region"() ({
      %run_scoped3A_141 = tpu.sem_alloc : memref<!tpu.dma_semaphore, #tpu.memory_space<semaphore_mem>>
      %dma_start3A = arith.constant 0 : i32
      %dma_start3A_142 = tpu.memref_slice %arg7[%run_scoped3A_39, %dma_start3A] : memref<32x320xf32, #tpu.memory_space<vmem>> -> memref<1x320xf32, #tpu.memory_space<vmem>>
      %dma_start3A_143 = tpu.memref_squeeze %dma_start3A_142 : memref<1x320xf32, #tpu.memory_space<vmem>> -> memref<320xf32, #tpu.memory_space<vmem>>
      %dma_start3A_144 = tpu.memref_slice %arg3[%run_scoped3A_38, %mul3A_2] : memref<32x10240xf32, #tpu.memory_space<hbm>> -> memref<1x320xf32, #tpu.memory_space<hbm>>
      %dma_start3A_145 = tpu.memref_squeeze %dma_start3A_144 : memref<1x320xf32, #tpu.memory_space<hbm>> -> memref<320xf32, #tpu.memory_space<hbm>>
      %dma_start3A_146 = arith.constant 0 : i32
      %dma_start3A_147 = tpu.memref_slice %arg7[%run_scoped3A_39, %dma_start3A_146] : memref<32x320xf32, #tpu.memory_space<vmem>> -> memref<1x320xf32, #tpu.memory_space<vmem>>
      %dma_start3A_148 = tpu.memref_squeeze %dma_start3A_147 : memref<1x320xf32, #tpu.memory_space<vmem>> -> memref<320xf32, #tpu.memory_space<vmem>>
      %dma_start3A_149 = tpu.memref_slice %arg3[%run_scoped3A_38, %mul3A_2] : memref<32x10240xf32, #tpu.memory_space<hbm>> -> memref<1x320xf32, #tpu.memory_space<hbm>>
      %dma_start3A_150 = tpu.memref_squeeze %dma_start3A_149 : memref<1x320xf32, #tpu.memory_space<hbm>> -> memref<320xf32, #tpu.memory_space<hbm>>
      tpu.enqueue_dma source(%dma_start3A_150 : memref<320xf32, #tpu.memory_space<hbm>>) target(%dma_start3A_148 : memref<320xf32, #tpu.memory_space<vmem>>) target_semaphore(%run_scoped3A_141 : memref<!tpu.dma_semaphore, #tpu.memory_space<semaphore_mem>>)
      %dma_wait3A = arith.constant 0 : i32
      %dma_wait3A_151 = tpu.memref_slice %arg7[%run_scoped3A_39, %dma_wait3A] : memref<32x320xf32, #tpu.memory_space<vmem>> -> memref<1x320xf32, #tpu.memory_space<vmem>>
      %dma_wait3A_152 = tpu.memref_squeeze %dma_wait3A_151 : memref<1x320xf32, #tpu.memory_space<vmem>> -> memref<320xf32, #tpu.memory_space<vmem>>
      %dma_wait3A_153 = tpu.memref_slice %arg3[%run_scoped3A_38, %mul3A_2] : memref<32x10240xf32, #tpu.memory_space<hbm>> -> memref<1x320xf32, #tpu.memory_space<hbm>>
      %dma_wait3A_154 = tpu.memref_squeeze %dma_wait3A_153 : memref<1x320xf32, #tpu.memory_space<hbm>> -> memref<320xf32, #tpu.memory_space<hbm>>
      %dma_wait3A_155 = arith.constant 0 : i32
      %dma_wait3A_156 = tpu.memref_slice %arg7[%run_scoped3A_39, %dma_wait3A_155] : memref<32x320xf32, #tpu.memory_space<vmem>> -> memref<1x320xf32, #tpu.memory_space<vmem>>
      %dma_wait3A_157 = tpu.memref_squeeze %dma_wait3A_156 : memref<1x320xf32, #tpu.memory_space<vmem>> -> memref<320xf32, #tpu.memory_space<vmem>>
      %dma_wait3A_158 = tpu.memref_slice %arg3[%run_scoped3A_38, %mul3A_2] : memref<32x10240xf32, #tpu.memory_space<hbm>> -> memref<1x320xf32, #tpu.memory_space<hbm>>
      %dma_wait3A_159 = tpu.memref_squeeze %dma_wait3A_158 : memref<1x320xf32, #tpu.memory_space<hbm>> -> memref<320xf32, #tpu.memory_space<hbm>>
      tpu.wait_dma2 semaphore(%run_scoped3A_141 : memref<!tpu.dma_semaphore, #tpu.memory_space<semaphore_mem>>) src(%dma_wait3A_159 : memref<320xf32, #tpu.memory_space<hbm>>) dst(%dma_wait3A_157 : memref<320xf32, #tpu.memory_space<vmem>>)
      tpu.yield
    }) : () -> ()
    %run_scoped3A_40 = arith.constant 9 : i32
    %run_scoped3A_41 = arith.constant 9 : i32
    "tpu.region"() ({
      %run_scoped3A_141 = tpu.sem_alloc : memref<!tpu.dma_semaphore, #tpu.memory_space<semaphore_mem>>
      %dma_start3A = arith.constant 0 : i32
      %dma_start3A_142 = tpu.memref_slice %arg8[%run_scoped3A_41, %dma_start3A] : memref<32x320xf32, #tpu.memory_space<vmem>> -> memref<1x320xf32, #tpu.memory_space<vmem>>
      %dma_start3A_143 = tpu.memref_squeeze %dma_start3A_142 : memref<1x320xf32, #tpu.memory_space<vmem>> -> memref<320xf32, #tpu.memory_space<vmem>>
      %dma_start3A_144 = tpu.memref_slice %arg4[%run_scoped3A_40, %mul3A_2] : memref<32x10240xf32, #tpu.memory_space<hbm>> -> memref<1x320xf32, #tpu.memory_space<hbm>>
      %dma_start3A_145 = tpu.memref_squeeze %dma_start3A_144 : memref<1x320xf32, #tpu.memory_space<hbm>> -> memref<320xf32, #tpu.memory_space<hbm>>
      %dma_start3A_146 = arith.constant 0 : i32
      %dma_start3A_147 = tpu.memref_slice %arg8[%run_scoped3A_41, %dma_start3A_146] : memref<32x320xf32, #tpu.memory_space<vmem>> -> memref<1x320xf32, #tpu.memory_space<vmem>>
      %dma_start3A_148 = tpu.memref_squeeze %dma_start3A_147 : memref<1x320xf32, #tpu.memory_space<vmem>> -> memref<320xf32, #tpu.memory_space<vmem>>
      %dma_start3A_149 = tpu.memref_slice %arg4[%run_scoped3A_40, %mul3A_2] : memref<32x10240xf32, #tpu.memory_space<hbm>> -> memref<1x320xf32, #tpu.memory_space<hbm>>
      %dma_start3A_150 = tpu.memref_squeeze %dma_start3A_149 : memref<1x320xf32, #tpu.memory_space<hbm>> -> memref<320xf32, #tpu.memory_space<hbm>>
      tpu.enqueue_dma source(%dma_start3A_150 : memref<320xf32, #tpu.memory_space<hbm>>) target(%dma_start3A_148 : memref<320xf32, #tpu.memory_space<vmem>>) target_semaphore(%run_scoped3A_141 : memref<!tpu.dma_semaphore, #tpu.memory_space<semaphore_mem>>)
      %dma_wait3A = arith.constant 0 : i32
      %dma_wait3A_151 = tpu.memref_slice %arg8[%run_scoped3A_41, %dma_wait3A] : memref<32x320xf32, #tpu.memory_space<vmem>> -> memref<1x320xf32, #tpu.memory_space<vmem>>
      %dma_wait3A_152 = tpu.memref_squeeze %dma_wait3A_151 : memref<1x320xf32, #tpu.memory_space<vmem>> -> memref<320xf32, #tpu.memory_space<vmem>>
      %dma_wait3A_153 = tpu.memref_slice %arg4[%run_scoped3A_40, %mul3A_2] : memref<32x10240xf32, #tpu.memory_space<hbm>> -> memref<1x320xf32, #tpu.memory_space<hbm>>
      %dma_wait3A_154 = tpu.memref_squeeze %dma_wait3A_153 : memref<1x320xf32, #tpu.memory_space<hbm>> -> memref<320xf32, #tpu.memory_space<hbm>>
      %dma_wait3A_155 = arith.constant 0 : i32
      %dma_wait3A_156 = tpu.memref_slice %arg8[%run_scoped3A_41, %dma_wait3A_155] : memref<32x320xf32, #tpu.memory_space<vmem>> -> memref<1x320xf32, #tpu.memory_space<vmem>>
      %dma_wait3A_157 = tpu.memref_squeeze %dma_wait3A_156 : memref<1x320xf32, #tpu.memory_space<vmem>> -> memref<320xf32, #tpu.memory_space<vmem>>
      %dma_wait3A_158 = tpu.memref_slice %arg4[%run_scoped3A_40, %mul3A_2] : memref<32x10240xf32, #tpu.memory_space<hbm>> -> memref<1x320xf32, #tpu.memory_space<hbm>>
      %dma_wait3A_159 = tpu.memref_squeeze %dma_wait3A_158 : memref<1x320xf32, #tpu.memory_space<hbm>> -> memref<320xf32, #tpu.memory_space<hbm>>
      tpu.wait_dma2 semaphore(%run_scoped3A_141 : memref<!tpu.dma_semaphore, #tpu.memory_space<semaphore_mem>>) src(%dma_wait3A_159 : memref<320xf32, #tpu.memory_space<hbm>>) dst(%dma_wait3A_157 : memref<320xf32, #tpu.memory_space<vmem>>)
      tpu.yield
    }) : () -> ()
    %run_scoped3A_42 = arith.constant 10 : i32
    %run_scoped3A_43 = arith.constant 10 : i32
    "tpu.region"() ({
      %run_scoped3A_141 = tpu.sem_alloc : memref<!tpu.dma_semaphore, #tpu.memory_space<semaphore_mem>>
      %dma_start3A = arith.constant 0 : i32
      %dma_start3A_142 = tpu.memref_slice %arg7[%run_scoped3A_43, %dma_start3A] : memref<32x320xf32, #tpu.memory_space<vmem>> -> memref<1x320xf32, #tpu.memory_space<vmem>>
      %dma_start3A_143 = tpu.memref_squeeze %dma_start3A_142 : memref<1x320xf32, #tpu.memory_space<vmem>> -> memref<320xf32, #tpu.memory_space<vmem>>
      %dma_start3A_144 = tpu.memref_slice %arg3[%run_scoped3A_42, %mul3A_2] : memref<32x10240xf32, #tpu.memory_space<hbm>> -> memref<1x320xf32, #tpu.memory_space<hbm>>
      %dma_start3A_145 = tpu.memref_squeeze %dma_start3A_144 : memref<1x320xf32, #tpu.memory_space<hbm>> -> memref<320xf32, #tpu.memory_space<hbm>>
      %dma_start3A_146 = arith.constant 0 : i32
      %dma_start3A_147 = tpu.memref_slice %arg7[%run_scoped3A_43, %dma_start3A_146] : memref<32x320xf32, #tpu.memory_space<vmem>> -> memref<1x320xf32, #tpu.memory_space<vmem>>
      %dma_start3A_148 = tpu.memref_squeeze %dma_start3A_147 : memref<1x320xf32, #tpu.memory_space<vmem>> -> memref<320xf32, #tpu.memory_space<vmem>>
      %dma_start3A_149 = tpu.memref_slice %arg3[%run_scoped3A_42, %mul3A_2] : memref<32x10240xf32, #tpu.memory_space<hbm>> -> memref<1x320xf32, #tpu.memory_space<hbm>>
      %dma_start3A_150 = tpu.memref_squeeze %dma_start3A_149 : memref<1x320xf32, #tpu.memory_space<hbm>> -> memref<320xf32, #tpu.memory_space<hbm>>
      tpu.enqueue_dma source(%dma_start3A_150 : memref<320xf32, #tpu.memory_space<hbm>>) target(%dma_start3A_148 : memref<320xf32, #tpu.memory_space<vmem>>) target_semaphore(%run_scoped3A_141 : memref<!tpu.dma_semaphore, #tpu.memory_space<semaphore_mem>>)
      %dma_wait3A = arith.constant 0 : i32
      %dma_wait3A_151 = tpu.memref_slice %arg7[%run_scoped3A_43, %dma_wait3A] : memref<32x320xf32, #tpu.memory_space<vmem>> -> memref<1x320xf32, #tpu.memory_space<vmem>>
      %dma_wait3A_152 = tpu.memref_squeeze %dma_wait3A_151 : memref<1x320xf32, #tpu.memory_space<vmem>> -> memref<320xf32, #tpu.memory_space<vmem>>
      %dma_wait3A_153 = tpu.memref_slice %arg3[%run_scoped3A_42, %mul3A_2] : memref<32x10240xf32, #tpu.memory_space<hbm>> -> memref<1x320xf32, #tpu.memory_space<hbm>>
      %dma_wait3A_154 = tpu.memref_squeeze %dma_wait3A_153 : memref<1x320xf32, #tpu.memory_space<hbm>> -> memref<320xf32, #tpu.memory_space<hbm>>
      %dma_wait3A_155 = arith.constant 0 : i32
      %dma_wait3A_156 = tpu.memref_slice %arg7[%run_scoped3A_43, %dma_wait3A_155] : memref<32x320xf32, #tpu.memory_space<vmem>> -> memref<1x320xf32, #tpu.memory_space<vmem>>
      %dma_wait3A_157 = tpu.memref_squeeze %dma_wait3A_156 : memref<1x320xf32, #tpu.memory_space<vmem>> -> memref<320xf32, #tpu.memory_space<vmem>>
      %dma_wait3A_158 = tpu.memref_slice %arg3[%run_scoped3A_42, %mul3A_2] : memref<32x10240xf32, #tpu.memory_space<hbm>> -> memref<1x320xf32, #tpu.memory_space<hbm>>
      %dma_wait3A_159 = tpu.memref_squeeze %dma_wait3A_158 : memref<1x320xf32, #tpu.memory_space<hbm>> -> memref<320xf32, #tpu.memory_space<hbm>>
      tpu.wait_dma2 semaphore(%run_scoped3A_141 : memref<!tpu.dma_semaphore, #tpu.memory_space<semaphore_mem>>) src(%dma_wait3A_159 : memref<320xf32, #tpu.memory_space<hbm>>) dst(%dma_wait3A_157 : memref<320xf32, #tpu.memory_space<vmem>>)
      tpu.yield
    }) : () -> ()
    %run_scoped3A_44 = arith.constant 10 : i32
    %run_scoped3A_45 = arith.constant 10 : i32
    "tpu.region"() ({
      %run_scoped3A_141 = tpu.sem_alloc : memref<!tpu.dma_semaphore, #tpu.memory_space<semaphore_mem>>
      %dma_start3A = arith.constant 0 : i32
      %dma_start3A_142 = tpu.memref_slice %arg8[%run_scoped3A_45, %dma_start3A] : memref<32x320xf32, #tpu.memory_space<vmem>> -> memref<1x320xf32, #tpu.memory_space<vmem>>
      %dma_start3A_143 = tpu.memref_squeeze %dma_start3A_142 : memref<1x320xf32, #tpu.memory_space<vmem>> -> memref<320xf32, #tpu.memory_space<vmem>>
      %dma_start3A_144 = tpu.memref_slice %arg4[%run_scoped3A_44, %mul3A_2] : memref<32x10240xf32, #tpu.memory_space<hbm>> -> memref<1x320xf32, #tpu.memory_space<hbm>>
      %dma_start3A_145 = tpu.memref_squeeze %dma_start3A_144 : memref<1x320xf32, #tpu.memory_space<hbm>> -> memref<320xf32, #tpu.memory_space<hbm>>
      %dma_start3A_146 = arith.constant 0 : i32
      %dma_start3A_147 = tpu.memref_slice %arg8[%run_scoped3A_45, %dma_start3A_146] : memref<32x320xf32, #tpu.memory_space<vmem>> -> memref<1x320xf32, #tpu.memory_space<vmem>>
      %dma_start3A_148 = tpu.memref_squeeze %dma_start3A_147 : memref<1x320xf32, #tpu.memory_space<vmem>> -> memref<320xf32, #tpu.memory_space<vmem>>
      %dma_start3A_149 = tpu.memref_slice %arg4[%run_scoped3A_44, %mul3A_2] : memref<32x10240xf32, #tpu.memory_space<hbm>> -> memref<1x320xf32, #tpu.memory_space<hbm>>
      %dma_start3A_150 = tpu.memref_squeeze %dma_start3A_149 : memref<1x320xf32, #tpu.memory_space<hbm>> -> memref<320xf32, #tpu.memory_space<hbm>>
      tpu.enqueue_dma source(%dma_start3A_150 : memref<320xf32, #tpu.memory_space<hbm>>) target(%dma_start3A_148 : memref<320xf32, #tpu.memory_space<vmem>>) target_semaphore(%run_scoped3A_141 : memref<!tpu.dma_semaphore, #tpu.memory_space<semaphore_mem>>)
      %dma_wait3A = arith.constant 0 : i32
      %dma_wait3A_151 = tpu.memref_slice %arg8[%run_scoped3A_45, %dma_wait3A] : memref<32x320xf32, #tpu.memory_space<vmem>> -> memref<1x320xf32, #tpu.memory_space<vmem>>
      %dma_wait3A_152 = tpu.memref_squeeze %dma_wait3A_151 : memref<1x320xf32, #tpu.memory_space<vmem>> -> memref<320xf32, #tpu.memory_space<vmem>>
      %dma_wait3A_153 = tpu.memref_slice %arg4[%run_scoped3A_44, %mul3A_2] : memref<32x10240xf32, #tpu.memory_space<hbm>> -> memref<1x320xf32, #tpu.memory_space<hbm>>
      %dma_wait3A_154 = tpu.memref_squeeze %dma_wait3A_153 : memref<1x320xf32, #tpu.memory_space<hbm>> -> memref<320xf32, #tpu.memory_space<hbm>>
      %dma_wait3A_155 = arith.constant 0 : i32
      %dma_wait3A_156 = tpu.memref_slice %arg8[%run_scoped3A_45, %dma_wait3A_155] : memref<32x320xf32, #tpu.memory_space<vmem>> -> memref<1x320xf32, #tpu.memory_space<vmem>>
      %dma_wait3A_157 = tpu.memref_squeeze %dma_wait3A_156 : memref<1x320xf32, #tpu.memory_space<vmem>> -> memref<320xf32, #tpu.memory_space<vmem>>
      %dma_wait3A_158 = tpu.memref_slice %arg4[%run_scoped3A_44, %mul3A_2] : memref<32x10240xf32, #tpu.memory_space<hbm>> -> memref<1x320xf32, #tpu.memory_space<hbm>>
      %dma_wait3A_159 = tpu.memref_squeeze %dma_wait3A_158 : memref<1x320xf32, #tpu.memory_space<hbm>> -> memref<320xf32, #tpu.memory_space<hbm>>
      tpu.wait_dma2 semaphore(%run_scoped3A_141 : memref<!tpu.dma_semaphore, #tpu.memory_space<semaphore_mem>>) src(%dma_wait3A_159 : memref<320xf32, #tpu.memory_space<hbm>>) dst(%dma_wait3A_157 : memref<320xf32, #tpu.memory_space<vmem>>)
      tpu.yield
    }) : () -> ()
    %run_scoped3A_46 = arith.constant 11 : i32
    %run_scoped3A_47 = arith.constant 11 : i32
    "tpu.region"() ({
      %run_scoped3A_141 = tpu.sem_alloc : memref<!tpu.dma_semaphore, #tpu.memory_space<semaphore_mem>>
      %dma_start3A = arith.constant 0 : i32
      %dma_start3A_142 = tpu.memref_slice %arg7[%run_scoped3A_47, %dma_start3A] : memref<32x320xf32, #tpu.memory_space<vmem>> -> memref<1x320xf32, #tpu.memory_space<vmem>>
      %dma_start3A_143 = tpu.memref_squeeze %dma_start3A_142 : memref<1x320xf32, #tpu.memory_space<vmem>> -> memref<320xf32, #tpu.memory_space<vmem>>
      %dma_start3A_144 = tpu.memref_slice %arg3[%run_scoped3A_46, %mul3A_2] : memref<32x10240xf32, #tpu.memory_space<hbm>> -> memref<1x320xf32, #tpu.memory_space<hbm>>
      %dma_start3A_145 = tpu.memref_squeeze %dma_start3A_144 : memref<1x320xf32, #tpu.memory_space<hbm>> -> memref<320xf32, #tpu.memory_space<hbm>>
      %dma_start3A_146 = arith.constant 0 : i32
      %dma_start3A_147 = tpu.memref_slice %arg7[%run_scoped3A_47, %dma_start3A_146] : memref<32x320xf32, #tpu.memory_space<vmem>> -> memref<1x320xf32, #tpu.memory_space<vmem>>
      %dma_start3A_148 = tpu.memref_squeeze %dma_start3A_147 : memref<1x320xf32, #tpu.memory_space<vmem>> -> memref<320xf32, #tpu.memory_space<vmem>>
      %dma_start3A_149 = tpu.memref_slice %arg3[%run_scoped3A_46, %mul3A_2] : memref<32x10240xf32, #tpu.memory_space<hbm>> -> memref<1x320xf32, #tpu.memory_space<hbm>>
      %dma_start3A_150 = tpu.memref_squeeze %dma_start3A_149 : memref<1x320xf32, #tpu.memory_space<hbm>> -> memref<320xf32, #tpu.memory_space<hbm>>
      tpu.enqueue_dma source(%dma_start3A_150 : memref<320xf32, #tpu.memory_space<hbm>>) target(%dma_start3A_148 : memref<320xf32, #tpu.memory_space<vmem>>) target_semaphore(%run_scoped3A_141 : memref<!tpu.dma_semaphore, #tpu.memory_space<semaphore_mem>>)
      %dma_wait3A = arith.constant 0 : i32
      %dma_wait3A_151 = tpu.memref_slice %arg7[%run_scoped3A_47, %dma_wait3A] : memref<32x320xf32, #tpu.memory_space<vmem>> -> memref<1x320xf32, #tpu.memory_space<vmem>>
      %dma_wait3A_152 = tpu.memref_squeeze %dma_wait3A_151 : memref<1x320xf32, #tpu.memory_space<vmem>> -> memref<320xf32, #tpu.memory_space<vmem>>
      %dma_wait3A_153 = tpu.memref_slice %arg3[%run_scoped3A_46, %mul3A_2] : memref<32x10240xf32, #tpu.memory_space<hbm>> -> memref<1x320xf32, #tpu.memory_space<hbm>>
      %dma_wait3A_154 = tpu.memref_squeeze %dma_wait3A_153 : memref<1x320xf32, #tpu.memory_space<hbm>> -> memref<320xf32, #tpu.memory_space<hbm>>
      %dma_wait3A_155 = arith.constant 0 : i32
      %dma_wait3A_156 = tpu.memref_slice %arg7[%run_scoped3A_47, %dma_wait3A_155] : memref<32x320xf32, #tpu.memory_space<vmem>> -> memref<1x320xf32, #tpu.memory_space<vmem>>
      %dma_wait3A_157 = tpu.memref_squeeze %dma_wait3A_156 : memref<1x320xf32, #tpu.memory_space<vmem>> -> memref<320xf32, #tpu.memory_space<vmem>>
      %dma_wait3A_158 = tpu.memref_slice %arg3[%run_scoped3A_46, %mul3A_2] : memref<32x10240xf32, #tpu.memory_space<hbm>> -> memref<1x320xf32, #tpu.memory_space<hbm>>
      %dma_wait3A_159 = tpu.memref_squeeze %dma_wait3A_158 : memref<1x320xf32, #tpu.memory_space<hbm>> -> memref<320xf32, #tpu.memory_space<hbm>>
      tpu.wait_dma2 semaphore(%run_scoped3A_141 : memref<!tpu.dma_semaphore, #tpu.memory_space<semaphore_mem>>) src(%dma_wait3A_159 : memref<320xf32, #tpu.memory_space<hbm>>) dst(%dma_wait3A_157 : memref<320xf32, #tpu.memory_space<vmem>>)
      tpu.yield
    }) : () -> ()
    %run_scoped3A_48 = arith.constant 11 : i32
    %run_scoped3A_49 = arith.constant 11 : i32
    "tpu.region"() ({
      %run_scoped3A_141 = tpu.sem_alloc : memref<!tpu.dma_semaphore, #tpu.memory_space<semaphore_mem>>
      %dma_start3A = arith.constant 0 : i32
      %dma_start3A_142 = tpu.memref_slice %arg8[%run_scoped3A_49, %dma_start3A] : memref<32x320xf32, #tpu.memory_space<vmem>> -> memref<1x320xf32, #tpu.memory_space<vmem>>
      %dma_start3A_143 = tpu.memref_squeeze %dma_start3A_142 : memref<1x320xf32, #tpu.memory_space<vmem>> -> memref<320xf32, #tpu.memory_space<vmem>>
      %dma_start3A_144 = tpu.memref_slice %arg4[%run_scoped3A_48, %mul3A_2] : memref<32x10240xf32, #tpu.memory_space<hbm>> -> memref<1x320xf32, #tpu.memory_space<hbm>>
      %dma_start3A_145 = tpu.memref_squeeze %dma_start3A_144 : memref<1x320xf32, #tpu.memory_space<hbm>> -> memref<320xf32, #tpu.memory_space<hbm>>
      %dma_start3A_146 = arith.constant 0 : i32
      %dma_start3A_147 = tpu.memref_slice %arg8[%run_scoped3A_49, %dma_start3A_146] : memref<32x320xf32, #tpu.memory_space<vmem>> -> memref<1x320xf32, #tpu.memory_space<vmem>>
      %dma_start3A_148 = tpu.memref_squeeze %dma_start3A_147 : memref<1x320xf32, #tpu.memory_space<vmem>> -> memref<320xf32, #tpu.memory_space<vmem>>
      %dma_start3A_149 = tpu.memref_slice %arg4[%run_scoped3A_48, %mul3A_2] : memref<32x10240xf32, #tpu.memory_space<hbm>> -> memref<1x320xf32, #tpu.memory_space<hbm>>
      %dma_start3A_150 = tpu.memref_squeeze %dma_start3A_149 : memref<1x320xf32, #tpu.memory_space<hbm>> -> memref<320xf32, #tpu.memory_space<hbm>>
      tpu.enqueue_dma source(%dma_start3A_150 : memref<320xf32, #tpu.memory_space<hbm>>) target(%dma_start3A_148 : memref<320xf32, #tpu.memory_space<vmem>>) target_semaphore(%run_scoped3A_141 : memref<!tpu.dma_semaphore, #tpu.memory_space<semaphore_mem>>)
      %dma_wait3A = arith.constant 0 : i32
      %dma_wait3A_151 = tpu.memref_slice %arg8[%run_scoped3A_49, %dma_wait3A] : memref<32x320xf32, #tpu.memory_space<vmem>> -> memref<1x320xf32, #tpu.memory_space<vmem>>
      %dma_wait3A_152 = tpu.memref_squeeze %dma_wait3A_151 : memref<1x320xf32, #tpu.memory_space<vmem>> -> memref<320xf32, #tpu.memory_space<vmem>>
      %dma_wait3A_153 = tpu.memref_slice %arg4[%run_scoped3A_48, %mul3A_2] : memref<32x10240xf32, #tpu.memory_space<hbm>> -> memref<1x320xf32, #tpu.memory_space<hbm>>
      %dma_wait3A_154 = tpu.memref_squeeze %dma_wait3A_153 : memref<1x320xf32, #tpu.memory_space<hbm>> -> memref<320xf32, #tpu.memory_space<hbm>>
      %dma_wait3A_155 = arith.constant 0 : i32
      %dma_wait3A_156 = tpu.memref_slice %arg8[%run_scoped3A_49, %dma_wait3A_155] : memref<32x320xf32, #tpu.memory_space<vmem>> -> memref<1x320xf32, #tpu.memory_space<vmem>>
      %dma_wait3A_157 = tpu.memref_squeeze %dma_wait3A_156 : memref<1x320xf32, #tpu.memory_space<vmem>> -> memref<320xf32, #tpu.memory_space<vmem>>
      %dma_wait3A_158 = tpu.memref_slice %arg4[%run_scoped3A_48, %mul3A_2] : memref<32x10240xf32, #tpu.memory_space<hbm>> -> memref<1x320xf32, #tpu.memory_space<hbm>>
      %dma_wait3A_159 = tpu.memref_squeeze %dma_wait3A_158 : memref<1x320xf32, #tpu.memory_space<hbm>> -> memref<320xf32, #tpu.memory_space<hbm>>
      tpu.wait_dma2 semaphore(%run_scoped3A_141 : memref<!tpu.dma_semaphore, #tpu.memory_space<semaphore_mem>>) src(%dma_wait3A_159 : memref<320xf32, #tpu.memory_space<hbm>>) dst(%dma_wait3A_157 : memref<320xf32, #tpu.memory_space<vmem>>)
      tpu.yield
    }) : () -> ()
    %run_scoped3A_50 = arith.constant 12 : i32
    %run_scoped3A_51 = arith.constant 12 : i32
    "tpu.region"() ({
      %run_scoped3A_141 = tpu.sem_alloc : memref<!tpu.dma_semaphore, #tpu.memory_space<semaphore_mem>>
      %dma_start3A = arith.constant 0 : i32
      %dma_start3A_142 = tpu.memref_slice %arg7[%run_scoped3A_51, %dma_start3A] : memref<32x320xf32, #tpu.memory_space<vmem>> -> memref<1x320xf32, #tpu.memory_space<vmem>>
      %dma_start3A_143 = tpu.memref_squeeze %dma_start3A_142 : memref<1x320xf32, #tpu.memory_space<vmem>> -> memref<320xf32, #tpu.memory_space<vmem>>
      %dma_start3A_144 = tpu.memref_slice %arg3[%run_scoped3A_50, %mul3A_2] : memref<32x10240xf32, #tpu.memory_space<hbm>> -> memref<1x320xf32, #tpu.memory_space<hbm>>
      %dma_start3A_145 = tpu.memref_squeeze %dma_start3A_144 : memref<1x320xf32, #tpu.memory_space<hbm>> -> memref<320xf32, #tpu.memory_space<hbm>>
      %dma_start3A_146 = arith.constant 0 : i32
      %dma_start3A_147 = tpu.memref_slice %arg7[%run_scoped3A_51, %dma_start3A_146] : memref<32x320xf32, #tpu.memory_space<vmem>> -> memref<1x320xf32, #tpu.memory_space<vmem>>
      %dma_start3A_148 = tpu.memref_squeeze %dma_start3A_147 : memref<1x320xf32, #tpu.memory_space<vmem>> -> memref<320xf32, #tpu.memory_space<vmem>>
      %dma_start3A_149 = tpu.memref_slice %arg3[%run_scoped3A_50, %mul3A_2] : memref<32x10240xf32, #tpu.memory_space<hbm>> -> memref<1x320xf32, #tpu.memory_space<hbm>>
      %dma_start3A_150 = tpu.memref_squeeze %dma_start3A_149 : memref<1x320xf32, #tpu.memory_space<hbm>> -> memref<320xf32, #tpu.memory_space<hbm>>
      tpu.enqueue_dma source(%dma_start3A_150 : memref<320xf32, #tpu.memory_space<hbm>>) target(%dma_start3A_148 : memref<320xf32, #tpu.memory_space<vmem>>) target_semaphore(%run_scoped3A_141 : memref<!tpu.dma_semaphore, #tpu.memory_space<semaphore_mem>>)
      %dma_wait3A = arith.constant 0 : i32
      %dma_wait3A_151 = tpu.memref_slice %arg7[%run_scoped3A_51, %dma_wait3A] : memref<32x320xf32, #tpu.memory_space<vmem>> -> memref<1x320xf32, #tpu.memory_space<vmem>>
      %dma_wait3A_152 = tpu.memref_squeeze %dma_wait3A_151 : memref<1x320xf32, #tpu.memory_space<vmem>> -> memref<320xf32, #tpu.memory_space<vmem>>
      %dma_wait3A_153 = tpu.memref_slice %arg3[%run_scoped3A_50, %mul3A_2] : memref<32x10240xf32, #tpu.memory_space<hbm>> -> memref<1x320xf32, #tpu.memory_space<hbm>>
      %dma_wait3A_154 = tpu.memref_squeeze %dma_wait3A_153 : memref<1x320xf32, #tpu.memory_space<hbm>> -> memref<320xf32, #tpu.memory_space<hbm>>
      %dma_wait3A_155 = arith.constant 0 : i32
      %dma_wait3A_156 = tpu.memref_slice %arg7[%run_scoped3A_51, %dma_wait3A_155] : memref<32x320xf32, #tpu.memory_space<vmem>> -> memref<1x320xf32, #tpu.memory_space<vmem>>
      %dma_wait3A_157 = tpu.memref_squeeze %dma_wait3A_156 : memref<1x320xf32, #tpu.memory_space<vmem>> -> memref<320xf32, #tpu.memory_space<vmem>>
      %dma_wait3A_158 = tpu.memref_slice %arg3[%run_scoped3A_50, %mul3A_2] : memref<32x10240xf32, #tpu.memory_space<hbm>> -> memref<1x320xf32, #tpu.memory_space<hbm>>
      %dma_wait3A_159 = tpu.memref_squeeze %dma_wait3A_158 : memref<1x320xf32, #tpu.memory_space<hbm>> -> memref<320xf32, #tpu.memory_space<hbm>>
      tpu.wait_dma2 semaphore(%run_scoped3A_141 : memref<!tpu.dma_semaphore, #tpu.memory_space<semaphore_mem>>) src(%dma_wait3A_159 : memref<320xf32, #tpu.memory_space<hbm>>) dst(%dma_wait3A_157 : memref<320xf32, #tpu.memory_space<vmem>>)
      tpu.yield
    }) : () -> ()
    %run_scoped3A_52 = arith.constant 12 : i32
    %run_scoped3A_53 = arith.constant 12 : i32
    "tpu.region"() ({
      %run_scoped3A_141 = tpu.sem_alloc : memref<!tpu.dma_semaphore, #tpu.memory_space<semaphore_mem>>
      %dma_start3A = arith.constant 0 : i32
      %dma_start3A_142 = tpu.memref_slice %arg8[%run_scoped3A_53, %dma_start3A] : memref<32x320xf32, #tpu.memory_space<vmem>> -> memref<1x320xf32, #tpu.memory_space<vmem>>
      %dma_start3A_143 = tpu.memref_squeeze %dma_start3A_142 : memref<1x320xf32, #tpu.memory_space<vmem>> -> memref<320xf32, #tpu.memory_space<vmem>>
      %dma_start3A_144 = tpu.memref_slice %arg4[%run_scoped3A_52, %mul3A_2] : memref<32x10240xf32, #tpu.memory_space<hbm>> -> memref<1x320xf32, #tpu.memory_space<hbm>>
      %dma_start3A_145 = tpu.memref_squeeze %dma_start3A_144 : memref<1x320xf32, #tpu.memory_space<hbm>> -> memref<320xf32, #tpu.memory_space<hbm>>
      %dma_start3A_146 = arith.constant 0 : i32
      %dma_start3A_147 = tpu.memref_slice %arg8[%run_scoped3A_53, %dma_start3A_146] : memref<32x320xf32, #tpu.memory_space<vmem>> -> memref<1x320xf32, #tpu.memory_space<vmem>>
      %dma_start3A_148 = tpu.memref_squeeze %dma_start3A_147 : memref<1x320xf32, #tpu.memory_space<vmem>> -> memref<320xf32, #tpu.memory_space<vmem>>
      %dma_start3A_149 = tpu.memref_slice %arg4[%run_scoped3A_52, %mul3A_2] : memref<32x10240xf32, #tpu.memory_space<hbm>> -> memref<1x320xf32, #tpu.memory_space<hbm>>
      %dma_start3A_150 = tpu.memref_squeeze %dma_start3A_149 : memref<1x320xf32, #tpu.memory_space<hbm>> -> memref<320xf32, #tpu.memory_space<hbm>>
      tpu.enqueue_dma source(%dma_start3A_150 : memref<320xf32, #tpu.memory_space<hbm>>) target(%dma_start3A_148 : memref<320xf32, #tpu.memory_space<vmem>>) target_semaphore(%run_scoped3A_141 : memref<!tpu.dma_semaphore, #tpu.memory_space<semaphore_mem>>)
      %dma_wait3A = arith.constant 0 : i32
      %dma_wait3A_151 = tpu.memref_slice %arg8[%run_scoped3A_53, %dma_wait3A] : memref<32x320xf32, #tpu.memory_space<vmem>> -> memref<1x320xf32, #tpu.memory_space<vmem>>
      %dma_wait3A_152 = tpu.memref_squeeze %dma_wait3A_151 : memref<1x320xf32, #tpu.memory_space<vmem>> -> memref<320xf32, #tpu.memory_space<vmem>>
      %dma_wait3A_153 = tpu.memref_slice %arg4[%run_scoped3A_52, %mul3A_2] : memref<32x10240xf32, #tpu.memory_space<hbm>> -> memref<1x320xf32, #tpu.memory_space<hbm>>
      %dma_wait3A_154 = tpu.memref_squeeze %dma_wait3A_153 : memref<1x320xf32, #tpu.memory_space<hbm>> -> memref<320xf32, #tpu.memory_space<hbm>>
      %dma_wait3A_155 = arith.constant 0 : i32
      %dma_wait3A_156 = tpu.memref_slice %arg8[%run_scoped3A_53, %dma_wait3A_155] : memref<32x320xf32, #tpu.memory_space<vmem>> -> memref<1x320xf32, #tpu.memory_space<vmem>>
      %dma_wait3A_157 = tpu.memref_squeeze %dma_wait3A_156 : memref<1x320xf32, #tpu.memory_space<vmem>> -> memref<320xf32, #tpu.memory_space<vmem>>
      %dma_wait3A_158 = tpu.memref_slice %arg4[%run_scoped3A_52, %mul3A_2] : memref<32x10240xf32, #tpu.memory_space<hbm>> -> memref<1x320xf32, #tpu.memory_space<hbm>>
      %dma_wait3A_159 = tpu.memref_squeeze %dma_wait3A_158 : memref<1x320xf32, #tpu.memory_space<hbm>> -> memref<320xf32, #tpu.memory_space<hbm>>
      tpu.wait_dma2 semaphore(%run_scoped3A_141 : memref<!tpu.dma_semaphore, #tpu.memory_space<semaphore_mem>>) src(%dma_wait3A_159 : memref<320xf32, #tpu.memory_space<hbm>>) dst(%dma_wait3A_157 : memref<320xf32, #tpu.memory_space<vmem>>)
      tpu.yield
    }) : () -> ()
    %run_scoped3A_54 = arith.constant 13 : i32
    %run_scoped3A_55 = arith.constant 13 : i32
    "tpu.region"() ({
      %run_scoped3A_141 = tpu.sem_alloc : memref<!tpu.dma_semaphore, #tpu.memory_space<semaphore_mem>>
      %dma_start3A = arith.constant 0 : i32
      %dma_start3A_142 = tpu.memref_slice %arg7[%run_scoped3A_55, %dma_start3A] : memref<32x320xf32, #tpu.memory_space<vmem>> -> memref<1x320xf32, #tpu.memory_space<vmem>>
      %dma_start3A_143 = tpu.memref_squeeze %dma_start3A_142 : memref<1x320xf32, #tpu.memory_space<vmem>> -> memref<320xf32, #tpu.memory_space<vmem>>
      %dma_start3A_144 = tpu.memref_slice %arg3[%run_scoped3A_54, %mul3A_2] : memref<32x10240xf32, #tpu.memory_space<hbm>> -> memref<1x320xf32, #tpu.memory_space<hbm>>
      %dma_start3A_145 = tpu.memref_squeeze %dma_start3A_144 : memref<1x320xf32, #tpu.memory_space<hbm>> -> memref<320xf32, #tpu.memory_space<hbm>>
      %dma_start3A_146 = arith.constant 0 : i32
      %dma_start3A_147 = tpu.memref_slice %arg7[%run_scoped3A_55, %dma_start3A_146] : memref<32x320xf32, #tpu.memory_space<vmem>> -> memref<1x320xf32, #tpu.memory_space<vmem>>
      %dma_start3A_148 = tpu.memref_squeeze %dma_start3A_147 : memref<1x320xf32, #tpu.memory_space<vmem>> -> memref<320xf32, #tpu.memory_space<vmem>>
      %dma_start3A_149 = tpu.memref_slice %arg3[%run_scoped3A_54, %mul3A_2] : memref<32x10240xf32, #tpu.memory_space<hbm>> -> memref<1x320xf32, #tpu.memory_space<hbm>>
      %dma_start3A_150 = tpu.memref_squeeze %dma_start3A_149 : memref<1x320xf32, #tpu.memory_space<hbm>> -> memref<320xf32, #tpu.memory_space<hbm>>
      tpu.enqueue_dma source(%dma_start3A_150 : memref<320xf32, #tpu.memory_space<hbm>>) target(%dma_start3A_148 : memref<320xf32, #tpu.memory_space<vmem>>) target_semaphore(%run_scoped3A_141 : memref<!tpu.dma_semaphore, #tpu.memory_space<semaphore_mem>>)
      %dma_wait3A = arith.constant 0 : i32
      %dma_wait3A_151 = tpu.memref_slice %arg7[%run_scoped3A_55, %dma_wait3A] : memref<32x320xf32, #tpu.memory_space<vmem>> -> memref<1x320xf32, #tpu.memory_space<vmem>>
      %dma_wait3A_152 = tpu.memref_squeeze %dma_wait3A_151 : memref<1x320xf32, #tpu.memory_space<vmem>> -> memref<320xf32, #tpu.memory_space<vmem>>
      %dma_wait3A_153 = tpu.memref_slice %arg3[%run_scoped3A_54, %mul3A_2] : memref<32x10240xf32, #tpu.memory_space<hbm>> -> memref<1x320xf32, #tpu.memory_space<hbm>>
      %dma_wait3A_154 = tpu.memref_squeeze %dma_wait3A_153 : memref<1x320xf32, #tpu.memory_space<hbm>> -> memref<320xf32, #tpu.memory_space<hbm>>
      %dma_wait3A_155 = arith.constant 0 : i32
      %dma_wait3A_156 = tpu.memref_slice %arg7[%run_scoped3A_55, %dma_wait3A_155] : memref<32x320xf32, #tpu.memory_space<vmem>> -> memref<1x320xf32, #tpu.memory_space<vmem>>
      %dma_wait3A_157 = tpu.memref_squeeze %dma_wait3A_156 : memref<1x320xf32, #tpu.memory_space<vmem>> -> memref<320xf32, #tpu.memory_space<vmem>>
      %dma_wait3A_158 = tpu.memref_slice %arg3[%run_scoped3A_54, %mul3A_2] : memref<32x10240xf32, #tpu.memory_space<hbm>> -> memref<1x320xf32, #tpu.memory_space<hbm>>
      %dma_wait3A_159 = tpu.memref_squeeze %dma_wait3A_158 : memref<1x320xf32, #tpu.memory_space<hbm>> -> memref<320xf32, #tpu.memory_space<hbm>>
      tpu.wait_dma2 semaphore(%run_scoped3A_141 : memref<!tpu.dma_semaphore, #tpu.memory_space<semaphore_mem>>) src(%dma_wait3A_159 : memref<320xf32, #tpu.memory_space<hbm>>) dst(%dma_wait3A_157 : memref<320xf32, #tpu.memory_space<vmem>>)
      tpu.yield
    }) : () -> ()
    %run_scoped3A_56 = arith.constant 13 : i32
    %run_scoped3A_57 = arith.constant 13 : i32
    "tpu.region"() ({
      %run_scoped3A_141 = tpu.sem_alloc : memref<!tpu.dma_semaphore, #tpu.memory_space<semaphore_mem>>
      %dma_start3A = arith.constant 0 : i32
      %dma_start3A_142 = tpu.memref_slice %arg8[%run_scoped3A_57, %dma_start3A] : memref<32x320xf32, #tpu.memory_space<vmem>> -> memref<1x320xf32, #tpu.memory_space<vmem>>
      %dma_start3A_143 = tpu.memref_squeeze %dma_start3A_142 : memref<1x320xf32, #tpu.memory_space<vmem>> -> memref<320xf32, #tpu.memory_space<vmem>>
      %dma_start3A_144 = tpu.memref_slice %arg4[%run_scoped3A_56, %mul3A_2] : memref<32x10240xf32, #tpu.memory_space<hbm>> -> memref<1x320xf32, #tpu.memory_space<hbm>>
      %dma_start3A_145 = tpu.memref_squeeze %dma_start3A_144 : memref<1x320xf32, #tpu.memory_space<hbm>> -> memref<320xf32, #tpu.memory_space<hbm>>
      %dma_start3A_146 = arith.constant 0 : i32
      %dma_start3A_147 = tpu.memref_slice %arg8[%run_scoped3A_57, %dma_start3A_146] : memref<32x320xf32, #tpu.memory_space<vmem>> -> memref<1x320xf32, #tpu.memory_space<vmem>>
      %dma_start3A_148 = tpu.memref_squeeze %dma_start3A_147 : memref<1x320xf32, #tpu.memory_space<vmem>> -> memref<320xf32, #tpu.memory_space<vmem>>
      %dma_start3A_149 = tpu.memref_slice %arg4[%run_scoped3A_56, %mul3A_2] : memref<32x10240xf32, #tpu.memory_space<hbm>> -> memref<1x320xf32, #tpu.memory_space<hbm>>
      %dma_start3A_150 = tpu.memref_squeeze %dma_start3A_149 : memref<1x320xf32, #tpu.memory_space<hbm>> -> memref<320xf32, #tpu.memory_space<hbm>>
      tpu.enqueue_dma source(%dma_start3A_150 : memref<320xf32, #tpu.memory_space<hbm>>) target(%dma_start3A_148 : memref<320xf32, #tpu.memory_space<vmem>>) target_semaphore(%run_scoped3A_141 : memref<!tpu.dma_semaphore, #tpu.memory_space<semaphore_mem>>)
      %dma_wait3A = arith.constant 0 : i32
      %dma_wait3A_151 = tpu.memref_slice %arg8[%run_scoped3A_57, %dma_wait3A] : memref<32x320xf32, #tpu.memory_space<vmem>> -> memref<1x320xf32, #tpu.memory_space<vmem>>
      %dma_wait3A_152 = tpu.memref_squeeze %dma_wait3A_151 : memref<1x320xf32, #tpu.memory_space<vmem>> -> memref<320xf32, #tpu.memory_space<vmem>>
      %dma_wait3A_153 = tpu.memref_slice %arg4[%run_scoped3A_56, %mul3A_2] : memref<32x10240xf32, #tpu.memory_space<hbm>> -> memref<1x320xf32, #tpu.memory_space<hbm>>
      %dma_wait3A_154 = tpu.memref_squeeze %dma_wait3A_153 : memref<1x320xf32, #tpu.memory_space<hbm>> -> memref<320xf32, #tpu.memory_space<hbm>>
      %dma_wait3A_155 = arith.constant 0 : i32
      %dma_wait3A_156 = tpu.memref_slice %arg8[%run_scoped3A_57, %dma_wait3A_155] : memref<32x320xf32, #tpu.memory_space<vmem>> -> memref<1x320xf32, #tpu.memory_space<vmem>>
      %dma_wait3A_157 = tpu.memref_squeeze %dma_wait3A_156 : memref<1x320xf32, #tpu.memory_space<vmem>> -> memref<320xf32, #tpu.memory_space<vmem>>
      %dma_wait3A_158 = tpu.memref_slice %arg4[%run_scoped3A_56, %mul3A_2] : memref<32x10240xf32, #tpu.memory_space<hbm>> -> memref<1x320xf32, #tpu.memory_space<hbm>>
      %dma_wait3A_159 = tpu.memref_squeeze %dma_wait3A_158 : memref<1x320xf32, #tpu.memory_space<hbm>> -> memref<320xf32, #tpu.memory_space<hbm>>
      tpu.wait_dma2 semaphore(%run_scoped3A_141 : memref<!tpu.dma_semaphore, #tpu.memory_space<semaphore_mem>>) src(%dma_wait3A_159 : memref<320xf32, #tpu.memory_space<hbm>>) dst(%dma_wait3A_157 : memref<320xf32, #tpu.memory_space<vmem>>)
      tpu.yield
    }) : () -> ()
    %run_scoped3A_58 = arith.constant 14 : i32
    %run_scoped3A_59 = arith.constant 14 : i32
    "tpu.region"() ({
      %run_scoped3A_141 = tpu.sem_alloc : memref<!tpu.dma_semaphore, #tpu.memory_space<semaphore_mem>>
      %dma_start3A = arith.constant 0 : i32
      %dma_start3A_142 = tpu.memref_slice %arg7[%run_scoped3A_59, %dma_start3A] : memref<32x320xf32, #tpu.memory_space<vmem>> -> memref<1x320xf32, #tpu.memory_space<vmem>>
      %dma_start3A_143 = tpu.memref_squeeze %dma_start3A_142 : memref<1x320xf32, #tpu.memory_space<vmem>> -> memref<320xf32, #tpu.memory_space<vmem>>
      %dma_start3A_144 = tpu.memref_slice %arg3[%run_scoped3A_58, %mul3A_2] : memref<32x10240xf32, #tpu.memory_space<hbm>> -> memref<1x320xf32, #tpu.memory_space<hbm>>
      %dma_start3A_145 = tpu.memref_squeeze %dma_start3A_144 : memref<1x320xf32, #tpu.memory_space<hbm>> -> memref<320xf32, #tpu.memory_space<hbm>>
      %dma_start3A_146 = arith.constant 0 : i32
      %dma_start3A_147 = tpu.memref_slice %arg7[%run_scoped3A_59, %dma_start3A_146] : memref<32x320xf32, #tpu.memory_space<vmem>> -> memref<1x320xf32, #tpu.memory_space<vmem>>
      %dma_start3A_148 = tpu.memref_squeeze %dma_start3A_147 : memref<1x320xf32, #tpu.memory_space<vmem>> -> memref<320xf32, #tpu.memory_space<vmem>>
      %dma_start3A_149 = tpu.memref_slice %arg3[%run_scoped3A_58, %mul3A_2] : memref<32x10240xf32, #tpu.memory_space<hbm>> -> memref<1x320xf32, #tpu.memory_space<hbm>>
      %dma_start3A_150 = tpu.memref_squeeze %dma_start3A_149 : memref<1x320xf32, #tpu.memory_space<hbm>> -> memref<320xf32, #tpu.memory_space<hbm>>
      tpu.enqueue_dma source(%dma_start3A_150 : memref<320xf32, #tpu.memory_space<hbm>>) target(%dma_start3A_148 : memref<320xf32, #tpu.memory_space<vmem>>) target_semaphore(%run_scoped3A_141 : memref<!tpu.dma_semaphore, #tpu.memory_space<semaphore_mem>>)
      %dma_wait3A = arith.constant 0 : i32
      %dma_wait3A_151 = tpu.memref_slice %arg7[%run_scoped3A_59, %dma_wait3A] : memref<32x320xf32, #tpu.memory_space<vmem>> -> memref<1x320xf32, #tpu.memory_space<vmem>>
      %dma_wait3A_152 = tpu.memref_squeeze %dma_wait3A_151 : memref<1x320xf32, #tpu.memory_space<vmem>> -> memref<320xf32, #tpu.memory_space<vmem>>
      %dma_wait3A_153 = tpu.memref_slice %arg3[%run_scoped3A_58, %mul3A_2] : memref<32x10240xf32, #tpu.memory_space<hbm>> -> memref<1x320xf32, #tpu.memory_space<hbm>>
      %dma_wait3A_154 = tpu.memref_squeeze %dma_wait3A_153 : memref<1x320xf32, #tpu.memory_space<hbm>> -> memref<320xf32, #tpu.memory_space<hbm>>
      %dma_wait3A_155 = arith.constant 0 : i32
      %dma_wait3A_156 = tpu.memref_slice %arg7[%run_scoped3A_59, %dma_wait3A_155] : memref<32x320xf32, #tpu.memory_space<vmem>> -> memref<1x320xf32, #tpu.memory_space<vmem>>
      %dma_wait3A_157 = tpu.memref_squeeze %dma_wait3A_156 : memref<1x320xf32, #tpu.memory_space<vmem>> -> memref<320xf32, #tpu.memory_space<vmem>>
      %dma_wait3A_158 = tpu.memref_slice %arg3[%run_scoped3A_58, %mul3A_2] : memref<32x10240xf32, #tpu.memory_space<hbm>> -> memref<1x320xf32, #tpu.memory_space<hbm>>
      %dma_wait3A_159 = tpu.memref_squeeze %dma_wait3A_158 : memref<1x320xf32, #tpu.memory_space<hbm>> -> memref<320xf32, #tpu.memory_space<hbm>>
      tpu.wait_dma2 semaphore(%run_scoped3A_141 : memref<!tpu.dma_semaphore, #tpu.memory_space<semaphore_mem>>) src(%dma_wait3A_159 : memref<320xf32, #tpu.memory_space<hbm>>) dst(%dma_wait3A_157 : memref<320xf32, #tpu.memory_space<vmem>>)
      tpu.yield
    }) : () -> ()
    %run_scoped3A_60 = arith.constant 14 : i32
    %run_scoped3A_61 = arith.constant 14 : i32
    "tpu.region"() ({
      %run_scoped3A_141 = tpu.sem_alloc : memref<!tpu.dma_semaphore, #tpu.memory_space<semaphore_mem>>
      %dma_start3A = arith.constant 0 : i32
      %dma_start3A_142 = tpu.memref_slice %arg8[%run_scoped3A_61, %dma_start3A] : memref<32x320xf32, #tpu.memory_space<vmem>> -> memref<1x320xf32, #tpu.memory_space<vmem>>
      %dma_start3A_143 = tpu.memref_squeeze %dma_start3A_142 : memref<1x320xf32, #tpu.memory_space<vmem>> -> memref<320xf32, #tpu.memory_space<vmem>>
      %dma_start3A_144 = tpu.memref_slice %arg4[%run_scoped3A_60, %mul3A_2] : memref<32x10240xf32, #tpu.memory_space<hbm>> -> memref<1x320xf32, #tpu.memory_space<hbm>>
      %dma_start3A_145 = tpu.memref_squeeze %dma_start3A_144 : memref<1x320xf32, #tpu.memory_space<hbm>> -> memref<320xf32, #tpu.memory_space<hbm>>
      %dma_start3A_146 = arith.constant 0 : i32
      %dma_start3A_147 = tpu.memref_slice %arg8[%run_scoped3A_61, %dma_start3A_146] : memref<32x320xf32, #tpu.memory_space<vmem>> -> memref<1x320xf32, #tpu.memory_space<vmem>>
      %dma_start3A_148 = tpu.memref_squeeze %dma_start3A_147 : memref<1x320xf32, #tpu.memory_space<vmem>> -> memref<320xf32, #tpu.memory_space<vmem>>
      %dma_start3A_149 = tpu.memref_slice %arg4[%run_scoped3A_60, %mul3A_2] : memref<32x10240xf32, #tpu.memory_space<hbm>> -> memref<1x320xf32, #tpu.memory_space<hbm>>
      %dma_start3A_150 = tpu.memref_squeeze %dma_start3A_149 : memref<1x320xf32, #tpu.memory_space<hbm>> -> memref<320xf32, #tpu.memory_space<hbm>>
      tpu.enqueue_dma source(%dma_start3A_150 : memref<320xf32, #tpu.memory_space<hbm>>) target(%dma_start3A_148 : memref<320xf32, #tpu.memory_space<vmem>>) target_semaphore(%run_scoped3A_141 : memref<!tpu.dma_semaphore, #tpu.memory_space<semaphore_mem>>)
      %dma_wait3A = arith.constant 0 : i32
      %dma_wait3A_151 = tpu.memref_slice %arg8[%run_scoped3A_61, %dma_wait3A] : memref<32x320xf32, #tpu.memory_space<vmem>> -> memref<1x320xf32, #tpu.memory_space<vmem>>
      %dma_wait3A_152 = tpu.memref_squeeze %dma_wait3A_151 : memref<1x320xf32, #tpu.memory_space<vmem>> -> memref<320xf32, #tpu.memory_space<vmem>>
      %dma_wait3A_153 = tpu.memref_slice %arg4[%run_scoped3A_60, %mul3A_2] : memref<32x10240xf32, #tpu.memory_space<hbm>> -> memref<1x320xf32, #tpu.memory_space<hbm>>
      %dma_wait3A_154 = tpu.memref_squeeze %dma_wait3A_153 : memref<1x320xf32, #tpu.memory_space<hbm>> -> memref<320xf32, #tpu.memory_space<hbm>>
      %dma_wait3A_155 = arith.constant 0 : i32
      %dma_wait3A_156 = tpu.memref_slice %arg8[%run_scoped3A_61, %dma_wait3A_155] : memref<32x320xf32, #tpu.memory_space<vmem>> -> memref<1x320xf32, #tpu.memory_space<vmem>>
      %dma_wait3A_157 = tpu.memref_squeeze %dma_wait3A_156 : memref<1x320xf32, #tpu.memory_space<vmem>> -> memref<320xf32, #tpu.memory_space<vmem>>
      %dma_wait3A_158 = tpu.memref_slice %arg4[%run_scoped3A_60, %mul3A_2] : memref<32x10240xf32, #tpu.memory_space<hbm>> -> memref<1x320xf32, #tpu.memory_space<hbm>>
      %dma_wait3A_159 = tpu.memref_squeeze %dma_wait3A_158 : memref<1x320xf32, #tpu.memory_space<hbm>> -> memref<320xf32, #tpu.memory_space<hbm>>
      tpu.wait_dma2 semaphore(%run_scoped3A_141 : memref<!tpu.dma_semaphore, #tpu.memory_space<semaphore_mem>>) src(%dma_wait3A_159 : memref<320xf32, #tpu.memory_space<hbm>>) dst(%dma_wait3A_157 : memref<320xf32, #tpu.memory_space<vmem>>)
      tpu.yield
    }) : () -> ()
    %run_scoped3A_62 = arith.constant 15 : i32
    %run_scoped3A_63 = arith.constant 15 : i32
    "tpu.region"() ({
      %run_scoped3A_141 = tpu.sem_alloc : memref<!tpu.dma_semaphore, #tpu.memory_space<semaphore_mem>>
      %dma_start3A = arith.constant 0 : i32
      %dma_start3A_142 = tpu.memref_slice %arg7[%run_scoped3A_63, %dma_start3A] : memref<32x320xf32, #tpu.memory_space<vmem>> -> memref<1x320xf32, #tpu.memory_space<vmem>>
      %dma_start3A_143 = tpu.memref_squeeze %dma_start3A_142 : memref<1x320xf32, #tpu.memory_space<vmem>> -> memref<320xf32, #tpu.memory_space<vmem>>
      %dma_start3A_144 = tpu.memref_slice %arg3[%run_scoped3A_62, %mul3A_2] : memref<32x10240xf32, #tpu.memory_space<hbm>> -> memref<1x320xf32, #tpu.memory_space<hbm>>
      %dma_start3A_145 = tpu.memref_squeeze %dma_start3A_144 : memref<1x320xf32, #tpu.memory_space<hbm>> -> memref<320xf32, #tpu.memory_space<hbm>>
      %dma_start3A_146 = arith.constant 0 : i32
      %dma_start3A_147 = tpu.memref_slice %arg7[%run_scoped3A_63, %dma_start3A_146] : memref<32x320xf32, #tpu.memory_space<vmem>> -> memref<1x320xf32, #tpu.memory_space<vmem>>
      %dma_start3A_148 = tpu.memref_squeeze %dma_start3A_147 : memref<1x320xf32, #tpu.memory_space<vmem>> -> memref<320xf32, #tpu.memory_space<vmem>>
      %dma_start3A_149 = tpu.memref_slice %arg3[%run_scoped3A_62, %mul3A_2] : memref<32x10240xf32, #tpu.memory_space<hbm>> -> memref<1x320xf32, #tpu.memory_space<hbm>>
      %dma_start3A_150 = tpu.memref_squeeze %dma_start3A_149 : memref<1x320xf32, #tpu.memory_space<hbm>> -> memref<320xf32, #tpu.memory_space<hbm>>
      tpu.enqueue_dma source(%dma_start3A_150 : memref<320xf32, #tpu.memory_space<hbm>>) target(%dma_start3A_148 : memref<320xf32, #tpu.memory_space<vmem>>) target_semaphore(%run_scoped3A_141 : memref<!tpu.dma_semaphore, #tpu.memory_space<semaphore_mem>>)
      %dma_wait3A = arith.constant 0 : i32
      %dma_wait3A_151 = tpu.memref_slice %arg7[%run_scoped3A_63, %dma_wait3A] : memref<32x320xf32, #tpu.memory_space<vmem>> -> memref<1x320xf32, #tpu.memory_space<vmem>>
      %dma_wait3A_152 = tpu.memref_squeeze %dma_wait3A_151 : memref<1x320xf32, #tpu.memory_space<vmem>> -> memref<320xf32, #tpu.memory_space<vmem>>
      %dma_wait3A_153 = tpu.memref_slice %arg3[%run_scoped3A_62, %mul3A_2] : memref<32x10240xf32, #tpu.memory_space<hbm>> -> memref<1x320xf32, #tpu.memory_space<hbm>>
      %dma_wait3A_154 = tpu.memref_squeeze %dma_wait3A_153 : memref<1x320xf32, #tpu.memory_space<hbm>> -> memref<320xf32, #tpu.memory_space<hbm>>
      %dma_wait3A_155 = arith.constant 0 : i32
      %dma_wait3A_156 = tpu.memref_slice %arg7[%run_scoped3A_63, %dma_wait3A_155] : memref<32x320xf32, #tpu.memory_space<vmem>> -> memref<1x320xf32, #tpu.memory_space<vmem>>
      %dma_wait3A_157 = tpu.memref_squeeze %dma_wait3A_156 : memref<1x320xf32, #tpu.memory_space<vmem>> -> memref<320xf32, #tpu.memory_space<vmem>>
      %dma_wait3A_158 = tpu.memref_slice %arg3[%run_scoped3A_62, %mul3A_2] : memref<32x10240xf32, #tpu.memory_space<hbm>> -> memref<1x320xf32, #tpu.memory_space<hbm>>
      %dma_wait3A_159 = tpu.memref_squeeze %dma_wait3A_158 : memref<1x320xf32, #tpu.memory_space<hbm>> -> memref<320xf32, #tpu.memory_space<hbm>>
      tpu.wait_dma2 semaphore(%run_scoped3A_141 : memref<!tpu.dma_semaphore, #tpu.memory_space<semaphore_mem>>) src(%dma_wait3A_159 : memref<320xf32, #tpu.memory_space<hbm>>) dst(%dma_wait3A_157 : memref<320xf32, #tpu.memory_space<vmem>>)
      tpu.yield
    }) : () -> ()
    %run_scoped3A_64 = arith.constant 15 : i32
    %run_scoped3A_65 = arith.constant 15 : i32
    "tpu.region"() ({
      %run_scoped3A_141 = tpu.sem_alloc : memref<!tpu.dma_semaphore, #tpu.memory_space<semaphore_mem>>
      %dma_start3A = arith.constant 0 : i32
      %dma_start3A_142 = tpu.memref_slice %arg8[%run_scoped3A_65, %dma_start3A] : memref<32x320xf32, #tpu.memory_space<vmem>> -> memref<1x320xf32, #tpu.memory_space<vmem>>
      %dma_start3A_143 = tpu.memref_squeeze %dma_start3A_142 : memref<1x320xf32, #tpu.memory_space<vmem>> -> memref<320xf32, #tpu.memory_space<vmem>>
      %dma_start3A_144 = tpu.memref_slice %arg4[%run_scoped3A_64, %mul3A_2] : memref<32x10240xf32, #tpu.memory_space<hbm>> -> memref<1x320xf32, #tpu.memory_space<hbm>>
      %dma_start3A_145 = tpu.memref_squeeze %dma_start3A_144 : memref<1x320xf32, #tpu.memory_space<hbm>> -> memref<320xf32, #tpu.memory_space<hbm>>
      %dma_start3A_146 = arith.constant 0 : i32
      %dma_start3A_147 = tpu.memref_slice %arg8[%run_scoped3A_65, %dma_start3A_146] : memref<32x320xf32, #tpu.memory_space<vmem>> -> memref<1x320xf32, #tpu.memory_space<vmem>>
      %dma_start3A_148 = tpu.memref_squeeze %dma_start3A_147 : memref<1x320xf32, #tpu.memory_space<vmem>> -> memref<320xf32, #tpu.memory_space<vmem>>
      %dma_start3A_149 = tpu.memref_slice %arg4[%run_scoped3A_64, %mul3A_2] : memref<32x10240xf32, #tpu.memory_space<hbm>> -> memref<1x320xf32, #tpu.memory_space<hbm>>
      %dma_start3A_150 = tpu.memref_squeeze %dma_start3A_149 : memref<1x320xf32, #tpu.memory_space<hbm>> -> memref<320xf32, #tpu.memory_space<hbm>>
      tpu.enqueue_dma source(%dma_start3A_150 : memref<320xf32, #tpu.memory_space<hbm>>) target(%dma_start3A_148 : memref<320xf32, #tpu.memory_space<vmem>>) target_semaphore(%run_scoped3A_141 : memref<!tpu.dma_semaphore, #tpu.memory_space<semaphore_mem>>)
      %dma_wait3A = arith.constant 0 : i32
      %dma_wait3A_151 = tpu.memref_slice %arg8[%run_scoped3A_65, %dma_wait3A] : memref<32x320xf32, #tpu.memory_space<vmem>> -> memref<1x320xf32, #tpu.memory_space<vmem>>
      %dma_wait3A_152 = tpu.memref_squeeze %dma_wait3A_151 : memref<1x320xf32, #tpu.memory_space<vmem>> -> memref<320xf32, #tpu.memory_space<vmem>>
      %dma_wait3A_153 = tpu.memref_slice %arg4[%run_scoped3A_64, %mul3A_2] : memref<32x10240xf32, #tpu.memory_space<hbm>> -> memref<1x320xf32, #tpu.memory_space<hbm>>
      %dma_wait3A_154 = tpu.memref_squeeze %dma_wait3A_153 : memref<1x320xf32, #tpu.memory_space<hbm>> -> memref<320xf32, #tpu.memory_space<hbm>>
      %dma_wait3A_155 = arith.constant 0 : i32
      %dma_wait3A_156 = tpu.memref_slice %arg8[%run_scoped3A_65, %dma_wait3A_155] : memref<32x320xf32, #tpu.memory_space<vmem>> -> memref<1x320xf32, #tpu.memory_space<vmem>>
      %dma_wait3A_157 = tpu.memref_squeeze %dma_wait3A_156 : memref<1x320xf32, #tpu.memory_space<vmem>> -> memref<320xf32, #tpu.memory_space<vmem>>
      %dma_wait3A_158 = tpu.memref_slice %arg4[%run_scoped3A_64, %mul3A_2] : memref<32x10240xf32, #tpu.memory_space<hbm>> -> memref<1x320xf32, #tpu.memory_space<hbm>>
      %dma_wait3A_159 = tpu.memref_squeeze %dma_wait3A_158 : memref<1x320xf32, #tpu.memory_space<hbm>> -> memref<320xf32, #tpu.memory_space<hbm>>
      tpu.wait_dma2 semaphore(%run_scoped3A_141 : memref<!tpu.dma_semaphore, #tpu.memory_space<semaphore_mem>>) src(%dma_wait3A_159 : memref<320xf32, #tpu.memory_space<hbm>>) dst(%dma_wait3A_157 : memref<320xf32, #tpu.memory_space<vmem>>)
      tpu.yield
    }) : () -> ()
    %run_scoped3A_66 = arith.constant 16 : i32
    %run_scoped3A_67 = arith.constant 16 : i32
    "tpu.region"() ({
      %run_scoped3A_141 = tpu.sem_alloc : memref<!tpu.dma_semaphore, #tpu.memory_space<semaphore_mem>>
      %dma_start3A = arith.constant 0 : i32
      %dma_start3A_142 = tpu.memref_slice %arg7[%run_scoped3A_67, %dma_start3A] : memref<32x320xf32, #tpu.memory_space<vmem>> -> memref<1x320xf32, #tpu.memory_space<vmem>>
      %dma_start3A_143 = tpu.memref_squeeze %dma_start3A_142 : memref<1x320xf32, #tpu.memory_space<vmem>> -> memref<320xf32, #tpu.memory_space<vmem>>
      %dma_start3A_144 = tpu.memref_slice %arg3[%run_scoped3A_66, %mul3A_2] : memref<32x10240xf32, #tpu.memory_space<hbm>> -> memref<1x320xf32, #tpu.memory_space<hbm>>
      %dma_start3A_145 = tpu.memref_squeeze %dma_start3A_144 : memref<1x320xf32, #tpu.memory_space<hbm>> -> memref<320xf32, #tpu.memory_space<hbm>>
      %dma_start3A_146 = arith.constant 0 : i32
      %dma_start3A_147 = tpu.memref_slice %arg7[%run_scoped3A_67, %dma_start3A_146] : memref<32x320xf32, #tpu.memory_space<vmem>> -> memref<1x320xf32, #tpu.memory_space<vmem>>
      %dma_start3A_148 = tpu.memref_squeeze %dma_start3A_147 : memref<1x320xf32, #tpu.memory_space<vmem>> -> memref<320xf32, #tpu.memory_space<vmem>>
      %dma_start3A_149 = tpu.memref_slice %arg3[%run_scoped3A_66, %mul3A_2] : memref<32x10240xf32, #tpu.memory_space<hbm>> -> memref<1x320xf32, #tpu.memory_space<hbm>>
      %dma_start3A_150 = tpu.memref_squeeze %dma_start3A_149 : memref<1x320xf32, #tpu.memory_space<hbm>> -> memref<320xf32, #tpu.memory_space<hbm>>
      tpu.enqueue_dma source(%dma_start3A_150 : memref<320xf32, #tpu.memory_space<hbm>>) target(%dma_start3A_148 : memref<320xf32, #tpu.memory_space<vmem>>) target_semaphore(%run_scoped3A_141 : memref<!tpu.dma_semaphore, #tpu.memory_space<semaphore_mem>>)
      %dma_wait3A = arith.constant 0 : i32
      %dma_wait3A_151 = tpu.memref_slice %arg7[%run_scoped3A_67, %dma_wait3A] : memref<32x320xf32, #tpu.memory_space<vmem>> -> memref<1x320xf32, #tpu.memory_space<vmem>>
      %dma_wait3A_152 = tpu.memref_squeeze %dma_wait3A_151 : memref<1x320xf32, #tpu.memory_space<vmem>> -> memref<320xf32, #tpu.memory_space<vmem>>
      %dma_wait3A_153 = tpu.memref_slice %arg3[%run_scoped3A_66, %mul3A_2] : memref<32x10240xf32, #tpu.memory_space<hbm>> -> memref<1x320xf32, #tpu.memory_space<hbm>>
      %dma_wait3A_154 = tpu.memref_squeeze %dma_wait3A_153 : memref<1x320xf32, #tpu.memory_space<hbm>> -> memref<320xf32, #tpu.memory_space<hbm>>
      %dma_wait3A_155 = arith.constant 0 : i32
      %dma_wait3A_156 = tpu.memref_slice %arg7[%run_scoped3A_67, %dma_wait3A_155] : memref<32x320xf32, #tpu.memory_space<vmem>> -> memref<1x320xf32, #tpu.memory_space<vmem>>
      %dma_wait3A_157 = tpu.memref_squeeze %dma_wait3A_156 : memref<1x320xf32, #tpu.memory_space<vmem>> -> memref<320xf32, #tpu.memory_space<vmem>>
      %dma_wait3A_158 = tpu.memref_slice %arg3[%run_scoped3A_66, %mul3A_2] : memref<32x10240xf32, #tpu.memory_space<hbm>> -> memref<1x320xf32, #tpu.memory_space<hbm>>
      %dma_wait3A_159 = tpu.memref_squeeze %dma_wait3A_158 : memref<1x320xf32, #tpu.memory_space<hbm>> -> memref<320xf32, #tpu.memory_space<hbm>>
      tpu.wait_dma2 semaphore(%run_scoped3A_141 : memref<!tpu.dma_semaphore, #tpu.memory_space<semaphore_mem>>) src(%dma_wait3A_159 : memref<320xf32, #tpu.memory_space<hbm>>) dst(%dma_wait3A_157 : memref<320xf32, #tpu.memory_space<vmem>>)
      tpu.yield
    }) : () -> ()
    %run_scoped3A_68 = arith.constant 16 : i32
    %run_scoped3A_69 = arith.constant 16 : i32
    "tpu.region"() ({
      %run_scoped3A_141 = tpu.sem_alloc : memref<!tpu.dma_semaphore, #tpu.memory_space<semaphore_mem>>
      %dma_start3A = arith.constant 0 : i32
      %dma_start3A_142 = tpu.memref_slice %arg8[%run_scoped3A_69, %dma_start3A] : memref<32x320xf32, #tpu.memory_space<vmem>> -> memref<1x320xf32, #tpu.memory_space<vmem>>
      %dma_start3A_143 = tpu.memref_squeeze %dma_start3A_142 : memref<1x320xf32, #tpu.memory_space<vmem>> -> memref<320xf32, #tpu.memory_space<vmem>>
      %dma_start3A_144 = tpu.memref_slice %arg4[%run_scoped3A_68, %mul3A_2] : memref<32x10240xf32, #tpu.memory_space<hbm>> -> memref<1x320xf32, #tpu.memory_space<hbm>>
      %dma_start3A_145 = tpu.memref_squeeze %dma_start3A_144 : memref<1x320xf32, #tpu.memory_space<hbm>> -> memref<320xf32, #tpu.memory_space<hbm>>
      %dma_start3A_146 = arith.constant 0 : i32
      %dma_start3A_147 = tpu.memref_slice %arg8[%run_scoped3A_69, %dma_start3A_146] : memref<32x320xf32, #tpu.memory_space<vmem>> -> memref<1x320xf32, #tpu.memory_space<vmem>>
      %dma_start3A_148 = tpu.memref_squeeze %dma_start3A_147 : memref<1x320xf32, #tpu.memory_space<vmem>> -> memref<320xf32, #tpu.memory_space<vmem>>
      %dma_start3A_149 = tpu.memref_slice %arg4[%run_scoped3A_68, %mul3A_2] : memref<32x10240xf32, #tpu.memory_space<hbm>> -> memref<1x320xf32, #tpu.memory_space<hbm>>
      %dma_start3A_150 = tpu.memref_squeeze %dma_start3A_149 : memref<1x320xf32, #tpu.memory_space<hbm>> -> memref<320xf32, #tpu.memory_space<hbm>>
      tpu.enqueue_dma source(%dma_start3A_150 : memref<320xf32, #tpu.memory_space<hbm>>) target(%dma_start3A_148 : memref<320xf32, #tpu.memory_space<vmem>>) target_semaphore(%run_scoped3A_141 : memref<!tpu.dma_semaphore, #tpu.memory_space<semaphore_mem>>)
      %dma_wait3A = arith.constant 0 : i32
      %dma_wait3A_151 = tpu.memref_slice %arg8[%run_scoped3A_69, %dma_wait3A] : memref<32x320xf32, #tpu.memory_space<vmem>> -> memref<1x320xf32, #tpu.memory_space<vmem>>
      %dma_wait3A_152 = tpu.memref_squeeze %dma_wait3A_151 : memref<1x320xf32, #tpu.memory_space<vmem>> -> memref<320xf32, #tpu.memory_space<vmem>>
      %dma_wait3A_153 = tpu.memref_slice %arg4[%run_scoped3A_68, %mul3A_2] : memref<32x10240xf32, #tpu.memory_space<hbm>> -> memref<1x320xf32, #tpu.memory_space<hbm>>
      %dma_wait3A_154 = tpu.memref_squeeze %dma_wait3A_153 : memref<1x320xf32, #tpu.memory_space<hbm>> -> memref<320xf32, #tpu.memory_space<hbm>>
      %dma_wait3A_155 = arith.constant 0 : i32
      %dma_wait3A_156 = tpu.memref_slice %arg8[%run_scoped3A_69, %dma_wait3A_155] : memref<32x320xf32, #tpu.memory_space<vmem>> -> memref<1x320xf32, #tpu.memory_space<vmem>>
      %dma_wait3A_157 = tpu.memref_squeeze %dma_wait3A_156 : memref<1x320xf32, #tpu.memory_space<vmem>> -> memref<320xf32, #tpu.memory_space<vmem>>
      %dma_wait3A_158 = tpu.memref_slice %arg4[%run_scoped3A_68, %mul3A_2] : memref<32x10240xf32, #tpu.memory_space<hbm>> -> memref<1x320xf32, #tpu.memory_space<hbm>>
      %dma_wait3A_159 = tpu.memref_squeeze %dma_wait3A_158 : memref<1x320xf32, #tpu.memory_space<hbm>> -> memref<320xf32, #tpu.memory_space<hbm>>
      tpu.wait_dma2 semaphore(%run_scoped3A_141 : memref<!tpu.dma_semaphore, #tpu.memory_space<semaphore_mem>>) src(%dma_wait3A_159 : memref<320xf32, #tpu.memory_space<hbm>>) dst(%dma_wait3A_157 : memref<320xf32, #tpu.memory_space<vmem>>)
      tpu.yield
    }) : () -> ()
    %run_scoped3A_70 = arith.constant 17 : i32
    %run_scoped3A_71 = arith.constant 17 : i32
    "tpu.region"() ({
      %run_scoped3A_141 = tpu.sem_alloc : memref<!tpu.dma_semaphore, #tpu.memory_space<semaphore_mem>>
      %dma_start3A = arith.constant 0 : i32
      %dma_start3A_142 = tpu.memref_slice %arg7[%run_scoped3A_71, %dma_start3A] : memref<32x320xf32, #tpu.memory_space<vmem>> -> memref<1x320xf32, #tpu.memory_space<vmem>>
      %dma_start3A_143 = tpu.memref_squeeze %dma_start3A_142 : memref<1x320xf32, #tpu.memory_space<vmem>> -> memref<320xf32, #tpu.memory_space<vmem>>
      %dma_start3A_144 = tpu.memref_slice %arg3[%run_scoped3A_70, %mul3A_2] : memref<32x10240xf32, #tpu.memory_space<hbm>> -> memref<1x320xf32, #tpu.memory_space<hbm>>
      %dma_start3A_145 = tpu.memref_squeeze %dma_start3A_144 : memref<1x320xf32, #tpu.memory_space<hbm>> -> memref<320xf32, #tpu.memory_space<hbm>>
      %dma_start3A_146 = arith.constant 0 : i32
      %dma_start3A_147 = tpu.memref_slice %arg7[%run_scoped3A_71, %dma_start3A_146] : memref<32x320xf32, #tpu.memory_space<vmem>> -> memref<1x320xf32, #tpu.memory_space<vmem>>
      %dma_start3A_148 = tpu.memref_squeeze %dma_start3A_147 : memref<1x320xf32, #tpu.memory_space<vmem>> -> memref<320xf32, #tpu.memory_space<vmem>>
      %dma_start3A_149 = tpu.memref_slice %arg3[%run_scoped3A_70, %mul3A_2] : memref<32x10240xf32, #tpu.memory_space<hbm>> -> memref<1x320xf32, #tpu.memory_space<hbm>>
      %dma_start3A_150 = tpu.memref_squeeze %dma_start3A_149 : memref<1x320xf32, #tpu.memory_space<hbm>> -> memref<320xf32, #tpu.memory_space<hbm>>
      tpu.enqueue_dma source(%dma_start3A_150 : memref<320xf32, #tpu.memory_space<hbm>>) target(%dma_start3A_148 : memref<320xf32, #tpu.memory_space<vmem>>) target_semaphore(%run_scoped3A_141 : memref<!tpu.dma_semaphore, #tpu.memory_space<semaphore_mem>>)
      %dma_wait3A = arith.constant 0 : i32
      %dma_wait3A_151 = tpu.memref_slice %arg7[%run_scoped3A_71, %dma_wait3A] : memref<32x320xf32, #tpu.memory_space<vmem>> -> memref<1x320xf32, #tpu.memory_space<vmem>>
      %dma_wait3A_152 = tpu.memref_squeeze %dma_wait3A_151 : memref<1x320xf32, #tpu.memory_space<vmem>> -> memref<320xf32, #tpu.memory_space<vmem>>
      %dma_wait3A_153 = tpu.memref_slice %arg3[%run_scoped3A_70, %mul3A_2] : memref<32x10240xf32, #tpu.memory_space<hbm>> -> memref<1x320xf32, #tpu.memory_space<hbm>>
      %dma_wait3A_154 = tpu.memref_squeeze %dma_wait3A_153 : memref<1x320xf32, #tpu.memory_space<hbm>> -> memref<320xf32, #tpu.memory_space<hbm>>
      %dma_wait3A_155 = arith.constant 0 : i32
      %dma_wait3A_156 = tpu.memref_slice %arg7[%run_scoped3A_71, %dma_wait3A_155] : memref<32x320xf32, #tpu.memory_space<vmem>> -> memref<1x320xf32, #tpu.memory_space<vmem>>
      %dma_wait3A_157 = tpu.memref_squeeze %dma_wait3A_156 : memref<1x320xf32, #tpu.memory_space<vmem>> -> memref<320xf32, #tpu.memory_space<vmem>>
      %dma_wait3A_158 = tpu.memref_slice %arg3[%run_scoped3A_70, %mul3A_2] : memref<32x10240xf32, #tpu.memory_space<hbm>> -> memref<1x320xf32, #tpu.memory_space<hbm>>
      %dma_wait3A_159 = tpu.memref_squeeze %dma_wait3A_158 : memref<1x320xf32, #tpu.memory_space<hbm>> -> memref<320xf32, #tpu.memory_space<hbm>>
      tpu.wait_dma2 semaphore(%run_scoped3A_141 : memref<!tpu.dma_semaphore, #tpu.memory_space<semaphore_mem>>) src(%dma_wait3A_159 : memref<320xf32, #tpu.memory_space<hbm>>) dst(%dma_wait3A_157 : memref<320xf32, #tpu.memory_space<vmem>>)
      tpu.yield
    }) : () -> ()
    %run_scoped3A_72 = arith.constant 17 : i32
    %run_scoped3A_73 = arith.constant 17 : i32
    "tpu.region"() ({
      %run_scoped3A_141 = tpu.sem_alloc : memref<!tpu.dma_semaphore, #tpu.memory_space<semaphore_mem>>
      %dma_start3A = arith.constant 0 : i32
      %dma_start3A_142 = tpu.memref_slice %arg8[%run_scoped3A_73, %dma_start3A] : memref<32x320xf32, #tpu.memory_space<vmem>> -> memref<1x320xf32, #tpu.memory_space<vmem>>
      %dma_start3A_143 = tpu.memref_squeeze %dma_start3A_142 : memref<1x320xf32, #tpu.memory_space<vmem>> -> memref<320xf32, #tpu.memory_space<vmem>>
      %dma_start3A_144 = tpu.memref_slice %arg4[%run_scoped3A_72, %mul3A_2] : memref<32x10240xf32, #tpu.memory_space<hbm>> -> memref<1x320xf32, #tpu.memory_space<hbm>>
      %dma_start3A_145 = tpu.memref_squeeze %dma_start3A_144 : memref<1x320xf32, #tpu.memory_space<hbm>> -> memref<320xf32, #tpu.memory_space<hbm>>
      %dma_start3A_146 = arith.constant 0 : i32
      %dma_start3A_147 = tpu.memref_slice %arg8[%run_scoped3A_73, %dma_start3A_146] : memref<32x320xf32, #tpu.memory_space<vmem>> -> memref<1x320xf32, #tpu.memory_space<vmem>>
      %dma_start3A_148 = tpu.memref_squeeze %dma_start3A_147 : memref<1x320xf32, #tpu.memory_space<vmem>> -> memref<320xf32, #tpu.memory_space<vmem>>
      %dma_start3A_149 = tpu.memref_slice %arg4[%run_scoped3A_72, %mul3A_2] : memref<32x10240xf32, #tpu.memory_space<hbm>> -> memref<1x320xf32, #tpu.memory_space<hbm>>
      %dma_start3A_150 = tpu.memref_squeeze %dma_start3A_149 : memref<1x320xf32, #tpu.memory_space<hbm>> -> memref<320xf32, #tpu.memory_space<hbm>>
      tpu.enqueue_dma source(%dma_start3A_150 : memref<320xf32, #tpu.memory_space<hbm>>) target(%dma_start3A_148 : memref<320xf32, #tpu.memory_space<vmem>>) target_semaphore(%run_scoped3A_141 : memref<!tpu.dma_semaphore, #tpu.memory_space<semaphore_mem>>)
      %dma_wait3A = arith.constant 0 : i32
      %dma_wait3A_151 = tpu.memref_slice %arg8[%run_scoped3A_73, %dma_wait3A] : memref<32x320xf32, #tpu.memory_space<vmem>> -> memref<1x320xf32, #tpu.memory_space<vmem>>
      %dma_wait3A_152 = tpu.memref_squeeze %dma_wait3A_151 : memref<1x320xf32, #tpu.memory_space<vmem>> -> memref<320xf32, #tpu.memory_space<vmem>>
      %dma_wait3A_153 = tpu.memref_slice %arg4[%run_scoped3A_72, %mul3A_2] : memref<32x10240xf32, #tpu.memory_space<hbm>> -> memref<1x320xf32, #tpu.memory_space<hbm>>
      %dma_wait3A_154 = tpu.memref_squeeze %dma_wait3A_153 : memref<1x320xf32, #tpu.memory_space<hbm>> -> memref<320xf32, #tpu.memory_space<hbm>>
      %dma_wait3A_155 = arith.constant 0 : i32
      %dma_wait3A_156 = tpu.memref_slice %arg8[%run_scoped3A_73, %dma_wait3A_155] : memref<32x320xf32, #tpu.memory_space<vmem>> -> memref<1x320xf32, #tpu.memory_space<vmem>>
      %dma_wait3A_157 = tpu.memref_squeeze %dma_wait3A_156 : memref<1x320xf32, #tpu.memory_space<vmem>> -> memref<320xf32, #tpu.memory_space<vmem>>
      %dma_wait3A_158 = tpu.memref_slice %arg4[%run_scoped3A_72, %mul3A_2] : memref<32x10240xf32, #tpu.memory_space<hbm>> -> memref<1x320xf32, #tpu.memory_space<hbm>>
      %dma_wait3A_159 = tpu.memref_squeeze %dma_wait3A_158 : memref<1x320xf32, #tpu.memory_space<hbm>> -> memref<320xf32, #tpu.memory_space<hbm>>
      tpu.wait_dma2 semaphore(%run_scoped3A_141 : memref<!tpu.dma_semaphore, #tpu.memory_space<semaphore_mem>>) src(%dma_wait3A_159 : memref<320xf32, #tpu.memory_space<hbm>>) dst(%dma_wait3A_157 : memref<320xf32, #tpu.memory_space<vmem>>)
      tpu.yield
    }) : () -> ()
    %run_scoped3A_74 = arith.constant 18 : i32
    %run_scoped3A_75 = arith.constant 18 : i32
    "tpu.region"() ({
      %run_scoped3A_141 = tpu.sem_alloc : memref<!tpu.dma_semaphore, #tpu.memory_space<semaphore_mem>>
      %dma_start3A = arith.constant 0 : i32
      %dma_start3A_142 = tpu.memref_slice %arg7[%run_scoped3A_75, %dma_start3A] : memref<32x320xf32, #tpu.memory_space<vmem>> -> memref<1x320xf32, #tpu.memory_space<vmem>>
      %dma_start3A_143 = tpu.memref_squeeze %dma_start3A_142 : memref<1x320xf32, #tpu.memory_space<vmem>> -> memref<320xf32, #tpu.memory_space<vmem>>
      %dma_start3A_144 = tpu.memref_slice %arg3[%run_scoped3A_74, %mul3A_2] : memref<32x10240xf32, #tpu.memory_space<hbm>> -> memref<1x320xf32, #tpu.memory_space<hbm>>
      %dma_start3A_145 = tpu.memref_squeeze %dma_start3A_144 : memref<1x320xf32, #tpu.memory_space<hbm>> -> memref<320xf32, #tpu.memory_space<hbm>>
      %dma_start3A_146 = arith.constant 0 : i32
      %dma_start3A_147 = tpu.memref_slice %arg7[%run_scoped3A_75, %dma_start3A_146] : memref<32x320xf32, #tpu.memory_space<vmem>> -> memref<1x320xf32, #tpu.memory_space<vmem>>
      %dma_start3A_148 = tpu.memref_squeeze %dma_start3A_147 : memref<1x320xf32, #tpu.memory_space<vmem>> -> memref<320xf32, #tpu.memory_space<vmem>>
      %dma_start3A_149 = tpu.memref_slice %arg3[%run_scoped3A_74, %mul3A_2] : memref<32x10240xf32, #tpu.memory_space<hbm>> -> memref<1x320xf32, #tpu.memory_space<hbm>>
      %dma_start3A_150 = tpu.memref_squeeze %dma_start3A_149 : memref<1x320xf32, #tpu.memory_space<hbm>> -> memref<320xf32, #tpu.memory_space<hbm>>
      tpu.enqueue_dma source(%dma_start3A_150 : memref<320xf32, #tpu.memory_space<hbm>>) target(%dma_start3A_148 : memref<320xf32, #tpu.memory_space<vmem>>) target_semaphore(%run_scoped3A_141 : memref<!tpu.dma_semaphore, #tpu.memory_space<semaphore_mem>>)
      %dma_wait3A = arith.constant 0 : i32
      %dma_wait3A_151 = tpu.memref_slice %arg7[%run_scoped3A_75, %dma_wait3A] : memref<32x320xf32, #tpu.memory_space<vmem>> -> memref<1x320xf32, #tpu.memory_space<vmem>>
      %dma_wait3A_152 = tpu.memref_squeeze %dma_wait3A_151 : memref<1x320xf32, #tpu.memory_space<vmem>> -> memref<320xf32, #tpu.memory_space<vmem>>
      %dma_wait3A_153 = tpu.memref_slice %arg3[%run_scoped3A_74, %mul3A_2] : memref<32x10240xf32, #tpu.memory_space<hbm>> -> memref<1x320xf32, #tpu.memory_space<hbm>>
      %dma_wait3A_154 = tpu.memref_squeeze %dma_wait3A_153 : memref<1x320xf32, #tpu.memory_space<hbm>> -> memref<320xf32, #tpu.memory_space<hbm>>
      %dma_wait3A_155 = arith.constant 0 : i32
      %dma_wait3A_156 = tpu.memref_slice %arg7[%run_scoped3A_75, %dma_wait3A_155] : memref<32x320xf32, #tpu.memory_space<vmem>> -> memref<1x320xf32, #tpu.memory_space<vmem>>
      %dma_wait3A_157 = tpu.memref_squeeze %dma_wait3A_156 : memref<1x320xf32, #tpu.memory_space<vmem>> -> memref<320xf32, #tpu.memory_space<vmem>>
      %dma_wait3A_158 = tpu.memref_slice %arg3[%run_scoped3A_74, %mul3A_2] : memref<32x10240xf32, #tpu.memory_space<hbm>> -> memref<1x320xf32, #tpu.memory_space<hbm>>
      %dma_wait3A_159 = tpu.memref_squeeze %dma_wait3A_158 : memref<1x320xf32, #tpu.memory_space<hbm>> -> memref<320xf32, #tpu.memory_space<hbm>>
      tpu.wait_dma2 semaphore(%run_scoped3A_141 : memref<!tpu.dma_semaphore, #tpu.memory_space<semaphore_mem>>) src(%dma_wait3A_159 : memref<320xf32, #tpu.memory_space<hbm>>) dst(%dma_wait3A_157 : memref<320xf32, #tpu.memory_space<vmem>>)
      tpu.yield
    }) : () -> ()
    %run_scoped3A_76 = arith.constant 18 : i32
    %run_scoped3A_77 = arith.constant 18 : i32
    "tpu.region"() ({
      %run_scoped3A_141 = tpu.sem_alloc : memref<!tpu.dma_semaphore, #tpu.memory_space<semaphore_mem>>
      %dma_start3A = arith.constant 0 : i32
      %dma_start3A_142 = tpu.memref_slice %arg8[%run_scoped3A_77, %dma_start3A] : memref<32x320xf32, #tpu.memory_space<vmem>> -> memref<1x320xf32, #tpu.memory_space<vmem>>
      %dma_start3A_143 = tpu.memref_squeeze %dma_start3A_142 : memref<1x320xf32, #tpu.memory_space<vmem>> -> memref<320xf32, #tpu.memory_space<vmem>>
      %dma_start3A_144 = tpu.memref_slice %arg4[%run_scoped3A_76, %mul3A_2] : memref<32x10240xf32, #tpu.memory_space<hbm>> -> memref<1x320xf32, #tpu.memory_space<hbm>>
      %dma_start3A_145 = tpu.memref_squeeze %dma_start3A_144 : memref<1x320xf32, #tpu.memory_space<hbm>> -> memref<320xf32, #tpu.memory_space<hbm>>
      %dma_start3A_146 = arith.constant 0 : i32
      %dma_start3A_147 = tpu.memref_slice %arg8[%run_scoped3A_77, %dma_start3A_146] : memref<32x320xf32, #tpu.memory_space<vmem>> -> memref<1x320xf32, #tpu.memory_space<vmem>>
      %dma_start3A_148 = tpu.memref_squeeze %dma_start3A_147 : memref<1x320xf32, #tpu.memory_space<vmem>> -> memref<320xf32, #tpu.memory_space<vmem>>
      %dma_start3A_149 = tpu.memref_slice %arg4[%run_scoped3A_76, %mul3A_2] : memref<32x10240xf32, #tpu.memory_space<hbm>> -> memref<1x320xf32, #tpu.memory_space<hbm>>
      %dma_start3A_150 = tpu.memref_squeeze %dma_start3A_149 : memref<1x320xf32, #tpu.memory_space<hbm>> -> memref<320xf32, #tpu.memory_space<hbm>>
      tpu.enqueue_dma source(%dma_start3A_150 : memref<320xf32, #tpu.memory_space<hbm>>) target(%dma_start3A_148 : memref<320xf32, #tpu.memory_space<vmem>>) target_semaphore(%run_scoped3A_141 : memref<!tpu.dma_semaphore, #tpu.memory_space<semaphore_mem>>)
      %dma_wait3A = arith.constant 0 : i32
      %dma_wait3A_151 = tpu.memref_slice %arg8[%run_scoped3A_77, %dma_wait3A] : memref<32x320xf32, #tpu.memory_space<vmem>> -> memref<1x320xf32, #tpu.memory_space<vmem>>
      %dma_wait3A_152 = tpu.memref_squeeze %dma_wait3A_151 : memref<1x320xf32, #tpu.memory_space<vmem>> -> memref<320xf32, #tpu.memory_space<vmem>>
      %dma_wait3A_153 = tpu.memref_slice %arg4[%run_scoped3A_76, %mul3A_2] : memref<32x10240xf32, #tpu.memory_space<hbm>> -> memref<1x320xf32, #tpu.memory_space<hbm>>
      %dma_wait3A_154 = tpu.memref_squeeze %dma_wait3A_153 : memref<1x320xf32, #tpu.memory_space<hbm>> -> memref<320xf32, #tpu.memory_space<hbm>>
      %dma_wait3A_155 = arith.constant 0 : i32
      %dma_wait3A_156 = tpu.memref_slice %arg8[%run_scoped3A_77, %dma_wait3A_155] : memref<32x320xf32, #tpu.memory_space<vmem>> -> memref<1x320xf32, #tpu.memory_space<vmem>>
      %dma_wait3A_157 = tpu.memref_squeeze %dma_wait3A_156 : memref<1x320xf32, #tpu.memory_space<vmem>> -> memref<320xf32, #tpu.memory_space<vmem>>
      %dma_wait3A_158 = tpu.memref_slice %arg4[%run_scoped3A_76, %mul3A_2] : memref<32x10240xf32, #tpu.memory_space<hbm>> -> memref<1x320xf32, #tpu.memory_space<hbm>>
      %dma_wait3A_159 = tpu.memref_squeeze %dma_wait3A_158 : memref<1x320xf32, #tpu.memory_space<hbm>> -> memref<320xf32, #tpu.memory_space<hbm>>
      tpu.wait_dma2 semaphore(%run_scoped3A_141 : memref<!tpu.dma_semaphore, #tpu.memory_space<semaphore_mem>>) src(%dma_wait3A_159 : memref<320xf32, #tpu.memory_space<hbm>>) dst(%dma_wait3A_157 : memref<320xf32, #tpu.memory_space<vmem>>)
      tpu.yield
    }) : () -> ()
    %run_scoped3A_78 = arith.constant 19 : i32
    %run_scoped3A_79 = arith.constant 19 : i32
    "tpu.region"() ({
      %run_scoped3A_141 = tpu.sem_alloc : memref<!tpu.dma_semaphore, #tpu.memory_space<semaphore_mem>>
      %dma_start3A = arith.constant 0 : i32
      %dma_start3A_142 = tpu.memref_slice %arg7[%run_scoped3A_79, %dma_start3A] : memref<32x320xf32, #tpu.memory_space<vmem>> -> memref<1x320xf32, #tpu.memory_space<vmem>>
      %dma_start3A_143 = tpu.memref_squeeze %dma_start3A_142 : memref<1x320xf32, #tpu.memory_space<vmem>> -> memref<320xf32, #tpu.memory_space<vmem>>
      %dma_start3A_144 = tpu.memref_slice %arg3[%run_scoped3A_78, %mul3A_2] : memref<32x10240xf32, #tpu.memory_space<hbm>> -> memref<1x320xf32, #tpu.memory_space<hbm>>
      %dma_start3A_145 = tpu.memref_squeeze %dma_start3A_144 : memref<1x320xf32, #tpu.memory_space<hbm>> -> memref<320xf32, #tpu.memory_space<hbm>>
      %dma_start3A_146 = arith.constant 0 : i32
      %dma_start3A_147 = tpu.memref_slice %arg7[%run_scoped3A_79, %dma_start3A_146] : memref<32x320xf32, #tpu.memory_space<vmem>> -> memref<1x320xf32, #tpu.memory_space<vmem>>
      %dma_start3A_148 = tpu.memref_squeeze %dma_start3A_147 : memref<1x320xf32, #tpu.memory_space<vmem>> -> memref<320xf32, #tpu.memory_space<vmem>>
      %dma_start3A_149 = tpu.memref_slice %arg3[%run_scoped3A_78, %mul3A_2] : memref<32x10240xf32, #tpu.memory_space<hbm>> -> memref<1x320xf32, #tpu.memory_space<hbm>>
      %dma_start3A_150 = tpu.memref_squeeze %dma_start3A_149 : memref<1x320xf32, #tpu.memory_space<hbm>> -> memref<320xf32, #tpu.memory_space<hbm>>
      tpu.enqueue_dma source(%dma_start3A_150 : memref<320xf32, #tpu.memory_space<hbm>>) target(%dma_start3A_148 : memref<320xf32, #tpu.memory_space<vmem>>) target_semaphore(%run_scoped3A_141 : memref<!tpu.dma_semaphore, #tpu.memory_space<semaphore_mem>>)
      %dma_wait3A = arith.constant 0 : i32
      %dma_wait3A_151 = tpu.memref_slice %arg7[%run_scoped3A_79, %dma_wait3A] : memref<32x320xf32, #tpu.memory_space<vmem>> -> memref<1x320xf32, #tpu.memory_space<vmem>>
      %dma_wait3A_152 = tpu.memref_squeeze %dma_wait3A_151 : memref<1x320xf32, #tpu.memory_space<vmem>> -> memref<320xf32, #tpu.memory_space<vmem>>
      %dma_wait3A_153 = tpu.memref_slice %arg3[%run_scoped3A_78, %mul3A_2] : memref<32x10240xf32, #tpu.memory_space<hbm>> -> memref<1x320xf32, #tpu.memory_space<hbm>>
      %dma_wait3A_154 = tpu.memref_squeeze %dma_wait3A_153 : memref<1x320xf32, #tpu.memory_space<hbm>> -> memref<320xf32, #tpu.memory_space<hbm>>
      %dma_wait3A_155 = arith.constant 0 : i32
      %dma_wait3A_156 = tpu.memref_slice %arg7[%run_scoped3A_79, %dma_wait3A_155] : memref<32x320xf32, #tpu.memory_space<vmem>> -> memref<1x320xf32, #tpu.memory_space<vmem>>
      %dma_wait3A_157 = tpu.memref_squeeze %dma_wait3A_156 : memref<1x320xf32, #tpu.memory_space<vmem>> -> memref<320xf32, #tpu.memory_space<vmem>>
      %dma_wait3A_158 = tpu.memref_slice %arg3[%run_scoped3A_78, %mul3A_2] : memref<32x10240xf32, #tpu.memory_space<hbm>> -> memref<1x320xf32, #tpu.memory_space<hbm>>
      %dma_wait3A_159 = tpu.memref_squeeze %dma_wait3A_158 : memref<1x320xf32, #tpu.memory_space<hbm>> -> memref<320xf32, #tpu.memory_space<hbm>>
      tpu.wait_dma2 semaphore(%run_scoped3A_141 : memref<!tpu.dma_semaphore, #tpu.memory_space<semaphore_mem>>) src(%dma_wait3A_159 : memref<320xf32, #tpu.memory_space<hbm>>) dst(%dma_wait3A_157 : memref<320xf32, #tpu.memory_space<vmem>>)
      tpu.yield
    }) : () -> ()
    %run_scoped3A_80 = arith.constant 19 : i32
    %run_scoped3A_81 = arith.constant 19 : i32
    "tpu.region"() ({
      %run_scoped3A_141 = tpu.sem_alloc : memref<!tpu.dma_semaphore, #tpu.memory_space<semaphore_mem>>
      %dma_start3A = arith.constant 0 : i32
      %dma_start3A_142 = tpu.memref_slice %arg8[%run_scoped3A_81, %dma_start3A] : memref<32x320xf32, #tpu.memory_space<vmem>> -> memref<1x320xf32, #tpu.memory_space<vmem>>
      %dma_start3A_143 = tpu.memref_squeeze %dma_start3A_142 : memref<1x320xf32, #tpu.memory_space<vmem>> -> memref<320xf32, #tpu.memory_space<vmem>>
      %dma_start3A_144 = tpu.memref_slice %arg4[%run_scoped3A_80, %mul3A_2] : memref<32x10240xf32, #tpu.memory_space<hbm>> -> memref<1x320xf32, #tpu.memory_space<hbm>>
      %dma_start3A_145 = tpu.memref_squeeze %dma_start3A_144 : memref<1x320xf32, #tpu.memory_space<hbm>> -> memref<320xf32, #tpu.memory_space<hbm>>
      %dma_start3A_146 = arith.constant 0 : i32
      %dma_start3A_147 = tpu.memref_slice %arg8[%run_scoped3A_81, %dma_start3A_146] : memref<32x320xf32, #tpu.memory_space<vmem>> -> memref<1x320xf32, #tpu.memory_space<vmem>>
      %dma_start3A_148 = tpu.memref_squeeze %dma_start3A_147 : memref<1x320xf32, #tpu.memory_space<vmem>> -> memref<320xf32, #tpu.memory_space<vmem>>
      %dma_start3A_149 = tpu.memref_slice %arg4[%run_scoped3A_80, %mul3A_2] : memref<32x10240xf32, #tpu.memory_space<hbm>> -> memref<1x320xf32, #tpu.memory_space<hbm>>
      %dma_start3A_150 = tpu.memref_squeeze %dma_start3A_149 : memref<1x320xf32, #tpu.memory_space<hbm>> -> memref<320xf32, #tpu.memory_space<hbm>>
      tpu.enqueue_dma source(%dma_start3A_150 : memref<320xf32, #tpu.memory_space<hbm>>) target(%dma_start3A_148 : memref<320xf32, #tpu.memory_space<vmem>>) target_semaphore(%run_scoped3A_141 : memref<!tpu.dma_semaphore, #tpu.memory_space<semaphore_mem>>)
      %dma_wait3A = arith.constant 0 : i32
      %dma_wait3A_151 = tpu.memref_slice %arg8[%run_scoped3A_81, %dma_wait3A] : memref<32x320xf32, #tpu.memory_space<vmem>> -> memref<1x320xf32, #tpu.memory_space<vmem>>
      %dma_wait3A_152 = tpu.memref_squeeze %dma_wait3A_151 : memref<1x320xf32, #tpu.memory_space<vmem>> -> memref<320xf32, #tpu.memory_space<vmem>>
      %dma_wait3A_153 = tpu.memref_slice %arg4[%run_scoped3A_80, %mul3A_2] : memref<32x10240xf32, #tpu.memory_space<hbm>> -> memref<1x320xf32, #tpu.memory_space<hbm>>
      %dma_wait3A_154 = tpu.memref_squeeze %dma_wait3A_153 : memref<1x320xf32, #tpu.memory_space<hbm>> -> memref<320xf32, #tpu.memory_space<hbm>>
      %dma_wait3A_155 = arith.constant 0 : i32
      %dma_wait3A_156 = tpu.memref_slice %arg8[%run_scoped3A_81, %dma_wait3A_155] : memref<32x320xf32, #tpu.memory_space<vmem>> -> memref<1x320xf32, #tpu.memory_space<vmem>>
      %dma_wait3A_157 = tpu.memref_squeeze %dma_wait3A_156 : memref<1x320xf32, #tpu.memory_space<vmem>> -> memref<320xf32, #tpu.memory_space<vmem>>
      %dma_wait3A_158 = tpu.memref_slice %arg4[%run_scoped3A_80, %mul3A_2] : memref<32x10240xf32, #tpu.memory_space<hbm>> -> memref<1x320xf32, #tpu.memory_space<hbm>>
      %dma_wait3A_159 = tpu.memref_squeeze %dma_wait3A_158 : memref<1x320xf32, #tpu.memory_space<hbm>> -> memref<320xf32, #tpu.memory_space<hbm>>
      tpu.wait_dma2 semaphore(%run_scoped3A_141 : memref<!tpu.dma_semaphore, #tpu.memory_space<semaphore_mem>>) src(%dma_wait3A_159 : memref<320xf32, #tpu.memory_space<hbm>>) dst(%dma_wait3A_157 : memref<320xf32, #tpu.memory_space<vmem>>)
      tpu.yield
    }) : () -> ()
    %run_scoped3A_82 = arith.constant 20 : i32
    %run_scoped3A_83 = arith.constant 20 : i32
    "tpu.region"() ({
      %run_scoped3A_141 = tpu.sem_alloc : memref<!tpu.dma_semaphore, #tpu.memory_space<semaphore_mem>>
      %dma_start3A = arith.constant 0 : i32
      %dma_start3A_142 = tpu.memref_slice %arg7[%run_scoped3A_83, %dma_start3A] : memref<32x320xf32, #tpu.memory_space<vmem>> -> memref<1x320xf32, #tpu.memory_space<vmem>>
      %dma_start3A_143 = tpu.memref_squeeze %dma_start3A_142 : memref<1x320xf32, #tpu.memory_space<vmem>> -> memref<320xf32, #tpu.memory_space<vmem>>
      %dma_start3A_144 = tpu.memref_slice %arg3[%run_scoped3A_82, %mul3A_2] : memref<32x10240xf32, #tpu.memory_space<hbm>> -> memref<1x320xf32, #tpu.memory_space<hbm>>
      %dma_start3A_145 = tpu.memref_squeeze %dma_start3A_144 : memref<1x320xf32, #tpu.memory_space<hbm>> -> memref<320xf32, #tpu.memory_space<hbm>>
      %dma_start3A_146 = arith.constant 0 : i32
      %dma_start3A_147 = tpu.memref_slice %arg7[%run_scoped3A_83, %dma_start3A_146] : memref<32x320xf32, #tpu.memory_space<vmem>> -> memref<1x320xf32, #tpu.memory_space<vmem>>
      %dma_start3A_148 = tpu.memref_squeeze %dma_start3A_147 : memref<1x320xf32, #tpu.memory_space<vmem>> -> memref<320xf32, #tpu.memory_space<vmem>>
      %dma_start3A_149 = tpu.memref_slice %arg3[%run_scoped3A_82, %mul3A_2] : memref<32x10240xf32, #tpu.memory_space<hbm>> -> memref<1x320xf32, #tpu.memory_space<hbm>>
      %dma_start3A_150 = tpu.memref_squeeze %dma_start3A_149 : memref<1x320xf32, #tpu.memory_space<hbm>> -> memref<320xf32, #tpu.memory_space<hbm>>
      tpu.enqueue_dma source(%dma_start3A_150 : memref<320xf32, #tpu.memory_space<hbm>>) target(%dma_start3A_148 : memref<320xf32, #tpu.memory_space<vmem>>) target_semaphore(%run_scoped3A_141 : memref<!tpu.dma_semaphore, #tpu.memory_space<semaphore_mem>>)
      %dma_wait3A = arith.constant 0 : i32
      %dma_wait3A_151 = tpu.memref_slice %arg7[%run_scoped3A_83, %dma_wait3A] : memref<32x320xf32, #tpu.memory_space<vmem>> -> memref<1x320xf32, #tpu.memory_space<vmem>>
      %dma_wait3A_152 = tpu.memref_squeeze %dma_wait3A_151 : memref<1x320xf32, #tpu.memory_space<vmem>> -> memref<320xf32, #tpu.memory_space<vmem>>
      %dma_wait3A_153 = tpu.memref_slice %arg3[%run_scoped3A_82, %mul3A_2] : memref<32x10240xf32, #tpu.memory_space<hbm>> -> memref<1x320xf32, #tpu.memory_space<hbm>>
      %dma_wait3A_154 = tpu.memref_squeeze %dma_wait3A_153 : memref<1x320xf32, #tpu.memory_space<hbm>> -> memref<320xf32, #tpu.memory_space<hbm>>
      %dma_wait3A_155 = arith.constant 0 : i32
      %dma_wait3A_156 = tpu.memref_slice %arg7[%run_scoped3A_83, %dma_wait3A_155] : memref<32x320xf32, #tpu.memory_space<vmem>> -> memref<1x320xf32, #tpu.memory_space<vmem>>
      %dma_wait3A_157 = tpu.memref_squeeze %dma_wait3A_156 : memref<1x320xf32, #tpu.memory_space<vmem>> -> memref<320xf32, #tpu.memory_space<vmem>>
      %dma_wait3A_158 = tpu.memref_slice %arg3[%run_scoped3A_82, %mul3A_2] : memref<32x10240xf32, #tpu.memory_space<hbm>> -> memref<1x320xf32, #tpu.memory_space<hbm>>
      %dma_wait3A_159 = tpu.memref_squeeze %dma_wait3A_158 : memref<1x320xf32, #tpu.memory_space<hbm>> -> memref<320xf32, #tpu.memory_space<hbm>>
      tpu.wait_dma2 semaphore(%run_scoped3A_141 : memref<!tpu.dma_semaphore, #tpu.memory_space<semaphore_mem>>) src(%dma_wait3A_159 : memref<320xf32, #tpu.memory_space<hbm>>) dst(%dma_wait3A_157 : memref<320xf32, #tpu.memory_space<vmem>>)
      tpu.yield
    }) : () -> ()
    %run_scoped3A_84 = arith.constant 20 : i32
    %run_scoped3A_85 = arith.constant 20 : i32
    "tpu.region"() ({
      %run_scoped3A_141 = tpu.sem_alloc : memref<!tpu.dma_semaphore, #tpu.memory_space<semaphore_mem>>
      %dma_start3A = arith.constant 0 : i32
      %dma_start3A_142 = tpu.memref_slice %arg8[%run_scoped3A_85, %dma_start3A] : memref<32x320xf32, #tpu.memory_space<vmem>> -> memref<1x320xf32, #tpu.memory_space<vmem>>
      %dma_start3A_143 = tpu.memref_squeeze %dma_start3A_142 : memref<1x320xf32, #tpu.memory_space<vmem>> -> memref<320xf32, #tpu.memory_space<vmem>>
      %dma_start3A_144 = tpu.memref_slice %arg4[%run_scoped3A_84, %mul3A_2] : memref<32x10240xf32, #tpu.memory_space<hbm>> -> memref<1x320xf32, #tpu.memory_space<hbm>>
      %dma_start3A_145 = tpu.memref_squeeze %dma_start3A_144 : memref<1x320xf32, #tpu.memory_space<hbm>> -> memref<320xf32, #tpu.memory_space<hbm>>
      %dma_start3A_146 = arith.constant 0 : i32
      %dma_start3A_147 = tpu.memref_slice %arg8[%run_scoped3A_85, %dma_start3A_146] : memref<32x320xf32, #tpu.memory_space<vmem>> -> memref<1x320xf32, #tpu.memory_space<vmem>>
      %dma_start3A_148 = tpu.memref_squeeze %dma_start3A_147 : memref<1x320xf32, #tpu.memory_space<vmem>> -> memref<320xf32, #tpu.memory_space<vmem>>
      %dma_start3A_149 = tpu.memref_slice %arg4[%run_scoped3A_84, %mul3A_2] : memref<32x10240xf32, #tpu.memory_space<hbm>> -> memref<1x320xf32, #tpu.memory_space<hbm>>
      %dma_start3A_150 = tpu.memref_squeeze %dma_start3A_149 : memref<1x320xf32, #tpu.memory_space<hbm>> -> memref<320xf32, #tpu.memory_space<hbm>>
      tpu.enqueue_dma source(%dma_start3A_150 : memref<320xf32, #tpu.memory_space<hbm>>) target(%dma_start3A_148 : memref<320xf32, #tpu.memory_space<vmem>>) target_semaphore(%run_scoped3A_141 : memref<!tpu.dma_semaphore, #tpu.memory_space<semaphore_mem>>)
      %dma_wait3A = arith.constant 0 : i32
      %dma_wait3A_151 = tpu.memref_slice %arg8[%run_scoped3A_85, %dma_wait3A] : memref<32x320xf32, #tpu.memory_space<vmem>> -> memref<1x320xf32, #tpu.memory_space<vmem>>
      %dma_wait3A_152 = tpu.memref_squeeze %dma_wait3A_151 : memref<1x320xf32, #tpu.memory_space<vmem>> -> memref<320xf32, #tpu.memory_space<vmem>>
      %dma_wait3A_153 = tpu.memref_slice %arg4[%run_scoped3A_84, %mul3A_2] : memref<32x10240xf32, #tpu.memory_space<hbm>> -> memref<1x320xf32, #tpu.memory_space<hbm>>
      %dma_wait3A_154 = tpu.memref_squeeze %dma_wait3A_153 : memref<1x320xf32, #tpu.memory_space<hbm>> -> memref<320xf32, #tpu.memory_space<hbm>>
      %dma_wait3A_155 = arith.constant 0 : i32
      %dma_wait3A_156 = tpu.memref_slice %arg8[%run_scoped3A_85, %dma_wait3A_155] : memref<32x320xf32, #tpu.memory_space<vmem>> -> memref<1x320xf32, #tpu.memory_space<vmem>>
      %dma_wait3A_157 = tpu.memref_squeeze %dma_wait3A_156 : memref<1x320xf32, #tpu.memory_space<vmem>> -> memref<320xf32, #tpu.memory_space<vmem>>
      %dma_wait3A_158 = tpu.memref_slice %arg4[%run_scoped3A_84, %mul3A_2] : memref<32x10240xf32, #tpu.memory_space<hbm>> -> memref<1x320xf32, #tpu.memory_space<hbm>>
      %dma_wait3A_159 = tpu.memref_squeeze %dma_wait3A_158 : memref<1x320xf32, #tpu.memory_space<hbm>> -> memref<320xf32, #tpu.memory_space<hbm>>
      tpu.wait_dma2 semaphore(%run_scoped3A_141 : memref<!tpu.dma_semaphore, #tpu.memory_space<semaphore_mem>>) src(%dma_wait3A_159 : memref<320xf32, #tpu.memory_space<hbm>>) dst(%dma_wait3A_157 : memref<320xf32, #tpu.memory_space<vmem>>)
      tpu.yield
    }) : () -> ()
    %run_scoped3A_86 = arith.constant 21 : i32
    %run_scoped3A_87 = arith.constant 21 : i32
    "tpu.region"() ({
      %run_scoped3A_141 = tpu.sem_alloc : memref<!tpu.dma_semaphore, #tpu.memory_space<semaphore_mem>>
      %dma_start3A = arith.constant 0 : i32
      %dma_start3A_142 = tpu.memref_slice %arg7[%run_scoped3A_87, %dma_start3A] : memref<32x320xf32, #tpu.memory_space<vmem>> -> memref<1x320xf32, #tpu.memory_space<vmem>>
      %dma_start3A_143 = tpu.memref_squeeze %dma_start3A_142 : memref<1x320xf32, #tpu.memory_space<vmem>> -> memref<320xf32, #tpu.memory_space<vmem>>
      %dma_start3A_144 = tpu.memref_slice %arg3[%run_scoped3A_86, %mul3A_2] : memref<32x10240xf32, #tpu.memory_space<hbm>> -> memref<1x320xf32, #tpu.memory_space<hbm>>
      %dma_start3A_145 = tpu.memref_squeeze %dma_start3A_144 : memref<1x320xf32, #tpu.memory_space<hbm>> -> memref<320xf32, #tpu.memory_space<hbm>>
      %dma_start3A_146 = arith.constant 0 : i32
      %dma_start3A_147 = tpu.memref_slice %arg7[%run_scoped3A_87, %dma_start3A_146] : memref<32x320xf32, #tpu.memory_space<vmem>> -> memref<1x320xf32, #tpu.memory_space<vmem>>
      %dma_start3A_148 = tpu.memref_squeeze %dma_start3A_147 : memref<1x320xf32, #tpu.memory_space<vmem>> -> memref<320xf32, #tpu.memory_space<vmem>>
      %dma_start3A_149 = tpu.memref_slice %arg3[%run_scoped3A_86, %mul3A_2] : memref<32x10240xf32, #tpu.memory_space<hbm>> -> memref<1x320xf32, #tpu.memory_space<hbm>>
      %dma_start3A_150 = tpu.memref_squeeze %dma_start3A_149 : memref<1x320xf32, #tpu.memory_space<hbm>> -> memref<320xf32, #tpu.memory_space<hbm>>
      tpu.enqueue_dma source(%dma_start3A_150 : memref<320xf32, #tpu.memory_space<hbm>>) target(%dma_start3A_148 : memref<320xf32, #tpu.memory_space<vmem>>) target_semaphore(%run_scoped3A_141 : memref<!tpu.dma_semaphore, #tpu.memory_space<semaphore_mem>>)
      %dma_wait3A = arith.constant 0 : i32
      %dma_wait3A_151 = tpu.memref_slice %arg7[%run_scoped3A_87, %dma_wait3A] : memref<32x320xf32, #tpu.memory_space<vmem>> -> memref<1x320xf32, #tpu.memory_space<vmem>>
      %dma_wait3A_152 = tpu.memref_squeeze %dma_wait3A_151 : memref<1x320xf32, #tpu.memory_space<vmem>> -> memref<320xf32, #tpu.memory_space<vmem>>
      %dma_wait3A_153 = tpu.memref_slice %arg3[%run_scoped3A_86, %mul3A_2] : memref<32x10240xf32, #tpu.memory_space<hbm>> -> memref<1x320xf32, #tpu.memory_space<hbm>>
      %dma_wait3A_154 = tpu.memref_squeeze %dma_wait3A_153 : memref<1x320xf32, #tpu.memory_space<hbm>> -> memref<320xf32, #tpu.memory_space<hbm>>
      %dma_wait3A_155 = arith.constant 0 : i32
      %dma_wait3A_156 = tpu.memref_slice %arg7[%run_scoped3A_87, %dma_wait3A_155] : memref<32x320xf32, #tpu.memory_space<vmem>> -> memref<1x320xf32, #tpu.memory_space<vmem>>
      %dma_wait3A_157 = tpu.memref_squeeze %dma_wait3A_156 : memref<1x320xf32, #tpu.memory_space<vmem>> -> memref<320xf32, #tpu.memory_space<vmem>>
      %dma_wait3A_158 = tpu.memref_slice %arg3[%run_scoped3A_86, %mul3A_2] : memref<32x10240xf32, #tpu.memory_space<hbm>> -> memref<1x320xf32, #tpu.memory_space<hbm>>
      %dma_wait3A_159 = tpu.memref_squeeze %dma_wait3A_158 : memref<1x320xf32, #tpu.memory_space<hbm>> -> memref<320xf32, #tpu.memory_space<hbm>>
      tpu.wait_dma2 semaphore(%run_scoped3A_141 : memref<!tpu.dma_semaphore, #tpu.memory_space<semaphore_mem>>) src(%dma_wait3A_159 : memref<320xf32, #tpu.memory_space<hbm>>) dst(%dma_wait3A_157 : memref<320xf32, #tpu.memory_space<vmem>>)
      tpu.yield
    }) : () -> ()
    %run_scoped3A_88 = arith.constant 21 : i32
    %run_scoped3A_89 = arith.constant 21 : i32
    "tpu.region"() ({
      %run_scoped3A_141 = tpu.sem_alloc : memref<!tpu.dma_semaphore, #tpu.memory_space<semaphore_mem>>
      %dma_start3A = arith.constant 0 : i32
      %dma_start3A_142 = tpu.memref_slice %arg8[%run_scoped3A_89, %dma_start3A] : memref<32x320xf32, #tpu.memory_space<vmem>> -> memref<1x320xf32, #tpu.memory_space<vmem>>
      %dma_start3A_143 = tpu.memref_squeeze %dma_start3A_142 : memref<1x320xf32, #tpu.memory_space<vmem>> -> memref<320xf32, #tpu.memory_space<vmem>>
      %dma_start3A_144 = tpu.memref_slice %arg4[%run_scoped3A_88, %mul3A_2] : memref<32x10240xf32, #tpu.memory_space<hbm>> -> memref<1x320xf32, #tpu.memory_space<hbm>>
      %dma_start3A_145 = tpu.memref_squeeze %dma_start3A_144 : memref<1x320xf32, #tpu.memory_space<hbm>> -> memref<320xf32, #tpu.memory_space<hbm>>
      %dma_start3A_146 = arith.constant 0 : i32
      %dma_start3A_147 = tpu.memref_slice %arg8[%run_scoped3A_89, %dma_start3A_146] : memref<32x320xf32, #tpu.memory_space<vmem>> -> memref<1x320xf32, #tpu.memory_space<vmem>>
      %dma_start3A_148 = tpu.memref_squeeze %dma_start3A_147 : memref<1x320xf32, #tpu.memory_space<vmem>> -> memref<320xf32, #tpu.memory_space<vmem>>
      %dma_start3A_149 = tpu.memref_slice %arg4[%run_scoped3A_88, %mul3A_2] : memref<32x10240xf32, #tpu.memory_space<hbm>> -> memref<1x320xf32, #tpu.memory_space<hbm>>
      %dma_start3A_150 = tpu.memref_squeeze %dma_start3A_149 : memref<1x320xf32, #tpu.memory_space<hbm>> -> memref<320xf32, #tpu.memory_space<hbm>>
      tpu.enqueue_dma source(%dma_start3A_150 : memref<320xf32, #tpu.memory_space<hbm>>) target(%dma_start3A_148 : memref<320xf32, #tpu.memory_space<vmem>>) target_semaphore(%run_scoped3A_141 : memref<!tpu.dma_semaphore, #tpu.memory_space<semaphore_mem>>)
      %dma_wait3A = arith.constant 0 : i32
      %dma_wait3A_151 = tpu.memref_slice %arg8[%run_scoped3A_89, %dma_wait3A] : memref<32x320xf32, #tpu.memory_space<vmem>> -> memref<1x320xf32, #tpu.memory_space<vmem>>
      %dma_wait3A_152 = tpu.memref_squeeze %dma_wait3A_151 : memref<1x320xf32, #tpu.memory_space<vmem>> -> memref<320xf32, #tpu.memory_space<vmem>>
      %dma_wait3A_153 = tpu.memref_slice %arg4[%run_scoped3A_88, %mul3A_2] : memref<32x10240xf32, #tpu.memory_space<hbm>> -> memref<1x320xf32, #tpu.memory_space<hbm>>
      %dma_wait3A_154 = tpu.memref_squeeze %dma_wait3A_153 : memref<1x320xf32, #tpu.memory_space<hbm>> -> memref<320xf32, #tpu.memory_space<hbm>>
      %dma_wait3A_155 = arith.constant 0 : i32
      %dma_wait3A_156 = tpu.memref_slice %arg8[%run_scoped3A_89, %dma_wait3A_155] : memref<32x320xf32, #tpu.memory_space<vmem>> -> memref<1x320xf32, #tpu.memory_space<vmem>>
      %dma_wait3A_157 = tpu.memref_squeeze %dma_wait3A_156 : memref<1x320xf32, #tpu.memory_space<vmem>> -> memref<320xf32, #tpu.memory_space<vmem>>
      %dma_wait3A_158 = tpu.memref_slice %arg4[%run_scoped3A_88, %mul3A_2] : memref<32x10240xf32, #tpu.memory_space<hbm>> -> memref<1x320xf32, #tpu.memory_space<hbm>>
      %dma_wait3A_159 = tpu.memref_squeeze %dma_wait3A_158 : memref<1x320xf32, #tpu.memory_space<hbm>> -> memref<320xf32, #tpu.memory_space<hbm>>
      tpu.wait_dma2 semaphore(%run_scoped3A_141 : memref<!tpu.dma_semaphore, #tpu.memory_space<semaphore_mem>>) src(%dma_wait3A_159 : memref<320xf32, #tpu.memory_space<hbm>>) dst(%dma_wait3A_157 : memref<320xf32, #tpu.memory_space<vmem>>)
      tpu.yield
    }) : () -> ()
    %run_scoped3A_90 = arith.constant 22 : i32
    %run_scoped3A_91 = arith.constant 22 : i32
    "tpu.region"() ({
      %run_scoped3A_141 = tpu.sem_alloc : memref<!tpu.dma_semaphore, #tpu.memory_space<semaphore_mem>>
      %dma_start3A = arith.constant 0 : i32
      %dma_start3A_142 = tpu.memref_slice %arg7[%run_scoped3A_91, %dma_start3A] : memref<32x320xf32, #tpu.memory_space<vmem>> -> memref<1x320xf32, #tpu.memory_space<vmem>>
      %dma_start3A_143 = tpu.memref_squeeze %dma_start3A_142 : memref<1x320xf32, #tpu.memory_space<vmem>> -> memref<320xf32, #tpu.memory_space<vmem>>
      %dma_start3A_144 = tpu.memref_slice %arg3[%run_scoped3A_90, %mul3A_2] : memref<32x10240xf32, #tpu.memory_space<hbm>> -> memref<1x320xf32, #tpu.memory_space<hbm>>
      %dma_start3A_145 = tpu.memref_squeeze %dma_start3A_144 : memref<1x320xf32, #tpu.memory_space<hbm>> -> memref<320xf32, #tpu.memory_space<hbm>>
      %dma_start3A_146 = arith.constant 0 : i32
      %dma_start3A_147 = tpu.memref_slice %arg7[%run_scoped3A_91, %dma_start3A_146] : memref<32x320xf32, #tpu.memory_space<vmem>> -> memref<1x320xf32, #tpu.memory_space<vmem>>
      %dma_start3A_148 = tpu.memref_squeeze %dma_start3A_147 : memref<1x320xf32, #tpu.memory_space<vmem>> -> memref<320xf32, #tpu.memory_space<vmem>>
      %dma_start3A_149 = tpu.memref_slice %arg3[%run_scoped3A_90, %mul3A_2] : memref<32x10240xf32, #tpu.memory_space<hbm>> -> memref<1x320xf32, #tpu.memory_space<hbm>>
      %dma_start3A_150 = tpu.memref_squeeze %dma_start3A_149 : memref<1x320xf32, #tpu.memory_space<hbm>> -> memref<320xf32, #tpu.memory_space<hbm>>
      tpu.enqueue_dma source(%dma_start3A_150 : memref<320xf32, #tpu.memory_space<hbm>>) target(%dma_start3A_148 : memref<320xf32, #tpu.memory_space<vmem>>) target_semaphore(%run_scoped3A_141 : memref<!tpu.dma_semaphore, #tpu.memory_space<semaphore_mem>>)
      %dma_wait3A = arith.constant 0 : i32
      %dma_wait3A_151 = tpu.memref_slice %arg7[%run_scoped3A_91, %dma_wait3A] : memref<32x320xf32, #tpu.memory_space<vmem>> -> memref<1x320xf32, #tpu.memory_space<vmem>>
      %dma_wait3A_152 = tpu.memref_squeeze %dma_wait3A_151 : memref<1x320xf32, #tpu.memory_space<vmem>> -> memref<320xf32, #tpu.memory_space<vmem>>
      %dma_wait3A_153 = tpu.memref_slice %arg3[%run_scoped3A_90, %mul3A_2] : memref<32x10240xf32, #tpu.memory_space<hbm>> -> memref<1x320xf32, #tpu.memory_space<hbm>>
      %dma_wait3A_154 = tpu.memref_squeeze %dma_wait3A_153 : memref<1x320xf32, #tpu.memory_space<hbm>> -> memref<320xf32, #tpu.memory_space<hbm>>
      %dma_wait3A_155 = arith.constant 0 : i32
      %dma_wait3A_156 = tpu.memref_slice %arg7[%run_scoped3A_91, %dma_wait3A_155] : memref<32x320xf32, #tpu.memory_space<vmem>> -> memref<1x320xf32, #tpu.memory_space<vmem>>
      %dma_wait3A_157 = tpu.memref_squeeze %dma_wait3A_156 : memref<1x320xf32, #tpu.memory_space<vmem>> -> memref<320xf32, #tpu.memory_space<vmem>>
      %dma_wait3A_158 = tpu.memref_slice %arg3[%run_scoped3A_90, %mul3A_2] : memref<32x10240xf32, #tpu.memory_space<hbm>> -> memref<1x320xf32, #tpu.memory_space<hbm>>
      %dma_wait3A_159 = tpu.memref_squeeze %dma_wait3A_158 : memref<1x320xf32, #tpu.memory_space<hbm>> -> memref<320xf32, #tpu.memory_space<hbm>>
      tpu.wait_dma2 semaphore(%run_scoped3A_141 : memref<!tpu.dma_semaphore, #tpu.memory_space<semaphore_mem>>) src(%dma_wait3A_159 : memref<320xf32, #tpu.memory_space<hbm>>) dst(%dma_wait3A_157 : memref<320xf32, #tpu.memory_space<vmem>>)
      tpu.yield
    }) : () -> ()
    %run_scoped3A_92 = arith.constant 22 : i32
    %run_scoped3A_93 = arith.constant 22 : i32
    "tpu.region"() ({
      %run_scoped3A_141 = tpu.sem_alloc : memref<!tpu.dma_semaphore, #tpu.memory_space<semaphore_mem>>
      %dma_start3A = arith.constant 0 : i32
      %dma_start3A_142 = tpu.memref_slice %arg8[%run_scoped3A_93, %dma_start3A] : memref<32x320xf32, #tpu.memory_space<vmem>> -> memref<1x320xf32, #tpu.memory_space<vmem>>
      %dma_start3A_143 = tpu.memref_squeeze %dma_start3A_142 : memref<1x320xf32, #tpu.memory_space<vmem>> -> memref<320xf32, #tpu.memory_space<vmem>>
      %dma_start3A_144 = tpu.memref_slice %arg4[%run_scoped3A_92, %mul3A_2] : memref<32x10240xf32, #tpu.memory_space<hbm>> -> memref<1x320xf32, #tpu.memory_space<hbm>>
      %dma_start3A_145 = tpu.memref_squeeze %dma_start3A_144 : memref<1x320xf32, #tpu.memory_space<hbm>> -> memref<320xf32, #tpu.memory_space<hbm>>
      %dma_start3A_146 = arith.constant 0 : i32
      %dma_start3A_147 = tpu.memref_slice %arg8[%run_scoped3A_93, %dma_start3A_146] : memref<32x320xf32, #tpu.memory_space<vmem>> -> memref<1x320xf32, #tpu.memory_space<vmem>>
      %dma_start3A_148 = tpu.memref_squeeze %dma_start3A_147 : memref<1x320xf32, #tpu.memory_space<vmem>> -> memref<320xf32, #tpu.memory_space<vmem>>
      %dma_start3A_149 = tpu.memref_slice %arg4[%run_scoped3A_92, %mul3A_2] : memref<32x10240xf32, #tpu.memory_space<hbm>> -> memref<1x320xf32, #tpu.memory_space<hbm>>
      %dma_start3A_150 = tpu.memref_squeeze %dma_start3A_149 : memref<1x320xf32, #tpu.memory_space<hbm>> -> memref<320xf32, #tpu.memory_space<hbm>>
      tpu.enqueue_dma source(%dma_start3A_150 : memref<320xf32, #tpu.memory_space<hbm>>) target(%dma_start3A_148 : memref<320xf32, #tpu.memory_space<vmem>>) target_semaphore(%run_scoped3A_141 : memref<!tpu.dma_semaphore, #tpu.memory_space<semaphore_mem>>)
      %dma_wait3A = arith.constant 0 : i32
      %dma_wait3A_151 = tpu.memref_slice %arg8[%run_scoped3A_93, %dma_wait3A] : memref<32x320xf32, #tpu.memory_space<vmem>> -> memref<1x320xf32, #tpu.memory_space<vmem>>
      %dma_wait3A_152 = tpu.memref_squeeze %dma_wait3A_151 : memref<1x320xf32, #tpu.memory_space<vmem>> -> memref<320xf32, #tpu.memory_space<vmem>>
      %dma_wait3A_153 = tpu.memref_slice %arg4[%run_scoped3A_92, %mul3A_2] : memref<32x10240xf32, #tpu.memory_space<hbm>> -> memref<1x320xf32, #tpu.memory_space<hbm>>
      %dma_wait3A_154 = tpu.memref_squeeze %dma_wait3A_153 : memref<1x320xf32, #tpu.memory_space<hbm>> -> memref<320xf32, #tpu.memory_space<hbm>>
      %dma_wait3A_155 = arith.constant 0 : i32
      %dma_wait3A_156 = tpu.memref_slice %arg8[%run_scoped3A_93, %dma_wait3A_155] : memref<32x320xf32, #tpu.memory_space<vmem>> -> memref<1x320xf32, #tpu.memory_space<vmem>>
      %dma_wait3A_157 = tpu.memref_squeeze %dma_wait3A_156 : memref<1x320xf32, #tpu.memory_space<vmem>> -> memref<320xf32, #tpu.memory_space<vmem>>
      %dma_wait3A_158 = tpu.memref_slice %arg4[%run_scoped3A_92, %mul3A_2] : memref<32x10240xf32, #tpu.memory_space<hbm>> -> memref<1x320xf32, #tpu.memory_space<hbm>>
      %dma_wait3A_159 = tpu.memref_squeeze %dma_wait3A_158 : memref<1x320xf32, #tpu.memory_space<hbm>> -> memref<320xf32, #tpu.memory_space<hbm>>
      tpu.wait_dma2 semaphore(%run_scoped3A_141 : memref<!tpu.dma_semaphore, #tpu.memory_space<semaphore_mem>>) src(%dma_wait3A_159 : memref<320xf32, #tpu.memory_space<hbm>>) dst(%dma_wait3A_157 : memref<320xf32, #tpu.memory_space<vmem>>)
      tpu.yield
    }) : () -> ()
    %run_scoped3A_94 = arith.constant 23 : i32
    %run_scoped3A_95 = arith.constant 23 : i32
    "tpu.region"() ({
      %run_scoped3A_141 = tpu.sem_alloc : memref<!tpu.dma_semaphore, #tpu.memory_space<semaphore_mem>>
      %dma_start3A = arith.constant 0 : i32
      %dma_start3A_142 = tpu.memref_slice %arg7[%run_scoped3A_95, %dma_start3A] : memref<32x320xf32, #tpu.memory_space<vmem>> -> memref<1x320xf32, #tpu.memory_space<vmem>>
      %dma_start3A_143 = tpu.memref_squeeze %dma_start3A_142 : memref<1x320xf32, #tpu.memory_space<vmem>> -> memref<320xf32, #tpu.memory_space<vmem>>
      %dma_start3A_144 = tpu.memref_slice %arg3[%run_scoped3A_94, %mul3A_2] : memref<32x10240xf32, #tpu.memory_space<hbm>> -> memref<1x320xf32, #tpu.memory_space<hbm>>
      %dma_start3A_145 = tpu.memref_squeeze %dma_start3A_144 : memref<1x320xf32, #tpu.memory_space<hbm>> -> memref<320xf32, #tpu.memory_space<hbm>>
      %dma_start3A_146 = arith.constant 0 : i32
      %dma_start3A_147 = tpu.memref_slice %arg7[%run_scoped3A_95, %dma_start3A_146] : memref<32x320xf32, #tpu.memory_space<vmem>> -> memref<1x320xf32, #tpu.memory_space<vmem>>
      %dma_start3A_148 = tpu.memref_squeeze %dma_start3A_147 : memref<1x320xf32, #tpu.memory_space<vmem>> -> memref<320xf32, #tpu.memory_space<vmem>>
      %dma_start3A_149 = tpu.memref_slice %arg3[%run_scoped3A_94, %mul3A_2] : memref<32x10240xf32, #tpu.memory_space<hbm>> -> memref<1x320xf32, #tpu.memory_space<hbm>>
      %dma_start3A_150 = tpu.memref_squeeze %dma_start3A_149 : memref<1x320xf32, #tpu.memory_space<hbm>> -> memref<320xf32, #tpu.memory_space<hbm>>
      tpu.enqueue_dma source(%dma_start3A_150 : memref<320xf32, #tpu.memory_space<hbm>>) target(%dma_start3A_148 : memref<320xf32, #tpu.memory_space<vmem>>) target_semaphore(%run_scoped3A_141 : memref<!tpu.dma_semaphore, #tpu.memory_space<semaphore_mem>>)
      %dma_wait3A = arith.constant 0 : i32
      %dma_wait3A_151 = tpu.memref_slice %arg7[%run_scoped3A_95, %dma_wait3A] : memref<32x320xf32, #tpu.memory_space<vmem>> -> memref<1x320xf32, #tpu.memory_space<vmem>>
      %dma_wait3A_152 = tpu.memref_squeeze %dma_wait3A_151 : memref<1x320xf32, #tpu.memory_space<vmem>> -> memref<320xf32, #tpu.memory_space<vmem>>
      %dma_wait3A_153 = tpu.memref_slice %arg3[%run_scoped3A_94, %mul3A_2] : memref<32x10240xf32, #tpu.memory_space<hbm>> -> memref<1x320xf32, #tpu.memory_space<hbm>>
      %dma_wait3A_154 = tpu.memref_squeeze %dma_wait3A_153 : memref<1x320xf32, #tpu.memory_space<hbm>> -> memref<320xf32, #tpu.memory_space<hbm>>
      %dma_wait3A_155 = arith.constant 0 : i32
      %dma_wait3A_156 = tpu.memref_slice %arg7[%run_scoped3A_95, %dma_wait3A_155] : memref<32x320xf32, #tpu.memory_space<vmem>> -> memref<1x320xf32, #tpu.memory_space<vmem>>
      %dma_wait3A_157 = tpu.memref_squeeze %dma_wait3A_156 : memref<1x320xf32, #tpu.memory_space<vmem>> -> memref<320xf32, #tpu.memory_space<vmem>>
      %dma_wait3A_158 = tpu.memref_slice %arg3[%run_scoped3A_94, %mul3A_2] : memref<32x10240xf32, #tpu.memory_space<hbm>> -> memref<1x320xf32, #tpu.memory_space<hbm>>
      %dma_wait3A_159 = tpu.memref_squeeze %dma_wait3A_158 : memref<1x320xf32, #tpu.memory_space<hbm>> -> memref<320xf32, #tpu.memory_space<hbm>>
      tpu.wait_dma2 semaphore(%run_scoped3A_141 : memref<!tpu.dma_semaphore, #tpu.memory_space<semaphore_mem>>) src(%dma_wait3A_159 : memref<320xf32, #tpu.memory_space<hbm>>) dst(%dma_wait3A_157 : memref<320xf32, #tpu.memory_space<vmem>>)
      tpu.yield
    }) : () -> ()
    %run_scoped3A_96 = arith.constant 23 : i32
    %run_scoped3A_97 = arith.constant 23 : i32
    "tpu.region"() ({
      %run_scoped3A_141 = tpu.sem_alloc : memref<!tpu.dma_semaphore, #tpu.memory_space<semaphore_mem>>
      %dma_start3A = arith.constant 0 : i32
      %dma_start3A_142 = tpu.memref_slice %arg8[%run_scoped3A_97, %dma_start3A] : memref<32x320xf32, #tpu.memory_space<vmem>> -> memref<1x320xf32, #tpu.memory_space<vmem>>
      %dma_start3A_143 = tpu.memref_squeeze %dma_start3A_142 : memref<1x320xf32, #tpu.memory_space<vmem>> -> memref<320xf32, #tpu.memory_space<vmem>>
      %dma_start3A_144 = tpu.memref_slice %arg4[%run_scoped3A_96, %mul3A_2] : memref<32x10240xf32, #tpu.memory_space<hbm>> -> memref<1x320xf32, #tpu.memory_space<hbm>>
      %dma_start3A_145 = tpu.memref_squeeze %dma_start3A_144 : memref<1x320xf32, #tpu.memory_space<hbm>> -> memref<320xf32, #tpu.memory_space<hbm>>
      %dma_start3A_146 = arith.constant 0 : i32
      %dma_start3A_147 = tpu.memref_slice %arg8[%run_scoped3A_97, %dma_start3A_146] : memref<32x320xf32, #tpu.memory_space<vmem>> -> memref<1x320xf32, #tpu.memory_space<vmem>>
      %dma_start3A_148 = tpu.memref_squeeze %dma_start3A_147 : memref<1x320xf32, #tpu.memory_space<vmem>> -> memref<320xf32, #tpu.memory_space<vmem>>
      %dma_start3A_149 = tpu.memref_slice %arg4[%run_scoped3A_96, %mul3A_2] : memref<32x10240xf32, #tpu.memory_space<hbm>> -> memref<1x320xf32, #tpu.memory_space<hbm>>
      %dma_start3A_150 = tpu.memref_squeeze %dma_start3A_149 : memref<1x320xf32, #tpu.memory_space<hbm>> -> memref<320xf32, #tpu.memory_space<hbm>>
      tpu.enqueue_dma source(%dma_start3A_150 : memref<320xf32, #tpu.memory_space<hbm>>) target(%dma_start3A_148 : memref<320xf32, #tpu.memory_space<vmem>>) target_semaphore(%run_scoped3A_141 : memref<!tpu.dma_semaphore, #tpu.memory_space<semaphore_mem>>)
      %dma_wait3A = arith.constant 0 : i32
      %dma_wait3A_151 = tpu.memref_slice %arg8[%run_scoped3A_97, %dma_wait3A] : memref<32x320xf32, #tpu.memory_space<vmem>> -> memref<1x320xf32, #tpu.memory_space<vmem>>
      %dma_wait3A_152 = tpu.memref_squeeze %dma_wait3A_151 : memref<1x320xf32, #tpu.memory_space<vmem>> -> memref<320xf32, #tpu.memory_space<vmem>>
      %dma_wait3A_153 = tpu.memref_slice %arg4[%run_scoped3A_96, %mul3A_2] : memref<32x10240xf32, #tpu.memory_space<hbm>> -> memref<1x320xf32, #tpu.memory_space<hbm>>
      %dma_wait3A_154 = tpu.memref_squeeze %dma_wait3A_153 : memref<1x320xf32, #tpu.memory_space<hbm>> -> memref<320xf32, #tpu.memory_space<hbm>>
      %dma_wait3A_155 = arith.constant 0 : i32
      %dma_wait3A_156 = tpu.memref_slice %arg8[%run_scoped3A_97, %dma_wait3A_155] : memref<32x320xf32, #tpu.memory_space<vmem>> -> memref<1x320xf32, #tpu.memory_space<vmem>>
      %dma_wait3A_157 = tpu.memref_squeeze %dma_wait3A_156 : memref<1x320xf32, #tpu.memory_space<vmem>> -> memref<320xf32, #tpu.memory_space<vmem>>
      %dma_wait3A_158 = tpu.memref_slice %arg4[%run_scoped3A_96, %mul3A_2] : memref<32x10240xf32, #tpu.memory_space<hbm>> -> memref<1x320xf32, #tpu.memory_space<hbm>>
      %dma_wait3A_159 = tpu.memref_squeeze %dma_wait3A_158 : memref<1x320xf32, #tpu.memory_space<hbm>> -> memref<320xf32, #tpu.memory_space<hbm>>
      tpu.wait_dma2 semaphore(%run_scoped3A_141 : memref<!tpu.dma_semaphore, #tpu.memory_space<semaphore_mem>>) src(%dma_wait3A_159 : memref<320xf32, #tpu.memory_space<hbm>>) dst(%dma_wait3A_157 : memref<320xf32, #tpu.memory_space<vmem>>)
      tpu.yield
    }) : () -> ()
    %run_scoped3A_98 = arith.constant 24 : i32
    %run_scoped3A_99 = arith.constant 24 : i32
    "tpu.region"() ({
      %run_scoped3A_141 = tpu.sem_alloc : memref<!tpu.dma_semaphore, #tpu.memory_space<semaphore_mem>>
      %dma_start3A = arith.constant 0 : i32
      %dma_start3A_142 = tpu.memref_slice %arg7[%run_scoped3A_99, %dma_start3A] : memref<32x320xf32, #tpu.memory_space<vmem>> -> memref<1x320xf32, #tpu.memory_space<vmem>>
      %dma_start3A_143 = tpu.memref_squeeze %dma_start3A_142 : memref<1x320xf32, #tpu.memory_space<vmem>> -> memref<320xf32, #tpu.memory_space<vmem>>
      %dma_start3A_144 = tpu.memref_slice %arg3[%run_scoped3A_98, %mul3A_2] : memref<32x10240xf32, #tpu.memory_space<hbm>> -> memref<1x320xf32, #tpu.memory_space<hbm>>
      %dma_start3A_145 = tpu.memref_squeeze %dma_start3A_144 : memref<1x320xf32, #tpu.memory_space<hbm>> -> memref<320xf32, #tpu.memory_space<hbm>>
      %dma_start3A_146 = arith.constant 0 : i32
      %dma_start3A_147 = tpu.memref_slice %arg7[%run_scoped3A_99, %dma_start3A_146] : memref<32x320xf32, #tpu.memory_space<vmem>> -> memref<1x320xf32, #tpu.memory_space<vmem>>
      %dma_start3A_148 = tpu.memref_squeeze %dma_start3A_147 : memref<1x320xf32, #tpu.memory_space<vmem>> -> memref<320xf32, #tpu.memory_space<vmem>>
      %dma_start3A_149 = tpu.memref_slice %arg3[%run_scoped3A_98, %mul3A_2] : memref<32x10240xf32, #tpu.memory_space<hbm>> -> memref<1x320xf32, #tpu.memory_space<hbm>>
      %dma_start3A_150 = tpu.memref_squeeze %dma_start3A_149 : memref<1x320xf32, #tpu.memory_space<hbm>> -> memref<320xf32, #tpu.memory_space<hbm>>
      tpu.enqueue_dma source(%dma_start3A_150 : memref<320xf32, #tpu.memory_space<hbm>>) target(%dma_start3A_148 : memref<320xf32, #tpu.memory_space<vmem>>) target_semaphore(%run_scoped3A_141 : memref<!tpu.dma_semaphore, #tpu.memory_space<semaphore_mem>>)
      %dma_wait3A = arith.constant 0 : i32
      %dma_wait3A_151 = tpu.memref_slice %arg7[%run_scoped3A_99, %dma_wait3A] : memref<32x320xf32, #tpu.memory_space<vmem>> -> memref<1x320xf32, #tpu.memory_space<vmem>>
      %dma_wait3A_152 = tpu.memref_squeeze %dma_wait3A_151 : memref<1x320xf32, #tpu.memory_space<vmem>> -> memref<320xf32, #tpu.memory_space<vmem>>
      %dma_wait3A_153 = tpu.memref_slice %arg3[%run_scoped3A_98, %mul3A_2] : memref<32x10240xf32, #tpu.memory_space<hbm>> -> memref<1x320xf32, #tpu.memory_space<hbm>>
      %dma_wait3A_154 = tpu.memref_squeeze %dma_wait3A_153 : memref<1x320xf32, #tpu.memory_space<hbm>> -> memref<320xf32, #tpu.memory_space<hbm>>
      %dma_wait3A_155 = arith.constant 0 : i32
      %dma_wait3A_156 = tpu.memref_slice %arg7[%run_scoped3A_99, %dma_wait3A_155] : memref<32x320xf32, #tpu.memory_space<vmem>> -> memref<1x320xf32, #tpu.memory_space<vmem>>
      %dma_wait3A_157 = tpu.memref_squeeze %dma_wait3A_156 : memref<1x320xf32, #tpu.memory_space<vmem>> -> memref<320xf32, #tpu.memory_space<vmem>>
      %dma_wait3A_158 = tpu.memref_slice %arg3[%run_scoped3A_98, %mul3A_2] : memref<32x10240xf32, #tpu.memory_space<hbm>> -> memref<1x320xf32, #tpu.memory_space<hbm>>
      %dma_wait3A_159 = tpu.memref_squeeze %dma_wait3A_158 : memref<1x320xf32, #tpu.memory_space<hbm>> -> memref<320xf32, #tpu.memory_space<hbm>>
      tpu.wait_dma2 semaphore(%run_scoped3A_141 : memref<!tpu.dma_semaphore, #tpu.memory_space<semaphore_mem>>) src(%dma_wait3A_159 : memref<320xf32, #tpu.memory_space<hbm>>) dst(%dma_wait3A_157 : memref<320xf32, #tpu.memory_space<vmem>>)
      tpu.yield
    }) : () -> ()
    %run_scoped3A_100 = arith.constant 24 : i32
    %run_scoped3A_101 = arith.constant 24 : i32
    "tpu.region"() ({
      %run_scoped3A_141 = tpu.sem_alloc : memref<!tpu.dma_semaphore, #tpu.memory_space<semaphore_mem>>
      %dma_start3A = arith.constant 0 : i32
      %dma_start3A_142 = tpu.memref_slice %arg8[%run_scoped3A_101, %dma_start3A] : memref<32x320xf32, #tpu.memory_space<vmem>> -> memref<1x320xf32, #tpu.memory_space<vmem>>
      %dma_start3A_143 = tpu.memref_squeeze %dma_start3A_142 : memref<1x320xf32, #tpu.memory_space<vmem>> -> memref<320xf32, #tpu.memory_space<vmem>>
      %dma_start3A_144 = tpu.memref_slice %arg4[%run_scoped3A_100, %mul3A_2] : memref<32x10240xf32, #tpu.memory_space<hbm>> -> memref<1x320xf32, #tpu.memory_space<hbm>>
      %dma_start3A_145 = tpu.memref_squeeze %dma_start3A_144 : memref<1x320xf32, #tpu.memory_space<hbm>> -> memref<320xf32, #tpu.memory_space<hbm>>
      %dma_start3A_146 = arith.constant 0 : i32
      %dma_start3A_147 = tpu.memref_slice %arg8[%run_scoped3A_101, %dma_start3A_146] : memref<32x320xf32, #tpu.memory_space<vmem>> -> memref<1x320xf32, #tpu.memory_space<vmem>>
      %dma_start3A_148 = tpu.memref_squeeze %dma_start3A_147 : memref<1x320xf32, #tpu.memory_space<vmem>> -> memref<320xf32, #tpu.memory_space<vmem>>
      %dma_start3A_149 = tpu.memref_slice %arg4[%run_scoped3A_100, %mul3A_2] : memref<32x10240xf32, #tpu.memory_space<hbm>> -> memref<1x320xf32, #tpu.memory_space<hbm>>
      %dma_start3A_150 = tpu.memref_squeeze %dma_start3A_149 : memref<1x320xf32, #tpu.memory_space<hbm>> -> memref<320xf32, #tpu.memory_space<hbm>>
      tpu.enqueue_dma source(%dma_start3A_150 : memref<320xf32, #tpu.memory_space<hbm>>) target(%dma_start3A_148 : memref<320xf32, #tpu.memory_space<vmem>>) target_semaphore(%run_scoped3A_141 : memref<!tpu.dma_semaphore, #tpu.memory_space<semaphore_mem>>)
      %dma_wait3A = arith.constant 0 : i32
      %dma_wait3A_151 = tpu.memref_slice %arg8[%run_scoped3A_101, %dma_wait3A] : memref<32x320xf32, #tpu.memory_space<vmem>> -> memref<1x320xf32, #tpu.memory_space<vmem>>
      %dma_wait3A_152 = tpu.memref_squeeze %dma_wait3A_151 : memref<1x320xf32, #tpu.memory_space<vmem>> -> memref<320xf32, #tpu.memory_space<vmem>>
      %dma_wait3A_153 = tpu.memref_slice %arg4[%run_scoped3A_100, %mul3A_2] : memref<32x10240xf32, #tpu.memory_space<hbm>> -> memref<1x320xf32, #tpu.memory_space<hbm>>
      %dma_wait3A_154 = tpu.memref_squeeze %dma_wait3A_153 : memref<1x320xf32, #tpu.memory_space<hbm>> -> memref<320xf32, #tpu.memory_space<hbm>>
      %dma_wait3A_155 = arith.constant 0 : i32
      %dma_wait3A_156 = tpu.memref_slice %arg8[%run_scoped3A_101, %dma_wait3A_155] : memref<32x320xf32, #tpu.memory_space<vmem>> -> memref<1x320xf32, #tpu.memory_space<vmem>>
      %dma_wait3A_157 = tpu.memref_squeeze %dma_wait3A_156 : memref<1x320xf32, #tpu.memory_space<vmem>> -> memref<320xf32, #tpu.memory_space<vmem>>
      %dma_wait3A_158 = tpu.memref_slice %arg4[%run_scoped3A_100, %mul3A_2] : memref<32x10240xf32, #tpu.memory_space<hbm>> -> memref<1x320xf32, #tpu.memory_space<hbm>>
      %dma_wait3A_159 = tpu.memref_squeeze %dma_wait3A_158 : memref<1x320xf32, #tpu.memory_space<hbm>> -> memref<320xf32, #tpu.memory_space<hbm>>
      tpu.wait_dma2 semaphore(%run_scoped3A_141 : memref<!tpu.dma_semaphore, #tpu.memory_space<semaphore_mem>>) src(%dma_wait3A_159 : memref<320xf32, #tpu.memory_space<hbm>>) dst(%dma_wait3A_157 : memref<320xf32, #tpu.memory_space<vmem>>)
      tpu.yield
    }) : () -> ()
    %run_scoped3A_102 = arith.constant 25 : i32
    %run_scoped3A_103 = arith.constant 25 : i32
    "tpu.region"() ({
      %run_scoped3A_141 = tpu.sem_alloc : memref<!tpu.dma_semaphore, #tpu.memory_space<semaphore_mem>>
      %dma_start3A = arith.constant 0 : i32
      %dma_start3A_142 = tpu.memref_slice %arg7[%run_scoped3A_103, %dma_start3A] : memref<32x320xf32, #tpu.memory_space<vmem>> -> memref<1x320xf32, #tpu.memory_space<vmem>>
      %dma_start3A_143 = tpu.memref_squeeze %dma_start3A_142 : memref<1x320xf32, #tpu.memory_space<vmem>> -> memref<320xf32, #tpu.memory_space<vmem>>
      %dma_start3A_144 = tpu.memref_slice %arg3[%run_scoped3A_102, %mul3A_2] : memref<32x10240xf32, #tpu.memory_space<hbm>> -> memref<1x320xf32, #tpu.memory_space<hbm>>
      %dma_start3A_145 = tpu.memref_squeeze %dma_start3A_144 : memref<1x320xf32, #tpu.memory_space<hbm>> -> memref<320xf32, #tpu.memory_space<hbm>>
      %dma_start3A_146 = arith.constant 0 : i32
      %dma_start3A_147 = tpu.memref_slice %arg7[%run_scoped3A_103, %dma_start3A_146] : memref<32x320xf32, #tpu.memory_space<vmem>> -> memref<1x320xf32, #tpu.memory_space<vmem>>
      %dma_start3A_148 = tpu.memref_squeeze %dma_start3A_147 : memref<1x320xf32, #tpu.memory_space<vmem>> -> memref<320xf32, #tpu.memory_space<vmem>>
      %dma_start3A_149 = tpu.memref_slice %arg3[%run_scoped3A_102, %mul3A_2] : memref<32x10240xf32, #tpu.memory_space<hbm>> -> memref<1x320xf32, #tpu.memory_space<hbm>>
      %dma_start3A_150 = tpu.memref_squeeze %dma_start3A_149 : memref<1x320xf32, #tpu.memory_space<hbm>> -> memref<320xf32, #tpu.memory_space<hbm>>
      tpu.enqueue_dma source(%dma_start3A_150 : memref<320xf32, #tpu.memory_space<hbm>>) target(%dma_start3A_148 : memref<320xf32, #tpu.memory_space<vmem>>) target_semaphore(%run_scoped3A_141 : memref<!tpu.dma_semaphore, #tpu.memory_space<semaphore_mem>>)
      %dma_wait3A = arith.constant 0 : i32
      %dma_wait3A_151 = tpu.memref_slice %arg7[%run_scoped3A_103, %dma_wait3A] : memref<32x320xf32, #tpu.memory_space<vmem>> -> memref<1x320xf32, #tpu.memory_space<vmem>>
      %dma_wait3A_152 = tpu.memref_squeeze %dma_wait3A_151 : memref<1x320xf32, #tpu.memory_space<vmem>> -> memref<320xf32, #tpu.memory_space<vmem>>
      %dma_wait3A_153 = tpu.memref_slice %arg3[%run_scoped3A_102, %mul3A_2] : memref<32x10240xf32, #tpu.memory_space<hbm>> -> memref<1x320xf32, #tpu.memory_space<hbm>>
      %dma_wait3A_154 = tpu.memref_squeeze %dma_wait3A_153 : memref<1x320xf32, #tpu.memory_space<hbm>> -> memref<320xf32, #tpu.memory_space<hbm>>
      %dma_wait3A_155 = arith.constant 0 : i32
      %dma_wait3A_156 = tpu.memref_slice %arg7[%run_scoped3A_103, %dma_wait3A_155] : memref<32x320xf32, #tpu.memory_space<vmem>> -> memref<1x320xf32, #tpu.memory_space<vmem>>
      %dma_wait3A_157 = tpu.memref_squeeze %dma_wait3A_156 : memref<1x320xf32, #tpu.memory_space<vmem>> -> memref<320xf32, #tpu.memory_space<vmem>>
      %dma_wait3A_158 = tpu.memref_slice %arg3[%run_scoped3A_102, %mul3A_2] : memref<32x10240xf32, #tpu.memory_space<hbm>> -> memref<1x320xf32, #tpu.memory_space<hbm>>
      %dma_wait3A_159 = tpu.memref_squeeze %dma_wait3A_158 : memref<1x320xf32, #tpu.memory_space<hbm>> -> memref<320xf32, #tpu.memory_space<hbm>>
      tpu.wait_dma2 semaphore(%run_scoped3A_141 : memref<!tpu.dma_semaphore, #tpu.memory_space<semaphore_mem>>) src(%dma_wait3A_159 : memref<320xf32, #tpu.memory_space<hbm>>) dst(%dma_wait3A_157 : memref<320xf32, #tpu.memory_space<vmem>>)
      tpu.yield
    }) : () -> ()
    %run_scoped3A_104 = arith.constant 25 : i32
    %run_scoped3A_105 = arith.constant 25 : i32
    "tpu.region"() ({
      %run_scoped3A_141 = tpu.sem_alloc : memref<!tpu.dma_semaphore, #tpu.memory_space<semaphore_mem>>
      %dma_start3A = arith.constant 0 : i32
      %dma_start3A_142 = tpu.memref_slice %arg8[%run_scoped3A_105, %dma_start3A] : memref<32x320xf32, #tpu.memory_space<vmem>> -> memref<1x320xf32, #tpu.memory_space<vmem>>
      %dma_start3A_143 = tpu.memref_squeeze %dma_start3A_142 : memref<1x320xf32, #tpu.memory_space<vmem>> -> memref<320xf32, #tpu.memory_space<vmem>>
      %dma_start3A_144 = tpu.memref_slice %arg4[%run_scoped3A_104, %mul3A_2] : memref<32x10240xf32, #tpu.memory_space<hbm>> -> memref<1x320xf32, #tpu.memory_space<hbm>>
      %dma_start3A_145 = tpu.memref_squeeze %dma_start3A_144 : memref<1x320xf32, #tpu.memory_space<hbm>> -> memref<320xf32, #tpu.memory_space<hbm>>
      %dma_start3A_146 = arith.constant 0 : i32
      %dma_start3A_147 = tpu.memref_slice %arg8[%run_scoped3A_105, %dma_start3A_146] : memref<32x320xf32, #tpu.memory_space<vmem>> -> memref<1x320xf32, #tpu.memory_space<vmem>>
      %dma_start3A_148 = tpu.memref_squeeze %dma_start3A_147 : memref<1x320xf32, #tpu.memory_space<vmem>> -> memref<320xf32, #tpu.memory_space<vmem>>
      %dma_start3A_149 = tpu.memref_slice %arg4[%run_scoped3A_104, %mul3A_2] : memref<32x10240xf32, #tpu.memory_space<hbm>> -> memref<1x320xf32, #tpu.memory_space<hbm>>
      %dma_start3A_150 = tpu.memref_squeeze %dma_start3A_149 : memref<1x320xf32, #tpu.memory_space<hbm>> -> memref<320xf32, #tpu.memory_space<hbm>>
      tpu.enqueue_dma source(%dma_start3A_150 : memref<320xf32, #tpu.memory_space<hbm>>) target(%dma_start3A_148 : memref<320xf32, #tpu.memory_space<vmem>>) target_semaphore(%run_scoped3A_141 : memref<!tpu.dma_semaphore, #tpu.memory_space<semaphore_mem>>)
      %dma_wait3A = arith.constant 0 : i32
      %dma_wait3A_151 = tpu.memref_slice %arg8[%run_scoped3A_105, %dma_wait3A] : memref<32x320xf32, #tpu.memory_space<vmem>> -> memref<1x320xf32, #tpu.memory_space<vmem>>
      %dma_wait3A_152 = tpu.memref_squeeze %dma_wait3A_151 : memref<1x320xf32, #tpu.memory_space<vmem>> -> memref<320xf32, #tpu.memory_space<vmem>>
      %dma_wait3A_153 = tpu.memref_slice %arg4[%run_scoped3A_104, %mul3A_2] : memref<32x10240xf32, #tpu.memory_space<hbm>> -> memref<1x320xf32, #tpu.memory_space<hbm>>
      %dma_wait3A_154 = tpu.memref_squeeze %dma_wait3A_153 : memref<1x320xf32, #tpu.memory_space<hbm>> -> memref<320xf32, #tpu.memory_space<hbm>>
      %dma_wait3A_155 = arith.constant 0 : i32
      %dma_wait3A_156 = tpu.memref_slice %arg8[%run_scoped3A_105, %dma_wait3A_155] : memref<32x320xf32, #tpu.memory_space<vmem>> -> memref<1x320xf32, #tpu.memory_space<vmem>>
      %dma_wait3A_157 = tpu.memref_squeeze %dma_wait3A_156 : memref<1x320xf32, #tpu.memory_space<vmem>> -> memref<320xf32, #tpu.memory_space<vmem>>
      %dma_wait3A_158 = tpu.memref_slice %arg4[%run_scoped3A_104, %mul3A_2] : memref<32x10240xf32, #tpu.memory_space<hbm>> -> memref<1x320xf32, #tpu.memory_space<hbm>>
      %dma_wait3A_159 = tpu.memref_squeeze %dma_wait3A_158 : memref<1x320xf32, #tpu.memory_space<hbm>> -> memref<320xf32, #tpu.memory_space<hbm>>
      tpu.wait_dma2 semaphore(%run_scoped3A_141 : memref<!tpu.dma_semaphore, #tpu.memory_space<semaphore_mem>>) src(%dma_wait3A_159 : memref<320xf32, #tpu.memory_space<hbm>>) dst(%dma_wait3A_157 : memref<320xf32, #tpu.memory_space<vmem>>)
      tpu.yield
    }) : () -> ()
    %run_scoped3A_106 = arith.constant 26 : i32
    %run_scoped3A_107 = arith.constant 26 : i32
    "tpu.region"() ({
      %run_scoped3A_141 = tpu.sem_alloc : memref<!tpu.dma_semaphore, #tpu.memory_space<semaphore_mem>>
      %dma_start3A = arith.constant 0 : i32
      %dma_start3A_142 = tpu.memref_slice %arg7[%run_scoped3A_107, %dma_start3A] : memref<32x320xf32, #tpu.memory_space<vmem>> -> memref<1x320xf32, #tpu.memory_space<vmem>>
      %dma_start3A_143 = tpu.memref_squeeze %dma_start3A_142 : memref<1x320xf32, #tpu.memory_space<vmem>> -> memref<320xf32, #tpu.memory_space<vmem>>
      %dma_start3A_144 = tpu.memref_slice %arg3[%run_scoped3A_106, %mul3A_2] : memref<32x10240xf32, #tpu.memory_space<hbm>> -> memref<1x320xf32, #tpu.memory_space<hbm>>
      %dma_start3A_145 = tpu.memref_squeeze %dma_start3A_144 : memref<1x320xf32, #tpu.memory_space<hbm>> -> memref<320xf32, #tpu.memory_space<hbm>>
      %dma_start3A_146 = arith.constant 0 : i32
      %dma_start3A_147 = tpu.memref_slice %arg7[%run_scoped3A_107, %dma_start3A_146] : memref<32x320xf32, #tpu.memory_space<vmem>> -> memref<1x320xf32, #tpu.memory_space<vmem>>
      %dma_start3A_148 = tpu.memref_squeeze %dma_start3A_147 : memref<1x320xf32, #tpu.memory_space<vmem>> -> memref<320xf32, #tpu.memory_space<vmem>>
      %dma_start3A_149 = tpu.memref_slice %arg3[%run_scoped3A_106, %mul3A_2] : memref<32x10240xf32, #tpu.memory_space<hbm>> -> memref<1x320xf32, #tpu.memory_space<hbm>>
      %dma_start3A_150 = tpu.memref_squeeze %dma_start3A_149 : memref<1x320xf32, #tpu.memory_space<hbm>> -> memref<320xf32, #tpu.memory_space<hbm>>
      tpu.enqueue_dma source(%dma_start3A_150 : memref<320xf32, #tpu.memory_space<hbm>>) target(%dma_start3A_148 : memref<320xf32, #tpu.memory_space<vmem>>) target_semaphore(%run_scoped3A_141 : memref<!tpu.dma_semaphore, #tpu.memory_space<semaphore_mem>>)
      %dma_wait3A = arith.constant 0 : i32
      %dma_wait3A_151 = tpu.memref_slice %arg7[%run_scoped3A_107, %dma_wait3A] : memref<32x320xf32, #tpu.memory_space<vmem>> -> memref<1x320xf32, #tpu.memory_space<vmem>>
      %dma_wait3A_152 = tpu.memref_squeeze %dma_wait3A_151 : memref<1x320xf32, #tpu.memory_space<vmem>> -> memref<320xf32, #tpu.memory_space<vmem>>
      %dma_wait3A_153 = tpu.memref_slice %arg3[%run_scoped3A_106, %mul3A_2] : memref<32x10240xf32, #tpu.memory_space<hbm>> -> memref<1x320xf32, #tpu.memory_space<hbm>>
      %dma_wait3A_154 = tpu.memref_squeeze %dma_wait3A_153 : memref<1x320xf32, #tpu.memory_space<hbm>> -> memref<320xf32, #tpu.memory_space<hbm>>
      %dma_wait3A_155 = arith.constant 0 : i32
      %dma_wait3A_156 = tpu.memref_slice %arg7[%run_scoped3A_107, %dma_wait3A_155] : memref<32x320xf32, #tpu.memory_space<vmem>> -> memref<1x320xf32, #tpu.memory_space<vmem>>
      %dma_wait3A_157 = tpu.memref_squeeze %dma_wait3A_156 : memref<1x320xf32, #tpu.memory_space<vmem>> -> memref<320xf32, #tpu.memory_space<vmem>>
      %dma_wait3A_158 = tpu.memref_slice %arg3[%run_scoped3A_106, %mul3A_2] : memref<32x10240xf32, #tpu.memory_space<hbm>> -> memref<1x320xf32, #tpu.memory_space<hbm>>
      %dma_wait3A_159 = tpu.memref_squeeze %dma_wait3A_158 : memref<1x320xf32, #tpu.memory_space<hbm>> -> memref<320xf32, #tpu.memory_space<hbm>>
      tpu.wait_dma2 semaphore(%run_scoped3A_141 : memref<!tpu.dma_semaphore, #tpu.memory_space<semaphore_mem>>) src(%dma_wait3A_159 : memref<320xf32, #tpu.memory_space<hbm>>) dst(%dma_wait3A_157 : memref<320xf32, #tpu.memory_space<vmem>>)
      tpu.yield
    }) : () -> ()
    %run_scoped3A_108 = arith.constant 26 : i32
    %run_scoped3A_109 = arith.constant 26 : i32
    "tpu.region"() ({
      %run_scoped3A_141 = tpu.sem_alloc : memref<!tpu.dma_semaphore, #tpu.memory_space<semaphore_mem>>
      %dma_start3A = arith.constant 0 : i32
      %dma_start3A_142 = tpu.memref_slice %arg8[%run_scoped3A_109, %dma_start3A] : memref<32x320xf32, #tpu.memory_space<vmem>> -> memref<1x320xf32, #tpu.memory_space<vmem>>
      %dma_start3A_143 = tpu.memref_squeeze %dma_start3A_142 : memref<1x320xf32, #tpu.memory_space<vmem>> -> memref<320xf32, #tpu.memory_space<vmem>>
      %dma_start3A_144 = tpu.memref_slice %arg4[%run_scoped3A_108, %mul3A_2] : memref<32x10240xf32, #tpu.memory_space<hbm>> -> memref<1x320xf32, #tpu.memory_space<hbm>>
      %dma_start3A_145 = tpu.memref_squeeze %dma_start3A_144 : memref<1x320xf32, #tpu.memory_space<hbm>> -> memref<320xf32, #tpu.memory_space<hbm>>
      %dma_start3A_146 = arith.constant 0 : i32
      %dma_start3A_147 = tpu.memref_slice %arg8[%run_scoped3A_109, %dma_start3A_146] : memref<32x320xf32, #tpu.memory_space<vmem>> -> memref<1x320xf32, #tpu.memory_space<vmem>>
      %dma_start3A_148 = tpu.memref_squeeze %dma_start3A_147 : memref<1x320xf32, #tpu.memory_space<vmem>> -> memref<320xf32, #tpu.memory_space<vmem>>
      %dma_start3A_149 = tpu.memref_slice %arg4[%run_scoped3A_108, %mul3A_2] : memref<32x10240xf32, #tpu.memory_space<hbm>> -> memref<1x320xf32, #tpu.memory_space<hbm>>
      %dma_start3A_150 = tpu.memref_squeeze %dma_start3A_149 : memref<1x320xf32, #tpu.memory_space<hbm>> -> memref<320xf32, #tpu.memory_space<hbm>>
      tpu.enqueue_dma source(%dma_start3A_150 : memref<320xf32, #tpu.memory_space<hbm>>) target(%dma_start3A_148 : memref<320xf32, #tpu.memory_space<vmem>>) target_semaphore(%run_scoped3A_141 : memref<!tpu.dma_semaphore, #tpu.memory_space<semaphore_mem>>)
      %dma_wait3A = arith.constant 0 : i32
      %dma_wait3A_151 = tpu.memref_slice %arg8[%run_scoped3A_109, %dma_wait3A] : memref<32x320xf32, #tpu.memory_space<vmem>> -> memref<1x320xf32, #tpu.memory_space<vmem>>
      %dma_wait3A_152 = tpu.memref_squeeze %dma_wait3A_151 : memref<1x320xf32, #tpu.memory_space<vmem>> -> memref<320xf32, #tpu.memory_space<vmem>>
      %dma_wait3A_153 = tpu.memref_slice %arg4[%run_scoped3A_108, %mul3A_2] : memref<32x10240xf32, #tpu.memory_space<hbm>> -> memref<1x320xf32, #tpu.memory_space<hbm>>
      %dma_wait3A_154 = tpu.memref_squeeze %dma_wait3A_153 : memref<1x320xf32, #tpu.memory_space<hbm>> -> memref<320xf32, #tpu.memory_space<hbm>>
      %dma_wait3A_155 = arith.constant 0 : i32
      %dma_wait3A_156 = tpu.memref_slice %arg8[%run_scoped3A_109, %dma_wait3A_155] : memref<32x320xf32, #tpu.memory_space<vmem>> -> memref<1x320xf32, #tpu.memory_space<vmem>>
      %dma_wait3A_157 = tpu.memref_squeeze %dma_wait3A_156 : memref<1x320xf32, #tpu.memory_space<vmem>> -> memref<320xf32, #tpu.memory_space<vmem>>
      %dma_wait3A_158 = tpu.memref_slice %arg4[%run_scoped3A_108, %mul3A_2] : memref<32x10240xf32, #tpu.memory_space<hbm>> -> memref<1x320xf32, #tpu.memory_space<hbm>>
      %dma_wait3A_159 = tpu.memref_squeeze %dma_wait3A_158 : memref<1x320xf32, #tpu.memory_space<hbm>> -> memref<320xf32, #tpu.memory_space<hbm>>
      tpu.wait_dma2 semaphore(%run_scoped3A_141 : memref<!tpu.dma_semaphore, #tpu.memory_space<semaphore_mem>>) src(%dma_wait3A_159 : memref<320xf32, #tpu.memory_space<hbm>>) dst(%dma_wait3A_157 : memref<320xf32, #tpu.memory_space<vmem>>)
      tpu.yield
    }) : () -> ()
    %run_scoped3A_110 = arith.constant 27 : i32
    %run_scoped3A_111 = arith.constant 27 : i32
    "tpu.region"() ({
      %run_scoped3A_141 = tpu.sem_alloc : memref<!tpu.dma_semaphore, #tpu.memory_space<semaphore_mem>>
      %dma_start3A = arith.constant 0 : i32
      %dma_start3A_142 = tpu.memref_slice %arg7[%run_scoped3A_111, %dma_start3A] : memref<32x320xf32, #tpu.memory_space<vmem>> -> memref<1x320xf32, #tpu.memory_space<vmem>>
      %dma_start3A_143 = tpu.memref_squeeze %dma_start3A_142 : memref<1x320xf32, #tpu.memory_space<vmem>> -> memref<320xf32, #tpu.memory_space<vmem>>
      %dma_start3A_144 = tpu.memref_slice %arg3[%run_scoped3A_110, %mul3A_2] : memref<32x10240xf32, #tpu.memory_space<hbm>> -> memref<1x320xf32, #tpu.memory_space<hbm>>
      %dma_start3A_145 = tpu.memref_squeeze %dma_start3A_144 : memref<1x320xf32, #tpu.memory_space<hbm>> -> memref<320xf32, #tpu.memory_space<hbm>>
      %dma_start3A_146 = arith.constant 0 : i32
      %dma_start3A_147 = tpu.memref_slice %arg7[%run_scoped3A_111, %dma_start3A_146] : memref<32x320xf32, #tpu.memory_space<vmem>> -> memref<1x320xf32, #tpu.memory_space<vmem>>
      %dma_start3A_148 = tpu.memref_squeeze %dma_start3A_147 : memref<1x320xf32, #tpu.memory_space<vmem>> -> memref<320xf32, #tpu.memory_space<vmem>>
      %dma_start3A_149 = tpu.memref_slice %arg3[%run_scoped3A_110, %mul3A_2] : memref<32x10240xf32, #tpu.memory_space<hbm>> -> memref<1x320xf32, #tpu.memory_space<hbm>>
      %dma_start3A_150 = tpu.memref_squeeze %dma_start3A_149 : memref<1x320xf32, #tpu.memory_space<hbm>> -> memref<320xf32, #tpu.memory_space<hbm>>
      tpu.enqueue_dma source(%dma_start3A_150 : memref<320xf32, #tpu.memory_space<hbm>>) target(%dma_start3A_148 : memref<320xf32, #tpu.memory_space<vmem>>) target_semaphore(%run_scoped3A_141 : memref<!tpu.dma_semaphore, #tpu.memory_space<semaphore_mem>>)
      %dma_wait3A = arith.constant 0 : i32
      %dma_wait3A_151 = tpu.memref_slice %arg7[%run_scoped3A_111, %dma_wait3A] : memref<32x320xf32, #tpu.memory_space<vmem>> -> memref<1x320xf32, #tpu.memory_space<vmem>>
      %dma_wait3A_152 = tpu.memref_squeeze %dma_wait3A_151 : memref<1x320xf32, #tpu.memory_space<vmem>> -> memref<320xf32, #tpu.memory_space<vmem>>
      %dma_wait3A_153 = tpu.memref_slice %arg3[%run_scoped3A_110, %mul3A_2] : memref<32x10240xf32, #tpu.memory_space<hbm>> -> memref<1x320xf32, #tpu.memory_space<hbm>>
      %dma_wait3A_154 = tpu.memref_squeeze %dma_wait3A_153 : memref<1x320xf32, #tpu.memory_space<hbm>> -> memref<320xf32, #tpu.memory_space<hbm>>
      %dma_wait3A_155 = arith.constant 0 : i32
      %dma_wait3A_156 = tpu.memref_slice %arg7[%run_scoped3A_111, %dma_wait3A_155] : memref<32x320xf32, #tpu.memory_space<vmem>> -> memref<1x320xf32, #tpu.memory_space<vmem>>
      %dma_wait3A_157 = tpu.memref_squeeze %dma_wait3A_156 : memref<1x320xf32, #tpu.memory_space<vmem>> -> memref<320xf32, #tpu.memory_space<vmem>>
      %dma_wait3A_158 = tpu.memref_slice %arg3[%run_scoped3A_110, %mul3A_2] : memref<32x10240xf32, #tpu.memory_space<hbm>> -> memref<1x320xf32, #tpu.memory_space<hbm>>
      %dma_wait3A_159 = tpu.memref_squeeze %dma_wait3A_158 : memref<1x320xf32, #tpu.memory_space<hbm>> -> memref<320xf32, #tpu.memory_space<hbm>>
      tpu.wait_dma2 semaphore(%run_scoped3A_141 : memref<!tpu.dma_semaphore, #tpu.memory_space<semaphore_mem>>) src(%dma_wait3A_159 : memref<320xf32, #tpu.memory_space<hbm>>) dst(%dma_wait3A_157 : memref<320xf32, #tpu.memory_space<vmem>>)
      tpu.yield
    }) : () -> ()
    %run_scoped3A_112 = arith.constant 27 : i32
    %run_scoped3A_113 = arith.constant 27 : i32
    "tpu.region"() ({
      %run_scoped3A_141 = tpu.sem_alloc : memref<!tpu.dma_semaphore, #tpu.memory_space<semaphore_mem>>
      %dma_start3A = arith.constant 0 : i32
      %dma_start3A_142 = tpu.memref_slice %arg8[%run_scoped3A_113, %dma_start3A] : memref<32x320xf32, #tpu.memory_space<vmem>> -> memref<1x320xf32, #tpu.memory_space<vmem>>
      %dma_start3A_143 = tpu.memref_squeeze %dma_start3A_142 : memref<1x320xf32, #tpu.memory_space<vmem>> -> memref<320xf32, #tpu.memory_space<vmem>>
      %dma_start3A_144 = tpu.memref_slice %arg4[%run_scoped3A_112, %mul3A_2] : memref<32x10240xf32, #tpu.memory_space<hbm>> -> memref<1x320xf32, #tpu.memory_space<hbm>>
      %dma_start3A_145 = tpu.memref_squeeze %dma_start3A_144 : memref<1x320xf32, #tpu.memory_space<hbm>> -> memref<320xf32, #tpu.memory_space<hbm>>
      %dma_start3A_146 = arith.constant 0 : i32
      %dma_start3A_147 = tpu.memref_slice %arg8[%run_scoped3A_113, %dma_start3A_146] : memref<32x320xf32, #tpu.memory_space<vmem>> -> memref<1x320xf32, #tpu.memory_space<vmem>>
      %dma_start3A_148 = tpu.memref_squeeze %dma_start3A_147 : memref<1x320xf32, #tpu.memory_space<vmem>> -> memref<320xf32, #tpu.memory_space<vmem>>
      %dma_start3A_149 = tpu.memref_slice %arg4[%run_scoped3A_112, %mul3A_2] : memref<32x10240xf32, #tpu.memory_space<hbm>> -> memref<1x320xf32, #tpu.memory_space<hbm>>
      %dma_start3A_150 = tpu.memref_squeeze %dma_start3A_149 : memref<1x320xf32, #tpu.memory_space<hbm>> -> memref<320xf32, #tpu.memory_space<hbm>>
      tpu.enqueue_dma source(%dma_start3A_150 : memref<320xf32, #tpu.memory_space<hbm>>) target(%dma_start3A_148 : memref<320xf32, #tpu.memory_space<vmem>>) target_semaphore(%run_scoped3A_141 : memref<!tpu.dma_semaphore, #tpu.memory_space<semaphore_mem>>)
      %dma_wait3A = arith.constant 0 : i32
      %dma_wait3A_151 = tpu.memref_slice %arg8[%run_scoped3A_113, %dma_wait3A] : memref<32x320xf32, #tpu.memory_space<vmem>> -> memref<1x320xf32, #tpu.memory_space<vmem>>
      %dma_wait3A_152 = tpu.memref_squeeze %dma_wait3A_151 : memref<1x320xf32, #tpu.memory_space<vmem>> -> memref<320xf32, #tpu.memory_space<vmem>>
      %dma_wait3A_153 = tpu.memref_slice %arg4[%run_scoped3A_112, %mul3A_2] : memref<32x10240xf32, #tpu.memory_space<hbm>> -> memref<1x320xf32, #tpu.memory_space<hbm>>
      %dma_wait3A_154 = tpu.memref_squeeze %dma_wait3A_153 : memref<1x320xf32, #tpu.memory_space<hbm>> -> memref<320xf32, #tpu.memory_space<hbm>>
      %dma_wait3A_155 = arith.constant 0 : i32
      %dma_wait3A_156 = tpu.memref_slice %arg8[%run_scoped3A_113, %dma_wait3A_155] : memref<32x320xf32, #tpu.memory_space<vmem>> -> memref<1x320xf32, #tpu.memory_space<vmem>>
      %dma_wait3A_157 = tpu.memref_squeeze %dma_wait3A_156 : memref<1x320xf32, #tpu.memory_space<vmem>> -> memref<320xf32, #tpu.memory_space<vmem>>
      %dma_wait3A_158 = tpu.memref_slice %arg4[%run_scoped3A_112, %mul3A_2] : memref<32x10240xf32, #tpu.memory_space<hbm>> -> memref<1x320xf32, #tpu.memory_space<hbm>>
      %dma_wait3A_159 = tpu.memref_squeeze %dma_wait3A_158 : memref<1x320xf32, #tpu.memory_space<hbm>> -> memref<320xf32, #tpu.memory_space<hbm>>
      tpu.wait_dma2 semaphore(%run_scoped3A_141 : memref<!tpu.dma_semaphore, #tpu.memory_space<semaphore_mem>>) src(%dma_wait3A_159 : memref<320xf32, #tpu.memory_space<hbm>>) dst(%dma_wait3A_157 : memref<320xf32, #tpu.memory_space<vmem>>)
      tpu.yield
    }) : () -> ()
    %run_scoped3A_114 = arith.constant 28 : i32
    %run_scoped3A_115 = arith.constant 28 : i32
    "tpu.region"() ({
      %run_scoped3A_141 = tpu.sem_alloc : memref<!tpu.dma_semaphore, #tpu.memory_space<semaphore_mem>>
      %dma_start3A = arith.constant 0 : i32
      %dma_start3A_142 = tpu.memref_slice %arg7[%run_scoped3A_115, %dma_start3A] : memref<32x320xf32, #tpu.memory_space<vmem>> -> memref<1x320xf32, #tpu.memory_space<vmem>>
      %dma_start3A_143 = tpu.memref_squeeze %dma_start3A_142 : memref<1x320xf32, #tpu.memory_space<vmem>> -> memref<320xf32, #tpu.memory_space<vmem>>
      %dma_start3A_144 = tpu.memref_slice %arg3[%run_scoped3A_114, %mul3A_2] : memref<32x10240xf32, #tpu.memory_space<hbm>> -> memref<1x320xf32, #tpu.memory_space<hbm>>
      %dma_start3A_145 = tpu.memref_squeeze %dma_start3A_144 : memref<1x320xf32, #tpu.memory_space<hbm>> -> memref<320xf32, #tpu.memory_space<hbm>>
      %dma_start3A_146 = arith.constant 0 : i32
      %dma_start3A_147 = tpu.memref_slice %arg7[%run_scoped3A_115, %dma_start3A_146] : memref<32x320xf32, #tpu.memory_space<vmem>> -> memref<1x320xf32, #tpu.memory_space<vmem>>
      %dma_start3A_148 = tpu.memref_squeeze %dma_start3A_147 : memref<1x320xf32, #tpu.memory_space<vmem>> -> memref<320xf32, #tpu.memory_space<vmem>>
      %dma_start3A_149 = tpu.memref_slice %arg3[%run_scoped3A_114, %mul3A_2] : memref<32x10240xf32, #tpu.memory_space<hbm>> -> memref<1x320xf32, #tpu.memory_space<hbm>>
      %dma_start3A_150 = tpu.memref_squeeze %dma_start3A_149 : memref<1x320xf32, #tpu.memory_space<hbm>> -> memref<320xf32, #tpu.memory_space<hbm>>
      tpu.enqueue_dma source(%dma_start3A_150 : memref<320xf32, #tpu.memory_space<hbm>>) target(%dma_start3A_148 : memref<320xf32, #tpu.memory_space<vmem>>) target_semaphore(%run_scoped3A_141 : memref<!tpu.dma_semaphore, #tpu.memory_space<semaphore_mem>>)
      %dma_wait3A = arith.constant 0 : i32
      %dma_wait3A_151 = tpu.memref_slice %arg7[%run_scoped3A_115, %dma_wait3A] : memref<32x320xf32, #tpu.memory_space<vmem>> -> memref<1x320xf32, #tpu.memory_space<vmem>>
      %dma_wait3A_152 = tpu.memref_squeeze %dma_wait3A_151 : memref<1x320xf32, #tpu.memory_space<vmem>> -> memref<320xf32, #tpu.memory_space<vmem>>
      %dma_wait3A_153 = tpu.memref_slice %arg3[%run_scoped3A_114, %mul3A_2] : memref<32x10240xf32, #tpu.memory_space<hbm>> -> memref<1x320xf32, #tpu.memory_space<hbm>>
      %dma_wait3A_154 = tpu.memref_squeeze %dma_wait3A_153 : memref<1x320xf32, #tpu.memory_space<hbm>> -> memref<320xf32, #tpu.memory_space<hbm>>
      %dma_wait3A_155 = arith.constant 0 : i32
      %dma_wait3A_156 = tpu.memref_slice %arg7[%run_scoped3A_115, %dma_wait3A_155] : memref<32x320xf32, #tpu.memory_space<vmem>> -> memref<1x320xf32, #tpu.memory_space<vmem>>
      %dma_wait3A_157 = tpu.memref_squeeze %dma_wait3A_156 : memref<1x320xf32, #tpu.memory_space<vmem>> -> memref<320xf32, #tpu.memory_space<vmem>>
      %dma_wait3A_158 = tpu.memref_slice %arg3[%run_scoped3A_114, %mul3A_2] : memref<32x10240xf32, #tpu.memory_space<hbm>> -> memref<1x320xf32, #tpu.memory_space<hbm>>
      %dma_wait3A_159 = tpu.memref_squeeze %dma_wait3A_158 : memref<1x320xf32, #tpu.memory_space<hbm>> -> memref<320xf32, #tpu.memory_space<hbm>>
      tpu.wait_dma2 semaphore(%run_scoped3A_141 : memref<!tpu.dma_semaphore, #tpu.memory_space<semaphore_mem>>) src(%dma_wait3A_159 : memref<320xf32, #tpu.memory_space<hbm>>) dst(%dma_wait3A_157 : memref<320xf32, #tpu.memory_space<vmem>>)
      tpu.yield
    }) : () -> ()
    %run_scoped3A_116 = arith.constant 28 : i32
    %run_scoped3A_117 = arith.constant 28 : i32
    "tpu.region"() ({
      %run_scoped3A_141 = tpu.sem_alloc : memref<!tpu.dma_semaphore, #tpu.memory_space<semaphore_mem>>
      %dma_start3A = arith.constant 0 : i32
      %dma_start3A_142 = tpu.memref_slice %arg8[%run_scoped3A_117, %dma_start3A] : memref<32x320xf32, #tpu.memory_space<vmem>> -> memref<1x320xf32, #tpu.memory_space<vmem>>
      %dma_start3A_143 = tpu.memref_squeeze %dma_start3A_142 : memref<1x320xf32, #tpu.memory_space<vmem>> -> memref<320xf32, #tpu.memory_space<vmem>>
      %dma_start3A_144 = tpu.memref_slice %arg4[%run_scoped3A_116, %mul3A_2] : memref<32x10240xf32, #tpu.memory_space<hbm>> -> memref<1x320xf32, #tpu.memory_space<hbm>>
      %dma_start3A_145 = tpu.memref_squeeze %dma_start3A_144 : memref<1x320xf32, #tpu.memory_space<hbm>> -> memref<320xf32, #tpu.memory_space<hbm>>
      %dma_start3A_146 = arith.constant 0 : i32
      %dma_start3A_147 = tpu.memref_slice %arg8[%run_scoped3A_117, %dma_start3A_146] : memref<32x320xf32, #tpu.memory_space<vmem>> -> memref<1x320xf32, #tpu.memory_space<vmem>>
      %dma_start3A_148 = tpu.memref_squeeze %dma_start3A_147 : memref<1x320xf32, #tpu.memory_space<vmem>> -> memref<320xf32, #tpu.memory_space<vmem>>
      %dma_start3A_149 = tpu.memref_slice %arg4[%run_scoped3A_116, %mul3A_2] : memref<32x10240xf32, #tpu.memory_space<hbm>> -> memref<1x320xf32, #tpu.memory_space<hbm>>
      %dma_start3A_150 = tpu.memref_squeeze %dma_start3A_149 : memref<1x320xf32, #tpu.memory_space<hbm>> -> memref<320xf32, #tpu.memory_space<hbm>>
      tpu.enqueue_dma source(%dma_start3A_150 : memref<320xf32, #tpu.memory_space<hbm>>) target(%dma_start3A_148 : memref<320xf32, #tpu.memory_space<vmem>>) target_semaphore(%run_scoped3A_141 : memref<!tpu.dma_semaphore, #tpu.memory_space<semaphore_mem>>)
      %dma_wait3A = arith.constant 0 : i32
      %dma_wait3A_151 = tpu.memref_slice %arg8[%run_scoped3A_117, %dma_wait3A] : memref<32x320xf32, #tpu.memory_space<vmem>> -> memref<1x320xf32, #tpu.memory_space<vmem>>
      %dma_wait3A_152 = tpu.memref_squeeze %dma_wait3A_151 : memref<1x320xf32, #tpu.memory_space<vmem>> -> memref<320xf32, #tpu.memory_space<vmem>>
      %dma_wait3A_153 = tpu.memref_slice %arg4[%run_scoped3A_116, %mul3A_2] : memref<32x10240xf32, #tpu.memory_space<hbm>> -> memref<1x320xf32, #tpu.memory_space<hbm>>
      %dma_wait3A_154 = tpu.memref_squeeze %dma_wait3A_153 : memref<1x320xf32, #tpu.memory_space<hbm>> -> memref<320xf32, #tpu.memory_space<hbm>>
      %dma_wait3A_155 = arith.constant 0 : i32
      %dma_wait3A_156 = tpu.memref_slice %arg8[%run_scoped3A_117, %dma_wait3A_155] : memref<32x320xf32, #tpu.memory_space<vmem>> -> memref<1x320xf32, #tpu.memory_space<vmem>>
      %dma_wait3A_157 = tpu.memref_squeeze %dma_wait3A_156 : memref<1x320xf32, #tpu.memory_space<vmem>> -> memref<320xf32, #tpu.memory_space<vmem>>
      %dma_wait3A_158 = tpu.memref_slice %arg4[%run_scoped3A_116, %mul3A_2] : memref<32x10240xf32, #tpu.memory_space<hbm>> -> memref<1x320xf32, #tpu.memory_space<hbm>>
      %dma_wait3A_159 = tpu.memref_squeeze %dma_wait3A_158 : memref<1x320xf32, #tpu.memory_space<hbm>> -> memref<320xf32, #tpu.memory_space<hbm>>
      tpu.wait_dma2 semaphore(%run_scoped3A_141 : memref<!tpu.dma_semaphore, #tpu.memory_space<semaphore_mem>>) src(%dma_wait3A_159 : memref<320xf32, #tpu.memory_space<hbm>>) dst(%dma_wait3A_157 : memref<320xf32, #tpu.memory_space<vmem>>)
      tpu.yield
    }) : () -> ()
    %run_scoped3A_118 = arith.constant 29 : i32
    %run_scoped3A_119 = arith.constant 29 : i32
    "tpu.region"() ({
      %run_scoped3A_141 = tpu.sem_alloc : memref<!tpu.dma_semaphore, #tpu.memory_space<semaphore_mem>>
      %dma_start3A = arith.constant 0 : i32
      %dma_start3A_142 = tpu.memref_slice %arg7[%run_scoped3A_119, %dma_start3A] : memref<32x320xf32, #tpu.memory_space<vmem>> -> memref<1x320xf32, #tpu.memory_space<vmem>>
      %dma_start3A_143 = tpu.memref_squeeze %dma_start3A_142 : memref<1x320xf32, #tpu.memory_space<vmem>> -> memref<320xf32, #tpu.memory_space<vmem>>
      %dma_start3A_144 = tpu.memref_slice %arg3[%run_scoped3A_118, %mul3A_2] : memref<32x10240xf32, #tpu.memory_space<hbm>> -> memref<1x320xf32, #tpu.memory_space<hbm>>
      %dma_start3A_145 = tpu.memref_squeeze %dma_start3A_144 : memref<1x320xf32, #tpu.memory_space<hbm>> -> memref<320xf32, #tpu.memory_space<hbm>>
      %dma_start3A_146 = arith.constant 0 : i32
      %dma_start3A_147 = tpu.memref_slice %arg7[%run_scoped3A_119, %dma_start3A_146] : memref<32x320xf32, #tpu.memory_space<vmem>> -> memref<1x320xf32, #tpu.memory_space<vmem>>
      %dma_start3A_148 = tpu.memref_squeeze %dma_start3A_147 : memref<1x320xf32, #tpu.memory_space<vmem>> -> memref<320xf32, #tpu.memory_space<vmem>>
      %dma_start3A_149 = tpu.memref_slice %arg3[%run_scoped3A_118, %mul3A_2] : memref<32x10240xf32, #tpu.memory_space<hbm>> -> memref<1x320xf32, #tpu.memory_space<hbm>>
      %dma_start3A_150 = tpu.memref_squeeze %dma_start3A_149 : memref<1x320xf32, #tpu.memory_space<hbm>> -> memref<320xf32, #tpu.memory_space<hbm>>
      tpu.enqueue_dma source(%dma_start3A_150 : memref<320xf32, #tpu.memory_space<hbm>>) target(%dma_start3A_148 : memref<320xf32, #tpu.memory_space<vmem>>) target_semaphore(%run_scoped3A_141 : memref<!tpu.dma_semaphore, #tpu.memory_space<semaphore_mem>>)
      %dma_wait3A = arith.constant 0 : i32
      %dma_wait3A_151 = tpu.memref_slice %arg7[%run_scoped3A_119, %dma_wait3A] : memref<32x320xf32, #tpu.memory_space<vmem>> -> memref<1x320xf32, #tpu.memory_space<vmem>>
      %dma_wait3A_152 = tpu.memref_squeeze %dma_wait3A_151 : memref<1x320xf32, #tpu.memory_space<vmem>> -> memref<320xf32, #tpu.memory_space<vmem>>
      %dma_wait3A_153 = tpu.memref_slice %arg3[%run_scoped3A_118, %mul3A_2] : memref<32x10240xf32, #tpu.memory_space<hbm>> -> memref<1x320xf32, #tpu.memory_space<hbm>>
      %dma_wait3A_154 = tpu.memref_squeeze %dma_wait3A_153 : memref<1x320xf32, #tpu.memory_space<hbm>> -> memref<320xf32, #tpu.memory_space<hbm>>
      %dma_wait3A_155 = arith.constant 0 : i32
      %dma_wait3A_156 = tpu.memref_slice %arg7[%run_scoped3A_119, %dma_wait3A_155] : memref<32x320xf32, #tpu.memory_space<vmem>> -> memref<1x320xf32, #tpu.memory_space<vmem>>
      %dma_wait3A_157 = tpu.memref_squeeze %dma_wait3A_156 : memref<1x320xf32, #tpu.memory_space<vmem>> -> memref<320xf32, #tpu.memory_space<vmem>>
      %dma_wait3A_158 = tpu.memref_slice %arg3[%run_scoped3A_118, %mul3A_2] : memref<32x10240xf32, #tpu.memory_space<hbm>> -> memref<1x320xf32, #tpu.memory_space<hbm>>
      %dma_wait3A_159 = tpu.memref_squeeze %dma_wait3A_158 : memref<1x320xf32, #tpu.memory_space<hbm>> -> memref<320xf32, #tpu.memory_space<hbm>>
      tpu.wait_dma2 semaphore(%run_scoped3A_141 : memref<!tpu.dma_semaphore, #tpu.memory_space<semaphore_mem>>) src(%dma_wait3A_159 : memref<320xf32, #tpu.memory_space<hbm>>) dst(%dma_wait3A_157 : memref<320xf32, #tpu.memory_space<vmem>>)
      tpu.yield
    }) : () -> ()
    %run_scoped3A_120 = arith.constant 29 : i32
    %run_scoped3A_121 = arith.constant 29 : i32
    "tpu.region"() ({
      %run_scoped3A_141 = tpu.sem_alloc : memref<!tpu.dma_semaphore, #tpu.memory_space<semaphore_mem>>
      %dma_start3A = arith.constant 0 : i32
      %dma_start3A_142 = tpu.memref_slice %arg8[%run_scoped3A_121, %dma_start3A] : memref<32x320xf32, #tpu.memory_space<vmem>> -> memref<1x320xf32, #tpu.memory_space<vmem>>
      %dma_start3A_143 = tpu.memref_squeeze %dma_start3A_142 : memref<1x320xf32, #tpu.memory_space<vmem>> -> memref<320xf32, #tpu.memory_space<vmem>>
      %dma_start3A_144 = tpu.memref_slice %arg4[%run_scoped3A_120, %mul3A_2] : memref<32x10240xf32, #tpu.memory_space<hbm>> -> memref<1x320xf32, #tpu.memory_space<hbm>>
      %dma_start3A_145 = tpu.memref_squeeze %dma_start3A_144 : memref<1x320xf32, #tpu.memory_space<hbm>> -> memref<320xf32, #tpu.memory_space<hbm>>
      %dma_start3A_146 = arith.constant 0 : i32
      %dma_start3A_147 = tpu.memref_slice %arg8[%run_scoped3A_121, %dma_start3A_146] : memref<32x320xf32, #tpu.memory_space<vmem>> -> memref<1x320xf32, #tpu.memory_space<vmem>>
      %dma_start3A_148 = tpu.memref_squeeze %dma_start3A_147 : memref<1x320xf32, #tpu.memory_space<vmem>> -> memref<320xf32, #tpu.memory_space<vmem>>
      %dma_start3A_149 = tpu.memref_slice %arg4[%run_scoped3A_120, %mul3A_2] : memref<32x10240xf32, #tpu.memory_space<hbm>> -> memref<1x320xf32, #tpu.memory_space<hbm>>
      %dma_start3A_150 = tpu.memref_squeeze %dma_start3A_149 : memref<1x320xf32, #tpu.memory_space<hbm>> -> memref<320xf32, #tpu.memory_space<hbm>>
      tpu.enqueue_dma source(%dma_start3A_150 : memref<320xf32, #tpu.memory_space<hbm>>) target(%dma_start3A_148 : memref<320xf32, #tpu.memory_space<vmem>>) target_semaphore(%run_scoped3A_141 : memref<!tpu.dma_semaphore, #tpu.memory_space<semaphore_mem>>)
      %dma_wait3A = arith.constant 0 : i32
      %dma_wait3A_151 = tpu.memref_slice %arg8[%run_scoped3A_121, %dma_wait3A] : memref<32x320xf32, #tpu.memory_space<vmem>> -> memref<1x320xf32, #tpu.memory_space<vmem>>
      %dma_wait3A_152 = tpu.memref_squeeze %dma_wait3A_151 : memref<1x320xf32, #tpu.memory_space<vmem>> -> memref<320xf32, #tpu.memory_space<vmem>>
      %dma_wait3A_153 = tpu.memref_slice %arg4[%run_scoped3A_120, %mul3A_2] : memref<32x10240xf32, #tpu.memory_space<hbm>> -> memref<1x320xf32, #tpu.memory_space<hbm>>
      %dma_wait3A_154 = tpu.memref_squeeze %dma_wait3A_153 : memref<1x320xf32, #tpu.memory_space<hbm>> -> memref<320xf32, #tpu.memory_space<hbm>>
      %dma_wait3A_155 = arith.constant 0 : i32
      %dma_wait3A_156 = tpu.memref_slice %arg8[%run_scoped3A_121, %dma_wait3A_155] : memref<32x320xf32, #tpu.memory_space<vmem>> -> memref<1x320xf32, #tpu.memory_space<vmem>>
      %dma_wait3A_157 = tpu.memref_squeeze %dma_wait3A_156 : memref<1x320xf32, #tpu.memory_space<vmem>> -> memref<320xf32, #tpu.memory_space<vmem>>
      %dma_wait3A_158 = tpu.memref_slice %arg4[%run_scoped3A_120, %mul3A_2] : memref<32x10240xf32, #tpu.memory_space<hbm>> -> memref<1x320xf32, #tpu.memory_space<hbm>>
      %dma_wait3A_159 = tpu.memref_squeeze %dma_wait3A_158 : memref<1x320xf32, #tpu.memory_space<hbm>> -> memref<320xf32, #tpu.memory_space<hbm>>
      tpu.wait_dma2 semaphore(%run_scoped3A_141 : memref<!tpu.dma_semaphore, #tpu.memory_space<semaphore_mem>>) src(%dma_wait3A_159 : memref<320xf32, #tpu.memory_space<hbm>>) dst(%dma_wait3A_157 : memref<320xf32, #tpu.memory_space<vmem>>)
      tpu.yield
    }) : () -> ()
    %run_scoped3A_122 = arith.constant 30 : i32
    %run_scoped3A_123 = arith.constant 30 : i32
    "tpu.region"() ({
      %run_scoped3A_141 = tpu.sem_alloc : memref<!tpu.dma_semaphore, #tpu.memory_space<semaphore_mem>>
      %dma_start3A = arith.constant 0 : i32
      %dma_start3A_142 = tpu.memref_slice %arg7[%run_scoped3A_123, %dma_start3A] : memref<32x320xf32, #tpu.memory_space<vmem>> -> memref<1x320xf32, #tpu.memory_space<vmem>>
      %dma_start3A_143 = tpu.memref_squeeze %dma_start3A_142 : memref<1x320xf32, #tpu.memory_space<vmem>> -> memref<320xf32, #tpu.memory_space<vmem>>
      %dma_start3A_144 = tpu.memref_slice %arg3[%run_scoped3A_122, %mul3A_2] : memref<32x10240xf32, #tpu.memory_space<hbm>> -> memref<1x320xf32, #tpu.memory_space<hbm>>
      %dma_start3A_145 = tpu.memref_squeeze %dma_start3A_144 : memref<1x320xf32, #tpu.memory_space<hbm>> -> memref<320xf32, #tpu.memory_space<hbm>>
      %dma_start3A_146 = arith.constant 0 : i32
      %dma_start3A_147 = tpu.memref_slice %arg7[%run_scoped3A_123, %dma_start3A_146] : memref<32x320xf32, #tpu.memory_space<vmem>> -> memref<1x320xf32, #tpu.memory_space<vmem>>
      %dma_start3A_148 = tpu.memref_squeeze %dma_start3A_147 : memref<1x320xf32, #tpu.memory_space<vmem>> -> memref<320xf32, #tpu.memory_space<vmem>>
      %dma_start3A_149 = tpu.memref_slice %arg3[%run_scoped3A_122, %mul3A_2] : memref<32x10240xf32, #tpu.memory_space<hbm>> -> memref<1x320xf32, #tpu.memory_space<hbm>>
      %dma_start3A_150 = tpu.memref_squeeze %dma_start3A_149 : memref<1x320xf32, #tpu.memory_space<hbm>> -> memref<320xf32, #tpu.memory_space<hbm>>
      tpu.enqueue_dma source(%dma_start3A_150 : memref<320xf32, #tpu.memory_space<hbm>>) target(%dma_start3A_148 : memref<320xf32, #tpu.memory_space<vmem>>) target_semaphore(%run_scoped3A_141 : memref<!tpu.dma_semaphore, #tpu.memory_space<semaphore_mem>>)
      %dma_wait3A = arith.constant 0 : i32
      %dma_wait3A_151 = tpu.memref_slice %arg7[%run_scoped3A_123, %dma_wait3A] : memref<32x320xf32, #tpu.memory_space<vmem>> -> memref<1x320xf32, #tpu.memory_space<vmem>>
      %dma_wait3A_152 = tpu.memref_squeeze %dma_wait3A_151 : memref<1x320xf32, #tpu.memory_space<vmem>> -> memref<320xf32, #tpu.memory_space<vmem>>
      %dma_wait3A_153 = tpu.memref_slice %arg3[%run_scoped3A_122, %mul3A_2] : memref<32x10240xf32, #tpu.memory_space<hbm>> -> memref<1x320xf32, #tpu.memory_space<hbm>>
      %dma_wait3A_154 = tpu.memref_squeeze %dma_wait3A_153 : memref<1x320xf32, #tpu.memory_space<hbm>> -> memref<320xf32, #tpu.memory_space<hbm>>
      %dma_wait3A_155 = arith.constant 0 : i32
      %dma_wait3A_156 = tpu.memref_slice %arg7[%run_scoped3A_123, %dma_wait3A_155] : memref<32x320xf32, #tpu.memory_space<vmem>> -> memref<1x320xf32, #tpu.memory_space<vmem>>
      %dma_wait3A_157 = tpu.memref_squeeze %dma_wait3A_156 : memref<1x320xf32, #tpu.memory_space<vmem>> -> memref<320xf32, #tpu.memory_space<vmem>>
      %dma_wait3A_158 = tpu.memref_slice %arg3[%run_scoped3A_122, %mul3A_2] : memref<32x10240xf32, #tpu.memory_space<hbm>> -> memref<1x320xf32, #tpu.memory_space<hbm>>
      %dma_wait3A_159 = tpu.memref_squeeze %dma_wait3A_158 : memref<1x320xf32, #tpu.memory_space<hbm>> -> memref<320xf32, #tpu.memory_space<hbm>>
      tpu.wait_dma2 semaphore(%run_scoped3A_141 : memref<!tpu.dma_semaphore, #tpu.memory_space<semaphore_mem>>) src(%dma_wait3A_159 : memref<320xf32, #tpu.memory_space<hbm>>) dst(%dma_wait3A_157 : memref<320xf32, #tpu.memory_space<vmem>>)
      tpu.yield
    }) : () -> ()
    %run_scoped3A_124 = arith.constant 30 : i32
    %run_scoped3A_125 = arith.constant 30 : i32
    "tpu.region"() ({
      %run_scoped3A_141 = tpu.sem_alloc : memref<!tpu.dma_semaphore, #tpu.memory_space<semaphore_mem>>
      %dma_start3A = arith.constant 0 : i32
      %dma_start3A_142 = tpu.memref_slice %arg8[%run_scoped3A_125, %dma_start3A] : memref<32x320xf32, #tpu.memory_space<vmem>> -> memref<1x320xf32, #tpu.memory_space<vmem>>
      %dma_start3A_143 = tpu.memref_squeeze %dma_start3A_142 : memref<1x320xf32, #tpu.memory_space<vmem>> -> memref<320xf32, #tpu.memory_space<vmem>>
      %dma_start3A_144 = tpu.memref_slice %arg4[%run_scoped3A_124, %mul3A_2] : memref<32x10240xf32, #tpu.memory_space<hbm>> -> memref<1x320xf32, #tpu.memory_space<hbm>>
      %dma_start3A_145 = tpu.memref_squeeze %dma_start3A_144 : memref<1x320xf32, #tpu.memory_space<hbm>> -> memref<320xf32, #tpu.memory_space<hbm>>
      %dma_start3A_146 = arith.constant 0 : i32
      %dma_start3A_147 = tpu.memref_slice %arg8[%run_scoped3A_125, %dma_start3A_146] : memref<32x320xf32, #tpu.memory_space<vmem>> -> memref<1x320xf32, #tpu.memory_space<vmem>>
      %dma_start3A_148 = tpu.memref_squeeze %dma_start3A_147 : memref<1x320xf32, #tpu.memory_space<vmem>> -> memref<320xf32, #tpu.memory_space<vmem>>
      %dma_start3A_149 = tpu.memref_slice %arg4[%run_scoped3A_124, %mul3A_2] : memref<32x10240xf32, #tpu.memory_space<hbm>> -> memref<1x320xf32, #tpu.memory_space<hbm>>
      %dma_start3A_150 = tpu.memref_squeeze %dma_start3A_149 : memref<1x320xf32, #tpu.memory_space<hbm>> -> memref<320xf32, #tpu.memory_space<hbm>>
      tpu.enqueue_dma source(%dma_start3A_150 : memref<320xf32, #tpu.memory_space<hbm>>) target(%dma_start3A_148 : memref<320xf32, #tpu.memory_space<vmem>>) target_semaphore(%run_scoped3A_141 : memref<!tpu.dma_semaphore, #tpu.memory_space<semaphore_mem>>)
      %dma_wait3A = arith.constant 0 : i32
      %dma_wait3A_151 = tpu.memref_slice %arg8[%run_scoped3A_125, %dma_wait3A] : memref<32x320xf32, #tpu.memory_space<vmem>> -> memref<1x320xf32, #tpu.memory_space<vmem>>
      %dma_wait3A_152 = tpu.memref_squeeze %dma_wait3A_151 : memref<1x320xf32, #tpu.memory_space<vmem>> -> memref<320xf32, #tpu.memory_space<vmem>>
      %dma_wait3A_153 = tpu.memref_slice %arg4[%run_scoped3A_124, %mul3A_2] : memref<32x10240xf32, #tpu.memory_space<hbm>> -> memref<1x320xf32, #tpu.memory_space<hbm>>
      %dma_wait3A_154 = tpu.memref_squeeze %dma_wait3A_153 : memref<1x320xf32, #tpu.memory_space<hbm>> -> memref<320xf32, #tpu.memory_space<hbm>>
      %dma_wait3A_155 = arith.constant 0 : i32
      %dma_wait3A_156 = tpu.memref_slice %arg8[%run_scoped3A_125, %dma_wait3A_155] : memref<32x320xf32, #tpu.memory_space<vmem>> -> memref<1x320xf32, #tpu.memory_space<vmem>>
      %dma_wait3A_157 = tpu.memref_squeeze %dma_wait3A_156 : memref<1x320xf32, #tpu.memory_space<vmem>> -> memref<320xf32, #tpu.memory_space<vmem>>
      %dma_wait3A_158 = tpu.memref_slice %arg4[%run_scoped3A_124, %mul3A_2] : memref<32x10240xf32, #tpu.memory_space<hbm>> -> memref<1x320xf32, #tpu.memory_space<hbm>>
      %dma_wait3A_159 = tpu.memref_squeeze %dma_wait3A_158 : memref<1x320xf32, #tpu.memory_space<hbm>> -> memref<320xf32, #tpu.memory_space<hbm>>
      tpu.wait_dma2 semaphore(%run_scoped3A_141 : memref<!tpu.dma_semaphore, #tpu.memory_space<semaphore_mem>>) src(%dma_wait3A_159 : memref<320xf32, #tpu.memory_space<hbm>>) dst(%dma_wait3A_157 : memref<320xf32, #tpu.memory_space<vmem>>)
      tpu.yield
    }) : () -> ()
    %run_scoped3A_126 = arith.constant 31 : i32
    %run_scoped3A_127 = arith.constant 31 : i32
    "tpu.region"() ({
      %run_scoped3A_141 = tpu.sem_alloc : memref<!tpu.dma_semaphore, #tpu.memory_space<semaphore_mem>>
      %dma_start3A = arith.constant 0 : i32
      %dma_start3A_142 = tpu.memref_slice %arg7[%run_scoped3A_127, %dma_start3A] : memref<32x320xf32, #tpu.memory_space<vmem>> -> memref<1x320xf32, #tpu.memory_space<vmem>>
      %dma_start3A_143 = tpu.memref_squeeze %dma_start3A_142 : memref<1x320xf32, #tpu.memory_space<vmem>> -> memref<320xf32, #tpu.memory_space<vmem>>
      %dma_start3A_144 = tpu.memref_slice %arg3[%run_scoped3A_126, %mul3A_2] : memref<32x10240xf32, #tpu.memory_space<hbm>> -> memref<1x320xf32, #tpu.memory_space<hbm>>
      %dma_start3A_145 = tpu.memref_squeeze %dma_start3A_144 : memref<1x320xf32, #tpu.memory_space<hbm>> -> memref<320xf32, #tpu.memory_space<hbm>>
      %dma_start3A_146 = arith.constant 0 : i32
      %dma_start3A_147 = tpu.memref_slice %arg7[%run_scoped3A_127, %dma_start3A_146] : memref<32x320xf32, #tpu.memory_space<vmem>> -> memref<1x320xf32, #tpu.memory_space<vmem>>
      %dma_start3A_148 = tpu.memref_squeeze %dma_start3A_147 : memref<1x320xf32, #tpu.memory_space<vmem>> -> memref<320xf32, #tpu.memory_space<vmem>>
      %dma_start3A_149 = tpu.memref_slice %arg3[%run_scoped3A_126, %mul3A_2] : memref<32x10240xf32, #tpu.memory_space<hbm>> -> memref<1x320xf32, #tpu.memory_space<hbm>>
      %dma_start3A_150 = tpu.memref_squeeze %dma_start3A_149 : memref<1x320xf32, #tpu.memory_space<hbm>> -> memref<320xf32, #tpu.memory_space<hbm>>
      tpu.enqueue_dma source(%dma_start3A_150 : memref<320xf32, #tpu.memory_space<hbm>>) target(%dma_start3A_148 : memref<320xf32, #tpu.memory_space<vmem>>) target_semaphore(%run_scoped3A_141 : memref<!tpu.dma_semaphore, #tpu.memory_space<semaphore_mem>>)
      %dma_wait3A = arith.constant 0 : i32
      %dma_wait3A_151 = tpu.memref_slice %arg7[%run_scoped3A_127, %dma_wait3A] : memref<32x320xf32, #tpu.memory_space<vmem>> -> memref<1x320xf32, #tpu.memory_space<vmem>>
      %dma_wait3A_152 = tpu.memref_squeeze %dma_wait3A_151 : memref<1x320xf32, #tpu.memory_space<vmem>> -> memref<320xf32, #tpu.memory_space<vmem>>
      %dma_wait3A_153 = tpu.memref_slice %arg3[%run_scoped3A_126, %mul3A_2] : memref<32x10240xf32, #tpu.memory_space<hbm>> -> memref<1x320xf32, #tpu.memory_space<hbm>>
      %dma_wait3A_154 = tpu.memref_squeeze %dma_wait3A_153 : memref<1x320xf32, #tpu.memory_space<hbm>> -> memref<320xf32, #tpu.memory_space<hbm>>
      %dma_wait3A_155 = arith.constant 0 : i32
      %dma_wait3A_156 = tpu.memref_slice %arg7[%run_scoped3A_127, %dma_wait3A_155] : memref<32x320xf32, #tpu.memory_space<vmem>> -> memref<1x320xf32, #tpu.memory_space<vmem>>
      %dma_wait3A_157 = tpu.memref_squeeze %dma_wait3A_156 : memref<1x320xf32, #tpu.memory_space<vmem>> -> memref<320xf32, #tpu.memory_space<vmem>>
      %dma_wait3A_158 = tpu.memref_slice %arg3[%run_scoped3A_126, %mul3A_2] : memref<32x10240xf32, #tpu.memory_space<hbm>> -> memref<1x320xf32, #tpu.memory_space<hbm>>
      %dma_wait3A_159 = tpu.memref_squeeze %dma_wait3A_158 : memref<1x320xf32, #tpu.memory_space<hbm>> -> memref<320xf32, #tpu.memory_space<hbm>>
      tpu.wait_dma2 semaphore(%run_scoped3A_141 : memref<!tpu.dma_semaphore, #tpu.memory_space<semaphore_mem>>) src(%dma_wait3A_159 : memref<320xf32, #tpu.memory_space<hbm>>) dst(%dma_wait3A_157 : memref<320xf32, #tpu.memory_space<vmem>>)
      tpu.yield
    }) : () -> ()
    %run_scoped3A_128 = arith.constant 31 : i32
    %run_scoped3A_129 = arith.constant 31 : i32
    "tpu.region"() ({
      %run_scoped3A_141 = tpu.sem_alloc : memref<!tpu.dma_semaphore, #tpu.memory_space<semaphore_mem>>
      %dma_start3A = arith.constant 0 : i32
      %dma_start3A_142 = tpu.memref_slice %arg8[%run_scoped3A_129, %dma_start3A] : memref<32x320xf32, #tpu.memory_space<vmem>> -> memref<1x320xf32, #tpu.memory_space<vmem>>
      %dma_start3A_143 = tpu.memref_squeeze %dma_start3A_142 : memref<1x320xf32, #tpu.memory_space<vmem>> -> memref<320xf32, #tpu.memory_space<vmem>>
      %dma_start3A_144 = tpu.memref_slice %arg4[%run_scoped3A_128, %mul3A_2] : memref<32x10240xf32, #tpu.memory_space<hbm>> -> memref<1x320xf32, #tpu.memory_space<hbm>>
      %dma_start3A_145 = tpu.memref_squeeze %dma_start3A_144 : memref<1x320xf32, #tpu.memory_space<hbm>> -> memref<320xf32, #tpu.memory_space<hbm>>
      %dma_start3A_146 = arith.constant 0 : i32
      %dma_start3A_147 = tpu.memref_slice %arg8[%run_scoped3A_129, %dma_start3A_146] : memref<32x320xf32, #tpu.memory_space<vmem>> -> memref<1x320xf32, #tpu.memory_space<vmem>>
      %dma_start3A_148 = tpu.memref_squeeze %dma_start3A_147 : memref<1x320xf32, #tpu.memory_space<vmem>> -> memref<320xf32, #tpu.memory_space<vmem>>
      %dma_start3A_149 = tpu.memref_slice %arg4[%run_scoped3A_128, %mul3A_2] : memref<32x10240xf32, #tpu.memory_space<hbm>> -> memref<1x320xf32, #tpu.memory_space<hbm>>
      %dma_start3A_150 = tpu.memref_squeeze %dma_start3A_149 : memref<1x320xf32, #tpu.memory_space<hbm>> -> memref<320xf32, #tpu.memory_space<hbm>>
      tpu.enqueue_dma source(%dma_start3A_150 : memref<320xf32, #tpu.memory_space<hbm>>) target(%dma_start3A_148 : memref<320xf32, #tpu.memory_space<vmem>>) target_semaphore(%run_scoped3A_141 : memref<!tpu.dma_semaphore, #tpu.memory_space<semaphore_mem>>)
      %dma_wait3A = arith.constant 0 : i32
      %dma_wait3A_151 = tpu.memref_slice %arg8[%run_scoped3A_129, %dma_wait3A] : memref<32x320xf32, #tpu.memory_space<vmem>> -> memref<1x320xf32, #tpu.memory_space<vmem>>
      %dma_wait3A_152 = tpu.memref_squeeze %dma_wait3A_151 : memref<1x320xf32, #tpu.memory_space<vmem>> -> memref<320xf32, #tpu.memory_space<vmem>>
      %dma_wait3A_153 = tpu.memref_slice %arg4[%run_scoped3A_128, %mul3A_2] : memref<32x10240xf32, #tpu.memory_space<hbm>> -> memref<1x320xf32, #tpu.memory_space<hbm>>
      %dma_wait3A_154 = tpu.memref_squeeze %dma_wait3A_153 : memref<1x320xf32, #tpu.memory_space<hbm>> -> memref<320xf32, #tpu.memory_space<hbm>>
      %dma_wait3A_155 = arith.constant 0 : i32
      %dma_wait3A_156 = tpu.memref_slice %arg8[%run_scoped3A_129, %dma_wait3A_155] : memref<32x320xf32, #tpu.memory_space<vmem>> -> memref<1x320xf32, #tpu.memory_space<vmem>>
      %dma_wait3A_157 = tpu.memref_squeeze %dma_wait3A_156 : memref<1x320xf32, #tpu.memory_space<vmem>> -> memref<320xf32, #tpu.memory_space<vmem>>
      %dma_wait3A_158 = tpu.memref_slice %arg4[%run_scoped3A_128, %mul3A_2] : memref<32x10240xf32, #tpu.memory_space<hbm>> -> memref<1x320xf32, #tpu.memory_space<hbm>>
      %dma_wait3A_159 = tpu.memref_squeeze %dma_wait3A_158 : memref<1x320xf32, #tpu.memory_space<hbm>> -> memref<320xf32, #tpu.memory_space<hbm>>
      tpu.wait_dma2 semaphore(%run_scoped3A_141 : memref<!tpu.dma_semaphore, #tpu.memory_space<semaphore_mem>>) src(%dma_wait3A_159 : memref<320xf32, #tpu.memory_space<hbm>>) dst(%dma_wait3A_157 : memref<320xf32, #tpu.memory_space<vmem>>)
      tpu.yield
    }) : () -> ()
    %scan3A = arith.constant 0 : i32
    %scan3A_130 = arith.constant 0 : i32
    %scan3A_131 = arith.constant 20 : i32
    %scan3A_132 = arith.addi %scan3A_130, %scan3A_131 : i32
    %scan3A_133 = arith.constant 1 : i32
    scf.for %scan3A_141 = %scan3A_130 to %scan3A_132 step %scan3A_133  : i32 {
      %broadcast_in_dim3A = arith.constant 0.000000e+00 : f32
      %broadcast_in_dim3A_142 = vector.broadcast %broadcast_in_dim3A : f32 to vector<16xf32>
      %broadcast_in_dim3A_143 = arith.constant 0.000000e+00 : f32
      %broadcast_in_dim3A_144 = vector.broadcast %broadcast_in_dim3A_143 : f32 to vector<16xf32>
      %mul3A_145 = arith.constant 16 : i32
      %mul3A_146 = arith.muli %scan3A_141, %mul3A_145 : i32
      %get3A = arith.constant 0 : i32
      %get3A_147 = arith.index_cast %get3A : i32 to index
      %get3A_148 = arith.index_cast %mul3A_146 : i32 to index
      %get3A_149 = tpu.vector_load %arg7[%get3A_147, %get3A_148] {strides = array<i32>} : memref<32x320xf32, #tpu.memory_space<vmem>>, vector<16xf32>,
      %add3A_150 = arith.addf %broadcast_in_dim3A_142, %get3A_149 : vector<16xf32>
      %mul3A_151 = arith.constant 16 : i32
      %mul3A_152 = arith.muli %scan3A_141, %mul3A_151 : i32
      %get3A_153 = arith.constant 0 : i32
      %get3A_154 = arith.index_cast %get3A_153 : i32 to index
      %get3A_155 = arith.index_cast %mul3A_152 : i32 to index
      %get3A_156 = tpu.vector_load %arg8[%get3A_154, %get3A_155] {strides = array<i32>} : memref<32x320xf32, #tpu.memory_space<vmem>>, vector<16xf32>,
      %add3A_157 = arith.addf %broadcast_in_dim3A_144, %get3A_156 : vector<16xf32>
      %mul3A_158 = arith.constant 16 : i32
      %mul3A_159 = arith.muli %scan3A_141, %mul3A_158 : i32
      %get3A_160 = arith.constant 1 : i32
      %get3A_161 = arith.index_cast %get3A_160 : i32 to index
      %get3A_162 = arith.index_cast %mul3A_159 : i32 to index
      %get3A_163 = tpu.vector_load %arg7[%get3A_161, %get3A_162] {strides = array<i32>} : memref<32x320xf32, #tpu.memory_space<vmem>>, vector<16xf32>,
      %add3A_164 = arith.addf %add3A_150, %get3A_163 : vector<16xf32>
      %mul3A_165 = arith.constant 16 : i32
      %mul3A_166 = arith.muli %scan3A_141, %mul3A_165 : i32
      %get3A_167 = arith.constant 1 : i32
      %get3A_168 = arith.index_cast %get3A_167 : i32 to index
      %get3A_169 = arith.index_cast %mul3A_166 : i32 to index
      %get3A_170 = tpu.vector_load %arg8[%get3A_168, %get3A_169] {strides = array<i32>} : memref<32x320xf32, #tpu.memory_space<vmem>>, vector<16xf32>,
      %add3A_171 = arith.addf %add3A_157, %get3A_170 : vector<16xf32>
      %mul3A_172 = arith.constant 16 : i32
      %mul3A_173 = arith.muli %scan3A_141, %mul3A_172 : i32
      %get3A_174 = arith.constant 2 : i32
      %get3A_175 = arith.index_cast %get3A_174 : i32 to index
      %get3A_176 = arith.index_cast %mul3A_173 : i32 to index
      %get3A_177 = tpu.vector_load %arg7[%get3A_175, %get3A_176] {strides = array<i32>} : memref<32x320xf32, #tpu.memory_space<vmem>>, vector<16xf32>,
      %add3A_178 = arith.addf %add3A_164, %get3A_177 : vector<16xf32>
      %mul3A_179 = arith.constant 16 : i32
      %mul3A_180 = arith.muli %scan3A_141, %mul3A_179 : i32
      %get3A_181 = arith.constant 2 : i32
      %get3A_182 = arith.index_cast %get3A_181 : i32 to index
      %get3A_183 = arith.index_cast %mul3A_180 : i32 to index
      %get3A_184 = tpu.vector_load %arg8[%get3A_182, %get3A_183] {strides = array<i32>} : memref<32x320xf32, #tpu.memory_space<vmem>>, vector<16xf32>,
      %add3A_185 = arith.addf %add3A_171, %get3A_184 : vector<16xf32>
      %mul3A_186 = arith.constant 16 : i32
      %mul3A_187 = arith.muli %scan3A_141, %mul3A_186 : i32
      %get3A_188 = arith.constant 3 : i32
      %get3A_189 = arith.index_cast %get3A_188 : i32 to index
      %get3A_190 = arith.index_cast %mul3A_187 : i32 to index
      %get3A_191 = tpu.vector_load %arg7[%get3A_189, %get3A_190] {strides = array<i32>} : memref<32x320xf32, #tpu.memory_space<vmem>>, vector<16xf32>,
      %add3A_192 = arith.addf %add3A_178, %get3A_191 : vector<16xf32>
      %mul3A_193 = arith.constant 16 : i32
      %mul3A_194 = arith.muli %scan3A_141, %mul3A_193 : i32
      %get3A_195 = arith.constant 3 : i32
      %get3A_196 = arith.index_cast %get3A_195 : i32 to index
      %get3A_197 = arith.index_cast %mul3A_194 : i32 to index
      %get3A_198 = tpu.vector_load %arg8[%get3A_196, %get3A_197] {strides = array<i32>} : memref<32x320xf32, #tpu.memory_space<vmem>>, vector<16xf32>,
      %add3A_199 = arith.addf %add3A_185, %get3A_198 : vector<16xf32>
      %mul3A_200 = arith.constant 16 : i32
      %mul3A_201 = arith.muli %scan3A_141, %mul3A_200 : i32
      %get3A_202 = arith.constant 4 : i32
      %get3A_203 = arith.index_cast %get3A_202 : i32 to index
      %get3A_204 = arith.index_cast %mul3A_201 : i32 to index
      %get3A_205 = tpu.vector_load %arg7[%get3A_203, %get3A_204] {strides = array<i32>} : memref<32x320xf32, #tpu.memory_space<vmem>>, vector<16xf32>,
      %add3A_206 = arith.addf %add3A_192, %get3A_205 : vector<16xf32>
      %mul3A_207 = arith.constant 16 : i32
      %mul3A_208 = arith.muli %scan3A_141, %mul3A_207 : i32
      %get3A_209 = arith.constant 4 : i32
      %get3A_210 = arith.index_cast %get3A_209 : i32 to index
      %get3A_211 = arith.index_cast %mul3A_208 : i32 to index
      %get3A_212 = tpu.vector_load %arg8[%get3A_210, %get3A_211] {strides = array<i32>} : memref<32x320xf32, #tpu.memory_space<vmem>>, vector<16xf32>,
      %add3A_213 = arith.addf %add3A_199, %get3A_212 : vector<16xf32>
      %mul3A_214 = arith.constant 16 : i32
      %mul3A_215 = arith.muli %scan3A_141, %mul3A_214 : i32
      %get3A_216 = arith.constant 5 : i32
      %get3A_217 = arith.index_cast %get3A_216 : i32 to index
      %get3A_218 = arith.index_cast %mul3A_215 : i32 to index
      %get3A_219 = tpu.vector_load %arg7[%get3A_217, %get3A_218] {strides = array<i32>} : memref<32x320xf32, #tpu.memory_space<vmem>>, vector<16xf32>,
      %add3A_220 = arith.addf %add3A_206, %get3A_219 : vector<16xf32>
      %mul3A_221 = arith.constant 16 : i32
      %mul3A_222 = arith.muli %scan3A_141, %mul3A_221 : i32
      %get3A_223 = arith.constant 5 : i32
      %get3A_224 = arith.index_cast %get3A_223 : i32 to index
      %get3A_225 = arith.index_cast %mul3A_222 : i32 to index
      %get3A_226 = tpu.vector_load %arg8[%get3A_224, %get3A_225] {strides = array<i32>} : memref<32x320xf32, #tpu.memory_space<vmem>>, vector<16xf32>,
      %add3A_227 = arith.addf %add3A_213, %get3A_226 : vector<16xf32>
      %mul3A_228 = arith.constant 16 : i32
      %mul3A_229 = arith.muli %scan3A_141, %mul3A_228 : i32
      %get3A_230 = arith.constant 6 : i32
      %get3A_231 = arith.index_cast %get3A_230 : i32 to index
      %get3A_232 = arith.index_cast %mul3A_229 : i32 to index
      %get3A_233 = tpu.vector_load %arg7[%get3A_231, %get3A_232] {strides = array<i32>} : memref<32x320xf32, #tpu.memory_space<vmem>>, vector<16xf32>,
      %add3A_234 = arith.addf %add3A_220, %get3A_233 : vector<16xf32>
      %mul3A_235 = arith.constant 16 : i32
      %mul3A_236 = arith.muli %scan3A_141, %mul3A_235 : i32
      %get3A_237 = arith.constant 6 : i32
      %get3A_238 = arith.index_cast %get3A_237 : i32 to index
      %get3A_239 = arith.index_cast %mul3A_236 : i32 to index
      %get3A_240 = tpu.vector_load %arg8[%get3A_238, %get3A_239] {strides = array<i32>} : memref<32x320xf32, #tpu.memory_space<vmem>>, vector<16xf32>,
      %add3A_241 = arith.addf %add3A_227, %get3A_240 : vector<16xf32>
      %mul3A_242 = arith.constant 16 : i32
      %mul3A_243 = arith.muli %scan3A_141, %mul3A_242 : i32
      %get3A_244 = arith.constant 7 : i32
      %get3A_245 = arith.index_cast %get3A_244 : i32 to index
      %get3A_246 = arith.index_cast %mul3A_243 : i32 to index
      %get3A_247 = tpu.vector_load %arg7[%get3A_245, %get3A_246] {strides = array<i32>} : memref<32x320xf32, #tpu.memory_space<vmem>>, vector<16xf32>,
      %add3A_248 = arith.addf %add3A_234, %get3A_247 : vector<16xf32>
      %mul3A_249 = arith.constant 16 : i32
      %mul3A_250 = arith.muli %scan3A_141, %mul3A_249 : i32
      %get3A_251 = arith.constant 7 : i32
      %get3A_252 = arith.index_cast %get3A_251 : i32 to index
      %get3A_253 = arith.index_cast %mul3A_250 : i32 to index
      %get3A_254 = tpu.vector_load %arg8[%get3A_252, %get3A_253] {strides = array<i32>} : memref<32x320xf32, #tpu.memory_space<vmem>>, vector<16xf32>,
      %add3A_255 = arith.addf %add3A_241, %get3A_254 : vector<16xf32>
      %mul3A_256 = arith.constant 16 : i32
      %mul3A_257 = arith.muli %scan3A_141, %mul3A_256 : i32
      %get3A_258 = arith.constant 8 : i32
      %get3A_259 = arith.index_cast %get3A_258 : i32 to index
      %get3A_260 = arith.index_cast %mul3A_257 : i32 to index
      %get3A_261 = tpu.vector_load %arg7[%get3A_259, %get3A_260] {strides = array<i32>} : memref<32x320xf32, #tpu.memory_space<vmem>>, vector<16xf32>,
      %add3A_262 = arith.addf %add3A_248, %get3A_261 : vector<16xf32>
      %mul3A_263 = arith.constant 16 : i32
      %mul3A_264 = arith.muli %scan3A_141, %mul3A_263 : i32
      %get3A_265 = arith.constant 8 : i32
      %get3A_266 = arith.index_cast %get3A_265 : i32 to index
      %get3A_267 = arith.index_cast %mul3A_264 : i32 to index
      %get3A_268 = tpu.vector_load %arg8[%get3A_266, %get3A_267] {strides = array<i32>} : memref<32x320xf32, #tpu.memory_space<vmem>>, vector<16xf32>,
      %add3A_269 = arith.addf %add3A_255, %get3A_268 : vector<16xf32>
      %mul3A_270 = arith.constant 16 : i32
      %mul3A_271 = arith.muli %scan3A_141, %mul3A_270 : i32
      %get3A_272 = arith.constant 9 : i32
      %get3A_273 = arith.index_cast %get3A_272 : i32 to index
      %get3A_274 = arith.index_cast %mul3A_271 : i32 to index
      %get3A_275 = tpu.vector_load %arg7[%get3A_273, %get3A_274] {strides = array<i32>} : memref<32x320xf32, #tpu.memory_space<vmem>>, vector<16xf32>,
      %add3A_276 = arith.addf %add3A_262, %get3A_275 : vector<16xf32>
      %mul3A_277 = arith.constant 16 : i32
      %mul3A_278 = arith.muli %scan3A_141, %mul3A_277 : i32
      %get3A_279 = arith.constant 9 : i32
      %get3A_280 = arith.index_cast %get3A_279 : i32 to index
      %get3A_281 = arith.index_cast %mul3A_278 : i32 to index
      %get3A_282 = tpu.vector_load %arg8[%get3A_280, %get3A_281] {strides = array<i32>} : memref<32x320xf32, #tpu.memory_space<vmem>>, vector<16xf32>,
      %add3A_283 = arith.addf %add3A_269, %get3A_282 : vector<16xf32>
      %mul3A_284 = arith.constant 16 : i32
      %mul3A_285 = arith.muli %scan3A_141, %mul3A_284 : i32
      %get3A_286 = arith.constant 10 : i32
      %get3A_287 = arith.index_cast %get3A_286 : i32 to index
      %get3A_288 = arith.index_cast %mul3A_285 : i32 to index
      %get3A_289 = tpu.vector_load %arg7[%get3A_287, %get3A_288] {strides = array<i32>} : memref<32x320xf32, #tpu.memory_space<vmem>>, vector<16xf32>,
      %add3A_290 = arith.addf %add3A_276, %get3A_289 : vector<16xf32>
      %mul3A_291 = arith.constant 16 : i32
      %mul3A_292 = arith.muli %scan3A_141, %mul3A_291 : i32
      %get3A_293 = arith.constant 10 : i32
      %get3A_294 = arith.index_cast %get3A_293 : i32 to index
      %get3A_295 = arith.index_cast %mul3A_292 : i32 to index
      %get3A_296 = tpu.vector_load %arg8[%get3A_294, %get3A_295] {strides = array<i32>} : memref<32x320xf32, #tpu.memory_space<vmem>>, vector<16xf32>,
      %add3A_297 = arith.addf %add3A_283, %get3A_296 : vector<16xf32>
      %mul3A_298 = arith.constant 16 : i32
      %mul3A_299 = arith.muli %scan3A_141, %mul3A_298 : i32
      %get3A_300 = arith.constant 11 : i32
      %get3A_301 = arith.index_cast %get3A_300 : i32 to index
      %get3A_302 = arith.index_cast %mul3A_299 : i32 to index
      %get3A_303 = tpu.vector_load %arg7[%get3A_301, %get3A_302] {strides = array<i32>} : memref<32x320xf32, #tpu.memory_space<vmem>>, vector<16xf32>,
      %add3A_304 = arith.addf %add3A_290, %get3A_303 : vector<16xf32>
      %mul3A_305 = arith.constant 16 : i32
      %mul3A_306 = arith.muli %scan3A_141, %mul3A_305 : i32
      %get3A_307 = arith.constant 11 : i32
      %get3A_308 = arith.index_cast %get3A_307 : i32 to index
      %get3A_309 = arith.index_cast %mul3A_306 : i32 to index
      %get3A_310 = tpu.vector_load %arg8[%get3A_308, %get3A_309] {strides = array<i32>} : memref<32x320xf32, #tpu.memory_space<vmem>>, vector<16xf32>,
      %add3A_311 = arith.addf %add3A_297, %get3A_310 : vector<16xf32>
      %mul3A_312 = arith.constant 16 : i32
      %mul3A_313 = arith.muli %scan3A_141, %mul3A_312 : i32
      %get3A_314 = arith.constant 12 : i32
      %get3A_315 = arith.index_cast %get3A_314 : i32 to index
      %get3A_316 = arith.index_cast %mul3A_313 : i32 to index
      %get3A_317 = tpu.vector_load %arg7[%get3A_315, %get3A_316] {strides = array<i32>} : memref<32x320xf32, #tpu.memory_space<vmem>>, vector<16xf32>,
      %add3A_318 = arith.addf %add3A_304, %get3A_317 : vector<16xf32>
      %mul3A_319 = arith.constant 16 : i32
      %mul3A_320 = arith.muli %scan3A_141, %mul3A_319 : i32
      %get3A_321 = arith.constant 12 : i32
      %get3A_322 = arith.index_cast %get3A_321 : i32 to index
      %get3A_323 = arith.index_cast %mul3A_320 : i32 to index
      %get3A_324 = tpu.vector_load %arg8[%get3A_322, %get3A_323] {strides = array<i32>} : memref<32x320xf32, #tpu.memory_space<vmem>>, vector<16xf32>,
      %add3A_325 = arith.addf %add3A_311, %get3A_324 : vector<16xf32>
      %mul3A_326 = arith.constant 16 : i32
      %mul3A_327 = arith.muli %scan3A_141, %mul3A_326 : i32
      %get3A_328 = arith.constant 13 : i32
      %get3A_329 = arith.index_cast %get3A_328 : i32 to index
      %get3A_330 = arith.index_cast %mul3A_327 : i32 to index
      %get3A_331 = tpu.vector_load %arg7[%get3A_329, %get3A_330] {strides = array<i32>} : memref<32x320xf32, #tpu.memory_space<vmem>>, vector<16xf32>,
      %add3A_332 = arith.addf %add3A_318, %get3A_331 : vector<16xf32>
      %mul3A_333 = arith.constant 16 : i32
      %mul3A_334 = arith.muli %scan3A_141, %mul3A_333 : i32
      %get3A_335 = arith.constant 13 : i32
      %get3A_336 = arith.index_cast %get3A_335 : i32 to index
      %get3A_337 = arith.index_cast %mul3A_334 : i32 to index
      %get3A_338 = tpu.vector_load %arg8[%get3A_336, %get3A_337] {strides = array<i32>} : memref<32x320xf32, #tpu.memory_space<vmem>>, vector<16xf32>,
      %add3A_339 = arith.addf %add3A_325, %get3A_338 : vector<16xf32>
      %mul3A_340 = arith.constant 16 : i32
      %mul3A_341 = arith.muli %scan3A_141, %mul3A_340 : i32
      %get3A_342 = arith.constant 14 : i32
      %get3A_343 = arith.index_cast %get3A_342 : i32 to index
      %get3A_344 = arith.index_cast %mul3A_341 : i32 to index
      %get3A_345 = tpu.vector_load %arg7[%get3A_343, %get3A_344] {strides = array<i32>} : memref<32x320xf32, #tpu.memory_space<vmem>>, vector<16xf32>,
      %add3A_346 = arith.addf %add3A_332, %get3A_345 : vector<16xf32>
      %mul3A_347 = arith.constant 16 : i32
      %mul3A_348 = arith.muli %scan3A_141, %mul3A_347 : i32
      %get3A_349 = arith.constant 14 : i32
      %get3A_350 = arith.index_cast %get3A_349 : i32 to index
      %get3A_351 = arith.index_cast %mul3A_348 : i32 to index
      %get3A_352 = tpu.vector_load %arg8[%get3A_350, %get3A_351] {strides = array<i32>} : memref<32x320xf32, #tpu.memory_space<vmem>>, vector<16xf32>,
      %add3A_353 = arith.addf %add3A_339, %get3A_352 : vector<16xf32>
      %mul3A_354 = arith.constant 16 : i32
      %mul3A_355 = arith.muli %scan3A_141, %mul3A_354 : i32
      %get3A_356 = arith.constant 15 : i32
      %get3A_357 = arith.index_cast %get3A_356 : i32 to index
      %get3A_358 = arith.index_cast %mul3A_355 : i32 to index
      %get3A_359 = tpu.vector_load %arg7[%get3A_357, %get3A_358] {strides = array<i32>} : memref<32x320xf32, #tpu.memory_space<vmem>>, vector<16xf32>,
      %add3A_360 = arith.addf %add3A_346, %get3A_359 : vector<16xf32>
      %mul3A_361 = arith.constant 16 : i32
      %mul3A_362 = arith.muli %scan3A_141, %mul3A_361 : i32
      %get3A_363 = arith.constant 15 : i32
      %get3A_364 = arith.index_cast %get3A_363 : i32 to index
      %get3A_365 = arith.index_cast %mul3A_362 : i32 to index
      %get3A_366 = tpu.vector_load %arg8[%get3A_364, %get3A_365] {strides = array<i32>} : memref<32x320xf32, #tpu.memory_space<vmem>>, vector<16xf32>,
      %add3A_367 = arith.addf %add3A_353, %get3A_366 : vector<16xf32>
      %mul3A_368 = arith.constant 16 : i32
      %mul3A_369 = arith.muli %scan3A_141, %mul3A_368 : i32
      %get3A_370 = arith.constant 16 : i32
      %get3A_371 = arith.index_cast %get3A_370 : i32 to index
      %get3A_372 = arith.index_cast %mul3A_369 : i32 to index
      %get3A_373 = tpu.vector_load %arg7[%get3A_371, %get3A_372] {strides = array<i32>} : memref<32x320xf32, #tpu.memory_space<vmem>>, vector<16xf32>,
      %add3A_374 = arith.addf %add3A_360, %get3A_373 : vector<16xf32>
      %mul3A_375 = arith.constant 16 : i32
      %mul3A_376 = arith.muli %scan3A_141, %mul3A_375 : i32
      %get3A_377 = arith.constant 16 : i32
      %get3A_378 = arith.index_cast %get3A_377 : i32 to index
      %get3A_379 = arith.index_cast %mul3A_376 : i32 to index
      %get3A_380 = tpu.vector_load %arg8[%get3A_378, %get3A_379] {strides = array<i32>} : memref<32x320xf32, #tpu.memory_space<vmem>>, vector<16xf32>,
      %add3A_381 = arith.addf %add3A_367, %get3A_380 : vector<16xf32>
      %mul3A_382 = arith.constant 16 : i32
      %mul3A_383 = arith.muli %scan3A_141, %mul3A_382 : i32
      %get3A_384 = arith.constant 17 : i32
      %get3A_385 = arith.index_cast %get3A_384 : i32 to index
      %get3A_386 = arith.index_cast %mul3A_383 : i32 to index
      %get3A_387 = tpu.vector_load %arg7[%get3A_385, %get3A_386] {strides = array<i32>} : memref<32x320xf32, #tpu.memory_space<vmem>>, vector<16xf32>,
      %add3A_388 = arith.addf %add3A_374, %get3A_387 : vector<16xf32>
      %mul3A_389 = arith.constant 16 : i32
      %mul3A_390 = arith.muli %scan3A_141, %mul3A_389 : i32
      %get3A_391 = arith.constant 17 : i32
      %get3A_392 = arith.index_cast %get3A_391 : i32 to index
      %get3A_393 = arith.index_cast %mul3A_390 : i32 to index
      %get3A_394 = tpu.vector_load %arg8[%get3A_392, %get3A_393] {strides = array<i32>} : memref<32x320xf32, #tpu.memory_space<vmem>>, vector<16xf32>,
      %add3A_395 = arith.addf %add3A_381, %get3A_394 : vector<16xf32>
      %mul3A_396 = arith.constant 16 : i32
      %mul3A_397 = arith.muli %scan3A_141, %mul3A_396 : i32
      %get3A_398 = arith.constant 18 : i32
      %get3A_399 = arith.index_cast %get3A_398 : i32 to index
      %get3A_400 = arith.index_cast %mul3A_397 : i32 to index
      %get3A_401 = tpu.vector_load %arg7[%get3A_399, %get3A_400] {strides = array<i32>} : memref<32x320xf32, #tpu.memory_space<vmem>>, vector<16xf32>,
      %add3A_402 = arith.addf %add3A_388, %get3A_401 : vector<16xf32>
      %mul3A_403 = arith.constant 16 : i32
      %mul3A_404 = arith.muli %scan3A_141, %mul3A_403 : i32
      %get3A_405 = arith.constant 18 : i32
      %get3A_406 = arith.index_cast %get3A_405 : i32 to index
      %get3A_407 = arith.index_cast %mul3A_404 : i32 to index
      %get3A_408 = tpu.vector_load %arg8[%get3A_406, %get3A_407] {strides = array<i32>} : memref<32x320xf32, #tpu.memory_space<vmem>>, vector<16xf32>,
      %add3A_409 = arith.addf %add3A_395, %get3A_408 : vector<16xf32>
      %mul3A_410 = arith.constant 16 : i32
      %mul3A_411 = arith.muli %scan3A_141, %mul3A_410 : i32
      %get3A_412 = arith.constant 19 : i32
      %get3A_413 = arith.index_cast %get3A_412 : i32 to index
      %get3A_414 = arith.index_cast %mul3A_411 : i32 to index
      %get3A_415 = tpu.vector_load %arg7[%get3A_413, %get3A_414] {strides = array<i32>} : memref<32x320xf32, #tpu.memory_space<vmem>>, vector<16xf32>,
      %add3A_416 = arith.addf %add3A_402, %get3A_415 : vector<16xf32>
      %mul3A_417 = arith.constant 16 : i32
      %mul3A_418 = arith.muli %scan3A_141, %mul3A_417 : i32
      %get3A_419 = arith.constant 19 : i32
      %get3A_420 = arith.index_cast %get3A_419 : i32 to index
      %get3A_421 = arith.index_cast %mul3A_418 : i32 to index
      %get3A_422 = tpu.vector_load %arg8[%get3A_420, %get3A_421] {strides = array<i32>} : memref<32x320xf32, #tpu.memory_space<vmem>>, vector<16xf32>,
      %add3A_423 = arith.addf %add3A_409, %get3A_422 : vector<16xf32>
      %mul3A_424 = arith.constant 16 : i32
      %mul3A_425 = arith.muli %scan3A_141, %mul3A_424 : i32
      %get3A_426 = arith.constant 20 : i32
      %get3A_427 = arith.index_cast %get3A_426 : i32 to index
      %get3A_428 = arith.index_cast %mul3A_425 : i32 to index
      %get3A_429 = tpu.vector_load %arg7[%get3A_427, %get3A_428] {strides = array<i32>} : memref<32x320xf32, #tpu.memory_space<vmem>>, vector<16xf32>,
      %add3A_430 = arith.addf %add3A_416, %get3A_429 : vector<16xf32>
      %mul3A_431 = arith.constant 16 : i32
      %mul3A_432 = arith.muli %scan3A_141, %mul3A_431 : i32
      %get3A_433 = arith.constant 20 : i32
      %get3A_434 = arith.index_cast %get3A_433 : i32 to index
      %get3A_435 = arith.index_cast %mul3A_432 : i32 to index
      %get3A_436 = tpu.vector_load %arg8[%get3A_434, %get3A_435] {strides = array<i32>} : memref<32x320xf32, #tpu.memory_space<vmem>>, vector<16xf32>,
      %add3A_437 = arith.addf %add3A_423, %get3A_436 : vector<16xf32>
      %mul3A_438 = arith.constant 16 : i32
      %mul3A_439 = arith.muli %scan3A_141, %mul3A_438 : i32
      %get3A_440 = arith.constant 21 : i32
      %get3A_441 = arith.index_cast %get3A_440 : i32 to index
      %get3A_442 = arith.index_cast %mul3A_439 : i32 to index
      %get3A_443 = tpu.vector_load %arg7[%get3A_441, %get3A_442] {strides = array<i32>} : memref<32x320xf32, #tpu.memory_space<vmem>>, vector<16xf32>,
      %add3A_444 = arith.addf %add3A_430, %get3A_443 : vector<16xf32>
      %mul3A_445 = arith.constant 16 : i32
      %mul3A_446 = arith.muli %scan3A_141, %mul3A_445 : i32
      %get3A_447 = arith.constant 21 : i32
      %get3A_448 = arith.index_cast %get3A_447 : i32 to index
      %get3A_449 = arith.index_cast %mul3A_446 : i32 to index
      %get3A_450 = tpu.vector_load %arg8[%get3A_448, %get3A_449] {strides = array<i32>} : memref<32x320xf32, #tpu.memory_space<vmem>>, vector<16xf32>,
      %add3A_451 = arith.addf %add3A_437, %get3A_450 : vector<16xf32>
      %mul3A_452 = arith.constant 16 : i32
      %mul3A_453 = arith.muli %scan3A_141, %mul3A_452 : i32
      %get3A_454 = arith.constant 22 : i32
      %get3A_455 = arith.index_cast %get3A_454 : i32 to index
      %get3A_456 = arith.index_cast %mul3A_453 : i32 to index
      %get3A_457 = tpu.vector_load %arg7[%get3A_455, %get3A_456] {strides = array<i32>} : memref<32x320xf32, #tpu.memory_space<vmem>>, vector<16xf32>,
      %add3A_458 = arith.addf %add3A_444, %get3A_457 : vector<16xf32>
      %mul3A_459 = arith.constant 16 : i32
      %mul3A_460 = arith.muli %scan3A_141, %mul3A_459 : i32
      %get3A_461 = arith.constant 22 : i32
      %get3A_462 = arith.index_cast %get3A_461 : i32 to index
      %get3A_463 = arith.index_cast %mul3A_460 : i32 to index
      %get3A_464 = tpu.vector_load %arg8[%get3A_462, %get3A_463] {strides = array<i32>} : memref<32x320xf32, #tpu.memory_space<vmem>>, vector<16xf32>,
      %add3A_465 = arith.addf %add3A_451, %get3A_464 : vector<16xf32>
      %mul3A_466 = arith.constant 16 : i32
      %mul3A_467 = arith.muli %scan3A_141, %mul3A_466 : i32
      %get3A_468 = arith.constant 23 : i32
      %get3A_469 = arith.index_cast %get3A_468 : i32 to index
      %get3A_470 = arith.index_cast %mul3A_467 : i32 to index
      %get3A_471 = tpu.vector_load %arg7[%get3A_469, %get3A_470] {strides = array<i32>} : memref<32x320xf32, #tpu.memory_space<vmem>>, vector<16xf32>,
      %add3A_472 = arith.addf %add3A_458, %get3A_471 : vector<16xf32>
      %mul3A_473 = arith.constant 16 : i32
      %mul3A_474 = arith.muli %scan3A_141, %mul3A_473 : i32
      %get3A_475 = arith.constant 23 : i32
      %get3A_476 = arith.index_cast %get3A_475 : i32 to index
      %get3A_477 = arith.index_cast %mul3A_474 : i32 to index
      %get3A_478 = tpu.vector_load %arg8[%get3A_476, %get3A_477] {strides = array<i32>} : memref<32x320xf32, #tpu.memory_space<vmem>>, vector<16xf32>,
      %add3A_479 = arith.addf %add3A_465, %get3A_478 : vector<16xf32>
      %mul3A_480 = arith.constant 16 : i32
      %mul3A_481 = arith.muli %scan3A_141, %mul3A_480 : i32
      %get3A_482 = arith.constant 24 : i32
      %get3A_483 = arith.index_cast %get3A_482 : i32 to index
      %get3A_484 = arith.index_cast %mul3A_481 : i32 to index
      %get3A_485 = tpu.vector_load %arg7[%get3A_483, %get3A_484] {strides = array<i32>} : memref<32x320xf32, #tpu.memory_space<vmem>>, vector<16xf32>,
      %add3A_486 = arith.addf %add3A_472, %get3A_485 : vector<16xf32>
      %mul3A_487 = arith.constant 16 : i32
      %mul3A_488 = arith.muli %scan3A_141, %mul3A_487 : i32
      %get3A_489 = arith.constant 24 : i32
      %get3A_490 = arith.index_cast %get3A_489 : i32 to index
      %get3A_491 = arith.index_cast %mul3A_488 : i32 to index
      %get3A_492 = tpu.vector_load %arg8[%get3A_490, %get3A_491] {strides = array<i32>} : memref<32x320xf32, #tpu.memory_space<vmem>>, vector<16xf32>,
      %add3A_493 = arith.addf %add3A_479, %get3A_492 : vector<16xf32>
      %mul3A_494 = arith.constant 16 : i32
      %mul3A_495 = arith.muli %scan3A_141, %mul3A_494 : i32
      %get3A_496 = arith.constant 25 : i32
      %get3A_497 = arith.index_cast %get3A_496 : i32 to index
      %get3A_498 = arith.index_cast %mul3A_495 : i32 to index
      %get3A_499 = tpu.vector_load %arg7[%get3A_497, %get3A_498] {strides = array<i32>} : memref<32x320xf32, #tpu.memory_space<vmem>>, vector<16xf32>,
      %add3A_500 = arith.addf %add3A_486, %get3A_499 : vector<16xf32>
      %mul3A_501 = arith.constant 16 : i32
      %mul3A_502 = arith.muli %scan3A_141, %mul3A_501 : i32
      %get3A_503 = arith.constant 25 : i32
      %get3A_504 = arith.index_cast %get3A_503 : i32 to index
      %get3A_505 = arith.index_cast %mul3A_502 : i32 to index
      %get3A_506 = tpu.vector_load %arg8[%get3A_504, %get3A_505] {strides = array<i32>} : memref<32x320xf32, #tpu.memory_space<vmem>>, vector<16xf32>,
      %add3A_507 = arith.addf %add3A_493, %get3A_506 : vector<16xf32>
      %mul3A_508 = arith.constant 16 : i32
      %mul3A_509 = arith.muli %scan3A_141, %mul3A_508 : i32
      %get3A_510 = arith.constant 26 : i32
      %get3A_511 = arith.index_cast %get3A_510 : i32 to index
      %get3A_512 = arith.index_cast %mul3A_509 : i32 to index
      %get3A_513 = tpu.vector_load %arg7[%get3A_511, %get3A_512] {strides = array<i32>} : memref<32x320xf32, #tpu.memory_space<vmem>>, vector<16xf32>,
      %add3A_514 = arith.addf %add3A_500, %get3A_513 : vector<16xf32>
      %mul3A_515 = arith.constant 16 : i32
      %mul3A_516 = arith.muli %scan3A_141, %mul3A_515 : i32
      %get3A_517 = arith.constant 26 : i32
      %get3A_518 = arith.index_cast %get3A_517 : i32 to index
      %get3A_519 = arith.index_cast %mul3A_516 : i32 to index
      %get3A_520 = tpu.vector_load %arg8[%get3A_518, %get3A_519] {strides = array<i32>} : memref<32x320xf32, #tpu.memory_space<vmem>>, vector<16xf32>,
      %add3A_521 = arith.addf %add3A_507, %get3A_520 : vector<16xf32>
      %mul3A_522 = arith.constant 16 : i32
      %mul3A_523 = arith.muli %scan3A_141, %mul3A_522 : i32
      %get3A_524 = arith.constant 27 : i32
      %get3A_525 = arith.index_cast %get3A_524 : i32 to index
      %get3A_526 = arith.index_cast %mul3A_523 : i32 to index
      %get3A_527 = tpu.vector_load %arg7[%get3A_525, %get3A_526] {strides = array<i32>} : memref<32x320xf32, #tpu.memory_space<vmem>>, vector<16xf32>,
      %add3A_528 = arith.addf %add3A_514, %get3A_527 : vector<16xf32>
      %mul3A_529 = arith.constant 16 : i32
      %mul3A_530 = arith.muli %scan3A_141, %mul3A_529 : i32
      %get3A_531 = arith.constant 27 : i32
      %get3A_532 = arith.index_cast %get3A_531 : i32 to index
      %get3A_533 = arith.index_cast %mul3A_530 : i32 to index
      %get3A_534 = tpu.vector_load %arg8[%get3A_532, %get3A_533] {strides = array<i32>} : memref<32x320xf32, #tpu.memory_space<vmem>>, vector<16xf32>,
      %add3A_535 = arith.addf %add3A_521, %get3A_534 : vector<16xf32>
      %mul3A_536 = arith.constant 16 : i32
      %mul3A_537 = arith.muli %scan3A_141, %mul3A_536 : i32
      %get3A_538 = arith.constant 28 : i32
      %get3A_539 = arith.index_cast %get3A_538 : i32 to index
      %get3A_540 = arith.index_cast %mul3A_537 : i32 to index
      %get3A_541 = tpu.vector_load %arg7[%get3A_539, %get3A_540] {strides = array<i32>} : memref<32x320xf32, #tpu.memory_space<vmem>>, vector<16xf32>,
      %add3A_542 = arith.addf %add3A_528, %get3A_541 : vector<16xf32>
      %mul3A_543 = arith.constant 16 : i32
      %mul3A_544 = arith.muli %scan3A_141, %mul3A_543 : i32
      %get3A_545 = arith.constant 28 : i32
      %get3A_546 = arith.index_cast %get3A_545 : i32 to index
      %get3A_547 = arith.index_cast %mul3A_544 : i32 to index
      %get3A_548 = tpu.vector_load %arg8[%get3A_546, %get3A_547] {strides = array<i32>} : memref<32x320xf32, #tpu.memory_space<vmem>>, vector<16xf32>,
      %add3A_549 = arith.addf %add3A_535, %get3A_548 : vector<16xf32>
      %mul3A_550 = arith.constant 16 : i32
      %mul3A_551 = arith.muli %scan3A_141, %mul3A_550 : i32
      %get3A_552 = arith.constant 29 : i32
      %get3A_553 = arith.index_cast %get3A_552 : i32 to index
      %get3A_554 = arith.index_cast %mul3A_551 : i32 to index
      %get3A_555 = tpu.vector_load %arg7[%get3A_553, %get3A_554] {strides = array<i32>} : memref<32x320xf32, #tpu.memory_space<vmem>>, vector<16xf32>,
      %add3A_556 = arith.addf %add3A_542, %get3A_555 : vector<16xf32>
      %mul3A_557 = arith.constant 16 : i32
      %mul3A_558 = arith.muli %scan3A_141, %mul3A_557 : i32
      %get3A_559 = arith.constant 29 : i32
      %get3A_560 = arith.index_cast %get3A_559 : i32 to index
      %get3A_561 = arith.index_cast %mul3A_558 : i32 to index
      %get3A_562 = tpu.vector_load %arg8[%get3A_560, %get3A_561] {strides = array<i32>} : memref<32x320xf32, #tpu.memory_space<vmem>>, vector<16xf32>,
      %add3A_563 = arith.addf %add3A_549, %get3A_562 : vector<16xf32>
      %mul3A_564 = arith.constant 16 : i32
      %mul3A_565 = arith.muli %scan3A_141, %mul3A_564 : i32
      %get3A_566 = arith.constant 30 : i32
      %get3A_567 = arith.index_cast %get3A_566 : i32 to index
      %get3A_568 = arith.index_cast %mul3A_565 : i32 to index
      %get3A_569 = tpu.vector_load %arg7[%get3A_567, %get3A_568] {strides = array<i32>} : memref<32x320xf32, #tpu.memory_space<vmem>>, vector<16xf32>,
      %add3A_570 = arith.addf %add3A_556, %get3A_569 : vector<16xf32>
      %mul3A_571 = arith.constant 16 : i32
      %mul3A_572 = arith.muli %scan3A_141, %mul3A_571 : i32
      %get3A_573 = arith.constant 30 : i32
      %get3A_574 = arith.index_cast %get3A_573 : i32 to index
      %get3A_575 = arith.index_cast %mul3A_572 : i32 to index
      %get3A_576 = tpu.vector_load %arg8[%get3A_574, %get3A_575] {strides = array<i32>} : memref<32x320xf32, #tpu.memory_space<vmem>>, vector<16xf32>,
      %add3A_577 = arith.addf %add3A_563, %get3A_576 : vector<16xf32>
      %mul3A_578 = arith.constant 16 : i32
      %mul3A_579 = arith.muli %scan3A_141, %mul3A_578 : i32
      %get3A_580 = arith.constant 31 : i32
      %get3A_581 = arith.index_cast %get3A_580 : i32 to index
      %get3A_582 = arith.index_cast %mul3A_579 : i32 to index
      %get3A_583 = tpu.vector_load %arg7[%get3A_581, %get3A_582] {strides = array<i32>} : memref<32x320xf32, #tpu.memory_space<vmem>>, vector<16xf32>,
      %add3A_584 = arith.addf %add3A_570, %get3A_583 : vector<16xf32>
      %mul3A_585 = arith.constant 16 : i32
      %mul3A_586 = arith.muli %scan3A_141, %mul3A_585 : i32
      %get3A_587 = arith.constant 31 : i32
      %get3A_588 = arith.index_cast %get3A_587 : i32 to index
      %get3A_589 = arith.index_cast %mul3A_586 : i32 to index
      %get3A_590 = tpu.vector_load %arg8[%get3A_588, %get3A_589] {strides = array<i32>} : memref<32x320xf32, #tpu.memory_space<vmem>>, vector<16xf32>,
      %add3A_591 = arith.addf %add3A_577, %get3A_590 : vector<16xf32>
      %broadcast_in_dim3A_592 = arith.constant 1.000000e+00 : f32
      %broadcast_in_dim3A_593 = vector.broadcast %broadcast_in_dim3A_592 : f32 to vector<16xf32>
      %broadcast_in_dim3A_594 = arith.constant 0.000000e+00 : f32
      %broadcast_in_dim3A_595 = vector.broadcast %broadcast_in_dim3A_594 : f32 to vector<16xf32>
      %gt3A = arith.constant 0.000000e+00 : f32
      %gt3A_596 = vector.broadcast %gt3A : f32 to vector<16xf32>
      %gt3A_597 = arith.cmpf ogt, %add3A_584, %gt3A_596 : vector<16xf32>
      %gt3A_598 = arith.constant 0.000000e+00 : f32
      %gt3A_599 = vector.broadcast %gt3A_598 : f32 to vector<16xf32>
      %gt3A_600 = arith.cmpf ogt, %add3A_584, %gt3A_599 : vector<16xf32>
      %select_n3A = arith.select %gt3A_600, %add3A_584, %broadcast_in_dim3A_593 : vector<16xi1>, vector<16xf32>
      %div3A = arith.divf %broadcast_in_dim3A_593, %select_n3A : vector<16xf32>
      %select_n3A_601 = arith.select %gt3A_597, %div3A, %broadcast_in_dim3A_595 : vector<16xi1>, vector<16xf32>
      %mul3A_602 = arith.constant 16 : i32
      %mul3A_603 = arith.muli %scan3A_141, %mul3A_602 : i32
      %swap3A = arith.index_cast %mul3A_603 : i32 to index
      %swap3A_604 = tpu.vector_load %arg9[%swap3A] {strides = array<i32>} : memref<320xf32, #tpu.memory_space<vmem>>, vector<16xf32>,
      tpu.vector_store %arg9[%swap3A], %select_n3A_601 {strides = array<i32>} : memref<320xf32, #tpu.memory_space<vmem>>, vector<16xf32>,
      %gt3A_605 = arith.constant 0.000000e+00 : f32
      %gt3A_606 = vector.broadcast %gt3A_605 : f32 to vector<16xf32>
      %gt3A_607 = arith.cmpf ogt, %add3A_591, %gt3A_606 : vector<16xf32>
      %gt3A_608 = arith.constant 0.000000e+00 : f32
      %gt3A_609 = vector.broadcast %gt3A_608 : f32 to vector<16xf32>
      %gt3A_610 = arith.cmpf ogt, %add3A_591, %gt3A_609 : vector<16xf32>
      %select_n3A_611 = arith.select %gt3A_610, %add3A_591, %broadcast_in_dim3A_593 : vector<16xi1>, vector<16xf32>
      %div3A_612 = arith.divf %broadcast_in_dim3A_593, %select_n3A_611 : vector<16xf32>
      %select_n3A_613 = arith.select %gt3A_607, %div3A_612, %broadcast_in_dim3A_595 : vector<16xi1>, vector<16xf32>
      %mul3A_614 = arith.constant 16 : i32
      %mul3A_615 = arith.muli %scan3A_141, %mul3A_614 : i32
      %swap3A_616 = arith.index_cast %mul3A_615 : i32 to index
      %swap3A_617 = tpu.vector_load %arg10[%swap3A_616] {strides = array<i32>} : memref<320xf32, #tpu.memory_space<vmem>>, vector<16xf32>,
      tpu.vector_store %arg10[%swap3A_616], %select_n3A_613 {strides = array<i32>} : memref<320xf32, #tpu.memory_space<vmem>>, vector<16xf32>,
    }
    %scan3A_134 = arith.constant 20 : i32
    "tpu.region"() ({
      %run_scoped3A_141 = tpu.sem_alloc : memref<!tpu.dma_semaphore, #tpu.memory_space<semaphore_mem>>
      %dma_start3A = tpu.memref_slice %arg6[%mul3A_2] : memref<10240xf32, #tpu.memory_space<hbm>> -> memref<320xf32, #tpu.memory_space<hbm>>
      %dma_start3A_142 = tpu.memref_slice %arg6[%mul3A_2] : memref<10240xf32, #tpu.memory_space<hbm>> -> memref<320xf32, #tpu.memory_space<hbm>>
      tpu.enqueue_dma source(%arg10 : memref<320xf32, #tpu.memory_space<vmem>>) target(%dma_start3A_142 : memref<320xf32, #tpu.memory_space<hbm>>) target_semaphore(%run_scoped3A_141 : memref<!tpu.dma_semaphore, #tpu.memory_space<semaphore_mem>>)
      %dma_wait3A = tpu.memref_slice %arg6[%mul3A_2] : memref<10240xf32, #tpu.memory_space<hbm>> -> memref<320xf32, #tpu.memory_space<hbm>>
      %dma_wait3A_143 = tpu.memref_slice %arg6[%mul3A_2] : memref<10240xf32, #tpu.memory_space<hbm>> -> memref<320xf32, #tpu.memory_space<hbm>>
      tpu.wait_dma2 semaphore(%run_scoped3A_141 : memref<!tpu.dma_semaphore, #tpu.memory_space<semaphore_mem>>) src(%arg10 : memref<320xf32, #tpu.memory_space<vmem>>) dst(%dma_wait3A_143 : memref<320xf32, #tpu.memory_space<hbm>>)
      tpu.yield
    }) : () -> ()
    %scan3A_135 = arith.constant 0 : i32
    %scan3A_136 = arith.constant 0 : i32
    %scan3A_137 = arith.constant 5 : i32
    %scan3A_138 = arith.addi %scan3A_136, %scan3A_137 : i32
    %scan3A_139 = arith.constant 1 : i32
    scf.for %scan3A_141 = %scan3A_136 to %scan3A_138 step %scan3A_139  : i32 {
      %mul3A_142 = arith.constant 64 : i32
      %mul3A_143 = arith.muli %scan3A_141, %mul3A_142 : i32
      %add3A_144 = arith.addi %mul3A_2, %mul3A_143 : i32
      %dma_start3A = arith.constant 0 : i32
      %dma_start3A_145 = arith.constant 0 : i32
      %dma_start3A_146 = tpu.memref_slice %arg2[%dma_start3A, %add3A_144, %dma_start3A_145] : memref<2x10240x128xf32, #tpu.memory_space<hbm>> -> memref<1x64x128xf32, #tpu.memory_space<hbm>>
      %dma_start3A_147 = tpu.memref_squeeze %dma_start3A_146 : memref<1x64x128xf32, #tpu.memory_space<hbm>> -> memref<64x128xf32, #tpu.memory_space<hbm>>
      %dma_start3A_148 = arith.constant 0 : i32
      %dma_start3A_149 = tpu.memref_slice %arg2[%dma_start3A, %add3A_144, %dma_start3A_148] : memref<2x10240x128xf32, #tpu.memory_space<hbm>> -> memref<1x64x128xf32, #tpu.memory_space<hbm>>
      %dma_start3A_150 = tpu.memref_squeeze %dma_start3A_149 : memref<1x64x128xf32, #tpu.memory_space<hbm>> -> memref<64x128xf32, #tpu.memory_space<hbm>>
      tpu.enqueue_dma source(%dma_start3A_150 : memref<64x128xf32, #tpu.memory_space<hbm>>) target(%arg11 : memref<64x128xf32, #tpu.memory_space<vmem>>) target_semaphore(%arg13 : memref<!tpu.dma_semaphore, #tpu.memory_space<semaphore_mem>>)
      %dma_wait3A = arith.constant 0 : i32
      %dma_wait3A_151 = arith.constant 0 : i32
      %dma_wait3A_152 = tpu.memref_slice %arg2[%dma_wait3A, %add3A_144, %dma_wait3A_151] : memref<2x10240x128xf32, #tpu.memory_space<hbm>> -> memref<1x64x128xf32, #tpu.memory_space<hbm>>
      %dma_wait3A_153 = tpu.memref_squeeze %dma_wait3A_152 : memref<1x64x128xf32, #tpu.memory_space<hbm>> -> memref<64x128xf32, #tpu.memory_space<hbm>>
      %dma_wait3A_154 = arith.constant 0 : i32
      %dma_wait3A_155 = tpu.memref_slice %arg2[%dma_wait3A, %add3A_144, %dma_wait3A_154] : memref<2x10240x128xf32, #tpu.memory_space<hbm>> -> memref<1x64x128xf32, #tpu.memory_space<hbm>>
      %dma_wait3A_156 = tpu.memref_squeeze %dma_wait3A_155 : memref<1x64x128xf32, #tpu.memory_space<hbm>> -> memref<64x128xf32, #tpu.memory_space<hbm>>
      tpu.wait_dma2 semaphore(%arg13 : memref<!tpu.dma_semaphore, #tpu.memory_space<semaphore_mem>>) src(%dma_wait3A_156 : memref<64x128xf32, #tpu.memory_space<hbm>>) dst(%arg11 : memref<64x128xf32, #tpu.memory_space<vmem>>)
      %mul3A_157 = arith.constant 64 : i32
      %mul3A_158 = arith.muli %scan3A_141, %mul3A_157 : i32
      %add3A_159 = arith.addi %mul3A_2, %mul3A_158 : i32
      %dma_start3A_160 = arith.constant 1 : i32
      %dma_start3A_161 = arith.constant 0 : i32
      %dma_start3A_162 = tpu.memref_slice %arg2[%dma_start3A_160, %add3A_159, %dma_start3A_161] : memref<2x10240x128xf32, #tpu.memory_space<hbm>> -> memref<1x64x128xf32, #tpu.memory_space<hbm>>
      %dma_start3A_163 = tpu.memref_squeeze %dma_start3A_162 : memref<1x64x128xf32, #tpu.memory_space<hbm>> -> memref<64x128xf32, #tpu.memory_space<hbm>>
      %dma_start3A_164 = arith.constant 0 : i32
      %dma_start3A_165 = tpu.memref_slice %arg2[%dma_start3A_160, %add3A_159, %dma_start3A_164] : memref<2x10240x128xf32, #tpu.memory_space<hbm>> -> memref<1x64x128xf32, #tpu.memory_space<hbm>>
      %dma_start3A_166 = tpu.memref_squeeze %dma_start3A_165 : memref<1x64x128xf32, #tpu.memory_space<hbm>> -> memref<64x128xf32, #tpu.memory_space<hbm>>
      tpu.enqueue_dma source(%dma_start3A_166 : memref<64x128xf32, #tpu.memory_space<hbm>>) target(%arg12 : memref<64x128xf32, #tpu.memory_space<vmem>>) target_semaphore(%arg13 : memref<!tpu.dma_semaphore, #tpu.memory_space<semaphore_mem>>)
      %dma_wait3A_167 = arith.constant 1 : i32
      %dma_wait3A_168 = arith.constant 0 : i32
      %dma_wait3A_169 = tpu.memref_slice %arg2[%dma_wait3A_167, %add3A_159, %dma_wait3A_168] : memref<2x10240x128xf32, #tpu.memory_space<hbm>> -> memref<1x64x128xf32, #tpu.memory_space<hbm>>
      %dma_wait3A_170 = tpu.memref_squeeze %dma_wait3A_169 : memref<1x64x128xf32, #tpu.memory_space<hbm>> -> memref<64x128xf32, #tpu.memory_space<hbm>>
      %dma_wait3A_171 = arith.constant 0 : i32
      %dma_wait3A_172 = tpu.memref_slice %arg2[%dma_wait3A_167, %add3A_159, %dma_wait3A_171] : memref<2x10240x128xf32, #tpu.memory_space<hbm>> -> memref<1x64x128xf32, #tpu.memory_space<hbm>>
      %dma_wait3A_173 = tpu.memref_squeeze %dma_wait3A_172 : memref<1x64x128xf32, #tpu.memory_space<hbm>> -> memref<64x128xf32, #tpu.memory_space<hbm>>
      tpu.wait_dma2 semaphore(%arg13 : memref<!tpu.dma_semaphore, #tpu.memory_space<semaphore_mem>>) src(%dma_wait3A_173 : memref<64x128xf32, #tpu.memory_space<hbm>>) dst(%arg12 : memref<64x128xf32, #tpu.memory_space<vmem>>)
      %scan3A_174 = arith.constant 0 : i32
      %scan3A_175 = arith.constant 0 : i32
      %scan3A_176 = arith.constant 64 : i32
      %scan3A_177 = arith.addi %scan3A_175, %scan3A_176 : i32
      %scan3A_178 = arith.constant 1 : i32
      scf.for %scan3A_183 = %scan3A_175 to %scan3A_177 step %scan3A_178  : i32 {
        %mul3A_184 = arith.constant 64 : i32
        %mul3A_185 = arith.muli %scan3A_141, %mul3A_184 : i32
        %add3A_186 = arith.addi %mul3A_185, %scan3A_183 : i32
        %broadcast_in_dim3A = vector.broadcast %add3A_186 : i32 to vector<16xi32>
        %gather3A = tpu.vector_load_idx %arg9[%broadcast_in_dim3A] : memref<320xf32, #tpu.memory_space<vmem>>[vector<16xi32>], vector<16xf32>,
        %get3A = arith.index_cast %scan3A_183 : i32 to index
        %get3A_187 = arith.constant 0 : index
        %get3A_188 = tpu.vector_load %arg11[%get3A, %get3A_187] {strides = array<i32>} : memref<64x128xf32, #tpu.memory_space<vmem>>, vector<16xf32>,
        %get3A_189 = arith.index_cast %scan3A_183 : i32 to index
        %get3A_190 = arith.constant 0 : index
        %get3A_191 = tpu.vector_load %arg12[%get3A_189, %get3A_190] {strides = array<i32>} : memref<64x128xf32, #tpu.memory_space<vmem>>, vector<16xf32>,
        %add3A_192 = arith.addf %get3A_188, %get3A_191 : vector<16xf32>
        %mul3A_193 = arith.mulf %add3A_192, %gather3A : vector<16xf32>
        %swap3A = arith.index_cast %scan3A_183 : i32 to index
        %swap3A_194 = arith.constant 0 : index
        %swap3A_195 = tpu.vector_load %arg11[%swap3A, %swap3A_194] {strides = array<i32>} : memref<64x128xf32, #tpu.memory_space<vmem>>, vector<16xf32>,
        tpu.vector_store %arg11[%swap3A, %swap3A_194], %mul3A_193 {strides = array<i32>} : memref<64x128xf32, #tpu.memory_space<vmem>>, vector<16xf32>,
        %get3A_196 = arith.index_cast %scan3A_183 : i32 to index
        %get3A_197 = arith.constant 16 : index
        %get3A_198 = tpu.vector_load %arg11[%get3A_196, %get3A_197] {strides = array<i32>} : memref<64x128xf32, #tpu.memory_space<vmem>>, vector<16xf32>,
        %get3A_199 = arith.index_cast %scan3A_183 : i32 to index
        %get3A_200 = arith.constant 16 : index
        %get3A_201 = tpu.vector_load %arg12[%get3A_199, %get3A_200] {strides = array<i32>} : memref<64x128xf32, #tpu.memory_space<vmem>>, vector<16xf32>,
        %add3A_202 = arith.addf %get3A_198, %get3A_201 : vector<16xf32>
        %mul3A_203 = arith.mulf %add3A_202, %gather3A : vector<16xf32>
        %swap3A_204 = arith.index_cast %scan3A_183 : i32 to index
        %swap3A_205 = arith.constant 16 : index
        %swap3A_206 = tpu.vector_load %arg11[%swap3A_204, %swap3A_205] {strides = array<i32>} : memref<64x128xf32, #tpu.memory_space<vmem>>, vector<16xf32>,
        tpu.vector_store %arg11[%swap3A_204, %swap3A_205], %mul3A_203 {strides = array<i32>} : memref<64x128xf32, #tpu.memory_space<vmem>>, vector<16xf32>,
        %get3A_207 = arith.index_cast %scan3A_183 : i32 to index
        %get3A_208 = arith.constant 32 : index
        %get3A_209 = tpu.vector_load %arg11[%get3A_207, %get3A_208] {strides = array<i32>} : memref<64x128xf32, #tpu.memory_space<vmem>>, vector<16xf32>,
        %get3A_210 = arith.index_cast %scan3A_183 : i32 to index
        %get3A_211 = arith.constant 32 : index
        %get3A_212 = tpu.vector_load %arg12[%get3A_210, %get3A_211] {strides = array<i32>} : memref<64x128xf32, #tpu.memory_space<vmem>>, vector<16xf32>,
        %add3A_213 = arith.addf %get3A_209, %get3A_212 : vector<16xf32>
        %mul3A_214 = arith.mulf %add3A_213, %gather3A : vector<16xf32>
        %swap3A_215 = arith.index_cast %scan3A_183 : i32 to index
        %swap3A_216 = arith.constant 32 : index
        %swap3A_217 = tpu.vector_load %arg11[%swap3A_215, %swap3A_216] {strides = array<i32>} : memref<64x128xf32, #tpu.memory_space<vmem>>, vector<16xf32>,
        tpu.vector_store %arg11[%swap3A_215, %swap3A_216], %mul3A_214 {strides = array<i32>} : memref<64x128xf32, #tpu.memory_space<vmem>>, vector<16xf32>,
        %get3A_218 = arith.index_cast %scan3A_183 : i32 to index
        %get3A_219 = arith.constant 48 : index
        %get3A_220 = tpu.vector_load %arg11[%get3A_218, %get3A_219] {strides = array<i32>} : memref<64x128xf32, #tpu.memory_space<vmem>>, vector<16xf32>,
        %get3A_221 = arith.index_cast %scan3A_183 : i32 to index
        %get3A_222 = arith.constant 48 : index
        %get3A_223 = tpu.vector_load %arg12[%get3A_221, %get3A_222] {strides = array<i32>} : memref<64x128xf32, #tpu.memory_space<vmem>>, vector<16xf32>,
        %add3A_224 = arith.addf %get3A_220, %get3A_223 : vector<16xf32>
        %mul3A_225 = arith.mulf %add3A_224, %gather3A : vector<16xf32>
        %swap3A_226 = arith.index_cast %scan3A_183 : i32 to index
        %swap3A_227 = arith.constant 48 : index
        %swap3A_228 = tpu.vector_load %arg11[%swap3A_226, %swap3A_227] {strides = array<i32>} : memref<64x128xf32, #tpu.memory_space<vmem>>, vector<16xf32>,
        tpu.vector_store %arg11[%swap3A_226, %swap3A_227], %mul3A_225 {strides = array<i32>} : memref<64x128xf32, #tpu.memory_space<vmem>>, vector<16xf32>,
        %get3A_229 = arith.index_cast %scan3A_183 : i32 to index
        %get3A_230 = arith.constant 64 : index
        %get3A_231 = tpu.vector_load %arg11[%get3A_229, %get3A_230] {strides = array<i32>} : memref<64x128xf32, #tpu.memory_space<vmem>>, vector<16xf32>,
        %get3A_232 = arith.index_cast %scan3A_183 : i32 to index
        %get3A_233 = arith.constant 64 : index
        %get3A_234 = tpu.vector_load %arg12[%get3A_232, %get3A_233] {strides = array<i32>} : memref<64x128xf32, #tpu.memory_space<vmem>>, vector<16xf32>,
        %add3A_235 = arith.addf %get3A_231, %get3A_234 : vector<16xf32>
        %mul3A_236 = arith.mulf %add3A_235, %gather3A : vector<16xf32>
        %swap3A_237 = arith.index_cast %scan3A_183 : i32 to index
        %swap3A_238 = arith.constant 64 : index
        %swap3A_239 = tpu.vector_load %arg11[%swap3A_237, %swap3A_238] {strides = array<i32>} : memref<64x128xf32, #tpu.memory_space<vmem>>, vector<16xf32>,
        tpu.vector_store %arg11[%swap3A_237, %swap3A_238], %mul3A_236 {strides = array<i32>} : memref<64x128xf32, #tpu.memory_space<vmem>>, vector<16xf32>,
        %get3A_240 = arith.index_cast %scan3A_183 : i32 to index
        %get3A_241 = arith.constant 80 : index
        %get3A_242 = tpu.vector_load %arg11[%get3A_240, %get3A_241] {strides = array<i32>} : memref<64x128xf32, #tpu.memory_space<vmem>>, vector<16xf32>,
        %get3A_243 = arith.index_cast %scan3A_183 : i32 to index
        %get3A_244 = arith.constant 80 : index
        %get3A_245 = tpu.vector_load %arg12[%get3A_243, %get3A_244] {strides = array<i32>} : memref<64x128xf32, #tpu.memory_space<vmem>>, vector<16xf32>,
        %add3A_246 = arith.addf %get3A_242, %get3A_245 : vector<16xf32>
        %mul3A_247 = arith.mulf %add3A_246, %gather3A : vector<16xf32>
        %swap3A_248 = arith.index_cast %scan3A_183 : i32 to index
        %swap3A_249 = arith.constant 80 : index
        %swap3A_250 = tpu.vector_load %arg11[%swap3A_248, %swap3A_249] {strides = array<i32>} : memref<64x128xf32, #tpu.memory_space<vmem>>, vector<16xf32>,
        tpu.vector_store %arg11[%swap3A_248, %swap3A_249], %mul3A_247 {strides = array<i32>} : memref<64x128xf32, #tpu.memory_space<vmem>>, vector<16xf32>,
        %get3A_251 = arith.index_cast %scan3A_183 : i32 to index
        %get3A_252 = arith.constant 96 : index
        %get3A_253 = tpu.vector_load %arg11[%get3A_251, %get3A_252] {strides = array<i32>} : memref<64x128xf32, #tpu.memory_space<vmem>>, vector<16xf32>,
        %get3A_254 = arith.index_cast %scan3A_183 : i32 to index
        %get3A_255 = arith.constant 96 : index
        %get3A_256 = tpu.vector_load %arg12[%get3A_254, %get3A_255] {strides = array<i32>} : memref<64x128xf32, #tpu.memory_space<vmem>>, vector<16xf32>,
        %add3A_257 = arith.addf %get3A_253, %get3A_256 : vector<16xf32>
        %mul3A_258 = arith.mulf %add3A_257, %gather3A : vector<16xf32>
        %swap3A_259 = arith.index_cast %scan3A_183 : i32 to index
        %swap3A_260 = arith.constant 96 : index
        %swap3A_261 = tpu.vector_load %arg11[%swap3A_259, %swap3A_260] {strides = array<i32>} : memref<64x128xf32, #tpu.memory_space<vmem>>, vector<16xf32>,
        tpu.vector_store %arg11[%swap3A_259, %swap3A_260], %mul3A_258 {strides = array<i32>} : memref<64x128xf32, #tpu.memory_space<vmem>>, vector<16xf32>,
        %get3A_262 = arith.index_cast %scan3A_183 : i32 to index
        %get3A_263 = arith.constant 112 : index
        %get3A_264 = tpu.vector_load %arg11[%get3A_262, %get3A_263] {strides = array<i32>} : memref<64x128xf32, #tpu.memory_space<vmem>>, vector<16xf32>,
        %get3A_265 = arith.index_cast %scan3A_183 : i32 to index
        %get3A_266 = arith.constant 112 : index
        %get3A_267 = tpu.vector_load %arg12[%get3A_265, %get3A_266] {strides = array<i32>} : memref<64x128xf32, #tpu.memory_space<vmem>>, vector<16xf32>,
        %add3A_268 = arith.addf %get3A_264, %get3A_267 : vector<16xf32>
        %mul3A_269 = arith.mulf %add3A_268, %gather3A : vector<16xf32>
        %swap3A_270 = arith.index_cast %scan3A_183 : i32 to index
        %swap3A_271 = arith.constant 112 : index
        %swap3A_272 = tpu.vector_load %arg11[%swap3A_270, %swap3A_271] {strides = array<i32>} : memref<64x128xf32, #tpu.memory_space<vmem>>, vector<16xf32>,
        tpu.vector_store %arg11[%swap3A_270, %swap3A_271], %mul3A_269 {strides = array<i32>} : memref<64x128xf32, #tpu.memory_space<vmem>>, vector<16xf32>,
      }
      %scan3A_179 = arith.constant 64 : i32
      %mul3A_180 = arith.constant 64 : i32
      %mul3A_181 = arith.muli %scan3A_141, %mul3A_180 : i32
      %add3A_182 = arith.addi %mul3A_2, %mul3A_181 : i32
      "tpu.region"() ({
        %run_scoped3A_183 = tpu.sem_alloc : memref<!tpu.dma_semaphore, #tpu.memory_space<semaphore_mem>>
        %dma_start3A_184 = arith.constant 0 : i32
        %dma_start3A_185 = tpu.memref_slice %arg5[%add3A_182, %dma_start3A_184] : memref<10240x128xf32, #tpu.memory_space<hbm>> -> memref<64x128xf32, #tpu.memory_space<hbm>>
        %dma_start3A_186 = arith.constant 0 : i32
        %dma_start3A_187 = tpu.memref_slice %arg5[%add3A_182, %dma_start3A_186] : memref<10240x128xf32, #tpu.memory_space<hbm>> -> memref<64x128xf32, #tpu.memory_space<hbm>>
        tpu.enqueue_dma source(%arg11 : memref<64x128xf32, #tpu.memory_space<vmem>>) target(%dma_start3A_187 : memref<64x128xf32, #tpu.memory_space<hbm>>) target_semaphore(%run_scoped3A_183 : memref<!tpu.dma_semaphore, #tpu.memory_space<semaphore_mem>>)
        %dma_wait3A_188 = arith.constant 0 : i32
        %dma_wait3A_189 = tpu.memref_slice %arg5[%add3A_182, %dma_wait3A_188] : memref<10240x128xf32, #tpu.memory_space<hbm>> -> memref<64x128xf32, #tpu.memory_space<hbm>>
        %dma_wait3A_190 = arith.constant 0 : i32
        %dma_wait3A_191 = tpu.memref_slice %arg5[%add3A_182, %dma_wait3A_190] : memref<10240x128xf32, #tpu.memory_space<hbm>> -> memref<64x128xf32, #tpu.memory_space<hbm>>
        tpu.wait_dma2 semaphore(%run_scoped3A_183 : memref<!tpu.dma_semaphore, #tpu.memory_space<semaphore_mem>>) src(%arg11 : memref<64x128xf32, #tpu.memory_space<vmem>>) dst(%dma_wait3A_191 : memref<64x128xf32, #tpu.memory_space<hbm>>)
        tpu.yield
      }) : () -> ()
    }
    %scan3A_140 = arith.constant 5 : i32
    return
  }
}

#map = affine_map<(d0, d1) -> (0, 0, 0)>
#map1 = affine_map<(d0, d1) -> (0)>
#map2 = affine_map<(d0, d1) -> (0, 0)>
module attributes {stable_mosaic.version = 14 : i64} {
  func.func @_scalar_pass(%arg0: i32, %arg1: i32, %arg2: memref<32x79x128xi32, #tpu.memory_space<hbm>>, %arg3: memref<32x79x128xi32, #tpu.memory_space<hbm>>, %arg4: memref<10240xf32, #tpu.memory_space<hbm>>, %arg5: memref<32x10240xf32, #tpu.memory_space<hbm>>, %arg6: memref<32x10240xf32, #tpu.memory_space<hbm>>, %arg7: memref<79x128xi32, #tpu.memory_space<vmem>>, %arg8: memref<79x128xi32, #tpu.memory_space<vmem>>, %arg9: memref<10240xf32, #tpu.memory_space<vmem>>, %arg10: memref<10240xf32, #tpu.memory_space<vmem>>, %arg11: memref<10240xf32, #tpu.memory_space<vmem>>) attributes {dimension_semantics = [#tpu.dimension_semantics<core_parallel>, #tpu.dimension_semantics<subcore_parallel>], iteration_bounds = array<i64: 2, 16>, scalar_prefetch = 0 : i64, scratch_operands = 5 : i64, tpu.core_type = #tpu.core_type<sc_vector_subcore>, window_params = [{transform_indices = #map}, {transform_indices = #map}, {transform_indices = #map1}, {transform_indices = #map2}, {transform_indices = #map2}]} {
    %mul3A = arith.constant 16 : i32
    %mul3A_0 = arith.muli %arg0, %mul3A : i32
    %add3A = arith.addi %mul3A_0, %arg1 : i32
    "tpu.region"() ({
      %run_scoped3A = tpu.sem_alloc : memref<!tpu.dma_semaphore, #tpu.memory_space<semaphore_mem>>
      %dma_start3A = arith.constant 0 : i32
      %dma_start3A_23 = arith.constant 0 : i32
      %dma_start3A_24 = tpu.memref_slice %arg2[%add3A, %dma_start3A, %dma_start3A_23] : memref<32x79x128xi32, #tpu.memory_space<hbm>> -> memref<1x79x128xi32, #tpu.memory_space<hbm>>
      %dma_start3A_25 = tpu.memref_squeeze %dma_start3A_24 : memref<1x79x128xi32, #tpu.memory_space<hbm>> -> memref<79x128xi32, #tpu.memory_space<hbm>>
      %dma_start3A_26 = arith.constant 0 : i32
      %dma_start3A_27 = arith.constant 0 : i32
      %dma_start3A_28 = tpu.memref_slice %arg2[%add3A, %dma_start3A_26, %dma_start3A_27] : memref<32x79x128xi32, #tpu.memory_space<hbm>> -> memref<1x79x128xi32, #tpu.memory_space<hbm>>
      %dma_start3A_29 = tpu.memref_squeeze %dma_start3A_28 : memref<1x79x128xi32, #tpu.memory_space<hbm>> -> memref<79x128xi32, #tpu.memory_space<hbm>>
      tpu.enqueue_dma source(%dma_start3A_29 : memref<79x128xi32, #tpu.memory_space<hbm>>) target(%arg7 : memref<79x128xi32, #tpu.memory_space<vmem>>) target_semaphore(%run_scoped3A : memref<!tpu.dma_semaphore, #tpu.memory_space<semaphore_mem>>)
      %dma_wait3A = arith.constant 0 : i32
      %dma_wait3A_30 = arith.constant 0 : i32
      %dma_wait3A_31 = tpu.memref_slice %arg2[%add3A, %dma_wait3A, %dma_wait3A_30] : memref<32x79x128xi32, #tpu.memory_space<hbm>> -> memref<1x79x128xi32, #tpu.memory_space<hbm>>
      %dma_wait3A_32 = tpu.memref_squeeze %dma_wait3A_31 : memref<1x79x128xi32, #tpu.memory_space<hbm>> -> memref<79x128xi32, #tpu.memory_space<hbm>>
      %dma_wait3A_33 = arith.constant 0 : i32
      %dma_wait3A_34 = arith.constant 0 : i32
      %dma_wait3A_35 = tpu.memref_slice %arg2[%add3A, %dma_wait3A_33, %dma_wait3A_34] : memref<32x79x128xi32, #tpu.memory_space<hbm>> -> memref<1x79x128xi32, #tpu.memory_space<hbm>>
      %dma_wait3A_36 = tpu.memref_squeeze %dma_wait3A_35 : memref<1x79x128xi32, #tpu.memory_space<hbm>> -> memref<79x128xi32, #tpu.memory_space<hbm>>
      tpu.wait_dma2 semaphore(%run_scoped3A : memref<!tpu.dma_semaphore, #tpu.memory_space<semaphore_mem>>) src(%dma_wait3A_36 : memref<79x128xi32, #tpu.memory_space<hbm>>) dst(%arg7 : memref<79x128xi32, #tpu.memory_space<vmem>>)
      tpu.yield
    }) : () -> ()
    "tpu.region"() ({
      %run_scoped3A = tpu.sem_alloc : memref<!tpu.dma_semaphore, #tpu.memory_space<semaphore_mem>>
      %dma_start3A = arith.constant 0 : i32
      %dma_start3A_23 = arith.constant 0 : i32
      %dma_start3A_24 = tpu.memref_slice %arg3[%add3A, %dma_start3A, %dma_start3A_23] : memref<32x79x128xi32, #tpu.memory_space<hbm>> -> memref<1x79x128xi32, #tpu.memory_space<hbm>>
      %dma_start3A_25 = tpu.memref_squeeze %dma_start3A_24 : memref<1x79x128xi32, #tpu.memory_space<hbm>> -> memref<79x128xi32, #tpu.memory_space<hbm>>
      %dma_start3A_26 = arith.constant 0 : i32
      %dma_start3A_27 = arith.constant 0 : i32
      %dma_start3A_28 = tpu.memref_slice %arg3[%add3A, %dma_start3A_26, %dma_start3A_27] : memref<32x79x128xi32, #tpu.memory_space<hbm>> -> memref<1x79x128xi32, #tpu.memory_space<hbm>>
      %dma_start3A_29 = tpu.memref_squeeze %dma_start3A_28 : memref<1x79x128xi32, #tpu.memory_space<hbm>> -> memref<79x128xi32, #tpu.memory_space<hbm>>
      tpu.enqueue_dma source(%dma_start3A_29 : memref<79x128xi32, #tpu.memory_space<hbm>>) target(%arg8 : memref<79x128xi32, #tpu.memory_space<vmem>>) target_semaphore(%run_scoped3A : memref<!tpu.dma_semaphore, #tpu.memory_space<semaphore_mem>>)
      %dma_wait3A = arith.constant 0 : i32
      %dma_wait3A_30 = arith.constant 0 : i32
      %dma_wait3A_31 = tpu.memref_slice %arg3[%add3A, %dma_wait3A, %dma_wait3A_30] : memref<32x79x128xi32, #tpu.memory_space<hbm>> -> memref<1x79x128xi32, #tpu.memory_space<hbm>>
      %dma_wait3A_32 = tpu.memref_squeeze %dma_wait3A_31 : memref<1x79x128xi32, #tpu.memory_space<hbm>> -> memref<79x128xi32, #tpu.memory_space<hbm>>
      %dma_wait3A_33 = arith.constant 0 : i32
      %dma_wait3A_34 = arith.constant 0 : i32
      %dma_wait3A_35 = tpu.memref_slice %arg3[%add3A, %dma_wait3A_33, %dma_wait3A_34] : memref<32x79x128xi32, #tpu.memory_space<hbm>> -> memref<1x79x128xi32, #tpu.memory_space<hbm>>
      %dma_wait3A_36 = tpu.memref_squeeze %dma_wait3A_35 : memref<1x79x128xi32, #tpu.memory_space<hbm>> -> memref<79x128xi32, #tpu.memory_space<hbm>>
      tpu.wait_dma2 semaphore(%run_scoped3A : memref<!tpu.dma_semaphore, #tpu.memory_space<semaphore_mem>>) src(%dma_wait3A_36 : memref<79x128xi32, #tpu.memory_space<hbm>>) dst(%arg8 : memref<79x128xi32, #tpu.memory_space<vmem>>)
      tpu.yield
    }) : () -> ()
    "tpu.region"() ({
      %run_scoped3A = tpu.sem_alloc : memref<!tpu.dma_semaphore, #tpu.memory_space<semaphore_mem>>
      tpu.enqueue_dma source(%arg4 : memref<10240xf32, #tpu.memory_space<hbm>>) target(%arg9 : memref<10240xf32, #tpu.memory_space<vmem>>) target_semaphore(%run_scoped3A : memref<!tpu.dma_semaphore, #tpu.memory_space<semaphore_mem>>)
      tpu.wait_dma2 semaphore(%run_scoped3A : memref<!tpu.dma_semaphore, #tpu.memory_space<semaphore_mem>>) src(%arg4 : memref<10240xf32, #tpu.memory_space<hbm>>) dst(%arg9 : memref<10240xf32, #tpu.memory_space<vmem>>)
      tpu.yield
    }) : () -> ()
    %broadcast_in_dim3A = arith.constant 0.000000e+00 : f32
    %broadcast_in_dim3A_1 = vector.broadcast %broadcast_in_dim3A : f32 to vector<16xf32>
    %scan3A = arith.constant 0 : i32
    %scan3A_2 = arith.constant 0 : i32
    %scan3A_3 = arith.constant 640 : i32
    %scan3A_4 = arith.addi %scan3A_2, %scan3A_3 : i32
    %scan3A_5 = arith.constant 1 : i32
    scf.for %scan3A_23 = %scan3A_2 to %scan3A_4 step %scan3A_5  : i32 {
      %mul3A_24 = arith.constant 16 : i32
      %mul3A_25 = arith.muli %scan3A_23, %mul3A_24 : i32
      %swap3A = arith.index_cast %mul3A_25 : i32 to index
      %swap3A_26 = tpu.vector_load %arg10[%swap3A] {strides = array<i32>} : memref<10240xf32, #tpu.memory_space<vmem>>, vector<16xf32>,
      tpu.vector_store %arg10[%swap3A], %broadcast_in_dim3A_1 {strides = array<i32>} : memref<10240xf32, #tpu.memory_space<vmem>>, vector<16xf32>,
    }
    %scan3A_6 = arith.constant 640 : i32
    %broadcast_in_dim3A_7 = arith.constant 0.000000e+00 : f32
    %broadcast_in_dim3A_8 = vector.broadcast %broadcast_in_dim3A_7 : f32 to vector<16xf32>
    %scan3A_9 = arith.constant 0 : i32
    %scan3A_10 = arith.constant 0 : i32
    %scan3A_11 = arith.constant 640 : i32
    %scan3A_12 = arith.addi %scan3A_10, %scan3A_11 : i32
    %scan3A_13 = arith.constant 1 : i32
    scf.for %scan3A_23 = %scan3A_10 to %scan3A_12 step %scan3A_13  : i32 {
      %mul3A_24 = arith.constant 16 : i32
      %mul3A_25 = arith.muli %scan3A_23, %mul3A_24 : i32
      %swap3A = arith.index_cast %mul3A_25 : i32 to index
      %swap3A_26 = tpu.vector_load %arg11[%swap3A] {strides = array<i32>} : memref<10240xf32, #tpu.memory_space<vmem>>, vector<16xf32>,
      tpu.vector_store %arg11[%swap3A], %broadcast_in_dim3A_8 {strides = array<i32>} : memref<10240xf32, #tpu.memory_space<vmem>>, vector<16xf32>,
    }
    %scan3A_14 = arith.constant 640 : i32
    %broadcast_in_dim3A_15 = arith.constant 1.000000e+00 : f32
    %broadcast_in_dim3A_16 = vector.broadcast %broadcast_in_dim3A_15 : f32 to vector<16xf32>
    %scan3A_17 = arith.constant 0 : i32
    %scan3A_18 = arith.constant 0 : i32
    %scan3A_19 = arith.constant 79 : i32
    %scan3A_20 = arith.addi %scan3A_18, %scan3A_19 : i32
    %scan3A_21 = arith.constant 1 : i32
    scf.for %scan3A_23 = %scan3A_18 to %scan3A_20 step %scan3A_21  : i32 {
      %get3A = arith.index_cast %scan3A_23 : i32 to index
      %get3A_24 = arith.constant 0 : index
      %get3A_25 = tpu.vector_load %arg7[%get3A, %get3A_24] {strides = array<i32>} : memref<79x128xi32, #tpu.memory_space<vmem>>, vector<16xi32>,
      %get3A_26 = arith.index_cast %scan3A_23 : i32 to index
      %get3A_27 = arith.constant 0 : index
      %get3A_28 = tpu.vector_load %arg8[%get3A_26, %get3A_27] {strides = array<i32>} : memref<79x128xi32, #tpu.memory_space<vmem>>, vector<16xi32>,
      %gather3A = tpu.vector_load_idx %arg9[%get3A_28] : memref<10240xf32, #tpu.memory_space<vmem>>[vector<16xi32>], vector<16xf32>,
      tpu.vector_store_idx %arg10[%get3A_25], %gather3A {add = true} : memref<10240xf32, #tpu.memory_space<vmem>>[vector<16xi32>], vector<16xf32>,
      tpu.vector_store_idx %arg11[%get3A_28], %broadcast_in_dim3A_16 {add = true} : memref<10240xf32, #tpu.memory_space<vmem>>[vector<16xi32>], vector<16xf32>,
      %get3A_29 = arith.index_cast %scan3A_23 : i32 to index
      %get3A_30 = arith.constant 16 : index
      %get3A_31 = tpu.vector_load %arg7[%get3A_29, %get3A_30] {strides = array<i32>} : memref<79x128xi32, #tpu.memory_space<vmem>>, vector<16xi32>,
      %get3A_32 = arith.index_cast %scan3A_23 : i32 to index
      %get3A_33 = arith.constant 16 : index
      %get3A_34 = tpu.vector_load %arg8[%get3A_32, %get3A_33] {strides = array<i32>} : memref<79x128xi32, #tpu.memory_space<vmem>>, vector<16xi32>,
      %gather3A_35 = tpu.vector_load_idx %arg9[%get3A_34] : memref<10240xf32, #tpu.memory_space<vmem>>[vector<16xi32>], vector<16xf32>,
      tpu.vector_store_idx %arg10[%get3A_31], %gather3A_35 {add = true} : memref<10240xf32, #tpu.memory_space<vmem>>[vector<16xi32>], vector<16xf32>,
      tpu.vector_store_idx %arg11[%get3A_34], %broadcast_in_dim3A_16 {add = true} : memref<10240xf32, #tpu.memory_space<vmem>>[vector<16xi32>], vector<16xf32>,
      %get3A_36 = arith.index_cast %scan3A_23 : i32 to index
      %get3A_37 = arith.constant 32 : index
      %get3A_38 = tpu.vector_load %arg7[%get3A_36, %get3A_37] {strides = array<i32>} : memref<79x128xi32, #tpu.memory_space<vmem>>, vector<16xi32>,
      %get3A_39 = arith.index_cast %scan3A_23 : i32 to index
      %get3A_40 = arith.constant 32 : index
      %get3A_41 = tpu.vector_load %arg8[%get3A_39, %get3A_40] {strides = array<i32>} : memref<79x128xi32, #tpu.memory_space<vmem>>, vector<16xi32>,
      %gather3A_42 = tpu.vector_load_idx %arg9[%get3A_41] : memref<10240xf32, #tpu.memory_space<vmem>>[vector<16xi32>], vector<16xf32>,
      tpu.vector_store_idx %arg10[%get3A_38], %gather3A_42 {add = true} : memref<10240xf32, #tpu.memory_space<vmem>>[vector<16xi32>], vector<16xf32>,
      tpu.vector_store_idx %arg11[%get3A_41], %broadcast_in_dim3A_16 {add = true} : memref<10240xf32, #tpu.memory_space<vmem>>[vector<16xi32>], vector<16xf32>,
      %get3A_43 = arith.index_cast %scan3A_23 : i32 to index
      %get3A_44 = arith.constant 48 : index
      %get3A_45 = tpu.vector_load %arg7[%get3A_43, %get3A_44] {strides = array<i32>} : memref<79x128xi32, #tpu.memory_space<vmem>>, vector<16xi32>,
      %get3A_46 = arith.index_cast %scan3A_23 : i32 to index
      %get3A_47 = arith.constant 48 : index
      %get3A_48 = tpu.vector_load %arg8[%get3A_46, %get3A_47] {strides = array<i32>} : memref<79x128xi32, #tpu.memory_space<vmem>>, vector<16xi32>,
      %gather3A_49 = tpu.vector_load_idx %arg9[%get3A_48] : memref<10240xf32, #tpu.memory_space<vmem>>[vector<16xi32>], vector<16xf32>,
      tpu.vector_store_idx %arg10[%get3A_45], %gather3A_49 {add = true} : memref<10240xf32, #tpu.memory_space<vmem>>[vector<16xi32>], vector<16xf32>,
      tpu.vector_store_idx %arg11[%get3A_48], %broadcast_in_dim3A_16 {add = true} : memref<10240xf32, #tpu.memory_space<vmem>>[vector<16xi32>], vector<16xf32>,
      %get3A_50 = arith.index_cast %scan3A_23 : i32 to index
      %get3A_51 = arith.constant 64 : index
      %get3A_52 = tpu.vector_load %arg7[%get3A_50, %get3A_51] {strides = array<i32>} : memref<79x128xi32, #tpu.memory_space<vmem>>, vector<16xi32>,
      %get3A_53 = arith.index_cast %scan3A_23 : i32 to index
      %get3A_54 = arith.constant 64 : index
      %get3A_55 = tpu.vector_load %arg8[%get3A_53, %get3A_54] {strides = array<i32>} : memref<79x128xi32, #tpu.memory_space<vmem>>, vector<16xi32>,
      %gather3A_56 = tpu.vector_load_idx %arg9[%get3A_55] : memref<10240xf32, #tpu.memory_space<vmem>>[vector<16xi32>], vector<16xf32>,
      tpu.vector_store_idx %arg10[%get3A_52], %gather3A_56 {add = true} : memref<10240xf32, #tpu.memory_space<vmem>>[vector<16xi32>], vector<16xf32>,
      tpu.vector_store_idx %arg11[%get3A_55], %broadcast_in_dim3A_16 {add = true} : memref<10240xf32, #tpu.memory_space<vmem>>[vector<16xi32>], vector<16xf32>,
      %get3A_57 = arith.index_cast %scan3A_23 : i32 to index
      %get3A_58 = arith.constant 80 : index
      %get3A_59 = tpu.vector_load %arg7[%get3A_57, %get3A_58] {strides = array<i32>} : memref<79x128xi32, #tpu.memory_space<vmem>>, vector<16xi32>,
      %get3A_60 = arith.index_cast %scan3A_23 : i32 to index
      %get3A_61 = arith.constant 80 : index
      %get3A_62 = tpu.vector_load %arg8[%get3A_60, %get3A_61] {strides = array<i32>} : memref<79x128xi32, #tpu.memory_space<vmem>>, vector<16xi32>,
      %gather3A_63 = tpu.vector_load_idx %arg9[%get3A_62] : memref<10240xf32, #tpu.memory_space<vmem>>[vector<16xi32>], vector<16xf32>,
      tpu.vector_store_idx %arg10[%get3A_59], %gather3A_63 {add = true} : memref<10240xf32, #tpu.memory_space<vmem>>[vector<16xi32>], vector<16xf32>,
      tpu.vector_store_idx %arg11[%get3A_62], %broadcast_in_dim3A_16 {add = true} : memref<10240xf32, #tpu.memory_space<vmem>>[vector<16xi32>], vector<16xf32>,
      %get3A_64 = arith.index_cast %scan3A_23 : i32 to index
      %get3A_65 = arith.constant 96 : index
      %get3A_66 = tpu.vector_load %arg7[%get3A_64, %get3A_65] {strides = array<i32>} : memref<79x128xi32, #tpu.memory_space<vmem>>, vector<16xi32>,
      %get3A_67 = arith.index_cast %scan3A_23 : i32 to index
      %get3A_68 = arith.constant 96 : index
      %get3A_69 = tpu.vector_load %arg8[%get3A_67, %get3A_68] {strides = array<i32>} : memref<79x128xi32, #tpu.memory_space<vmem>>, vector<16xi32>,
      %gather3A_70 = tpu.vector_load_idx %arg9[%get3A_69] : memref<10240xf32, #tpu.memory_space<vmem>>[vector<16xi32>], vector<16xf32>,
      tpu.vector_store_idx %arg10[%get3A_66], %gather3A_70 {add = true} : memref<10240xf32, #tpu.memory_space<vmem>>[vector<16xi32>], vector<16xf32>,
      tpu.vector_store_idx %arg11[%get3A_69], %broadcast_in_dim3A_16 {add = true} : memref<10240xf32, #tpu.memory_space<vmem>>[vector<16xi32>], vector<16xf32>,
      %get3A_71 = arith.index_cast %scan3A_23 : i32 to index
      %get3A_72 = arith.constant 112 : index
      %get3A_73 = tpu.vector_load %arg7[%get3A_71, %get3A_72] {strides = array<i32>} : memref<79x128xi32, #tpu.memory_space<vmem>>, vector<16xi32>,
      %get3A_74 = arith.index_cast %scan3A_23 : i32 to index
      %get3A_75 = arith.constant 112 : index
      %get3A_76 = tpu.vector_load %arg8[%get3A_74, %get3A_75] {strides = array<i32>} : memref<79x128xi32, #tpu.memory_space<vmem>>, vector<16xi32>,
      %gather3A_77 = tpu.vector_load_idx %arg9[%get3A_76] : memref<10240xf32, #tpu.memory_space<vmem>>[vector<16xi32>], vector<16xf32>,
      tpu.vector_store_idx %arg10[%get3A_73], %gather3A_77 {add = true} : memref<10240xf32, #tpu.memory_space<vmem>>[vector<16xi32>], vector<16xf32>,
      tpu.vector_store_idx %arg11[%get3A_76], %broadcast_in_dim3A_16 {add = true} : memref<10240xf32, #tpu.memory_space<vmem>>[vector<16xi32>], vector<16xf32>,
    }
    %scan3A_22 = arith.constant 79 : i32
    "tpu.region"() ({
      %run_scoped3A = tpu.sem_alloc : memref<!tpu.dma_semaphore, #tpu.memory_space<semaphore_mem>>
      %dma_start3A = arith.constant 0 : i32
      %dma_start3A_23 = tpu.memref_slice %arg5[%add3A, %dma_start3A] : memref<32x10240xf32, #tpu.memory_space<hbm>> -> memref<1x10240xf32, #tpu.memory_space<hbm>>
      %dma_start3A_24 = tpu.memref_squeeze %dma_start3A_23 : memref<1x10240xf32, #tpu.memory_space<hbm>> -> memref<10240xf32, #tpu.memory_space<hbm>>
      %dma_start3A_25 = arith.constant 0 : i32
      %dma_start3A_26 = tpu.memref_slice %arg5[%add3A, %dma_start3A_25] : memref<32x10240xf32, #tpu.memory_space<hbm>> -> memref<1x10240xf32, #tpu.memory_space<hbm>>
      %dma_start3A_27 = tpu.memref_squeeze %dma_start3A_26 : memref<1x10240xf32, #tpu.memory_space<hbm>> -> memref<10240xf32, #tpu.memory_space<hbm>>
      tpu.enqueue_dma source(%arg10 : memref<10240xf32, #tpu.memory_space<vmem>>) target(%dma_start3A_27 : memref<10240xf32, #tpu.memory_space<hbm>>) target_semaphore(%run_scoped3A : memref<!tpu.dma_semaphore, #tpu.memory_space<semaphore_mem>>)
      %dma_wait3A = arith.constant 0 : i32
      %dma_wait3A_28 = tpu.memref_slice %arg5[%add3A, %dma_wait3A] : memref<32x10240xf32, #tpu.memory_space<hbm>> -> memref<1x10240xf32, #tpu.memory_space<hbm>>
      %dma_wait3A_29 = tpu.memref_squeeze %dma_wait3A_28 : memref<1x10240xf32, #tpu.memory_space<hbm>> -> memref<10240xf32, #tpu.memory_space<hbm>>
      %dma_wait3A_30 = arith.constant 0 : i32
      %dma_wait3A_31 = tpu.memref_slice %arg5[%add3A, %dma_wait3A_30] : memref<32x10240xf32, #tpu.memory_space<hbm>> -> memref<1x10240xf32, #tpu.memory_space<hbm>>
      %dma_wait3A_32 = tpu.memref_squeeze %dma_wait3A_31 : memref<1x10240xf32, #tpu.memory_space<hbm>> -> memref<10240xf32, #tpu.memory_space<hbm>>
      tpu.wait_dma2 semaphore(%run_scoped3A : memref<!tpu.dma_semaphore, #tpu.memory_space<semaphore_mem>>) src(%arg10 : memref<10240xf32, #tpu.memory_space<vmem>>) dst(%dma_wait3A_32 : memref<10240xf32, #tpu.memory_space<hbm>>)
      tpu.yield
    }) : () -> ()
    "tpu.region"() ({
      %run_scoped3A = tpu.sem_alloc : memref<!tpu.dma_semaphore, #tpu.memory_space<semaphore_mem>>
      %dma_start3A = arith.constant 0 : i32
      %dma_start3A_23 = tpu.memref_slice %arg6[%add3A, %dma_start3A] : memref<32x10240xf32, #tpu.memory_space<hbm>> -> memref<1x10240xf32, #tpu.memory_space<hbm>>
      %dma_start3A_24 = tpu.memref_squeeze %dma_start3A_23 : memref<1x10240xf32, #tpu.memory_space<hbm>> -> memref<10240xf32, #tpu.memory_space<hbm>>
      %dma_start3A_25 = arith.constant 0 : i32
      %dma_start3A_26 = tpu.memref_slice %arg6[%add3A, %dma_start3A_25] : memref<32x10240xf32, #tpu.memory_space<hbm>> -> memref<1x10240xf32, #tpu.memory_space<hbm>>
      %dma_start3A_27 = tpu.memref_squeeze %dma_start3A_26 : memref<1x10240xf32, #tpu.memory_space<hbm>> -> memref<10240xf32, #tpu.memory_space<hbm>>
      tpu.enqueue_dma source(%arg11 : memref<10240xf32, #tpu.memory_space<vmem>>) target(%dma_start3A_27 : memref<10240xf32, #tpu.memory_space<hbm>>) target_semaphore(%run_scoped3A : memref<!tpu.dma_semaphore, #tpu.memory_space<semaphore_mem>>)
      %dma_wait3A = arith.constant 0 : i32
      %dma_wait3A_28 = tpu.memref_slice %arg6[%add3A, %dma_wait3A] : memref<32x10240xf32, #tpu.memory_space<hbm>> -> memref<1x10240xf32, #tpu.memory_space<hbm>>
      %dma_wait3A_29 = tpu.memref_squeeze %dma_wait3A_28 : memref<1x10240xf32, #tpu.memory_space<hbm>> -> memref<10240xf32, #tpu.memory_space<hbm>>
      %dma_wait3A_30 = arith.constant 0 : i32
      %dma_wait3A_31 = tpu.memref_slice %arg6[%add3A, %dma_wait3A_30] : memref<32x10240xf32, #tpu.memory_space<hbm>> -> memref<1x10240xf32, #tpu.memory_space<hbm>>
      %dma_wait3A_32 = tpu.memref_squeeze %dma_wait3A_31 : memref<1x10240xf32, #tpu.memory_space<hbm>> -> memref<10240xf32, #tpu.memory_space<hbm>>
      tpu.wait_dma2 semaphore(%run_scoped3A : memref<!tpu.dma_semaphore, #tpu.memory_space<semaphore_mem>>) src(%arg11 : memref<10240xf32, #tpu.memory_space<vmem>>) dst(%dma_wait3A_32 : memref<10240xf32, #tpu.memory_space<hbm>>)
      tpu.yield
    }) : () -> ()
    return
  }
}

#map = affine_map<(d0, d1) -> (0, 0)>
#map1 = affine_map<(d0, d1) -> (0, 0, 0)>
module attributes {stable_mosaic.version = 14 : i64} {
  func.func @_incidence_pass(%arg0: i32, %arg1: i32, %arg2: memref<10240x128xf32, #tpu.memory_space<hbm>>, %arg3: memref<32x79x128xi32, #tpu.memory_space<hbm>>, %arg4: memref<32x79x128xi32, #tpu.memory_space<hbm>>, %arg5: memref<2x10240x128xf32, #tpu.memory_space<hbm>>, %arg6: memref<79x128xi32, #tpu.memory_space<vmem>>, %arg7: memref<79x128xi32, #tpu.memory_space<vmem>>, %arg8: memref<128x128xf32, #tpu.memory_space<vmem>>, %arg9: memref<10240x128xf32, #tpu.memory_space<vmem_shared>>, %arg10: memref<!tpu.dma_semaphore, #tpu.memory_space<semaphore_mem>>) attributes {dimension_semantics = [#tpu.dimension_semantics<core_parallel>, #tpu.dimension_semantics<subcore_parallel>], iteration_bounds = array<i64: 2, 16>, scalar_prefetch = 0 : i64, scratch_operands = 5 : i64, tpu.core_type = #tpu.core_type<sc_vector_subcore>, window_params = [{transform_indices = #map}, {transform_indices = #map1}, {transform_indices = #map1}, {transform_indices = #map1}]} {
    %mul3A = arith.constant 16 : i32
    %mul3A_0 = arith.muli %arg0, %mul3A : i32
    %add3A = arith.addi %mul3A_0, %arg1 : i32
    %broadcast_in_dim3A = arith.constant 0.000000e+00 : f32
    %broadcast_in_dim3A_1 = vector.broadcast %broadcast_in_dim3A : f32 to vector<16xf32>
    %scan3A = arith.constant 0 : i32
    %scan3A_2 = arith.constant 0 : i32
    %scan3A_3 = arith.constant 128 : i32
    %scan3A_4 = arith.addi %scan3A_2, %scan3A_3 : i32
    %scan3A_5 = arith.constant 1 : i32
    scf.for %scan3A_38 = %scan3A_2 to %scan3A_4 step %scan3A_5  : i32 {
      %swap3A = arith.index_cast %scan3A_38 : i32 to index
      %swap3A_39 = arith.constant 0 : index
      %swap3A_40 = tpu.vector_load %arg8[%swap3A, %swap3A_39] {strides = array<i32>} : memref<128x128xf32, #tpu.memory_space<vmem>>, vector<16xf32>,
      tpu.vector_store %arg8[%swap3A, %swap3A_39], %broadcast_in_dim3A_1 {strides = array<i32>} : memref<128x128xf32, #tpu.memory_space<vmem>>, vector<16xf32>,
      %swap3A_41 = arith.index_cast %scan3A_38 : i32 to index
      %swap3A_42 = arith.constant 16 : index
      %swap3A_43 = tpu.vector_load %arg8[%swap3A_41, %swap3A_42] {strides = array<i32>} : memref<128x128xf32, #tpu.memory_space<vmem>>, vector<16xf32>,
      tpu.vector_store %arg8[%swap3A_41, %swap3A_42], %broadcast_in_dim3A_1 {strides = array<i32>} : memref<128x128xf32, #tpu.memory_space<vmem>>, vector<16xf32>,
      %swap3A_44 = arith.index_cast %scan3A_38 : i32 to index
      %swap3A_45 = arith.constant 32 : index
      %swap3A_46 = tpu.vector_load %arg8[%swap3A_44, %swap3A_45] {strides = array<i32>} : memref<128x128xf32, #tpu.memory_space<vmem>>, vector<16xf32>,
      tpu.vector_store %arg8[%swap3A_44, %swap3A_45], %broadcast_in_dim3A_1 {strides = array<i32>} : memref<128x128xf32, #tpu.memory_space<vmem>>, vector<16xf32>,
      %swap3A_47 = arith.index_cast %scan3A_38 : i32 to index
      %swap3A_48 = arith.constant 48 : index
      %swap3A_49 = tpu.vector_load %arg8[%swap3A_47, %swap3A_48] {strides = array<i32>} : memref<128x128xf32, #tpu.memory_space<vmem>>, vector<16xf32>,
      tpu.vector_store %arg8[%swap3A_47, %swap3A_48], %broadcast_in_dim3A_1 {strides = array<i32>} : memref<128x128xf32, #tpu.memory_space<vmem>>, vector<16xf32>,
      %swap3A_50 = arith.index_cast %scan3A_38 : i32 to index
      %swap3A_51 = arith.constant 64 : index
      %swap3A_52 = tpu.vector_load %arg8[%swap3A_50, %swap3A_51] {strides = array<i32>} : memref<128x128xf32, #tpu.memory_space<vmem>>, vector<16xf32>,
      tpu.vector_store %arg8[%swap3A_50, %swap3A_51], %broadcast_in_dim3A_1 {strides = array<i32>} : memref<128x128xf32, #tpu.memory_space<vmem>>, vector<16xf32>,
      %swap3A_53 = arith.index_cast %scan3A_38 : i32 to index
      %swap3A_54 = arith.constant 80 : index
      %swap3A_55 = tpu.vector_load %arg8[%swap3A_53, %swap3A_54] {strides = array<i32>} : memref<128x128xf32, #tpu.memory_space<vmem>>, vector<16xf32>,
      tpu.vector_store %arg8[%swap3A_53, %swap3A_54], %broadcast_in_dim3A_1 {strides = array<i32>} : memref<128x128xf32, #tpu.memory_space<vmem>>, vector<16xf32>,
      %swap3A_56 = arith.index_cast %scan3A_38 : i32 to index
      %swap3A_57 = arith.constant 96 : index
      %swap3A_58 = tpu.vector_load %arg8[%swap3A_56, %swap3A_57] {strides = array<i32>} : memref<128x128xf32, #tpu.memory_space<vmem>>, vector<16xf32>,
      tpu.vector_store %arg8[%swap3A_56, %swap3A_57], %broadcast_in_dim3A_1 {strides = array<i32>} : memref<128x128xf32, #tpu.memory_space<vmem>>, vector<16xf32>,
      %swap3A_59 = arith.index_cast %scan3A_38 : i32 to index
      %swap3A_60 = arith.constant 112 : index
      %swap3A_61 = tpu.vector_load %arg8[%swap3A_59, %swap3A_60] {strides = array<i32>} : memref<128x128xf32, #tpu.memory_space<vmem>>, vector<16xf32>,
      tpu.vector_store %arg8[%swap3A_59, %swap3A_60], %broadcast_in_dim3A_1 {strides = array<i32>} : memref<128x128xf32, #tpu.memory_space<vmem>>, vector<16xf32>,
    }
    %scan3A_6 = arith.constant 128 : i32
    %mul3A_7 = arith.constant 640 : i32
    %mul3A_8 = arith.muli %arg1, %mul3A_7 : i32
    %add3A_9 = arith.constant 0 : i32
    %add3A_10 = arith.addi %mul3A_8, %add3A_9 : i32
    "tpu.region"() ({
      %run_scoped3A = tpu.sem_alloc : memref<!tpu.dma_semaphore, #tpu.memory_space<semaphore_mem>>
      %dma_start3A = arith.constant 0 : i32
      %dma_start3A_38 = tpu.memref_slice %arg9[%add3A_10, %dma_start3A] : memref<10240x128xf32, #tpu.memory_space<vmem_shared>> -> memref<128x128xf32, #tpu.memory_space<vmem_shared>>
      %dma_start3A_39 = arith.constant 0 : i32
      %dma_start3A_40 = tpu.memref_slice %arg9[%add3A_10, %dma_start3A_39] : memref<10240x128xf32, #tpu.memory_space<vmem_shared>> -> memref<128x128xf32, #tpu.memory_space<vmem_shared>>
      tpu.enqueue_dma source(%arg8 : memref<128x128xf32, #tpu.memory_space<vmem>>) target(%dma_start3A_40 : memref<128x128xf32, #tpu.memory_space<vmem_shared>>) target_semaphore(%run_scoped3A : memref<!tpu.dma_semaphore, #tpu.memory_space<semaphore_mem>>)
      %dma_wait3A = arith.constant 0 : i32
      %dma_wait3A_41 = tpu.memref_slice %arg9[%add3A_10, %dma_wait3A] : memref<10240x128xf32, #tpu.memory_space<vmem_shared>> -> memref<128x128xf32, #tpu.memory_space<vmem_shared>>
      %dma_wait3A_42 = arith.constant 0 : i32
      %dma_wait3A_43 = tpu.memref_slice %arg9[%add3A_10, %dma_wait3A_42] : memref<10240x128xf32, #tpu.memory_space<vmem_shared>> -> memref<128x128xf32, #tpu.memory_space<vmem_shared>>
      tpu.wait_dma2 semaphore(%run_scoped3A : memref<!tpu.dma_semaphore, #tpu.memory_space<semaphore_mem>>) src(%arg8 : memref<128x128xf32, #tpu.memory_space<vmem>>) dst(%dma_wait3A_43 : memref<128x128xf32, #tpu.memory_space<vmem_shared>>)
      tpu.yield
    }) : () -> ()
    %mul3A_11 = arith.constant 640 : i32
    %mul3A_12 = arith.muli %arg1, %mul3A_11 : i32
    %add3A_13 = arith.constant 128 : i32
    %add3A_14 = arith.addi %mul3A_12, %add3A_13 : i32
    "tpu.region"() ({
      %run_scoped3A = tpu.sem_alloc : memref<!tpu.dma_semaphore, #tpu.memory_space<semaphore_mem>>
      %dma_start3A = arith.constant 0 : i32
      %dma_start3A_38 = tpu.memref_slice %arg9[%add3A_14, %dma_start3A] : memref<10240x128xf32, #tpu.memory_space<vmem_shared>> -> memref<128x128xf32, #tpu.memory_space<vmem_shared>>
      %dma_start3A_39 = arith.constant 0 : i32
      %dma_start3A_40 = tpu.memref_slice %arg9[%add3A_14, %dma_start3A_39] : memref<10240x128xf32, #tpu.memory_space<vmem_shared>> -> memref<128x128xf32, #tpu.memory_space<vmem_shared>>
      tpu.enqueue_dma source(%arg8 : memref<128x128xf32, #tpu.memory_space<vmem>>) target(%dma_start3A_40 : memref<128x128xf32, #tpu.memory_space<vmem_shared>>) target_semaphore(%run_scoped3A : memref<!tpu.dma_semaphore, #tpu.memory_space<semaphore_mem>>)
      %dma_wait3A = arith.constant 0 : i32
      %dma_wait3A_41 = tpu.memref_slice %arg9[%add3A_14, %dma_wait3A] : memref<10240x128xf32, #tpu.memory_space<vmem_shared>> -> memref<128x128xf32, #tpu.memory_space<vmem_shared>>
      %dma_wait3A_42 = arith.constant 0 : i32
      %dma_wait3A_43 = tpu.memref_slice %arg9[%add3A_14, %dma_wait3A_42] : memref<10240x128xf32, #tpu.memory_space<vmem_shared>> -> memref<128x128xf32, #tpu.memory_space<vmem_shared>>
      tpu.wait_dma2 semaphore(%run_scoped3A : memref<!tpu.dma_semaphore, #tpu.memory_space<semaphore_mem>>) src(%arg8 : memref<128x128xf32, #tpu.memory_space<vmem>>) dst(%dma_wait3A_43 : memref<128x128xf32, #tpu.memory_space<vmem_shared>>)
      tpu.yield
    }) : () -> ()
    %mul3A_15 = arith.constant 640 : i32
    %mul3A_16 = arith.muli %arg1, %mul3A_15 : i32
    %add3A_17 = arith.constant 256 : i32
    %add3A_18 = arith.addi %mul3A_16, %add3A_17 : i32
    "tpu.region"() ({
      %run_scoped3A = tpu.sem_alloc : memref<!tpu.dma_semaphore, #tpu.memory_space<semaphore_mem>>
      %dma_start3A = arith.constant 0 : i32
      %dma_start3A_38 = tpu.memref_slice %arg9[%add3A_18, %dma_start3A] : memref<10240x128xf32, #tpu.memory_space<vmem_shared>> -> memref<128x128xf32, #tpu.memory_space<vmem_shared>>
      %dma_start3A_39 = arith.constant 0 : i32
      %dma_start3A_40 = tpu.memref_slice %arg9[%add3A_18, %dma_start3A_39] : memref<10240x128xf32, #tpu.memory_space<vmem_shared>> -> memref<128x128xf32, #tpu.memory_space<vmem_shared>>
      tpu.enqueue_dma source(%arg8 : memref<128x128xf32, #tpu.memory_space<vmem>>) target(%dma_start3A_40 : memref<128x128xf32, #tpu.memory_space<vmem_shared>>) target_semaphore(%run_scoped3A : memref<!tpu.dma_semaphore, #tpu.memory_space<semaphore_mem>>)
      %dma_wait3A = arith.constant 0 : i32
      %dma_wait3A_41 = tpu.memref_slice %arg9[%add3A_18, %dma_wait3A] : memref<10240x128xf32, #tpu.memory_space<vmem_shared>> -> memref<128x128xf32, #tpu.memory_space<vmem_shared>>
      %dma_wait3A_42 = arith.constant 0 : i32
      %dma_wait3A_43 = tpu.memref_slice %arg9[%add3A_18, %dma_wait3A_42] : memref<10240x128xf32, #tpu.memory_space<vmem_shared>> -> memref<128x128xf32, #tpu.memory_space<vmem_shared>>
      tpu.wait_dma2 semaphore(%run_scoped3A : memref<!tpu.dma_semaphore, #tpu.memory_space<semaphore_mem>>) src(%arg8 : memref<128x128xf32, #tpu.memory_space<vmem>>) dst(%dma_wait3A_43 : memref<128x128xf32, #tpu.memory_space<vmem_shared>>)
      tpu.yield
    }) : () -> ()
    %mul3A_19 = arith.constant 640 : i32
    %mul3A_20 = arith.muli %arg1, %mul3A_19 : i32
    %add3A_21 = arith.constant 384 : i32
    %add3A_22 = arith.addi %mul3A_20, %add3A_21 : i32
    "tpu.region"() ({
      %run_scoped3A = tpu.sem_alloc : memref<!tpu.dma_semaphore, #tpu.memory_space<semaphore_mem>>
      %dma_start3A = arith.constant 0 : i32
      %dma_start3A_38 = tpu.memref_slice %arg9[%add3A_22, %dma_start3A] : memref<10240x128xf32, #tpu.memory_space<vmem_shared>> -> memref<128x128xf32, #tpu.memory_space<vmem_shared>>
      %dma_start3A_39 = arith.constant 0 : i32
      %dma_start3A_40 = tpu.memref_slice %arg9[%add3A_22, %dma_start3A_39] : memref<10240x128xf32, #tpu.memory_space<vmem_shared>> -> memref<128x128xf32, #tpu.memory_space<vmem_shared>>
      tpu.enqueue_dma source(%arg8 : memref<128x128xf32, #tpu.memory_space<vmem>>) target(%dma_start3A_40 : memref<128x128xf32, #tpu.memory_space<vmem_shared>>) target_semaphore(%run_scoped3A : memref<!tpu.dma_semaphore, #tpu.memory_space<semaphore_mem>>)
      %dma_wait3A = arith.constant 0 : i32
      %dma_wait3A_41 = tpu.memref_slice %arg9[%add3A_22, %dma_wait3A] : memref<10240x128xf32, #tpu.memory_space<vmem_shared>> -> memref<128x128xf32, #tpu.memory_space<vmem_shared>>
      %dma_wait3A_42 = arith.constant 0 : i32
      %dma_wait3A_43 = tpu.memref_slice %arg9[%add3A_22, %dma_wait3A_42] : memref<10240x128xf32, #tpu.memory_space<vmem_shared>> -> memref<128x128xf32, #tpu.memory_space<vmem_shared>>
      tpu.wait_dma2 semaphore(%run_scoped3A : memref<!tpu.dma_semaphore, #tpu.memory_space<semaphore_mem>>) src(%arg8 : memref<128x128xf32, #tpu.memory_space<vmem>>) dst(%dma_wait3A_43 : memref<128x128xf32, #tpu.memory_space<vmem_shared>>)
      tpu.yield
    }) : () -> ()
    %mul3A_23 = arith.constant 640 : i32
    %mul3A_24 = arith.muli %arg1, %mul3A_23 : i32
    %add3A_25 = arith.constant 512 : i32
    %add3A_26 = arith.addi %mul3A_24, %add3A_25 : i32
    "tpu.region"() ({
      %run_scoped3A = tpu.sem_alloc : memref<!tpu.dma_semaphore, #tpu.memory_space<semaphore_mem>>
      %dma_start3A = arith.constant 0 : i32
      %dma_start3A_38 = tpu.memref_slice %arg9[%add3A_26, %dma_start3A] : memref<10240x128xf32, #tpu.memory_space<vmem_shared>> -> memref<128x128xf32, #tpu.memory_space<vmem_shared>>
      %dma_start3A_39 = arith.constant 0 : i32
      %dma_start3A_40 = tpu.memref_slice %arg9[%add3A_26, %dma_start3A_39] : memref<10240x128xf32, #tpu.memory_space<vmem_shared>> -> memref<128x128xf32, #tpu.memory_space<vmem_shared>>
      tpu.enqueue_dma source(%arg8 : memref<128x128xf32, #tpu.memory_space<vmem>>) target(%dma_start3A_40 : memref<128x128xf32, #tpu.memory_space<vmem_shared>>) target_semaphore(%run_scoped3A : memref<!tpu.dma_semaphore, #tpu.memory_space<semaphore_mem>>)
      %dma_wait3A = arith.constant 0 : i32
      %dma_wait3A_41 = tpu.memref_slice %arg9[%add3A_26, %dma_wait3A] : memref<10240x128xf32, #tpu.memory_space<vmem_shared>> -> memref<128x128xf32, #tpu.memory_space<vmem_shared>>
      %dma_wait3A_42 = arith.constant 0 : i32
      %dma_wait3A_43 = tpu.memref_slice %arg9[%add3A_26, %dma_wait3A_42] : memref<10240x128xf32, #tpu.memory_space<vmem_shared>> -> memref<128x128xf32, #tpu.memory_space<vmem_shared>>
      tpu.wait_dma2 semaphore(%run_scoped3A : memref<!tpu.dma_semaphore, #tpu.memory_space<semaphore_mem>>) src(%arg8 : memref<128x128xf32, #tpu.memory_space<vmem>>) dst(%dma_wait3A_43 : memref<128x128xf32, #tpu.memory_space<vmem_shared>>)
      tpu.yield
    }) : () -> ()
    "tpu.region"() ({
      %run_scoped3A = tpu.sem_alloc : memref<!tpu.dma_semaphore, #tpu.memory_space<semaphore_mem>>
      %dma_start3A = arith.constant 0 : i32
      %dma_start3A_38 = arith.constant 0 : i32
      %dma_start3A_39 = tpu.memref_slice %arg3[%add3A, %dma_start3A, %dma_start3A_38] : memref<32x79x128xi32, #tpu.memory_space<hbm>> -> memref<1x79x128xi32, #tpu.memory_space<hbm>>
      %dma_start3A_40 = tpu.memref_squeeze %dma_start3A_39 : memref<1x79x128xi32, #tpu.memory_space<hbm>> -> memref<79x128xi32, #tpu.memory_space<hbm>>
      %dma_start3A_41 = arith.constant 0 : i32
      %dma_start3A_42 = arith.constant 0 : i32
      %dma_start3A_43 = tpu.memref_slice %arg3[%add3A, %dma_start3A_41, %dma_start3A_42] : memref<32x79x128xi32, #tpu.memory_space<hbm>> -> memref<1x79x128xi32, #tpu.memory_space<hbm>>
      %dma_start3A_44 = tpu.memref_squeeze %dma_start3A_43 : memref<1x79x128xi32, #tpu.memory_space<hbm>> -> memref<79x128xi32, #tpu.memory_space<hbm>>
      tpu.enqueue_dma source(%dma_start3A_44 : memref<79x128xi32, #tpu.memory_space<hbm>>) target(%arg6 : memref<79x128xi32, #tpu.memory_space<vmem>>) target_semaphore(%run_scoped3A : memref<!tpu.dma_semaphore, #tpu.memory_space<semaphore_mem>>)
      %dma_wait3A = arith.constant 0 : i32
      %dma_wait3A_45 = arith.constant 0 : i32
      %dma_wait3A_46 = tpu.memref_slice %arg3[%add3A, %dma_wait3A, %dma_wait3A_45] : memref<32x79x128xi32, #tpu.memory_space<hbm>> -> memref<1x79x128xi32, #tpu.memory_space<hbm>>
      %dma_wait3A_47 = tpu.memref_squeeze %dma_wait3A_46 : memref<1x79x128xi32, #tpu.memory_space<hbm>> -> memref<79x128xi32, #tpu.memory_space<hbm>>
      %dma_wait3A_48 = arith.constant 0 : i32
      %dma_wait3A_49 = arith.constant 0 : i32
      %dma_wait3A_50 = tpu.memref_slice %arg3[%add3A, %dma_wait3A_48, %dma_wait3A_49] : memref<32x79x128xi32, #tpu.memory_space<hbm>> -> memref<1x79x128xi32, #tpu.memory_space<hbm>>
      %dma_wait3A_51 = tpu.memref_squeeze %dma_wait3A_50 : memref<1x79x128xi32, #tpu.memory_space<hbm>> -> memref<79x128xi32, #tpu.memory_space<hbm>>
      tpu.wait_dma2 semaphore(%run_scoped3A : memref<!tpu.dma_semaphore, #tpu.memory_space<semaphore_mem>>) src(%dma_wait3A_51 : memref<79x128xi32, #tpu.memory_space<hbm>>) dst(%arg6 : memref<79x128xi32, #tpu.memory_space<vmem>>)
      tpu.yield
    }) : () -> ()
    "tpu.region"() ({
      %run_scoped3A = tpu.sem_alloc : memref<!tpu.dma_semaphore, #tpu.memory_space<semaphore_mem>>
      %dma_start3A = arith.constant 0 : i32
      %dma_start3A_38 = arith.constant 0 : i32
      %dma_start3A_39 = tpu.memref_slice %arg4[%add3A, %dma_start3A, %dma_start3A_38] : memref<32x79x128xi32, #tpu.memory_space<hbm>> -> memref<1x79x128xi32, #tpu.memory_space<hbm>>
      %dma_start3A_40 = tpu.memref_squeeze %dma_start3A_39 : memref<1x79x128xi32, #tpu.memory_space<hbm>> -> memref<79x128xi32, #tpu.memory_space<hbm>>
      %dma_start3A_41 = arith.constant 0 : i32
      %dma_start3A_42 = arith.constant 0 : i32
      %dma_start3A_43 = tpu.memref_slice %arg4[%add3A, %dma_start3A_41, %dma_start3A_42] : memref<32x79x128xi32, #tpu.memory_space<hbm>> -> memref<1x79x128xi32, #tpu.memory_space<hbm>>
      %dma_start3A_44 = tpu.memref_squeeze %dma_start3A_43 : memref<1x79x128xi32, #tpu.memory_space<hbm>> -> memref<79x128xi32, #tpu.memory_space<hbm>>
      tpu.enqueue_dma source(%dma_start3A_44 : memref<79x128xi32, #tpu.memory_space<hbm>>) target(%arg7 : memref<79x128xi32, #tpu.memory_space<vmem>>) target_semaphore(%run_scoped3A : memref<!tpu.dma_semaphore, #tpu.memory_space<semaphore_mem>>)
      %dma_wait3A = arith.constant 0 : i32
      %dma_wait3A_45 = arith.constant 0 : i32
      %dma_wait3A_46 = tpu.memref_slice %arg4[%add3A, %dma_wait3A, %dma_wait3A_45] : memref<32x79x128xi32, #tpu.memory_space<hbm>> -> memref<1x79x128xi32, #tpu.memory_space<hbm>>
      %dma_wait3A_47 = tpu.memref_squeeze %dma_wait3A_46 : memref<1x79x128xi32, #tpu.memory_space<hbm>> -> memref<79x128xi32, #tpu.memory_space<hbm>>
      %dma_wait3A_48 = arith.constant 0 : i32
      %dma_wait3A_49 = arith.constant 0 : i32
      %dma_wait3A_50 = tpu.memref_slice %arg4[%add3A, %dma_wait3A_48, %dma_wait3A_49] : memref<32x79x128xi32, #tpu.memory_space<hbm>> -> memref<1x79x128xi32, #tpu.memory_space<hbm>>
      %dma_wait3A_51 = tpu.memref_squeeze %dma_wait3A_50 : memref<1x79x128xi32, #tpu.memory_space<hbm>> -> memref<79x128xi32, #tpu.memory_space<hbm>>
      tpu.wait_dma2 semaphore(%run_scoped3A : memref<!tpu.dma_semaphore, #tpu.memory_space<semaphore_mem>>) src(%dma_wait3A_51 : memref<79x128xi32, #tpu.memory_space<hbm>>) dst(%arg7 : memref<79x128xi32, #tpu.memory_space<vmem>>)
      tpu.yield
    }) : () -> ()
    %barrier3A = arith.constant 0 : index
    tpu.barrier barrier_id(%barrier3A)
    %scan3A_27 = arith.constant 0 : i32
    %scan3A_28 = arith.constant 0 : i32
    %scan3A_29 = arith.constant 79 : i32
    %scan3A_30 = arith.addi %scan3A_28, %scan3A_29 : i32
    %scan3A_31 = arith.constant 1 : i32
    scf.for %scan3A_38 = %scan3A_28 to %scan3A_30 step %scan3A_31  : i32 {
      %dma_start3A = arith.constant 0 : i32
      %dma_start3A_39 = tpu.memref_slice %arg6[%scan3A_38, %dma_start3A] : memref<79x128xi32, #tpu.memory_space<vmem>> -> memref<1x128xi32, #tpu.memory_space<vmem>>
      %dma_start3A_40 = tpu.memref_squeeze %dma_start3A_39 : memref<1x128xi32, #tpu.memory_space<vmem>> -> memref<128xi32, #tpu.memory_space<vmem>>
      %dma_start3A_41 = arith.constant 0 : i32
      %dma_start3A_42 = arith.constant 0 : i32
      %dma_start3A_43 = tpu.memref_slice %arg2[%dma_start3A_41, %dma_start3A_42] : memref<10240x128xf32, #tpu.memory_space<hbm>> -> memref<10240x128xf32, #tpu.memory_space<hbm>>
      tpu.enqueue_indirect_dma source(%dma_start3A_43 : memref<10240x128xf32, #tpu.memory_space<hbm>>) target(%arg8 : memref<128x128xf32, #tpu.memory_space<vmem>>) offsets(%dma_start3A_40 : memref<128xi32, #tpu.memory_space<vmem>>) semaphore(%arg10 : memref<!tpu.dma_semaphore, #tpu.memory_space<semaphore_mem>>)
      %dma_wait3A = arith.constant 0 : i32
      %dma_wait3A_44 = tpu.memref_slice %arg6[%scan3A_38, %dma_wait3A] : memref<79x128xi32, #tpu.memory_space<vmem>> -> memref<1x128xi32, #tpu.memory_space<vmem>>
      %dma_wait3A_45 = tpu.memref_squeeze %dma_wait3A_44 : memref<1x128xi32, #tpu.memory_space<vmem>> -> memref<128xi32, #tpu.memory_space<vmem>>
      %dma_wait3A_46 = arith.constant 0 : i32
      %dma_wait3A_47 = arith.constant 0 : i32
      %dma_wait3A_48 = tpu.memref_slice %arg2[%dma_wait3A_46, %dma_wait3A_47] : memref<10240x128xf32, #tpu.memory_space<hbm>> -> memref<10240x128xf32, #tpu.memory_space<hbm>>
      tpu.wait_indirect_dma semaphore(%arg10 : memref<!tpu.dma_semaphore, #tpu.memory_space<semaphore_mem>>) src(%dma_wait3A_48 : memref<10240x128xf32, #tpu.memory_space<hbm>>) dst(%arg8 : memref<128x128xf32, #tpu.memory_space<vmem>>)
      "tpu.region"() ({
        %run_scoped3A = tpu.sem_alloc : memref<!tpu.dma_semaphore, #tpu.memory_space<semaphore_mem>>
        %dma_start3A_49 = arith.constant 0 : i32
        %dma_start3A_50 = tpu.memref_slice %arg7[%scan3A_38, %dma_start3A_49] : memref<79x128xi32, #tpu.memory_space<vmem>> -> memref<1x128xi32, #tpu.memory_space<vmem>>
        %dma_start3A_51 = tpu.memref_squeeze %dma_start3A_50 : memref<1x128xi32, #tpu.memory_space<vmem>> -> memref<128xi32, #tpu.memory_space<vmem>>
        %dma_start3A_52 = arith.constant 0 : i32
        %dma_start3A_53 = arith.constant 0 : i32
        %dma_start3A_54 = tpu.memref_slice %arg9[%dma_start3A_52, %dma_start3A_53] : memref<10240x128xf32, #tpu.memory_space<vmem_shared>> -> memref<10240x128xf32, #tpu.memory_space<vmem_shared>>
        tpu.enqueue_indirect_dma source(%arg8 : memref<128x128xf32, #tpu.memory_space<vmem>>) target(%dma_start3A_54 : memref<10240x128xf32, #tpu.memory_space<vmem_shared>>) offsets(%dma_start3A_51 : memref<128xi32, #tpu.memory_space<vmem>>) semaphore(%run_scoped3A : memref<!tpu.dma_semaphore, #tpu.memory_space<semaphore_mem>>) {add = true}
        %dma_wait3A_55 = arith.constant 0 : i32
        %dma_wait3A_56 = tpu.memref_slice %arg7[%scan3A_38, %dma_wait3A_55] : memref<79x128xi32, #tpu.memory_space<vmem>> -> memref<1x128xi32, #tpu.memory_space<vmem>>
        %dma_wait3A_57 = tpu.memref_squeeze %dma_wait3A_56 : memref<1x128xi32, #tpu.memory_space<vmem>> -> memref<128xi32, #tpu.memory_space<vmem>>
        %dma_wait3A_58 = arith.constant 0 : i32
        %dma_wait3A_59 = arith.constant 0 : i32
        %dma_wait3A_60 = tpu.memref_slice %arg9[%dma_wait3A_58, %dma_wait3A_59] : memref<10240x128xf32, #tpu.memory_space<vmem_shared>> -> memref<10240x128xf32, #tpu.memory_space<vmem_shared>>
        tpu.wait_indirect_dma semaphore(%run_scoped3A : memref<!tpu.dma_semaphore, #tpu.memory_space<semaphore_mem>>) src(%arg8 : memref<128x128xf32, #tpu.memory_space<vmem>>) dst(%dma_wait3A_60 : memref<10240x128xf32, #tpu.memory_space<vmem_shared>>)
        tpu.yield
      }) : () -> ()
    }
    %scan3A_32 = arith.constant 79 : i32
    %barrier3A_33 = arith.constant 0 : index
    tpu.barrier barrier_id(%barrier3A_33)
    %mul3A_34 = arith.constant 640 : i32
    %mul3A_35 = arith.muli %arg1, %mul3A_34 : i32
    %mul3A_36 = arith.constant 640 : i32
    %mul3A_37 = arith.muli %arg1, %mul3A_36 : i32
    "tpu.region"() ({
      %run_scoped3A = tpu.sem_alloc : memref<!tpu.dma_semaphore, #tpu.memory_space<semaphore_mem>>
      %dma_start3A = arith.constant 0 : i32
      %dma_start3A_38 = tpu.memref_slice %arg5[%arg0, %mul3A_37, %dma_start3A] : memref<2x10240x128xf32, #tpu.memory_space<hbm>> -> memref<1x640x128xf32, #tpu.memory_space<hbm>>
      %dma_start3A_39 = tpu.memref_squeeze %dma_start3A_38 : memref<1x640x128xf32, #tpu.memory_space<hbm>> -> memref<640x128xf32, #tpu.memory_space<hbm>>
      %dma_start3A_40 = arith.constant 0 : i32
      %dma_start3A_41 = tpu.memref_slice %arg9[%mul3A_35, %dma_start3A_40] : memref<10240x128xf32, #tpu.memory_space<vmem_shared>> -> memref<640x128xf32, #tpu.memory_space<vmem_shared>>
      tpu.enqueue_dma source(%dma_start3A_41 : memref<640x128xf32, #tpu.memory_space<vmem_shared>>) target(%dma_start3A_39 : memref<640x128xf32, #tpu.memory_space<hbm>>) target_semaphore(%run_scoped3A : memref<!tpu.dma_semaphore, #tpu.memory_space<semaphore_mem>>)
      %dma_wait3A = arith.constant 0 : i32
      %dma_wait3A_42 = tpu.memref_slice %arg5[%arg0, %mul3A_37, %dma_wait3A] : memref<2x10240x128xf32, #tpu.memory_space<hbm>> -> memref<1x640x128xf32, #tpu.memory_space<hbm>>
      %dma_wait3A_43 = tpu.memref_squeeze %dma_wait3A_42 : memref<1x640x128xf32, #tpu.memory_space<hbm>> -> memref<640x128xf32, #tpu.memory_space<hbm>>
      %dma_wait3A_44 = arith.constant 0 : i32
      %dma_wait3A_45 = tpu.memref_slice %arg9[%mul3A_35, %dma_wait3A_44] : memref<10240x128xf32, #tpu.memory_space<vmem_shared>> -> memref<640x128xf32, #tpu.memory_space<vmem_shared>>
      tpu.wait_dma2 semaphore(%run_scoped3A : memref<!tpu.dma_semaphore, #tpu.memory_space<semaphore_mem>>) src(%dma_wait3A_45 : memref<640x128xf32, #tpu.memory_space<vmem_shared>>) dst(%dma_wait3A_43 : memref<640x128xf32, #tpu.memory_space<hbm>>)
      tpu.yield
    }) : () -> ()
    return
  }
}

#map = affine_map<(d0, d1) -> (0, 0)>
#map1 = affine_map<(d0, d1) -> (0, 0, 0)>
module attributes {stable_mosaic.version = 14 : i64} {
  func.func @_incidence_pass(%arg0: i32, %arg1: i32, %arg2: memref<10240x128xf32, #tpu.memory_space<hbm>>, %arg3: memref<32x79x128xi32, #tpu.memory_space<hbm>>, %arg4: memref<32x79x128xi32, #tpu.memory_space<hbm>>, %arg5: memref<2x10240x128xf32, #tpu.memory_space<hbm>>, %arg6: memref<79x128xi32, #tpu.memory_space<vmem>>, %arg7: memref<79x128xi32, #tpu.memory_space<vmem>>, %arg8: memref<128x128xf32, #tpu.memory_space<vmem>>, %arg9: memref<10240x128xf32, #tpu.memory_space<vmem_shared>>, %arg10: memref<!tpu.dma_semaphore, #tpu.memory_space<semaphore_mem>>) attributes {dimension_semantics = [#tpu.dimension_semantics<core_parallel>, #tpu.dimension_semantics<subcore_parallel>], iteration_bounds = array<i64: 2, 16>, scalar_prefetch = 0 : i64, scratch_operands = 5 : i64, tpu.core_type = #tpu.core_type<sc_vector_subcore>, window_params = [{transform_indices = #map}, {transform_indices = #map1}, {transform_indices = #map1}, {transform_indices = #map1}]} {
    %mul3A = arith.constant 16 : i32
    %mul3A_0 = arith.muli %arg0, %mul3A : i32
    %add3A = arith.addi %mul3A_0, %arg1 : i32
    %broadcast_in_dim3A = arith.constant 0.000000e+00 : f32
    %broadcast_in_dim3A_1 = vector.broadcast %broadcast_in_dim3A : f32 to vector<16xf32>
    %scan3A = arith.constant 0 : i32
    %scan3A_2 = arith.constant 0 : i32
    %scan3A_3 = arith.constant 128 : i32
    %scan3A_4 = arith.addi %scan3A_2, %scan3A_3 : i32
    %scan3A_5 = arith.constant 1 : i32
    scf.for %scan3A_38 = %scan3A_2 to %scan3A_4 step %scan3A_5  : i32 {
      %swap3A = arith.index_cast %scan3A_38 : i32 to index
      %swap3A_39 = arith.constant 0 : index
      %swap3A_40 = tpu.vector_load %arg8[%swap3A, %swap3A_39] {strides = array<i32>} : memref<128x128xf32, #tpu.memory_space<vmem>>, vector<16xf32>,
      tpu.vector_store %arg8[%swap3A, %swap3A_39], %broadcast_in_dim3A_1 {strides = array<i32>} : memref<128x128xf32, #tpu.memory_space<vmem>>, vector<16xf32>,
      %swap3A_41 = arith.index_cast %scan3A_38 : i32 to index
      %swap3A_42 = arith.constant 16 : index
      %swap3A_43 = tpu.vector_load %arg8[%swap3A_41, %swap3A_42] {strides = array<i32>} : memref<128x128xf32, #tpu.memory_space<vmem>>, vector<16xf32>,
      tpu.vector_store %arg8[%swap3A_41, %swap3A_42], %broadcast_in_dim3A_1 {strides = array<i32>} : memref<128x128xf32, #tpu.memory_space<vmem>>, vector<16xf32>,
      %swap3A_44 = arith.index_cast %scan3A_38 : i32 to index
      %swap3A_45 = arith.constant 32 : index
      %swap3A_46 = tpu.vector_load %arg8[%swap3A_44, %swap3A_45] {strides = array<i32>} : memref<128x128xf32, #tpu.memory_space<vmem>>, vector<16xf32>,
      tpu.vector_store %arg8[%swap3A_44, %swap3A_45], %broadcast_in_dim3A_1 {strides = array<i32>} : memref<128x128xf32, #tpu.memory_space<vmem>>, vector<16xf32>,
      %swap3A_47 = arith.index_cast %scan3A_38 : i32 to index
      %swap3A_48 = arith.constant 48 : index
      %swap3A_49 = tpu.vector_load %arg8[%swap3A_47, %swap3A_48] {strides = array<i32>} : memref<128x128xf32, #tpu.memory_space<vmem>>, vector<16xf32>,
      tpu.vector_store %arg8[%swap3A_47, %swap3A_48], %broadcast_in_dim3A_1 {strides = array<i32>} : memref<128x128xf32, #tpu.memory_space<vmem>>, vector<16xf32>,
      %swap3A_50 = arith.index_cast %scan3A_38 : i32 to index
      %swap3A_51 = arith.constant 64 : index
      %swap3A_52 = tpu.vector_load %arg8[%swap3A_50, %swap3A_51] {strides = array<i32>} : memref<128x128xf32, #tpu.memory_space<vmem>>, vector<16xf32>,
      tpu.vector_store %arg8[%swap3A_50, %swap3A_51], %broadcast_in_dim3A_1 {strides = array<i32>} : memref<128x128xf32, #tpu.memory_space<vmem>>, vector<16xf32>,
      %swap3A_53 = arith.index_cast %scan3A_38 : i32 to index
      %swap3A_54 = arith.constant 80 : index
      %swap3A_55 = tpu.vector_load %arg8[%swap3A_53, %swap3A_54] {strides = array<i32>} : memref<128x128xf32, #tpu.memory_space<vmem>>, vector<16xf32>,
      tpu.vector_store %arg8[%swap3A_53, %swap3A_54], %broadcast_in_dim3A_1 {strides = array<i32>} : memref<128x128xf32, #tpu.memory_space<vmem>>, vector<16xf32>,
      %swap3A_56 = arith.index_cast %scan3A_38 : i32 to index
      %swap3A_57 = arith.constant 96 : index
      %swap3A_58 = tpu.vector_load %arg8[%swap3A_56, %swap3A_57] {strides = array<i32>} : memref<128x128xf32, #tpu.memory_space<vmem>>, vector<16xf32>,
      tpu.vector_store %arg8[%swap3A_56, %swap3A_57], %broadcast_in_dim3A_1 {strides = array<i32>} : memref<128x128xf32, #tpu.memory_space<vmem>>, vector<16xf32>,
      %swap3A_59 = arith.index_cast %scan3A_38 : i32 to index
      %swap3A_60 = arith.constant 112 : index
      %swap3A_61 = tpu.vector_load %arg8[%swap3A_59, %swap3A_60] {strides = array<i32>} : memref<128x128xf32, #tpu.memory_space<vmem>>, vector<16xf32>,
      tpu.vector_store %arg8[%swap3A_59, %swap3A_60], %broadcast_in_dim3A_1 {strides = array<i32>} : memref<128x128xf32, #tpu.memory_space<vmem>>, vector<16xf32>,
    }
    %scan3A_6 = arith.constant 128 : i32
    %mul3A_7 = arith.constant 640 : i32
    %mul3A_8 = arith.muli %arg1, %mul3A_7 : i32
    %add3A_9 = arith.constant 0 : i32
    %add3A_10 = arith.addi %mul3A_8, %add3A_9 : i32
    "tpu.region"() ({
      %run_scoped3A = tpu.sem_alloc : memref<!tpu.dma_semaphore, #tpu.memory_space<semaphore_mem>>
      %dma_start3A = arith.constant 0 : i32
      %dma_start3A_38 = tpu.memref_slice %arg9[%add3A_10, %dma_start3A] : memref<10240x128xf32, #tpu.memory_space<vmem_shared>> -> memref<128x128xf32, #tpu.memory_space<vmem_shared>>
      %dma_start3A_39 = arith.constant 0 : i32
      %dma_start3A_40 = tpu.memref_slice %arg9[%add3A_10, %dma_start3A_39] : memref<10240x128xf32, #tpu.memory_space<vmem_shared>> -> memref<128x128xf32, #tpu.memory_space<vmem_shared>>
      tpu.enqueue_dma source(%arg8 : memref<128x128xf32, #tpu.memory_space<vmem>>) target(%dma_start3A_40 : memref<128x128xf32, #tpu.memory_space<vmem_shared>>) target_semaphore(%run_scoped3A : memref<!tpu.dma_semaphore, #tpu.memory_space<semaphore_mem>>)
      %dma_wait3A = arith.constant 0 : i32
      %dma_wait3A_41 = tpu.memref_slice %arg9[%add3A_10, %dma_wait3A] : memref<10240x128xf32, #tpu.memory_space<vmem_shared>> -> memref<128x128xf32, #tpu.memory_space<vmem_shared>>
      %dma_wait3A_42 = arith.constant 0 : i32
      %dma_wait3A_43 = tpu.memref_slice %arg9[%add3A_10, %dma_wait3A_42] : memref<10240x128xf32, #tpu.memory_space<vmem_shared>> -> memref<128x128xf32, #tpu.memory_space<vmem_shared>>
      tpu.wait_dma2 semaphore(%run_scoped3A : memref<!tpu.dma_semaphore, #tpu.memory_space<semaphore_mem>>) src(%arg8 : memref<128x128xf32, #tpu.memory_space<vmem>>) dst(%dma_wait3A_43 : memref<128x128xf32, #tpu.memory_space<vmem_shared>>)
      tpu.yield
    }) : () -> ()
    %mul3A_11 = arith.constant 640 : i32
    %mul3A_12 = arith.muli %arg1, %mul3A_11 : i32
    %add3A_13 = arith.constant 128 : i32
    %add3A_14 = arith.addi %mul3A_12, %add3A_13 : i32
    "tpu.region"() ({
      %run_scoped3A = tpu.sem_alloc : memref<!tpu.dma_semaphore, #tpu.memory_space<semaphore_mem>>
      %dma_start3A = arith.constant 0 : i32
      %dma_start3A_38 = tpu.memref_slice %arg9[%add3A_14, %dma_start3A] : memref<10240x128xf32, #tpu.memory_space<vmem_shared>> -> memref<128x128xf32, #tpu.memory_space<vmem_shared>>
      %dma_start3A_39 = arith.constant 0 : i32
      %dma_start3A_40 = tpu.memref_slice %arg9[%add3A_14, %dma_start3A_39] : memref<10240x128xf32, #tpu.memory_space<vmem_shared>> -> memref<128x128xf32, #tpu.memory_space<vmem_shared>>
      tpu.enqueue_dma source(%arg8 : memref<128x128xf32, #tpu.memory_space<vmem>>) target(%dma_start3A_40 : memref<128x128xf32, #tpu.memory_space<vmem_shared>>) target_semaphore(%run_scoped3A : memref<!tpu.dma_semaphore, #tpu.memory_space<semaphore_mem>>)
      %dma_wait3A = arith.constant 0 : i32
      %dma_wait3A_41 = tpu.memref_slice %arg9[%add3A_14, %dma_wait3A] : memref<10240x128xf32, #tpu.memory_space<vmem_shared>> -> memref<128x128xf32, #tpu.memory_space<vmem_shared>>
      %dma_wait3A_42 = arith.constant 0 : i32
      %dma_wait3A_43 = tpu.memref_slice %arg9[%add3A_14, %dma_wait3A_42] : memref<10240x128xf32, #tpu.memory_space<vmem_shared>> -> memref<128x128xf32, #tpu.memory_space<vmem_shared>>
      tpu.wait_dma2 semaphore(%run_scoped3A : memref<!tpu.dma_semaphore, #tpu.memory_space<semaphore_mem>>) src(%arg8 : memref<128x128xf32, #tpu.memory_space<vmem>>) dst(%dma_wait3A_43 : memref<128x128xf32, #tpu.memory_space<vmem_shared>>)
      tpu.yield
    }) : () -> ()
    %mul3A_15 = arith.constant 640 : i32
    %mul3A_16 = arith.muli %arg1, %mul3A_15 : i32
    %add3A_17 = arith.constant 256 : i32
    %add3A_18 = arith.addi %mul3A_16, %add3A_17 : i32
    "tpu.region"() ({
      %run_scoped3A = tpu.sem_alloc : memref<!tpu.dma_semaphore, #tpu.memory_space<semaphore_mem>>
      %dma_start3A = arith.constant 0 : i32
      %dma_start3A_38 = tpu.memref_slice %arg9[%add3A_18, %dma_start3A] : memref<10240x128xf32, #tpu.memory_space<vmem_shared>> -> memref<128x128xf32, #tpu.memory_space<vmem_shared>>
      %dma_start3A_39 = arith.constant 0 : i32
      %dma_start3A_40 = tpu.memref_slice %arg9[%add3A_18, %dma_start3A_39] : memref<10240x128xf32, #tpu.memory_space<vmem_shared>> -> memref<128x128xf32, #tpu.memory_space<vmem_shared>>
      tpu.enqueue_dma source(%arg8 : memref<128x128xf32, #tpu.memory_space<vmem>>) target(%dma_start3A_40 : memref<128x128xf32, #tpu.memory_space<vmem_shared>>) target_semaphore(%run_scoped3A : memref<!tpu.dma_semaphore, #tpu.memory_space<semaphore_mem>>)
      %dma_wait3A = arith.constant 0 : i32
      %dma_wait3A_41 = tpu.memref_slice %arg9[%add3A_18, %dma_wait3A] : memref<10240x128xf32, #tpu.memory_space<vmem_shared>> -> memref<128x128xf32, #tpu.memory_space<vmem_shared>>
      %dma_wait3A_42 = arith.constant 0 : i32
      %dma_wait3A_43 = tpu.memref_slice %arg9[%add3A_18, %dma_wait3A_42] : memref<10240x128xf32, #tpu.memory_space<vmem_shared>> -> memref<128x128xf32, #tpu.memory_space<vmem_shared>>
      tpu.wait_dma2 semaphore(%run_scoped3A : memref<!tpu.dma_semaphore, #tpu.memory_space<semaphore_mem>>) src(%arg8 : memref<128x128xf32, #tpu.memory_space<vmem>>) dst(%dma_wait3A_43 : memref<128x128xf32, #tpu.memory_space<vmem_shared>>)
      tpu.yield
    }) : () -> ()
    %mul3A_19 = arith.constant 640 : i32
    %mul3A_20 = arith.muli %arg1, %mul3A_19 : i32
    %add3A_21 = arith.constant 384 : i32
    %add3A_22 = arith.addi %mul3A_20, %add3A_21 : i32
    "tpu.region"() ({
      %run_scoped3A = tpu.sem_alloc : memref<!tpu.dma_semaphore, #tpu.memory_space<semaphore_mem>>
      %dma_start3A = arith.constant 0 : i32
      %dma_start3A_38 = tpu.memref_slice %arg9[%add3A_22, %dma_start3A] : memref<10240x128xf32, #tpu.memory_space<vmem_shared>> -> memref<128x128xf32, #tpu.memory_space<vmem_shared>>
      %dma_start3A_39 = arith.constant 0 : i32
      %dma_start3A_40 = tpu.memref_slice %arg9[%add3A_22, %dma_start3A_39] : memref<10240x128xf32, #tpu.memory_space<vmem_shared>> -> memref<128x128xf32, #tpu.memory_space<vmem_shared>>
      tpu.enqueue_dma source(%arg8 : memref<128x128xf32, #tpu.memory_space<vmem>>) target(%dma_start3A_40 : memref<128x128xf32, #tpu.memory_space<vmem_shared>>) target_semaphore(%run_scoped3A : memref<!tpu.dma_semaphore, #tpu.memory_space<semaphore_mem>>)
      %dma_wait3A = arith.constant 0 : i32
      %dma_wait3A_41 = tpu.memref_slice %arg9[%add3A_22, %dma_wait3A] : memref<10240x128xf32, #tpu.memory_space<vmem_shared>> -> memref<128x128xf32, #tpu.memory_space<vmem_shared>>
      %dma_wait3A_42 = arith.constant 0 : i32
      %dma_wait3A_43 = tpu.memref_slice %arg9[%add3A_22, %dma_wait3A_42] : memref<10240x128xf32, #tpu.memory_space<vmem_shared>> -> memref<128x128xf32, #tpu.memory_space<vmem_shared>>
      tpu.wait_dma2 semaphore(%run_scoped3A : memref<!tpu.dma_semaphore, #tpu.memory_space<semaphore_mem>>) src(%arg8 : memref<128x128xf32, #tpu.memory_space<vmem>>) dst(%dma_wait3A_43 : memref<128x128xf32, #tpu.memory_space<vmem_shared>>)
      tpu.yield
    }) : () -> ()
    %mul3A_23 = arith.constant 640 : i32
    %mul3A_24 = arith.muli %arg1, %mul3A_23 : i32
    %add3A_25 = arith.constant 512 : i32
    %add3A_26 = arith.addi %mul3A_24, %add3A_25 : i32
    "tpu.region"() ({
      %run_scoped3A = tpu.sem_alloc : memref<!tpu.dma_semaphore, #tpu.memory_space<semaphore_mem>>
      %dma_start3A = arith.constant 0 : i32
      %dma_start3A_38 = tpu.memref_slice %arg9[%add3A_26, %dma_start3A] : memref<10240x128xf32, #tpu.memory_space<vmem_shared>> -> memref<128x128xf32, #tpu.memory_space<vmem_shared>>
      %dma_start3A_39 = arith.constant 0 : i32
      %dma_start3A_40 = tpu.memref_slice %arg9[%add3A_26, %dma_start3A_39] : memref<10240x128xf32, #tpu.memory_space<vmem_shared>> -> memref<128x128xf32, #tpu.memory_space<vmem_shared>>
      tpu.enqueue_dma source(%arg8 : memref<128x128xf32, #tpu.memory_space<vmem>>) target(%dma_start3A_40 : memref<128x128xf32, #tpu.memory_space<vmem_shared>>) target_semaphore(%run_scoped3A : memref<!tpu.dma_semaphore, #tpu.memory_space<semaphore_mem>>)
      %dma_wait3A = arith.constant 0 : i32
      %dma_wait3A_41 = tpu.memref_slice %arg9[%add3A_26, %dma_wait3A] : memref<10240x128xf32, #tpu.memory_space<vmem_shared>> -> memref<128x128xf32, #tpu.memory_space<vmem_shared>>
      %dma_wait3A_42 = arith.constant 0 : i32
      %dma_wait3A_43 = tpu.memref_slice %arg9[%add3A_26, %dma_wait3A_42] : memref<10240x128xf32, #tpu.memory_space<vmem_shared>> -> memref<128x128xf32, #tpu.memory_space<vmem_shared>>
      tpu.wait_dma2 semaphore(%run_scoped3A : memref<!tpu.dma_semaphore, #tpu.memory_space<semaphore_mem>>) src(%arg8 : memref<128x128xf32, #tpu.memory_space<vmem>>) dst(%dma_wait3A_43 : memref<128x128xf32, #tpu.memory_space<vmem_shared>>)
      tpu.yield
    }) : () -> ()
    "tpu.region"() ({
      %run_scoped3A = tpu.sem_alloc : memref<!tpu.dma_semaphore, #tpu.memory_space<semaphore_mem>>
      %dma_start3A = arith.constant 0 : i32
      %dma_start3A_38 = arith.constant 0 : i32
      %dma_start3A_39 = tpu.memref_slice %arg3[%add3A, %dma_start3A, %dma_start3A_38] : memref<32x79x128xi32, #tpu.memory_space<hbm>> -> memref<1x79x128xi32, #tpu.memory_space<hbm>>
      %dma_start3A_40 = tpu.memref_squeeze %dma_start3A_39 : memref<1x79x128xi32, #tpu.memory_space<hbm>> -> memref<79x128xi32, #tpu.memory_space<hbm>>
      %dma_start3A_41 = arith.constant 0 : i32
      %dma_start3A_42 = arith.constant 0 : i32
      %dma_start3A_43 = tpu.memref_slice %arg3[%add3A, %dma_start3A_41, %dma_start3A_42] : memref<32x79x128xi32, #tpu.memory_space<hbm>> -> memref<1x79x128xi32, #tpu.memory_space<hbm>>
      %dma_start3A_44 = tpu.memref_squeeze %dma_start3A_43 : memref<1x79x128xi32, #tpu.memory_space<hbm>> -> memref<79x128xi32, #tpu.memory_space<hbm>>
      tpu.enqueue_dma source(%dma_start3A_44 : memref<79x128xi32, #tpu.memory_space<hbm>>) target(%arg6 : memref<79x128xi32, #tpu.memory_space<vmem>>) target_semaphore(%run_scoped3A : memref<!tpu.dma_semaphore, #tpu.memory_space<semaphore_mem>>)
      %dma_wait3A = arith.constant 0 : i32
      %dma_wait3A_45 = arith.constant 0 : i32
      %dma_wait3A_46 = tpu.memref_slice %arg3[%add3A, %dma_wait3A, %dma_wait3A_45] : memref<32x79x128xi32, #tpu.memory_space<hbm>> -> memref<1x79x128xi32, #tpu.memory_space<hbm>>
      %dma_wait3A_47 = tpu.memref_squeeze %dma_wait3A_46 : memref<1x79x128xi32, #tpu.memory_space<hbm>> -> memref<79x128xi32, #tpu.memory_space<hbm>>
      %dma_wait3A_48 = arith.constant 0 : i32
      %dma_wait3A_49 = arith.constant 0 : i32
      %dma_wait3A_50 = tpu.memref_slice %arg3[%add3A, %dma_wait3A_48, %dma_wait3A_49] : memref<32x79x128xi32, #tpu.memory_space<hbm>> -> memref<1x79x128xi32, #tpu.memory_space<hbm>>
      %dma_wait3A_51 = tpu.memref_squeeze %dma_wait3A_50 : memref<1x79x128xi32, #tpu.memory_space<hbm>> -> memref<79x128xi32, #tpu.memory_space<hbm>>
      tpu.wait_dma2 semaphore(%run_scoped3A : memref<!tpu.dma_semaphore, #tpu.memory_space<semaphore_mem>>) src(%dma_wait3A_51 : memref<79x128xi32, #tpu.memory_space<hbm>>) dst(%arg6 : memref<79x128xi32, #tpu.memory_space<vmem>>)
      tpu.yield
    }) : () -> ()
    "tpu.region"() ({
      %run_scoped3A = tpu.sem_alloc : memref<!tpu.dma_semaphore, #tpu.memory_space<semaphore_mem>>
      %dma_start3A = arith.constant 0 : i32
      %dma_start3A_38 = arith.constant 0 : i32
      %dma_start3A_39 = tpu.memref_slice %arg4[%add3A, %dma_start3A, %dma_start3A_38] : memref<32x79x128xi32, #tpu.memory_space<hbm>> -> memref<1x79x128xi32, #tpu.memory_space<hbm>>
      %dma_start3A_40 = tpu.memref_squeeze %dma_start3A_39 : memref<1x79x128xi32, #tpu.memory_space<hbm>> -> memref<79x128xi32, #tpu.memory_space<hbm>>
      %dma_start3A_41 = arith.constant 0 : i32
      %dma_start3A_42 = arith.constant 0 : i32
      %dma_start3A_43 = tpu.memref_slice %arg4[%add3A, %dma_start3A_41, %dma_start3A_42] : memref<32x79x128xi32, #tpu.memory_space<hbm>> -> memref<1x79x128xi32, #tpu.memory_space<hbm>>
      %dma_start3A_44 = tpu.memref_squeeze %dma_start3A_43 : memref<1x79x128xi32, #tpu.memory_space<hbm>> -> memref<79x128xi32, #tpu.memory_space<hbm>>
      tpu.enqueue_dma source(%dma_start3A_44 : memref<79x128xi32, #tpu.memory_space<hbm>>) target(%arg7 : memref<79x128xi32, #tpu.memory_space<vmem>>) target_semaphore(%run_scoped3A : memref<!tpu.dma_semaphore, #tpu.memory_space<semaphore_mem>>)
      %dma_wait3A = arith.constant 0 : i32
      %dma_wait3A_45 = arith.constant 0 : i32
      %dma_wait3A_46 = tpu.memref_slice %arg4[%add3A, %dma_wait3A, %dma_wait3A_45] : memref<32x79x128xi32, #tpu.memory_space<hbm>> -> memref<1x79x128xi32, #tpu.memory_space<hbm>>
      %dma_wait3A_47 = tpu.memref_squeeze %dma_wait3A_46 : memref<1x79x128xi32, #tpu.memory_space<hbm>> -> memref<79x128xi32, #tpu.memory_space<hbm>>
      %dma_wait3A_48 = arith.constant 0 : i32
      %dma_wait3A_49 = arith.constant 0 : i32
      %dma_wait3A_50 = tpu.memref_slice %arg4[%add3A, %dma_wait3A_48, %dma_wait3A_49] : memref<32x79x128xi32, #tpu.memory_space<hbm>> -> memref<1x79x128xi32, #tpu.memory_space<hbm>>
      %dma_wait3A_51 = tpu.memref_squeeze %dma_wait3A_50 : memref<1x79x128xi32, #tpu.memory_space<hbm>> -> memref<79x128xi32, #tpu.memory_space<hbm>>
      tpu.wait_dma2 semaphore(%run_scoped3A : memref<!tpu.dma_semaphore, #tpu.memory_space<semaphore_mem>>) src(%dma_wait3A_51 : memref<79x128xi32, #tpu.memory_space<hbm>>) dst(%arg7 : memref<79x128xi32, #tpu.memory_space<vmem>>)
      tpu.yield
    }) : () -> ()
    %barrier3A = arith.constant 0 : index
    tpu.barrier barrier_id(%barrier3A)
    %scan3A_27 = arith.constant 0 : i32
    %scan3A_28 = arith.constant 0 : i32
    %scan3A_29 = arith.constant 79 : i32
    %scan3A_30 = arith.addi %scan3A_28, %scan3A_29 : i32
    %scan3A_31 = arith.constant 1 : i32
    scf.for %scan3A_38 = %scan3A_28 to %scan3A_30 step %scan3A_31  : i32 {
      %dma_start3A = arith.constant 0 : i32
      %dma_start3A_39 = tpu.memref_slice %arg6[%scan3A_38, %dma_start3A] : memref<79x128xi32, #tpu.memory_space<vmem>> -> memref<1x128xi32, #tpu.memory_space<vmem>>
      %dma_start3A_40 = tpu.memref_squeeze %dma_start3A_39 : memref<1x128xi32, #tpu.memory_space<vmem>> -> memref<128xi32, #tpu.memory_space<vmem>>
      %dma_start3A_41 = arith.constant 0 : i32
      %dma_start3A_42 = arith.constant 0 : i32
      %dma_start3A_43 = tpu.memref_slice %arg2[%dma_start3A_41, %dma_start3A_42] : memref<10240x128xf32, #tpu.memory_space<hbm>> -> memref<10240x128xf32, #tpu.memory_space<hbm>>
      tpu.enqueue_indirect_dma source(%dma_start3A_43 : memref<10240x128xf32, #tpu.memory_space<hbm>>) target(%arg8 : memref<128x128xf32, #tpu.memory_space<vmem>>) offsets(%dma_start3A_40 : memref<128xi32, #tpu.memory_space<vmem>>) semaphore(%arg10 : memref<!tpu.dma_semaphore, #tpu.memory_space<semaphore_mem>>)
      %dma_wait3A = arith.constant 0 : i32
      %dma_wait3A_44 = tpu.memref_slice %arg6[%scan3A_38, %dma_wait3A] : memref<79x128xi32, #tpu.memory_space<vmem>> -> memref<1x128xi32, #tpu.memory_space<vmem>>
      %dma_wait3A_45 = tpu.memref_squeeze %dma_wait3A_44 : memref<1x128xi32, #tpu.memory_space<vmem>> -> memref<128xi32, #tpu.memory_space<vmem>>
      %dma_wait3A_46 = arith.constant 0 : i32
      %dma_wait3A_47 = arith.constant 0 : i32
      %dma_wait3A_48 = tpu.memref_slice %arg2[%dma_wait3A_46, %dma_wait3A_47] : memref<10240x128xf32, #tpu.memory_space<hbm>> -> memref<10240x128xf32, #tpu.memory_space<hbm>>
      tpu.wait_indirect_dma semaphore(%arg10 : memref<!tpu.dma_semaphore, #tpu.memory_space<semaphore_mem>>) src(%dma_wait3A_48 : memref<10240x128xf32, #tpu.memory_space<hbm>>) dst(%arg8 : memref<128x128xf32, #tpu.memory_space<vmem>>)
      "tpu.region"() ({
        %run_scoped3A = tpu.sem_alloc : memref<!tpu.dma_semaphore, #tpu.memory_space<semaphore_mem>>
        %dma_start3A_49 = arith.constant 0 : i32
        %dma_start3A_50 = tpu.memref_slice %arg7[%scan3A_38, %dma_start3A_49] : memref<79x128xi32, #tpu.memory_space<vmem>> -> memref<1x128xi32, #tpu.memory_space<vmem>>
        %dma_start3A_51 = tpu.memref_squeeze %dma_start3A_50 : memref<1x128xi32, #tpu.memory_space<vmem>> -> memref<128xi32, #tpu.memory_space<vmem>>
        %dma_start3A_52 = arith.constant 0 : i32
        %dma_start3A_53 = arith.constant 0 : i32
        %dma_start3A_54 = tpu.memref_slice %arg9[%dma_start3A_52, %dma_start3A_53] : memref<10240x128xf32, #tpu.memory_space<vmem_shared>> -> memref<10240x128xf32, #tpu.memory_space<vmem_shared>>
        tpu.enqueue_indirect_dma source(%arg8 : memref<128x128xf32, #tpu.memory_space<vmem>>) target(%dma_start3A_54 : memref<10240x128xf32, #tpu.memory_space<vmem_shared>>) offsets(%dma_start3A_51 : memref<128xi32, #tpu.memory_space<vmem>>) semaphore(%run_scoped3A : memref<!tpu.dma_semaphore, #tpu.memory_space<semaphore_mem>>) {add = true}
        %dma_wait3A_55 = arith.constant 0 : i32
        %dma_wait3A_56 = tpu.memref_slice %arg7[%scan3A_38, %dma_wait3A_55] : memref<79x128xi32, #tpu.memory_space<vmem>> -> memref<1x128xi32, #tpu.memory_space<vmem>>
        %dma_wait3A_57 = tpu.memref_squeeze %dma_wait3A_56 : memref<1x128xi32, #tpu.memory_space<vmem>> -> memref<128xi32, #tpu.memory_space<vmem>>
        %dma_wait3A_58 = arith.constant 0 : i32
        %dma_wait3A_59 = arith.constant 0 : i32
        %dma_wait3A_60 = tpu.memref_slice %arg9[%dma_wait3A_58, %dma_wait3A_59] : memref<10240x128xf32, #tpu.memory_space<vmem_shared>> -> memref<10240x128xf32, #tpu.memory_space<vmem_shared>>
        tpu.wait_indirect_dma semaphore(%run_scoped3A : memref<!tpu.dma_semaphore, #tpu.memory_space<semaphore_mem>>) src(%arg8 : memref<128x128xf32, #tpu.memory_space<vmem>>) dst(%dma_wait3A_60 : memref<10240x128xf32, #tpu.memory_space<vmem_shared>>)
        tpu.yield
      }) : () -> ()
    }
    %scan3A_32 = arith.constant 79 : i32
    %barrier3A_33 = arith.constant 0 : index
    tpu.barrier barrier_id(%barrier3A_33)
    %mul3A_34 = arith.constant 640 : i32
    %mul3A_35 = arith.muli %arg1, %mul3A_34 : i32
    %mul3A_36 = arith.constant 640 : i32
    %mul3A_37 = arith.muli %arg1, %mul3A_36 : i32
    "tpu.region"() ({
      %run_scoped3A = tpu.sem_alloc : memref<!tpu.dma_semaphore, #tpu.memory_space<semaphore_mem>>
      %dma_start3A = arith.constant 0 : i32
      %dma_start3A_38 = tpu.memref_slice %arg5[%arg0, %mul3A_37, %dma_start3A] : memref<2x10240x128xf32, #tpu.memory_space<hbm>> -> memref<1x640x128xf32, #tpu.memory_space<hbm>>
      %dma_start3A_39 = tpu.memref_squeeze %dma_start3A_38 : memref<1x640x128xf32, #tpu.memory_space<hbm>> -> memref<640x128xf32, #tpu.memory_space<hbm>>
      %dma_start3A_40 = arith.constant 0 : i32
      %dma_start3A_41 = tpu.memref_slice %arg9[%mul3A_35, %dma_start3A_40] : memref<10240x128xf32, #tpu.memory_space<vmem_shared>> -> memref<640x128xf32, #tpu.memory_space<vmem_shared>>
      tpu.enqueue_dma source(%dma_start3A_41 : memref<640x128xf32, #tpu.memory_space<vmem_shared>>) target(%dma_start3A_39 : memref<640x128xf32, #tpu.memory_space<hbm>>) target_semaphore(%run_scoped3A : memref<!tpu.dma_semaphore, #tpu.memory_space<semaphore_mem>>)
      %dma_wait3A = arith.constant 0 : i32
      %dma_wait3A_42 = tpu.memref_slice %arg5[%arg0, %mul3A_37, %dma_wait3A] : memref<2x10240x128xf32, #tpu.memory_space<hbm>> -> memref<1x640x128xf32, #tpu.memory_space<hbm>>
      %dma_wait3A_43 = tpu.memref_squeeze %dma_wait3A_42 : memref<1x640x128xf32, #tpu.memory_space<hbm>> -> memref<640x128xf32, #tpu.memory_space<hbm>>
      %dma_wait3A_44 = arith.constant 0 : i32
      %dma_wait3A_45 = tpu.memref_slice %arg9[%mul3A_35, %dma_wait3A_44] : memref<10240x128xf32, #tpu.memory_space<vmem_shared>> -> memref<640x128xf32, #tpu.memory_space<vmem_shared>>
      tpu.wait_dma2 semaphore(%run_scoped3A : memref<!tpu.dma_semaphore, #tpu.memory_space<semaphore_mem>>) src(%dma_wait3A_45 : memref<640x128xf32, #tpu.memory_space<vmem_shared>>) dst(%dma_wait3A_43 : memref<640x128xf32, #tpu.memory_space<hbm>>)
      tpu.yield
    }) : () -> ()
    return
  }
}

#map = affine_map<(d0, d1) -> (0, 0, 0)>
#map1 = affine_map<(d0, d1) -> (0)>
#map2 = affine_map<(d0, d1) -> (0, 0)>
module attributes {stable_mosaic.version = 14 : i64} {
  func.func @_finalize(%arg0: i32, %arg1: i32, %arg2: memref<2x10240x128xf32, #tpu.memory_space<hbm>>, %arg3: memref<10240xf32, #tpu.memory_space<hbm>>, %arg4: memref<128xf32, #tpu.memory_space<hbm>>, %arg5: memref<10240x128xf32, #tpu.memory_space<hbm>>, %arg6: memref<320xf32, #tpu.memory_space<vmem>>, %arg7: memref<128xf32, #tpu.memory_space<vmem>>, %arg8: memref<64x128xf32, #tpu.memory_space<vmem>>, %arg9: memref<64x128xf32, #tpu.memory_space<vmem>>, %arg10: memref<!tpu.dma_semaphore, #tpu.memory_space<semaphore_mem>>) attributes {dimension_semantics = [#tpu.dimension_semantics<core_parallel>, #tpu.dimension_semantics<subcore_parallel>], iteration_bounds = array<i64: 2, 16>, scalar_prefetch = 0 : i64, scratch_operands = 5 : i64, tpu.core_type = #tpu.core_type<sc_vector_subcore>, window_params = [{transform_indices = #map}, {transform_indices = #map1}, {transform_indices = #map1}, {transform_indices = #map2}]} {
    %mul3A = arith.constant 16 : i32
    %mul3A_0 = arith.muli %arg0, %mul3A : i32
    %add3A = arith.addi %mul3A_0, %arg1 : i32
    %mul3A_1 = arith.constant 320 : i32
    %mul3A_2 = arith.muli %add3A, %mul3A_1 : i32
    "tpu.region"() ({
      %run_scoped3A = tpu.sem_alloc : memref<!tpu.dma_semaphore, #tpu.memory_space<semaphore_mem>>
      %dma_start3A = tpu.memref_slice %arg3[%mul3A_2] : memref<10240xf32, #tpu.memory_space<hbm>> -> memref<320xf32, #tpu.memory_space<hbm>>
      %dma_start3A_8 = tpu.memref_slice %arg3[%mul3A_2] : memref<10240xf32, #tpu.memory_space<hbm>> -> memref<320xf32, #tpu.memory_space<hbm>>
      tpu.enqueue_dma source(%dma_start3A_8 : memref<320xf32, #tpu.memory_space<hbm>>) target(%arg6 : memref<320xf32, #tpu.memory_space<vmem>>) target_semaphore(%run_scoped3A : memref<!tpu.dma_semaphore, #tpu.memory_space<semaphore_mem>>)
      %dma_wait3A = tpu.memref_slice %arg3[%mul3A_2] : memref<10240xf32, #tpu.memory_space<hbm>> -> memref<320xf32, #tpu.memory_space<hbm>>
      %dma_wait3A_9 = tpu.memref_slice %arg3[%mul3A_2] : memref<10240xf32, #tpu.memory_space<hbm>> -> memref<320xf32, #tpu.memory_space<hbm>>
      tpu.wait_dma2 semaphore(%run_scoped3A : memref<!tpu.dma_semaphore, #tpu.memory_space<semaphore_mem>>) src(%dma_wait3A_9 : memref<320xf32, #tpu.memory_space<hbm>>) dst(%arg6 : memref<320xf32, #tpu.memory_space<vmem>>)
      tpu.yield
    }) : () -> ()
    "tpu.region"() ({
      %run_scoped3A = tpu.sem_alloc : memref<!tpu.dma_semaphore, #tpu.memory_space<semaphore_mem>>
      tpu.enqueue_dma source(%arg4 : memref<128xf32, #tpu.memory_space<hbm>>) target(%arg7 : memref<128xf32, #tpu.memory_space<vmem>>) target_semaphore(%run_scoped3A : memref<!tpu.dma_semaphore, #tpu.memory_space<semaphore_mem>>)
      tpu.wait_dma2 semaphore(%run_scoped3A : memref<!tpu.dma_semaphore, #tpu.memory_space<semaphore_mem>>) src(%arg4 : memref<128xf32, #tpu.memory_space<hbm>>) dst(%arg7 : memref<128xf32, #tpu.memory_space<vmem>>)
      tpu.yield
    }) : () -> ()
    %scan3A = arith.constant 0 : i32
    %scan3A_3 = arith.constant 0 : i32
    %scan3A_4 = arith.constant 5 : i32
    %scan3A_5 = arith.addi %scan3A_3, %scan3A_4 : i32
    %scan3A_6 = arith.constant 1 : i32
    scf.for %scan3A_8 = %scan3A_3 to %scan3A_5 step %scan3A_6  : i32 {
      %mul3A_9 = arith.constant 64 : i32
      %mul3A_10 = arith.muli %scan3A_8, %mul3A_9 : i32
      %add3A_11 = arith.addi %mul3A_2, %mul3A_10 : i32
      %dma_start3A = arith.constant 0 : i32
      %dma_start3A_12 = arith.constant 0 : i32
      %dma_start3A_13 = tpu.memref_slice %arg2[%dma_start3A, %add3A_11, %dma_start3A_12] : memref<2x10240x128xf32, #tpu.memory_space<hbm>> -> memref<1x64x128xf32, #tpu.memory_space<hbm>>
      %dma_start3A_14 = tpu.memref_squeeze %dma_start3A_13 : memref<1x64x128xf32, #tpu.memory_space<hbm>> -> memref<64x128xf32, #tpu.memory_space<hbm>>
      %dma_start3A_15 = arith.constant 0 : i32
      %dma_start3A_16 = tpu.memref_slice %arg2[%dma_start3A, %add3A_11, %dma_start3A_15] : memref<2x10240x128xf32, #tpu.memory_space<hbm>> -> memref<1x64x128xf32, #tpu.memory_space<hbm>>
      %dma_start3A_17 = tpu.memref_squeeze %dma_start3A_16 : memref<1x64x128xf32, #tpu.memory_space<hbm>> -> memref<64x128xf32, #tpu.memory_space<hbm>>
      tpu.enqueue_dma source(%dma_start3A_17 : memref<64x128xf32, #tpu.memory_space<hbm>>) target(%arg8 : memref<64x128xf32, #tpu.memory_space<vmem>>) target_semaphore(%arg10 : memref<!tpu.dma_semaphore, #tpu.memory_space<semaphore_mem>>)
      %dma_wait3A = arith.constant 0 : i32
      %dma_wait3A_18 = arith.constant 0 : i32
      %dma_wait3A_19 = tpu.memref_slice %arg2[%dma_wait3A, %add3A_11, %dma_wait3A_18] : memref<2x10240x128xf32, #tpu.memory_space<hbm>> -> memref<1x64x128xf32, #tpu.memory_space<hbm>>
      %dma_wait3A_20 = tpu.memref_squeeze %dma_wait3A_19 : memref<1x64x128xf32, #tpu.memory_space<hbm>> -> memref<64x128xf32, #tpu.memory_space<hbm>>
      %dma_wait3A_21 = arith.constant 0 : i32
      %dma_wait3A_22 = tpu.memref_slice %arg2[%dma_wait3A, %add3A_11, %dma_wait3A_21] : memref<2x10240x128xf32, #tpu.memory_space<hbm>> -> memref<1x64x128xf32, #tpu.memory_space<hbm>>
      %dma_wait3A_23 = tpu.memref_squeeze %dma_wait3A_22 : memref<1x64x128xf32, #tpu.memory_space<hbm>> -> memref<64x128xf32, #tpu.memory_space<hbm>>
      tpu.wait_dma2 semaphore(%arg10 : memref<!tpu.dma_semaphore, #tpu.memory_space<semaphore_mem>>) src(%dma_wait3A_23 : memref<64x128xf32, #tpu.memory_space<hbm>>) dst(%arg8 : memref<64x128xf32, #tpu.memory_space<vmem>>)
      %mul3A_24 = arith.constant 64 : i32
      %mul3A_25 = arith.muli %scan3A_8, %mul3A_24 : i32
      %add3A_26 = arith.addi %mul3A_2, %mul3A_25 : i32
      %dma_start3A_27 = arith.constant 1 : i32
      %dma_start3A_28 = arith.constant 0 : i32
      %dma_start3A_29 = tpu.memref_slice %arg2[%dma_start3A_27, %add3A_26, %dma_start3A_28] : memref<2x10240x128xf32, #tpu.memory_space<hbm>> -> memref<1x64x128xf32, #tpu.memory_space<hbm>>
      %dma_start3A_30 = tpu.memref_squeeze %dma_start3A_29 : memref<1x64x128xf32, #tpu.memory_space<hbm>> -> memref<64x128xf32, #tpu.memory_space<hbm>>
      %dma_start3A_31 = arith.constant 0 : i32
      %dma_start3A_32 = tpu.memref_slice %arg2[%dma_start3A_27, %add3A_26, %dma_start3A_31] : memref<2x10240x128xf32, #tpu.memory_space<hbm>> -> memref<1x64x128xf32, #tpu.memory_space<hbm>>
      %dma_start3A_33 = tpu.memref_squeeze %dma_start3A_32 : memref<1x64x128xf32, #tpu.memory_space<hbm>> -> memref<64x128xf32, #tpu.memory_space<hbm>>
      tpu.enqueue_dma source(%dma_start3A_33 : memref<64x128xf32, #tpu.memory_space<hbm>>) target(%arg9 : memref<64x128xf32, #tpu.memory_space<vmem>>) target_semaphore(%arg10 : memref<!tpu.dma_semaphore, #tpu.memory_space<semaphore_mem>>)
      %dma_wait3A_34 = arith.constant 1 : i32
      %dma_wait3A_35 = arith.constant 0 : i32
      %dma_wait3A_36 = tpu.memref_slice %arg2[%dma_wait3A_34, %add3A_26, %dma_wait3A_35] : memref<2x10240x128xf32, #tpu.memory_space<hbm>> -> memref<1x64x128xf32, #tpu.memory_space<hbm>>
      %dma_wait3A_37 = tpu.memref_squeeze %dma_wait3A_36 : memref<1x64x128xf32, #tpu.memory_space<hbm>> -> memref<64x128xf32, #tpu.memory_space<hbm>>
      %dma_wait3A_38 = arith.constant 0 : i32
      %dma_wait3A_39 = tpu.memref_slice %arg2[%dma_wait3A_34, %add3A_26, %dma_wait3A_38] : memref<2x10240x128xf32, #tpu.memory_space<hbm>> -> memref<1x64x128xf32, #tpu.memory_space<hbm>>
      %dma_wait3A_40 = tpu.memref_squeeze %dma_wait3A_39 : memref<1x64x128xf32, #tpu.memory_space<hbm>> -> memref<64x128xf32, #tpu.memory_space<hbm>>
      tpu.wait_dma2 semaphore(%arg10 : memref<!tpu.dma_semaphore, #tpu.memory_space<semaphore_mem>>) src(%dma_wait3A_40 : memref<64x128xf32, #tpu.memory_space<hbm>>) dst(%arg9 : memref<64x128xf32, #tpu.memory_space<vmem>>)
      %scan3A_41 = arith.constant 0 : i32
      %scan3A_42 = arith.constant 0 : i32
      %scan3A_43 = arith.constant 64 : i32
      %scan3A_44 = arith.addi %scan3A_42, %scan3A_43 : i32
      %scan3A_45 = arith.constant 1 : i32
      scf.for %scan3A_50 = %scan3A_42 to %scan3A_44 step %scan3A_45  : i32 {
        %mul3A_51 = arith.constant 64 : i32
        %mul3A_52 = arith.muli %scan3A_8, %mul3A_51 : i32
        %add3A_53 = arith.addi %mul3A_52, %scan3A_50 : i32
        %broadcast_in_dim3A = vector.broadcast %add3A_53 : i32 to vector<16xi32>
        %gather3A = tpu.vector_load_idx %arg6[%broadcast_in_dim3A] : memref<320xf32, #tpu.memory_space<vmem>>[vector<16xi32>], vector<16xf32>,
        %get3A = arith.index_cast %scan3A_50 : i32 to index
        %get3A_54 = arith.constant 0 : index
        %get3A_55 = tpu.vector_load %arg8[%get3A, %get3A_54] {strides = array<i32>} : memref<64x128xf32, #tpu.memory_space<vmem>>, vector<16xf32>,
        %get3A_56 = arith.index_cast %scan3A_50 : i32 to index
        %get3A_57 = arith.constant 0 : index
        %get3A_58 = tpu.vector_load %arg9[%get3A_56, %get3A_57] {strides = array<i32>} : memref<64x128xf32, #tpu.memory_space<vmem>>, vector<16xf32>,
        %add3A_59 = arith.addf %get3A_55, %get3A_58 : vector<16xf32>
        %mul3A_60 = arith.mulf %add3A_59, %gather3A : vector<16xf32>
        %get3A_61 = arith.constant 0 : index
        %get3A_62 = tpu.vector_load %arg7[%get3A_61] {strides = array<i32>} : memref<128xf32, #tpu.memory_space<vmem>>, vector<16xf32>,
        %add3A_63 = arith.addf %mul3A_60, %get3A_62 : vector<16xf32>
        %swap3A = arith.index_cast %scan3A_50 : i32 to index
        %swap3A_64 = arith.constant 0 : index
        %swap3A_65 = tpu.vector_load %arg8[%swap3A, %swap3A_64] {strides = array<i32>} : memref<64x128xf32, #tpu.memory_space<vmem>>, vector<16xf32>,
        tpu.vector_store %arg8[%swap3A, %swap3A_64], %add3A_63 {strides = array<i32>} : memref<64x128xf32, #tpu.memory_space<vmem>>, vector<16xf32>,
        %get3A_66 = arith.index_cast %scan3A_50 : i32 to index
        %get3A_67 = arith.constant 16 : index
        %get3A_68 = tpu.vector_load %arg8[%get3A_66, %get3A_67] {strides = array<i32>} : memref<64x128xf32, #tpu.memory_space<vmem>>, vector<16xf32>,
        %get3A_69 = arith.index_cast %scan3A_50 : i32 to index
        %get3A_70 = arith.constant 16 : index
        %get3A_71 = tpu.vector_load %arg9[%get3A_69, %get3A_70] {strides = array<i32>} : memref<64x128xf32, #tpu.memory_space<vmem>>, vector<16xf32>,
        %add3A_72 = arith.addf %get3A_68, %get3A_71 : vector<16xf32>
        %mul3A_73 = arith.mulf %add3A_72, %gather3A : vector<16xf32>
        %get3A_74 = arith.constant 16 : index
        %get3A_75 = tpu.vector_load %arg7[%get3A_74] {strides = array<i32>} : memref<128xf32, #tpu.memory_space<vmem>>, vector<16xf32>,
        %add3A_76 = arith.addf %mul3A_73, %get3A_75 : vector<16xf32>
        %swap3A_77 = arith.index_cast %scan3A_50 : i32 to index
        %swap3A_78 = arith.constant 16 : index
        %swap3A_79 = tpu.vector_load %arg8[%swap3A_77, %swap3A_78] {strides = array<i32>} : memref<64x128xf32, #tpu.memory_space<vmem>>, vector<16xf32>,
        tpu.vector_store %arg8[%swap3A_77, %swap3A_78], %add3A_76 {strides = array<i32>} : memref<64x128xf32, #tpu.memory_space<vmem>>, vector<16xf32>,
        %get3A_80 = arith.index_cast %scan3A_50 : i32 to index
        %get3A_81 = arith.constant 32 : index
        %get3A_82 = tpu.vector_load %arg8[%get3A_80, %get3A_81] {strides = array<i32>} : memref<64x128xf32, #tpu.memory_space<vmem>>, vector<16xf32>,
        %get3A_83 = arith.index_cast %scan3A_50 : i32 to index
        %get3A_84 = arith.constant 32 : index
        %get3A_85 = tpu.vector_load %arg9[%get3A_83, %get3A_84] {strides = array<i32>} : memref<64x128xf32, #tpu.memory_space<vmem>>, vector<16xf32>,
        %add3A_86 = arith.addf %get3A_82, %get3A_85 : vector<16xf32>
        %mul3A_87 = arith.mulf %add3A_86, %gather3A : vector<16xf32>
        %get3A_88 = arith.constant 32 : index
        %get3A_89 = tpu.vector_load %arg7[%get3A_88] {strides = array<i32>} : memref<128xf32, #tpu.memory_space<vmem>>, vector<16xf32>,
        %add3A_90 = arith.addf %mul3A_87, %get3A_89 : vector<16xf32>
        %swap3A_91 = arith.index_cast %scan3A_50 : i32 to index
        %swap3A_92 = arith.constant 32 : index
        %swap3A_93 = tpu.vector_load %arg8[%swap3A_91, %swap3A_92] {strides = array<i32>} : memref<64x128xf32, #tpu.memory_space<vmem>>, vector<16xf32>,
        tpu.vector_store %arg8[%swap3A_91, %swap3A_92], %add3A_90 {strides = array<i32>} : memref<64x128xf32, #tpu.memory_space<vmem>>, vector<16xf32>,
        %get3A_94 = arith.index_cast %scan3A_50 : i32 to index
        %get3A_95 = arith.constant 48 : index
        %get3A_96 = tpu.vector_load %arg8[%get3A_94, %get3A_95] {strides = array<i32>} : memref<64x128xf32, #tpu.memory_space<vmem>>, vector<16xf32>,
        %get3A_97 = arith.index_cast %scan3A_50 : i32 to index
        %get3A_98 = arith.constant 48 : index
        %get3A_99 = tpu.vector_load %arg9[%get3A_97, %get3A_98] {strides = array<i32>} : memref<64x128xf32, #tpu.memory_space<vmem>>, vector<16xf32>,
        %add3A_100 = arith.addf %get3A_96, %get3A_99 : vector<16xf32>
        %mul3A_101 = arith.mulf %add3A_100, %gather3A : vector<16xf32>
        %get3A_102 = arith.constant 48 : index
        %get3A_103 = tpu.vector_load %arg7[%get3A_102] {strides = array<i32>} : memref<128xf32, #tpu.memory_space<vmem>>, vector<16xf32>,
        %add3A_104 = arith.addf %mul3A_101, %get3A_103 : vector<16xf32>
        %swap3A_105 = arith.index_cast %scan3A_50 : i32 to index
        %swap3A_106 = arith.constant 48 : index
        %swap3A_107 = tpu.vector_load %arg8[%swap3A_105, %swap3A_106] {strides = array<i32>} : memref<64x128xf32, #tpu.memory_space<vmem>>, vector<16xf32>,
        tpu.vector_store %arg8[%swap3A_105, %swap3A_106], %add3A_104 {strides = array<i32>} : memref<64x128xf32, #tpu.memory_space<vmem>>, vector<16xf32>,
        %get3A_108 = arith.index_cast %scan3A_50 : i32 to index
        %get3A_109 = arith.constant 64 : index
        %get3A_110 = tpu.vector_load %arg8[%get3A_108, %get3A_109] {strides = array<i32>} : memref<64x128xf32, #tpu.memory_space<vmem>>, vector<16xf32>,
        %get3A_111 = arith.index_cast %scan3A_50 : i32 to index
        %get3A_112 = arith.constant 64 : index
        %get3A_113 = tpu.vector_load %arg9[%get3A_111, %get3A_112] {strides = array<i32>} : memref<64x128xf32, #tpu.memory_space<vmem>>, vector<16xf32>,
        %add3A_114 = arith.addf %get3A_110, %get3A_113 : vector<16xf32>
        %mul3A_115 = arith.mulf %add3A_114, %gather3A : vector<16xf32>
        %get3A_116 = arith.constant 64 : index
        %get3A_117 = tpu.vector_load %arg7[%get3A_116] {strides = array<i32>} : memref<128xf32, #tpu.memory_space<vmem>>, vector<16xf32>,
        %add3A_118 = arith.addf %mul3A_115, %get3A_117 : vector<16xf32>
        %swap3A_119 = arith.index_cast %scan3A_50 : i32 to index
        %swap3A_120 = arith.constant 64 : index
        %swap3A_121 = tpu.vector_load %arg8[%swap3A_119, %swap3A_120] {strides = array<i32>} : memref<64x128xf32, #tpu.memory_space<vmem>>, vector<16xf32>,
        tpu.vector_store %arg8[%swap3A_119, %swap3A_120], %add3A_118 {strides = array<i32>} : memref<64x128xf32, #tpu.memory_space<vmem>>, vector<16xf32>,
        %get3A_122 = arith.index_cast %scan3A_50 : i32 to index
        %get3A_123 = arith.constant 80 : index
        %get3A_124 = tpu.vector_load %arg8[%get3A_122, %get3A_123] {strides = array<i32>} : memref<64x128xf32, #tpu.memory_space<vmem>>, vector<16xf32>,
        %get3A_125 = arith.index_cast %scan3A_50 : i32 to index
        %get3A_126 = arith.constant 80 : index
        %get3A_127 = tpu.vector_load %arg9[%get3A_125, %get3A_126] {strides = array<i32>} : memref<64x128xf32, #tpu.memory_space<vmem>>, vector<16xf32>,
        %add3A_128 = arith.addf %get3A_124, %get3A_127 : vector<16xf32>
        %mul3A_129 = arith.mulf %add3A_128, %gather3A : vector<16xf32>
        %get3A_130 = arith.constant 80 : index
        %get3A_131 = tpu.vector_load %arg7[%get3A_130] {strides = array<i32>} : memref<128xf32, #tpu.memory_space<vmem>>, vector<16xf32>,
        %add3A_132 = arith.addf %mul3A_129, %get3A_131 : vector<16xf32>
        %swap3A_133 = arith.index_cast %scan3A_50 : i32 to index
        %swap3A_134 = arith.constant 80 : index
        %swap3A_135 = tpu.vector_load %arg8[%swap3A_133, %swap3A_134] {strides = array<i32>} : memref<64x128xf32, #tpu.memory_space<vmem>>, vector<16xf32>,
        tpu.vector_store %arg8[%swap3A_133, %swap3A_134], %add3A_132 {strides = array<i32>} : memref<64x128xf32, #tpu.memory_space<vmem>>, vector<16xf32>,
        %get3A_136 = arith.index_cast %scan3A_50 : i32 to index
        %get3A_137 = arith.constant 96 : index
        %get3A_138 = tpu.vector_load %arg8[%get3A_136, %get3A_137] {strides = array<i32>} : memref<64x128xf32, #tpu.memory_space<vmem>>, vector<16xf32>,
        %get3A_139 = arith.index_cast %scan3A_50 : i32 to index
        %get3A_140 = arith.constant 96 : index
        %get3A_141 = tpu.vector_load %arg9[%get3A_139, %get3A_140] {strides = array<i32>} : memref<64x128xf32, #tpu.memory_space<vmem>>, vector<16xf32>,
        %add3A_142 = arith.addf %get3A_138, %get3A_141 : vector<16xf32>
        %mul3A_143 = arith.mulf %add3A_142, %gather3A : vector<16xf32>
        %get3A_144 = arith.constant 96 : index
        %get3A_145 = tpu.vector_load %arg7[%get3A_144] {strides = array<i32>} : memref<128xf32, #tpu.memory_space<vmem>>, vector<16xf32>,
        %add3A_146 = arith.addf %mul3A_143, %get3A_145 : vector<16xf32>
        %swap3A_147 = arith.index_cast %scan3A_50 : i32 to index
        %swap3A_148 = arith.constant 96 : index
        %swap3A_149 = tpu.vector_load %arg8[%swap3A_147, %swap3A_148] {strides = array<i32>} : memref<64x128xf32, #tpu.memory_space<vmem>>, vector<16xf32>,
        tpu.vector_store %arg8[%swap3A_147, %swap3A_148], %add3A_146 {strides = array<i32>} : memref<64x128xf32, #tpu.memory_space<vmem>>, vector<16xf32>,
        %get3A_150 = arith.index_cast %scan3A_50 : i32 to index
        %get3A_151 = arith.constant 112 : index
        %get3A_152 = tpu.vector_load %arg8[%get3A_150, %get3A_151] {strides = array<i32>} : memref<64x128xf32, #tpu.memory_space<vmem>>, vector<16xf32>,
        %get3A_153 = arith.index_cast %scan3A_50 : i32 to index
        %get3A_154 = arith.constant 112 : index
        %get3A_155 = tpu.vector_load %arg9[%get3A_153, %get3A_154] {strides = array<i32>} : memref<64x128xf32, #tpu.memory_space<vmem>>, vector<16xf32>,
        %add3A_156 = arith.addf %get3A_152, %get3A_155 : vector<16xf32>
        %mul3A_157 = arith.mulf %add3A_156, %gather3A : vector<16xf32>
        %get3A_158 = arith.constant 112 : index
        %get3A_159 = tpu.vector_load %arg7[%get3A_158] {strides = array<i32>} : memref<128xf32, #tpu.memory_space<vmem>>, vector<16xf32>,
        %add3A_160 = arith.addf %mul3A_157, %get3A_159 : vector<16xf32>
        %swap3A_161 = arith.index_cast %scan3A_50 : i32 to index
        %swap3A_162 = arith.constant 112 : index
        %swap3A_163 = tpu.vector_load %arg8[%swap3A_161, %swap3A_162] {strides = array<i32>} : memref<64x128xf32, #tpu.memory_space<vmem>>, vector<16xf32>,
        tpu.vector_store %arg8[%swap3A_161, %swap3A_162], %add3A_160 {strides = array<i32>} : memref<64x128xf32, #tpu.memory_space<vmem>>, vector<16xf32>,
      }
      %scan3A_46 = arith.constant 64 : i32
      %mul3A_47 = arith.constant 64 : i32
      %mul3A_48 = arith.muli %scan3A_8, %mul3A_47 : i32
      %add3A_49 = arith.addi %mul3A_2, %mul3A_48 : i32
      "tpu.region"() ({
        %run_scoped3A = tpu.sem_alloc : memref<!tpu.dma_semaphore, #tpu.memory_space<semaphore_mem>>
        %dma_start3A_50 = arith.constant 0 : i32
        %dma_start3A_51 = tpu.memref_slice %arg5[%add3A_49, %dma_start3A_50] : memref<10240x128xf32, #tpu.memory_space<hbm>> -> memref<64x128xf32, #tpu.memory_space<hbm>>
        %dma_start3A_52 = arith.constant 0 : i32
        %dma_start3A_53 = tpu.memref_slice %arg5[%add3A_49, %dma_start3A_52] : memref<10240x128xf32, #tpu.memory_space<hbm>> -> memref<64x128xf32, #tpu.memory_space<hbm>>
        tpu.enqueue_dma source(%arg8 : memref<64x128xf32, #tpu.memory_space<vmem>>) target(%dma_start3A_53 : memref<64x128xf32, #tpu.memory_space<hbm>>) target_semaphore(%run_scoped3A : memref<!tpu.dma_semaphore, #tpu.memory_space<semaphore_mem>>)
        %dma_wait3A_54 = arith.constant 0 : i32
        %dma_wait3A_55 = tpu.memref_slice %arg5[%add3A_49, %dma_wait3A_54] : memref<10240x128xf32, #tpu.memory_space<hbm>> -> memref<64x128xf32, #tpu.memory_space<hbm>>
        %dma_wait3A_56 = arith.constant 0 : i32
        %dma_wait3A_57 = tpu.memref_slice %arg5[%add3A_49, %dma_wait3A_56] : memref<10240x128xf32, #tpu.memory_space<hbm>> -> memref<64x128xf32, #tpu.memory_space<hbm>>
        tpu.wait_dma2 semaphore(%run_scoped3A : memref<!tpu.dma_semaphore, #tpu.memory_space<semaphore_mem>>) src(%arg8 : memref<64x128xf32, #tpu.memory_space<vmem>>) dst(%dma_wait3A_57 : memref<64x128xf32, #tpu.memory_space<hbm>>)
        tpu.yield
      }) : () -> ()
    }
    %scan3A_7 = arith.constant 5 : i32
    return
  }
}

module attributes {stable_mosaic.version = 14 : i64} {
  func.func @_matmul_body(%arg0: i32, %arg1: memref<512x128xf32, #tpu.memory_space<vmem>>, %arg2: memref<128x128xf32, #tpu.memory_space<vmem>>, %arg3: memref<512x128xf32, #tpu.memory_space<vmem>>) attributes {dimension_semantics = [#tpu.dimension_semantics<arbitrary>], iteration_bounds = array<i64: 20>, scalar_prefetch = 0 : i64, scratch_operands = 0 : i64, tpu.core_type = #tpu.core_type<tc>, window_params = [{transform_indices = @transform_0, window_bounds = array<i64: 512, 128>}, {pipeline_mode = #tpu.pipeline_mode<synchronous>, transform_indices = @transform_1, window_bounds = array<i64: 128, 128>}, {transform_indices = @transform_2, window_bounds = array<i64: 512, 128>}]} {
    %get3A = arith.constant 0 : index
    %get3A_0 = arith.constant 0 : index
    %get3A_1 = vector.load %arg1[%get3A, %get3A_0] : memref<512x128xf32, #tpu.memory_space<vmem>>, vector<512x128xf32>
    %get3A_2 = arith.constant 0 : index
    %get3A_3 = arith.constant 0 : index
    %get3A_4 = vector.load %arg2[%get3A_2, %get3A_3] : memref<128x128xf32, #tpu.memory_space<vmem>>, vector<128x128xf32>
    %dot_general3A = arith.constant dense<0.000000e+00> : vector<512x128xf32>
    %dot_general3A_5 = tpu.matmul %get3A_1, %get3A_4, %dot_general3A {dimension_numbers = #tpu.dot_dimension_numbers<[1], [0], [0], [1], [0, 0, 1, 1], [], []>, transpose_lhs_hint = false} : vector<512x128xf32>, vector<128x128xf32>, vector<512x128xf32> -> vector<512x128xf32>
    %swap3A = arith.constant 0 : index
    %swap3A_6 = arith.constant 0 : index
    %swap3A_7 = vector.load %arg3[%swap3A, %swap3A_6] : memref<512x128xf32, #tpu.memory_space<vmem>>, vector<512x128xf32>
    tpu.vector_store %arg3[%swap3A, %swap3A_6], %dot_general3A_5 {strides = array<i32>} : memref<512x128xf32, #tpu.memory_space<vmem>>, vector<512x128xf32>,
    return
  }
  func.func @transform_0(%arg0: i32) -> (i32, i32) {
    %c0_i32 = arith.constant 0 : i32
    %c0_i32_0 = arith.constant 0 : i32
    return %arg0, %c0_i32 : i32, i32
  }
  func.func @transform_1(%arg0: i32) -> (i32, i32) {
    %c0_i32 = arith.constant 0 : i32
    %c0_i32_0 = arith.constant 0 : i32
    %c0_i32_1 = arith.constant 0 : i32
    return %c0_i32, %c0_i32_0 : i32, i32
  }
  func.func @transform_2(%arg0: i32) -> (i32, i32) {
    %c0_i32 = arith.constant 0 : i32
    %c0_i32_0 = arith.constant 0 : i32
    return %arg0, %c0_i32 : i32, i32
  }
}

</mosaic_0001>

<sc_bundles>
// kernel: kernel.11.cloned.1.call-start
scs
__scs_entry_jumppad:
0x0: {  	(pc) =	sbr.rel $0x88, $3  }
0x1: {  	(tag) =	ssettag $0x0;
	lr =	simm.s32 $0x1  }
0x2: {  	[smem:$0x3F9C] =	sst lr;
	_ =	strace $0xD0000000  }
0x3: {  	_ = 	snop  }
0x4: {  	_ = 	snop  }
0x5: {  	_ = 	snop  }
0x6: {  	_ = 	snop  }
0x7: {  	_ = 	snop  }
__scs_overlays_trampoline_lowered:
0x8: {  	[smem:$0x3FAB] =	sst s0  }
0x9: {  	[smem:$0x3FAC] =	sst s1  }
0xa: {  	[smem:$0x3FAD] =	sst s2  }
0xb: {  	[smem:$0x3FAE] =	sst s3  }
0xc: {  	[smem:$0x3FAF] =	sst s4  }
0xd: {  	[smem:$0x3FB0] =	sst s5  }
0xe: {  	[smem:$0x3FB1] =	sst s6  }
0xf: {  	[smem:$0x3FB2] =	sst s7  }
0x10: {  	[smem:$0x3FB3] =	sst s8  }
0x11: {  	[smem:$0x3FB4] =	sst s9;
	s0 =	simm.s32 @!p0 $0x0  }
0x12: {  	s1 =	sld [smem:$0x3F9A];
	s0 =	simm.s32 @p0 $0x1  }
0x13: {  	[smem:$0x3FB5] =	sst s0;
	s0 =	simm.s32 @!p1 $0x0  }
0x14: {  	s2 =	sld [smem:$0x3F99];
	s0 =	simm.s32 @p1 $0x1  }
0x15: {  	[smem:$0x3FB6] =	sst s0;
	s0 =	simm.s32 @!p2 $0x0  }
0x16: {  	s3 =	sld [smem:$0x3FDB];
	s0 =	simm.s32 @p2 $0x1  }
0x17: {  	s4 =	simm.s32 $0x1BF5;
	[smem:$0x3FB8] =	sst s0  }
0x18: {  	s0 =	sld [smem:$0x3F9B];
	_ =	swait.ge [sflag:s4], $0x0  }
0x19: {  	s7 =	sld [smem:$0x3F9C]  }
0x1a: {  	s8 =	sadd.s32 $0xFFFFE003, lr  }
0x1b: {  	s9 =	sadd.s32 $0xFFFFFEF7, lr;
	s5 =	simm.s32 $0xFFFFFFFF;
	p2 =	slt.u32 s8, $0xFFFFF086  }
0x1c: {  	p1 =	slt.u32 s9, $0xF7A;
	s5 =	simm.s32 @!p2 $0x0  }
0x1d: {  	s5 =	simm.s32 @p1 $0x1;
	p0 =	seq.s32 s7, s2  }
0x1e: {  	s7 =	smul.u32 @!p0 $0xF7A, s2;
	p2 =	seq.s32 @!p0 s5, $0x0  }
0x1f: {  	s9 =	smul.u32 $0xF7A, s1;
	s8 =	simm.s32 @!p0 $0x1BF5;
	p2 =	por !p2, p0  }
0x20: {  	[sflag:s8] =	ssyncset.s32 @!p0 $0xFFFFF086;
	s6 =	sadd.s32 @!p0 s3, s7;
	s7 =	simm.s32 @!p0 $0x108  }
0x21: {  	s3 =	sadd.s32 s3, s9;
	s6 =	sadd.s32 @!p0 $0x88, s6;
	s7 =	simm.s32 @p2 $0x1082  }
0x22: {  	[simem:s7], [sflag:s8] =	dma.local @!p0 [hbm:s6], $0xF7A  }
0x23: {  	s9 =	sor.u32 $0xD0000000, s2;
	s6 =	simm.s32 $0x108;
	_ =	swait.ge @!p0 [sflag:s8], $0x0  }
0x24: {  	s3 =	sadd.s32 $0x88, s3;
	s6 =	simm.s32 @!p1 $0x1082;
	[sflag:s4] =	ssyncset.s32 $0xFFFFF086  }
0x25: {  	[simem:s6], [sflag:s4] =	dma.local [hbm:s3], $0xF7A  }
0x26: {  	[smem:$0x3F9C] =	sst s1;
	(tag) =	ssettag s2;
	_ =	strace s9  }
0x27: {  	s1 =	sld [smem:$0x3FAC]  }
0x28: {  	s2 =	sld [smem:$0x3FAD]  }
0x29: {  	s4 =	sld [smem:$0x3FAF]  }
0x2a: {  	p0 =	seq.s32 s5, $0x0;
	s5 =	sld [smem:$0x3FB0]  }
0x2b: {  	s6 =	sld [smem:$0x3FB1]  }
0x2c: {  	s7 =	sld [smem:$0x3FB2]  }
0x2d: {  	s3 =	simm.s32 $0x108;
	s8 =	sld [smem:$0x3FB3]  }
0x2e: {  	s3 =	simm.s32 @!p0 $0x1082;
	s9 =	sld [smem:$0x3FB4]  }
0x2f: {  	lr =	sadd.s32 s0, s3;
	s0 =	sld [smem:$0x3FAB]  }
0x30: {  	s3 =	sld [smem:$0x3FAE]  }
0x31: {  	[smem:$0x3FB7] =	sst s10  }
0x32: {  	s10 =	sld [smem:$0x3FB5];
	_ =	sdelay $0x3  }
0x33: {  	p0 =	seq.s32 s10, $0x1;
	s10 =	sld [smem:$0x3FB7];
	_ =	sdelay $0x3  }
0x34: {  	[smem:$0x3FB7] =	sst s10  }
0x35: {  	s10 =	sld [smem:$0x3FB6];
	_ =	sdelay $0x3  }
0x36: {  	p1 =	seq.s32 s10, $0x1;
	s10 =	sld [smem:$0x3FB7];
	_ =	sdelay $0x3  }
0x37: {  	[smem:$0x3FB7] =	sst s10  }
0x38: {  	s10 =	sld [smem:$0x3FB8]  }
0x39: {  	_ = 	snop;
	(pc) =	sbr.ind lr, $3  }
0x3a: {  	_ = 	snop  }
0x3b: {  	_ = 	snop  }
0x3c: {  	p2 =	seq.s32 s10, $0x1;
	s10 =	sld [smem:$0x3FB7]  }
0x3d: {  	_ =	shalt  }
0x3e: {  	_ =	shalt  }
0x3f: {  	_ =	shalt  }
0x40: {  	_ =	shalt  }
0x41: {  	_ =	shalt  }
0x42: {  	_ =	shalt  }
0x43: {  	_ =	shalt  }
0x44: {  	_ =	shalt  }
0x45: {  	_ =	shalt  }
0x46: {  	_ =	shalt  }
0x47: {  	_ =	shalt  }
0x48: {  	_ =	shalt  }
0x49: {  	_ =	shalt  }
0x4a: {  	_ =	shalt  }
0x4b: {  	_ =	shalt  }
0x4c: {  	_ =	shalt  }
0x4d: {  	_ =	shalt  }
0x4e: {  	_ =	shalt  }
0x4f: {  	_ =	shalt  }
0x50: {  	_ =	shalt  }
0x51: {  	_ =	shalt  }
0x52: {  	_ =	shalt  }
0x53: {  	_ =	shalt  }
0x54: {  	_ =	shalt  }
0x55: {  	_ =	shalt  }
0x56: {  	_ =	shalt  }
0x57: {  	_ =	shalt  }
0x58: {  	_ =	shalt  }
0x59: {  	_ =	shalt  }
0x5a: {  	_ =	shalt  }
0x5b: {  	_ =	shalt  }
0x5c: {  	_ =	shalt  }
0x5d: {  	_ =	shalt  }
0x5e: {  	_ =	shalt  }
0x5f: {  	_ =	shalt  }
0x60: {  	_ =	shalt  }
0x61: {  	_ =	shalt  }
0x62: {  	_ =	shalt  }
0x63: {  	_ =	shalt  }
0x64: {  	_ =	shalt  }
0x65: {  	_ =	shalt  }
0x66: {  	_ =	shalt  }
0x67: {  	_ =	shalt  }
0x68: {  	_ =	shalt  }
0x69: {  	_ =	shalt  }
0x6a: {  	_ =	shalt  }
0x6b: {  	_ =	shalt  }
0x6c: {  	_ =	shalt  }
0x6d: {  	_ =	shalt  }
0x6e: {  	_ =	shalt  }
0x6f: {  	_ =	shalt  }
0x70: {  	_ =	shalt  }
0x71: {  	_ =	shalt  }
0x72: {  	_ =	shalt  }
0x73: {  	_ =	shalt  }
0x74: {  	_ =	shalt  }
0x75: {  	_ =	shalt  }
0x76: {  	_ =	shalt  }
0x77: {  	_ =	shalt  }
0x78: {  	_ =	shalt  }
0x79: {  	_ =	shalt  }
0x7a: {  	_ =	shalt  }
0x7b: {  	_ =	shalt  }
0x7c: {  	_ =	shalt  }
0x7d: {  	_ =	shalt  }
0x7e: {  	_ =	shalt  }
0x7f: {  	_ =	shalt  }
0x80: {  	_ =	shalt  }
0x81: {  	_ =	shalt  }
0x82: {  	_ =	shalt  }
0x83: {  	_ =	shalt  }
0x84: {  	_ =	shalt  }
0x85: {  	_ =	shalt  }
0x86: {  	_ =	shalt  }
0x87: {  	_ =	shalt  }
.Lfunc_end0:
.L_simem_size_0:
called_computation.1_lowered:
.L_overlay_start_0:
0x88: {  	s2 =	sld [smem:$0x3FD9]  }
0x89: {  	s3 =	sld [smem:$0x3FFE];
	_ =	sdelay $0x1  }
0x8a: {  	s1 =	srdreg.scid  }
0x8b: {  	s0 =	sand.u32 $0x1, s1  }
0x8c: {  	s17 =	sshll.u32 s0, $0xA;
	s2 =	sadd.s32 s3, s2  }
0x8d: {  	s2 =	sadd.s32 s2, s17  }
0x8e: {  	[smem:$0x3FC3] =	sst s2  }
0x8f: {  	_ = 	snop  }
0x90: {  	(tm) =	ssettm $0x1  }
0x91: {  	s18 =	sld [smem:$0x3FFB];
	_ =	sdelay $0x3  }
0x92: {  	_ =	strace s18  }
0x93: {  	s2 =	sld [smem:$0x3FFC];
	_ =	sdelay $0x3  }
0x94: {  	_ =	strace s2  }
0x95: {  	s2 =	sld [smem:$0x3FFD];
	_ =	sdelay $0x3  }
0x96: {  	_ =	strace s2  }
0x97: {  	_ =	strace $0x8FFFFFFF  }
0x98: {  	s19 =	sld [smem:$0x3FDB];
	_ =	sdelay $0x1  }
0x99: {  	s20 =	simm.s32 $_scs_section_size  }
0x9a: {  	s4 =	simm.s32 $_size__tile_overlayer_lowered;
	s5 =	simm.s32 $_tile_overlayer_lowered  }
0x9b: {  	s6 =	simm.s32 $0x1BFF;
	s21 =	sshll.u32 s5, $0x1;
	s3 =	sadd.s32 s20, s19  }
0x9c: {  	s22 =	simm.s32 $0x0;
	s4 =	sshll.u32 s4, $0x1;
	s5 =	sadd.s32 s21, s3  }
0x9d: {  	[timem:s22], [sflag:s6] =	dma.local [hbm:s5], s4  }
0x9e: {  	_ =	swait.ge [sflag:s6], s4  }
0x9f: {  	s4 =	ssub.s32 $0x0, s4;
	[sflag:s6] =	ssyncset.done $0x0  }
0xa0: {  	[sflag:s6] =	ssyncadd.s32 s4;
	_ =	sdelay $0x1  }
0xa1: {  	s23 =	simm.s32 $0x1B8B  }
0xa2: {  	_ =	swait.ge [sflag:s23], $0x1  }
0xa3: {  	[sflag:s23] =	ssyncset.done $0x0  }
0xa4: {  	[sflag:s23] =	ssyncadd.s32 $0xFFFFFFFF  }
0xa5: {  	s4 =	sld [smem:$0x0]  }
0xa6: {  	s5 =	sand.u32 $0xFFFFFFFE, s1  }
0xa7: {  	p0 =	sne.s32 s1, s5  }
0xa8: {  	s5 =	sshll.u32 @p0 s5, $0xE  }
0xa9: {  	s5 =	sadd.s32 @p0 $0x11B8D, s5;
	s6 =	sshll.u32 @p0 s4, $0x11  }
0xaa: {  	s5 =	sor.u32 @p0 s6, s5  }
0xab: {  	[sflag:s5] =	ssyncadd.remote.s32 @p0 $0x1;
	_ =	sdelay $0x1  }
0xac: {  	s5 =	simm.s32 @p0 $0x1B8D  }
0xad: {  	_ =	swait.eq @p0 [sflag:s5], $0x1  }
0xae: {  	[sflag:s5] =	ssyncadd.s32 @p0 $0xFFFFFFFF  }
0xaf: {  	s6 =	sshll.u32 @!p0 s1, $0xE  }
0xb0: {  	s6 =	sor.u32 @!p0 $0x4000, s6;
	s5 =	simm.s32 @!p0 $0x1B8D  }
0xb1: {  	s4 =	sshll.u32 @!p0 s4, $0x11;
	s6 =	sadd.s32 @!p0 $0x11B8D, s6;
	_ =	swait.eq @!p0 [sflag:s5], $0x1  }
0xb2: {  	s4 =	sor.u32 @!p0 s4, s6;
	[sflag:s5] =	ssyncadd.s32 @!p0 $0xFFFFFFFF  }
0xb3: {  	s25 =	simm.s32 $0x1B8E;
	s24 =	sld [smem:$0x3FFE];
	[sflag:s4] =	ssyncadd.remote.s32 @!p0 $0x1  }
0xb4: {  	s26 =	simm.s32 $execute0_lowered;
	[smem:$0x3FD2] =	sst s25  }
0xb5: {  	s5 =	sshll.u32 s26, $0x1;
	_ =	strace $0x80000049;
	[dreg:$0x1] =	wrdreg $0xFFFFFFFF  }
0xb6: {  	s28 =	simm.s32 $_size_execute0_lowered;
	s3 =	sadd.s32 s3, s5;
	[dreg:$0x0] =	wrdreg $0x0  }
0xb7: {  	s5 =	sshll.u32 s28, $0x1;
	[dreg:$0x2] =	wrdreg s3  }
0xb8: {  	[dreg:$0x3] =	wrdreg s5  }
0xb9: {  	[dreg:$0x4] =	wrdreg $0xC0  }
0xba: {  	_ =	task [dreg:s22], $0x5FFFF  }
0xbb: {  	[dreg:$0x1] =	wrdreg $0xFFFFFFFF  }
0xbc: {  	[dreg:$0x0] =	wrdreg $0x60  }
0xbd: {  	[dreg:$0x2] =	wrdreg s24  }
0xbe: {  	[dreg:$0x3] =	wrdreg $0x8F000  }
0xbf: {  	[dreg:$0x4] =	wrdreg $0xA  }
0xc0: {  	_ =	task.clear_ibuf [dreg:s22], $0x5FFFF;
	_ =	strace $0x90000049  }
0xc1: {  	s29 =	simm.s32 $0xA;
	_ =	strace $0x8000004B  }
0xc2: {  	_ =	swait.ge [sflag:s29], $0x1  }
0xc3: {  	[sflag:s29] =	ssyncadd.s32 $0xFFFFFFFF  }
0xc4: {  	_ =	strace $0x9000004B  }
0xc5: {  	_ =	sfence  }
0xc6: {  	s30 =	sld [smem:$0x0];
	_ =	sdelay $0x2  }
0xc7: {  	s31 =	sshll.u32 s1, $0xD;
	s1 =	sshrl.u32 s1, $0x2  }
0xc8: {  	s4 =	sand.u32 $0x4000, s31;
	s1 =	sadd.s32 s1, s30  }
0xc9: {  	s0 =	sor.u32 s4, s0;
	s1 =	sshll.u32 s1, $0x11  }
0xca: {  	s0 =	sor.u32 s1, s0  }
0xcb: {  	s0 =	sadd.s32 $0x8F2B, s0  }
0xcc: {  	[sflag:s0] =	ssyncadd.remote.s32 $0x1  }
0xcd: {  	_ =	sfence.sel $0xFFFF  }
0xce: {  	[dreg:$0x0] =	wrdreg $0xFFFFFFFF;
	(pc) =	sbr.abs _section_cstart, $3  }
0xcf: {  	[dreg:$0x1] =	wrdreg $0xFFFFFFFF  }
0xd0: {  	_ =	task.clear_ibuf [dreg:s22], $0x2FFFF;
	_ =	strace $0x9FFFFFFF  }
0xd1: {  	(tm) =	ssettm $0x7FFFFFFF  }
tec
execute0_lowered:
.L_overlay_start_1:
0x0: {  	(tag) =	ssettag $0x1  }
0x1: {  	s5 =	rddreg [dreg:$0x0]  }
0x2: {  	s2 =	rddreg [dreg:$0x1];
	s3 =	srdreg.scid  }
0x3: {  	s0 =	rddreg [dreg:$0x2];
	s1 =	stileid.u32  }
0x4: {  	s14 =	simm.s32 $0x4F00;
	s15 =	simm.s32 $0x2;
	s16 =	simm.s32 $0x2780  }
0x5: {  	s17 =	simm.s32 $0x80;
	s18 =	simm.s32 $0x1;
	s7 =	smul.u32 $0x14000, s1  }
0x6: {  	s6 =	sand.u32 $0x1, s3;
	s3 =	simm.s32 $0x0;
	s10 =	smul.u32 $0x50000, s1  }
0x7: {  	s19 =	sshll.u32 s1, $0x6;
	s4 =	sshll.u32 s6, $0x4;
	[smem:$0x7FF] =	sst s3  }
0x8: {  	s8 =	smul.u32 $0x140000, s6;
	s6 =	ssub.s32 $0x2, s6;
	s19 =	sor.u32 $0x1C02, s19  }
0x9: {  	s4 =	sor.u32 s1, s4;
	_ =	strace $0x8000004A;
	s29 =	sshrl.u32 s6, $0x1  }
0xa: {  	s30 =	sshrl.u32 s10, $0x2;
	s9 =	smul.u32 $0x4F0, s4;
	s4 =	sadd.s32 $0x20E00, s5  }
0xb: {  	s8 =	sadd.s32 s7, s8;
	s13 =	ssub.s32 s6, s29;
	s31 =	sadd.s32 s30, s2  }
0xc: {  	s8 =	sshrl.u32 s8, $0x3;
	s6 =	sadd.s32 $0x4000, s31;
	s13 =	smax.u32 s13, $0x1  }
0xd: {  	s11 =	sadd.s32 s9, s5;
	s12 =	sadd.s32 s8, s5;
	s5 =	sadd.s32 s7, s2  }
0xe: {  	s7 =	sadd.s32 $0x8000, s31;
	s8 =	sadd.s32 $0xC000, s31;
	s9 =	sadd.s32 $0x10000, s31  }
0xf: {  	v0 =	vimm.f32 $0.0e+00;
	s10 =	sadd.s32 $0x2C00, s11;
	s11 =	sadd.s32 $0xCA00, s11;
	s12 =	sadd.s32 $0x48E00, s12  }
.LBB2_1:
0x10: {  	s20 =	simm.s32 $0x0;
	s21 =	simm.s32 $0x200  }
.LBB2_2:
0x11: {  	p0 =	sne.s32 s21, $0xFE00;
	[tilespmem:s20+$0x4F70] =	vst v0  }
0x12: {  	[tilespmem:s20+$0x4F00] =	vst v0  }
0x13: {  	[tilespmem:s20+$0x4F10] =	vst v0  }
.Ltmp0:
0x14: {  	[tilespmem:s20+$0x4F20] =	vst v0;
	(pc) =	sbr.rel @p0 .LBB2_2-.Ltmp0, $4  }
0x15: {  	[tilespmem:s20+$0x4F30] =	vst v0  }
0x16: {  	[tilespmem:s20+$0x4F40] =	vst v0  }
0x17: {  	[tilespmem:s20+$0x4F50] =	vst v0  }
0x18: {  	[tilespmem:s20+$0x4F60] =	vst v0;
	s20 =	sshra.s32 s21, $0x2;
	s21 =	sadd.s32 $0x200, s21  }
0x19: {  	[tilespmem:s20+$0x4F70] =	vst v0  }
0x1a: {  	[tilespmem:s20+$0x4F00] =	vst v0  }
0x1b: {  	[tilespmem:s20+$0x4F10] =	vst v0  }
0x1c: {  	[tilespmem:s20+$0x4F20] =	vst v0  }
0x1d: {  	[tilespmem:s20+$0x4F30] =	vst v0  }
0x1e: {  	[tilespmem:s20+$0x4F40] =	vst v0  }
0x1f: {  	[tilespmem:s20+$0x4F50] =	vst v0  }
0x20: {  	[tilespmem:s20+$0x4F60] =	vst v0  }
0x21: {  	[spmem:s5] =	stream.linear.scatter [tilespmem:s14], [sflag:$0x2], $0x4000, $0x38;
	[tilespmem:$0x1CF00] =	vst v63  }
0x22: {  	_ =	swait.ge [sflag:s15], $0x4000  }
0x23: {  	[sflag:s15] =	ssyncset.done $0x0  }
0x24: {  	[sflag:s15] =	ssyncadd.s32 $0xFFFFC000  }
0x25: {  	[spmem:s6] =	stream.linear.scatter [tilespmem:s14], [sflag:$0x2], $0x4000, $0x38;
	[tilespmem:$0x1CF00] =	vst v63  }
0x26: {  	_ =	swait.ge [sflag:s15], $0x4000  }
0x27: {  	[sflag:s15] =	ssyncset.done $0x0  }
0x28: {  	[sflag:s15] =	ssyncadd.s32 $0xFFFFC000  }
0x29: {  	[spmem:s7] =	stream.linear.scatter [tilespmem:s14], [sflag:$0x2], $0x4000, $0x38;
	[tilespmem:$0x1CF00] =	vst v63  }
0x2a: {  	_ =	swait.ge [sflag:s15], $0x4000  }
0x2b: {  	[sflag:s15] =	ssyncset.done $0x0  }
0x2c: {  	[sflag:s15] =	ssyncadd.s32 $0xFFFFC000  }
0x2d: {  	[spmem:s8] =	stream.linear.scatter [tilespmem:s14], [sflag:$0x2], $0x4000, $0x38;
	[tilespmem:$0x1CF00] =	vst v63  }
0x2e: {  	_ =	swait.ge [sflag:s15], $0x4000  }
0x2f: {  	[sflag:s15] =	ssyncset.done $0x0  }
0x30: {  	[sflag:s15] =	ssyncadd.s32 $0xFFFFC000  }
0x31: {  	[spmem:s9] =	stream.linear.scatter [tilespmem:s14], [sflag:$0x2], $0x4000, $0x38;
	[tilespmem:$0x1CF00] =	vst v63  }
0x32: {  	_ =	swait.ge [sflag:s15], $0x4000  }
0x33: {  	[sflag:s15] =	ssyncset.done $0x0  }
0x34: {  	s29 =	simm.s32 $0x0;
	[sflag:s15] =	ssyncadd.s32 $0xFFFFC000  }
0x35: {  	[tilespmem:s29], [sflag:$0x2] =	stream.linear.gather [hbm4b:s10+s29], $0x2780, $0x38;
	[tilespmem:$0x1CF00] =	vst v63  }
0x36: {  	_ =	swait.ge [sflag:s15], $0x2780  }
0x37: {  	[sflag:s15] =	ssyncset.done $0x0  }
0x38: {  	[sflag:s15] =	ssyncadd.s32 $0xFFFFD880  }
0x39: {  	[tilespmem:s16], [sflag:$0x2] =	stream.linear.gather [hbm4b:s11+s29], $0x2780, $0x38;
	[tilespmem:$0x1CF00] =	vst v63  }
0x3a: {  	_ =	swait.ge [sflag:s15], $0x2780  }
0x3b: {  	[sflag:s15] =	ssyncset.done $0x0  }
0x3c: {  	[sflag:s15] =	ssyncadd.s32 $0xFFFFD880  }
0x3d: {  	s30 =	simm.s32 $0x0;
	[bflag:$0x0] =	sbarrier.arrive $0xFFFF  }
0x3e: {  	[tilespmem:s14], [sflag:$0x1] =	stream.indirect.gather [hbm4b:s4+s17], $0x80, s30, s17, $0xb8;
	[tilespmem:$0x1CF00] =	vst v63  }
0x3f: {  	_ =	swait.ge [sflag:s18], $0x4000  }
0x40: {  	[sflag:s18] =	ssyncset.done $0x0  }
0x41: {  	s31 =	simm.s32 $0x2780;
	[sflag:s18] =	ssyncadd.s32 $0xFFFFC000  }
0x42: {  	[spmem:s2] =	stream.indirect.scatter.add.f32 [tilespmem:s14], [sflag:$0x2], $0x80, s31, s17, $0xb8;
	[tilespmem:$0x1CF00] =	vst v63  }
0x43: {  	_ =	swait.ge [sflag:s15], $0x4000  }
0x44: {  	s20 =	simm.s32 $0x200;
	s21 =	simm.s32 $0x400;
	[sflag:s15] =	ssyncset.done $0x0  }
.LBB2_4:
0x45: {  	s22 =	sshra.s32 s20, $0x2  }
0x46: {  	[sflag:s15] =	ssyncadd.s32 $0xFFFFC000;
	s20 =	smov.u32 s21;
	s23 =	sadd.s32 $0x200, s21  }
0x47: {  	[tilespmem:s14], [sflag:$0x1] =	stream.indirect.gather [hbm4b:s4+s17], $0x80, s22, s17, $0xb8;
	[tilespmem:$0x1CF00] =	vst v63  }
0x48: {  	p0 =	sne.s32 s21, $0x9C00;
	_ =	swait.ge [sflag:s18], $0x4000  }
.Ltmp1:
0x49: {  	[sflag:s18] =	ssyncset.done $0x0;
	(pc) =	sbr.rel @p0 .LBB2_4-.Ltmp1, $4  }
0x4a: {  	s21 =	sadd.s32 $0x2780, s22;
	[sflag:s18] =	ssyncadd.s32 $0xFFFFC000  }
0x4b: {  	[spmem:s2] =	stream.indirect.scatter.add.f32 [tilespmem:s14], [sflag:$0x2], $0x80, s21, s17, $0xb8;
	[tilespmem:$0x1CF00] =	vst v63  }
0x4c: {  	_ =	swait.ge [sflag:s15], $0x4000  }
0x4d: {  	s21 =	smov.u32 s23;
	[sflag:s15] =	ssyncset.done $0x0  }
0x4e: {  	s20 =	sshra.s32 s20, $0x2;
	[sflag:s15] =	ssyncadd.s32 $0xFFFFC000  }
0x4f: {  	[tilespmem:s14], [sflag:$0x1] =	stream.indirect.gather [hbm4b:s4+s17], $0x80, s20, s17, $0xb8;
	[tilespmem:$0x1CF00] =	vst v63  }
0x50: {  	_ =	swait.ge [sflag:s18], $0x4000  }
0x51: {  	[sflag:s18] =	ssyncset.done $0x0  }
0x52: {  	s20 =	sadd.s32 $0x2780, s20;
	[sflag:s18] =	ssyncadd.s32 $0xFFFFC000  }
0x53: {  	[spmem:s2] =	stream.indirect.scatter.add.f32 [tilespmem:s14], [sflag:$0x2], $0x80, s20, s17, $0xb8;
	[tilespmem:$0x1CF00] =	vst v63  }
0x54: {  	_ =	swait.ge [sflag:s15], $0x4000  }
0x55: {  	s3 =	sadd.s32 $0x1, s3;
	[sflag:s15] =	ssyncset.done $0x0  }
0x56: {  	p0 =	sne.s32 s3, s13;
	[sflag:s15] =	ssyncadd.s32 $0xFFFFC000  }
.Ltmp2:
0x57: {  	s31 =	sshrl.u32 s5, $0x3;
	[bflag:$0x0] =	sbarrier.arrive $0xFFFF;
	(pc) =	sbr.rel @p0 .LBB2_1-.Ltmp2, $4  }
0x58: {  	[hbm:s12], [sflag:s19] =	dma.local [spmem:s31], $0x2800  }
0x59: {  	_ =	swait.ge [sflag:s15], $0x2800  }
0x5a: {  	[sflag:s15] =	ssyncset.done $0x0  }
0x5b: {  	[sflag:s15] =	ssyncadd.s32 $0xFFFFD800  }
0x5c: {  	_ =	sfence.sel $0x180000  }
0x5d: {  	[bflag:$0x0] =	sbarrier.arrive $0xFFFF  }
0x5e: {  	p0 =	sne.s32 s1, $0x0;
	_ =	strace $0x9000004A  }
0x5f: {  	s0 =	sadd.s32 @!p0 $0x100000, s0;
	[bflag:$0x2] =	sbarrier.arrive $0xFFFF  }
0x60: {  	[sflag:s0] =	ssyncadd.tile.s32 @!p0 $0x1;
	_ =	shalt  }
.Lfunc_end2:
_tile_overlayer_lowered:
.L_overlay_start_2:
0x61: {  	(tag) =	ssettag $0x2  }
0x62: {  	s0 =	rddreg [dreg:$0x0];
	s2 =	stileid.u32  }
0x63: {  	s1 =	rddreg [dreg:$0x1];
	p0 =	sne.s32 s2, $0x0  }
0x64: {  	s3 =	rddreg [dreg:$0x2];
	[bflag:$0x3] =	sbarrier.arrive $0xFFFF;
	s2 =	simm.s32 @!p0 $0x1C02  }
0x65: {  	[timem:s3], [sflag:s2] =	dma.local @!p0 [hbm:s0], s1  }
0x66: {  	s0 =	simm.s32 @!p0 $0x2  }
0x67: {  	_ =	swait.ge @!p0 [sflag:s0], s1  }
0x68: {  	s1 =	ssub.s32 @!p0 $0x0, s1;
	[sflag:s0] =	ssyncset.done @!p0 $0x0  }
0x69: {  	[sflag:s0] =	ssyncadd.s32 @!p0 s1  }
0x6a: {  	[bflag:$0x3] =	sbarrier.arrive $0xFFFF  }
0x6b: {  	_ =	shalt  }

// kernel: kernel.14.cloned.1.call-start
scs
__scs_entry_jumppad:
0x0: {  	(pc) =	sbr.rel $0x88, $3  }
0x1: {  	(tag) =	ssettag $0x0;
	lr =	simm.s32 $0x1  }
0x2: {  	[smem:$0x3F9C] =	sst lr;
	_ =	strace $0xD0000000  }
0x3: {  	_ = 	snop  }
0x4: {  	_ = 	snop  }
0x5: {  	_ = 	snop  }
0x6: {  	_ = 	snop  }
0x7: {  	_ = 	snop  }
__scs_overlays_trampoline_lowered:
0x8: {  	[smem:$0x3FAB] =	sst s0  }
0x9: {  	[smem:$0x3FAC] =	sst s1  }
0xa: {  	[smem:$0x3FAD] =	sst s2  }
0xb: {  	[smem:$0x3FAE] =	sst s3  }
0xc: {  	[smem:$0x3FAF] =	sst s4  }
0xd: {  	[smem:$0x3FB0] =	sst s5  }
0xe: {  	[smem:$0x3FB1] =	sst s6  }
0xf: {  	[smem:$0x3FB2] =	sst s7  }
0x10: {  	[smem:$0x3FB3] =	sst s8  }
0x11: {  	[smem:$0x3FB4] =	sst s9;
	s0 =	simm.s32 @!p0 $0x0  }
0x12: {  	s1 =	sld [smem:$0x3F9A];
	s0 =	simm.s32 @p0 $0x1  }
0x13: {  	[smem:$0x3FB5] =	sst s0;
	s0 =	simm.s32 @!p1 $0x0  }
0x14: {  	s2 =	sld [smem:$0x3F99];
	s0 =	simm.s32 @p1 $0x1  }
0x15: {  	[smem:$0x3FB6] =	sst s0;
	s0 =	simm.s32 @!p2 $0x0  }
0x16: {  	s3 =	sld [smem:$0x3FDB];
	s0 =	simm.s32 @p2 $0x1  }
0x17: {  	s4 =	simm.s32 $0x1BF5;
	[smem:$0x3FB8] =	sst s0  }
0x18: {  	s0 =	sld [smem:$0x3F9B];
	_ =	swait.ge [sflag:s4], $0x0  }
0x19: {  	s7 =	sld [smem:$0x3F9C]  }
0x1a: {  	s8 =	sadd.s32 $0xFFFFE003, lr  }
0x1b: {  	s9 =	sadd.s32 $0xFFFFFEF7, lr;
	s5 =	simm.s32 $0xFFFFFFFF;
	p2 =	slt.u32 s8, $0xFFFFF086  }
0x1c: {  	p1 =	slt.u32 s9, $0xF7A;
	s5 =	simm.s32 @!p2 $0x0  }
0x1d: {  	s5 =	simm.s32 @p1 $0x1;
	p0 =	seq.s32 s7, s2  }
0x1e: {  	s7 =	smul.u32 @!p0 $0xF7A, s2;
	p2 =	seq.s32 @!p0 s5, $0x0  }
0x1f: {  	s9 =	smul.u32 $0xF7A, s1;
	s8 =	simm.s32 @!p0 $0x1BF5;
	p2 =	por !p2, p0  }
0x20: {  	[sflag:s8] =	ssyncset.s32 @!p0 $0xFFFFF086;
	s6 =	sadd.s32 @!p0 s3, s7;
	s7 =	simm.s32 @!p0 $0x108  }
0x21: {  	s3 =	sadd.s32 s3, s9;
	s6 =	sadd.s32 @!p0 $0x88, s6;
	s7 =	simm.s32 @p2 $0x1082  }
0x22: {  	[simem:s7], [sflag:s8] =	dma.local @!p0 [hbm:s6], $0xF7A  }
0x23: {  	s9 =	sor.u32 $0xD0000000, s2;
	s6 =	simm.s32 $0x108;
	_ =	swait.ge @!p0 [sflag:s8], $0x0  }
0x24: {  	s3 =	sadd.s32 $0x88, s3;
	s6 =	simm.s32 @!p1 $0x1082;
	[sflag:s4] =	ssyncset.s32 $0xFFFFF086  }
0x25: {  	[simem:s6], [sflag:s4] =	dma.local [hbm:s3], $0xF7A  }
0x26: {  	[smem:$0x3F9C] =	sst s1;
	(tag) =	ssettag s2;
	_ =	strace s9  }
0x27: {  	s1 =	sld [smem:$0x3FAC]  }
0x28: {  	s2 =	sld [smem:$0x3FAD]  }
0x29: {  	s4 =	sld [smem:$0x3FAF]  }
0x2a: {  	p0 =	seq.s32 s5, $0x0;
	s5 =	sld [smem:$0x3FB0]  }
0x2b: {  	s6 =	sld [smem:$0x3FB1]  }
0x2c: {  	s7 =	sld [smem:$0x3FB2]  }
0x2d: {  	s3 =	simm.s32 $0x108;
	s8 =	sld [smem:$0x3FB3]  }
0x2e: {  	s3 =	simm.s32 @!p0 $0x1082;
	s9 =	sld [smem:$0x3FB4]  }
0x2f: {  	lr =	sadd.s32 s0, s3;
	s0 =	sld [smem:$0x3FAB]  }
0x30: {  	s3 =	sld [smem:$0x3FAE]  }
0x31: {  	[smem:$0x3FB7] =	sst s10  }
0x32: {  	s10 =	sld [smem:$0x3FB5];
	_ =	sdelay $0x3  }
0x33: {  	p0 =	seq.s32 s10, $0x1;
	s10 =	sld [smem:$0x3FB7];
	_ =	sdelay $0x3  }
0x34: {  	[smem:$0x3FB7] =	sst s10  }
0x35: {  	s10 =	sld [smem:$0x3FB6];
	_ =	sdelay $0x3  }
0x36: {  	p1 =	seq.s32 s10, $0x1;
	s10 =	sld [smem:$0x3FB7];
	_ =	sdelay $0x3  }
0x37: {  	[smem:$0x3FB7] =	sst s10  }
0x38: {  	s10 =	sld [smem:$0x3FB8]  }
0x39: {  	_ = 	snop;
	(pc) =	sbr.ind lr, $3  }
0x3a: {  	_ = 	snop  }
0x3b: {  	_ = 	snop  }
0x3c: {  	p2 =	seq.s32 s10, $0x1;
	s10 =	sld [smem:$0x3FB7]  }
0x3d: {  	_ =	shalt  }
0x3e: {  	_ =	shalt  }
0x3f: {  	_ =	shalt  }
0x40: {  	_ =	shalt  }
0x41: {  	_ =	shalt  }
0x42: {  	_ =	shalt  }
0x43: {  	_ =	shalt  }
0x44: {  	_ =	shalt  }
0x45: {  	_ =	shalt  }
0x46: {  	_ =	shalt  }
0x47: {  	_ =	shalt  }
0x48: {  	_ =	shalt  }
0x49: {  	_ =	shalt  }
0x4a: {  	_ =	shalt  }
0x4b: {  	_ =	shalt  }
0x4c: {  	_ =	shalt  }
0x4d: {  	_ =	shalt  }
0x4e: {  	_ =	shalt  }
0x4f: {  	_ =	shalt  }
0x50: {  	_ =	shalt  }
0x51: {  	_ =	shalt  }
0x52: {  	_ =	shalt  }
0x53: {  	_ =	shalt  }
0x54: {  	_ =	shalt  }
0x55: {  	_ =	shalt  }
0x56: {  	_ =	shalt  }
0x57: {  	_ =	shalt  }
0x58: {  	_ =	shalt  }
0x59: {  	_ =	shalt  }
0x5a: {  	_ =	shalt  }
0x5b: {  	_ =	shalt  }
0x5c: {  	_ =	shalt  }
0x5d: {  	_ =	shalt  }
0x5e: {  	_ =	shalt  }
0x5f: {  	_ =	shalt  }
0x60: {  	_ =	shalt  }
0x61: {  	_ =	shalt  }
0x62: {  	_ =	shalt  }
0x63: {  	_ =	shalt  }
0x64: {  	_ =	shalt  }
0x65: {  	_ =	shalt  }
0x66: {  	_ =	shalt  }
0x67: {  	_ =	shalt  }
0x68: {  	_ =	shalt  }
0x69: {  	_ =	shalt  }
0x6a: {  	_ =	shalt  }
0x6b: {  	_ =	shalt  }
0x6c: {  	_ =	shalt  }
0x6d: {  	_ =	shalt  }
0x6e: {  	_ =	shalt  }
0x6f: {  	_ =	shalt  }
0x70: {  	_ =	shalt  }
0x71: {  	_ =	shalt  }
0x72: {  	_ =	shalt  }
0x73: {  	_ =	shalt  }
0x74: {  	_ =	shalt  }
0x75: {  	_ =	shalt  }
0x76: {  	_ =	shalt  }
0x77: {  	_ =	shalt  }
0x78: {  	_ =	shalt  }
0x79: {  	_ =	shalt  }
0x7a: {  	_ =	shalt  }
0x7b: {  	_ =	shalt  }
0x7c: {  	_ =	shalt  }
0x7d: {  	_ =	shalt  }
0x7e: {  	_ =	shalt  }
0x7f: {  	_ =	shalt  }
0x80: {  	_ =	shalt  }
0x81: {  	_ =	shalt  }
0x82: {  	_ =	shalt  }
0x83: {  	_ =	shalt  }
0x84: {  	_ =	shalt  }
0x85: {  	_ =	shalt  }
0x86: {  	_ =	shalt  }
0x87: {  	_ =	shalt  }
.Lfunc_end0:
.L_simem_size_0:
called_computation.2_lowered:
.L_overlay_start_0:
0x88: {  	s2 =	sld [smem:$0x3FD9]  }
0x89: {  	s3 =	sld [smem:$0x3FFE];
	_ =	sdelay $0x1  }
0x8a: {  	s1 =	srdreg.scid  }
0x8b: {  	s0 =	sand.u32 $0x1, s1  }
0x8c: {  	s17 =	sshll.u32 s0, $0xA;
	s2 =	sadd.s32 s3, s2  }
0x8d: {  	s2 =	sadd.s32 s2, s17  }
0x8e: {  	[smem:$0x3FC3] =	sst s2  }
0x8f: {  	_ = 	snop  }
0x90: {  	s2 =	sld [smem:$0x3FD0];
	(tm) =	ssettm $0x1  }
0x91: {  	s18 =	sld [smem:$0x3FFB];
	_ =	sdelay $0x3  }
0x92: {  	_ =	strace s18  }
0x93: {  	s3 =	sld [smem:$0x3FFC];
	_ =	sdelay $0x3  }
0x94: {  	_ =	strace s3  }
0x95: {  	s3 =	sld [smem:$0x3FFD];
	_ =	sdelay $0x3  }
0x96: {  	_ =	strace s3  }
0x97: {  	_ =	strace $0x8FFFFFFF  }
0x98: {  	s19 =	sld [smem:$0x3FDB];
	_ =	sdelay $0x1  }
0x99: {  	s4 =	simm.s32 $_scs_section_size  }
0x9a: {  	s5 =	simm.s32 $_size__tile_overlayer_lowered;
	s6 =	simm.s32 $_tile_overlayer_lowered  }
0x9b: {  	s22 =	simm.s32 $0x1BFF;
	s21 =	sshll.u32 s6, $0x1;
	s3 =	sadd.s32 s4, s19  }
0x9c: {  	s7 =	simm.s32 $0x0;
	s20 =	sshll.u32 s5, $0x1;
	s5 =	sadd.s32 s21, s3  }
0x9d: {  	[timem:s7], [sflag:s22] =	dma.local [hbm:s5], s20  }
0x9e: {  	_ =	swait.ge [sflag:s22], s20  }
0x9f: {  	s4 =	ssub.s32 $0x0, s20;
	[sflag:s22] =	ssyncset.done $0x0  }
0xa0: {  	[sflag:s22] =	ssyncadd.s32 s4;
	_ =	sdelay $0x1  }
0xa1: {  	s23 =	simm.s32 $0x1B8B  }
0xa2: {  	_ =	swait.ge [sflag:s23], $0x1  }
0xa3: {  	[sflag:s23] =	ssyncset.done $0x0  }
0xa4: {  	s25 =	simm.s32 $0x1B8E;
	s24 =	sld [smem:$0x3FFE];
	[sflag:s23] =	ssyncadd.s32 $0xFFFFFFFF  }
0xa5: {  	s26 =	simm.s32 $execute0_lowered;
	[smem:$0x3FD2] =	sst s25  }
0xa6: {  	s5 =	sshll.u32 s26, $0x1;
	_ =	strace $0x8000004C;
	[dreg:$0x1] =	wrdreg $0xFFFFFFFF  }
0xa7: {  	s28 =	simm.s32 $_size_execute0_lowered;
	s3 =	sadd.s32 s3, s5;
	[dreg:$0x0] =	wrdreg $0x0  }
0xa8: {  	s5 =	sshll.u32 s28, $0x1;
	[dreg:$0x2] =	wrdreg s3  }
0xa9: {  	[dreg:$0x3] =	wrdreg s5  }
0xaa: {  	[dreg:$0x4] =	wrdreg $0xC0  }
0xab: {  	_ =	task [dreg:s7], $0x5FFFF  }
0xac: {  	[dreg:$0x1] =	wrdreg $0xFFFFFFFF  }
0xad: {  	[dreg:$0x0] =	wrdreg $0x60  }
0xae: {  	[dreg:$0x2] =	wrdreg s24  }
0xaf: {  	[dreg:$0x3] =	wrdreg s2  }
0xb0: {  	[dreg:$0x4] =	wrdreg $0x9  }
0xb1: {  	_ =	task.clear_ibuf [dreg:s7], $0x5FFFF;
	_ =	strace $0x9000004C  }
0xb2: {  	s29 =	simm.s32 $0x9;
	_ =	strace $0x8000004E  }
0xb3: {  	_ =	swait.ge [sflag:s29], $0x1  }
0xb4: {  	[sflag:s29] =	ssyncadd.s32 $0xFFFFFFFF  }
0xb5: {  	_ =	strace $0x9000004E  }
0xb6: {  	_ =	sfence  }
0xb7: {  	s30 =	sld [smem:$0x0];
	_ =	sdelay $0x2  }
0xb8: {  	s31 =	sshll.u32 s1, $0xD;
	s1 =	sshrl.u32 s1, $0x2  }
0xb9: {  	s3 =	sand.u32 $0x4000, s31;
	s1 =	sadd.s32 s1, s30  }
0xba: {  	s0 =	sor.u32 s3, s0;
	s1 =	sshll.u32 s1, $0x11  }
0xbb: {  	s0 =	sor.u32 s1, s0  }
0xbc: {  	s0 =	sadd.s32 $0x8F2B, s0  }
0xbd: {  	[sflag:s0] =	ssyncadd.remote.s32 $0x1  }
0xbe: {  	_ =	sfence.sel $0xFFFF  }
0xbf: {  	[dreg:$0x0] =	wrdreg $0xFFFFFFFF;
	(pc) =	sbr.abs _section_cstart, $3  }
0xc0: {  	[dreg:$0x1] =	wrdreg $0xFFFFFFFF  }
0xc1: {  	_ =	task.clear_ibuf [dreg:s7], $0x2FFFF;
	_ =	strace $0x9FFFFFFF  }
0xc2: {  	(tm) =	ssettm $0x7FFFFFFF  }
0xc3: {  	_ =	shalt  }
tec
execute0_lowered:
.L_overlay_start_1:
0x0: {  	(tag) =	ssettag $0x1  }
0x1: {  	s0 =	srdreg.scid  }
0x2: {  	s0 =	sand.u32 $0x1, s0  }
0x3: {  	s2 =	stileid.u32;
	s1 =	sshll.u32 s0, $0x4  }
0x4: {  	s1 =	sor.u32 s2, s1  }
0x5: {  	s13 =	rddreg [dreg:$0x0];
	s3 =	smul.u32 $0x140, s1  }
0x6: {  	s9 =	rddreg [dreg:$0x1]  }
0x7: {  	s7 =	sadd.s32 $0x16E00, s13;
	s2 =	simm.s32 $0x0;
	s10 =	sshrl.u32 s3, $0x3  }
0x8: {  	s0 =	ssub.s32 $0x2, s0;
	[smem:$0x7FF] =	sst s2;
	s4 =	sadd.s32 $0x500, s10  }
0x9: {  	s8 =	sshrl.u32 s0, $0x1;
	_ =	strace $0x8000004D;
	s11 =	sadd.s32 s7, s4  }
0xa: {  	s12 =	sadd.s32 $0xA00, s10;
	s15 =	sadd.s32 s9, s4;
	[dreg:$0x3] =	wrdreg s11  }
0xb: {  	s14 =	ssub.s32 s0, s8;
	s16 =	sadd.s32 s7, s12;
	[dreg:$0x4] =	wrdreg s15  }
0xc: {  	s17 =	sadd.s32 $0xF00, s10;
	s0 =	sadd.s32 s9, s12;
	[dreg:$0x5] =	wrdreg s16  }
0xd: {  	s18 =	sadd.s32 s7, s17;
	[dreg:$0x6] =	wrdreg s0  }
0xe: {  	s19 =	sadd.s32 $0x1400, s10;
	s1 =	sadd.s32 s9, s17;
	[dreg:$0x7] =	wrdreg s18  }
0xf: {  	s21 =	sadd.s32 $0x1900, s10;
	s20 =	sadd.s32 s7, s19;
	[dreg:$0x8] =	wrdreg s1  }
0x10: {  	s23 =	sadd.s32 $0x1E00, s10;
	s22 =	sadd.s32 s7, s21;
	[dreg:$0x9] =	wrdreg s20  }
0x11: {  	s25 =	sadd.s32 $0x2300, s10;
	s24 =	sadd.s32 s7, s23;
	[dreg:$0xb] =	wrdreg s22  }
0x12: {  	s28 =	sor.u32 $0x2800, s10;
	s26 =	sadd.s32 s7, s25;
	[dreg:$0xd] =	wrdreg s24  }
0x13: {  	s6 =	sadd.s32 $0x3200, s10;
	s29 =	sadd.s32 s7, s28;
	[dreg:$0xf] =	wrdreg s26  }
0x14: {  	s8 =	sadd.s32 s7, s6;
	[dreg:$0x11] =	wrdreg s29  }
0x15: {  	s0 =	sadd.s32 s9, s19;
	[dreg:$0x15] =	wrdreg s8  }
0x16: {  	s4 =	sadd.s32 $0x2D00, s10;
	s1 =	sadd.s32 s9, s21;
	[dreg:$0xa] =	wrdreg s0  }
0x17: {  	s17 =	sadd.s32 $0x4100, s10;
	s5 =	sadd.s32 s7, s4;
	[dreg:$0xc] =	wrdreg s1  }
0x18: {  	s18 =	sadd.s32 s7, s17;
	[dreg:$0x13] =	wrdreg s5  }
0x19: {  	s0 =	sadd.s32 s9, s23;
	[dreg:$0x1b] =	wrdreg s18  }
0x1a: {  	s11 =	sadd.s32 $0x3700, s10;
	s1 =	sadd.s32 s9, s25;
	[dreg:$0xe] =	wrdreg s0  }
0x1b: {  	s15 =	sadd.s32 $0x3C00, s10;
	s12 =	sadd.s32 s7, s11;
	[dreg:$0x10] =	wrdreg s1  }
0x1c: {  	s19 =	sadd.s32 $0x4600, s10;
	s16 =	sadd.s32 s7, s15;
	[dreg:$0x17] =	wrdreg s12  }
0x1d: {  	s21 =	sadd.s32 $0x4B00, s10;
	s20 =	sadd.s32 s7, s19;
	[dreg:$0x19] =	wrdreg s16  }
0x1e: {  	s22 =	sadd.s32 s7, s21;
	[dreg:$0x1d] =	wrdreg s20  }
0x1f: {  	s0 =	sadd.s32 s9, s28;
	[dreg:$0x1f] =	wrdreg s22  }
0x20: {  	s23 =	sor.u32 $0x5000, s10;
	s1 =	sadd.s32 s9, s4;
	[dreg:$0x12] =	wrdreg s0  }
0x21: {  	s25 =	sadd.s32 $0x5500, s10;
	s24 =	sadd.s32 s7, s23;
	[dreg:$0x14] =	wrdreg s1  }
0x22: {  	s26 =	sadd.s32 s7, s25;
	[smem:$0x7E6] =	sst s24  }
0x23: {  	s0 =	sadd.s32 s9, s6;
	[smem:$0x7E8] =	sst s26  }
0x24: {  	s28 =	sadd.s32 $0x5A00, s10;
	s1 =	sadd.s32 s9, s11;
	[dreg:$0x16] =	wrdreg s0  }
0x25: {  	s4 =	sadd.s32 $0x5F00, s10;
	s29 =	sadd.s32 s7, s28;
	[dreg:$0x18] =	wrdreg s1  }
0x26: {  	s5 =	sadd.s32 s7, s4;
	[smem:$0x7EA] =	sst s29  }
0x27: {  	s0 =	sadd.s32 s9, s15;
	[smem:$0x7EC] =	sst s5  }
0x28: {  	s6 =	sadd.s32 $0x6400, s10;
	s1 =	sadd.s32 s9, s17;
	[dreg:$0x1a] =	wrdreg s0  }
0x29: {  	s11 =	sadd.s32 $0x6900, s10;
	s8 =	sadd.s32 s7, s6;
	[dreg:$0x1c] =	wrdreg s1  }
0x2a: {  	s14 =	smax.u32 s14, $0x1;
	s12 =	sadd.s32 s7, s11;
	[smem:$0x7EE] =	sst s8  }
0x2b: {  	s15 =	sadd.s32 $0x6E00, s10;
	s0 =	sadd.s32 s9, s19;
	[smem:$0x7F0] =	sst s12  }
0x2c: {  	s17 =	sadd.s32 $0x7300, s10;
	s1 =	sadd.s32 s9, s21;
	[dreg:$0x1e] =	wrdreg s0  }
0x2d: {  	s29 =	sadd.s32 $0x9100, s10;
	s16 =	sadd.s32 s7, s15;
	[smem:$0x7E5] =	sst s1  }
0x2e: {  	s5 =	sadd.s32 $0x9600, s10;
	s18 =	sadd.s32 s7, s17;
	[smem:$0x7F2] =	sst s16  }
0x2f: {  	s19 =	sor.u32 $0x7800, s10;
	s0 =	sadd.s32 s9, s23;
	[smem:$0x7F4] =	sst s18  }
0x30: {  	s21 =	sadd.s32 $0x7D00, s10;
	s1 =	sadd.s32 s9, s25;
	[smem:$0x7E7] =	sst s0  }
0x31: {  	s8 =	sadd.s32 $0x9B00, s10;
	s20 =	sadd.s32 s7, s19;
	[smem:$0x7E9] =	sst s1  }
0x32: {  	s12 =	sadd.s32 $0x20E00, s13;
	s22 =	sadd.s32 s7, s21;
	[smem:$0x7F6] =	sst s20  }
0x33: {  	s23 =	sadd.s32 $0x8200, s10;
	s0 =	sadd.s32 s9, s28;
	[smem:$0x7F8] =	sst s22  }
0x34: {  	s25 =	sadd.s32 $0x8700, s10;
	s1 =	sadd.s32 s9, s4;
	[smem:$0x7EB] =	sst s0  }
0x35: {  	s16 =	simm.s32 $0x5280;
	s24 =	sadd.s32 s7, s23;
	[smem:$0x7ED] =	sst s1  }
0x36: {  	s18 =	simm.s32 $0x7280;
	s26 =	sadd.s32 s7, s25;
	[smem:$0x7FA] =	sst s24  }
0x37: {  	s28 =	sadd.s32 $0x8C00, s10;
	s0 =	sadd.s32 s9, s6;
	[smem:$0x7FC] =	sst s26  }
0x38: {  	s4 =	sadd.s32 s7, s5;
	s1 =	sadd.s32 s9, s11;
	[smem:$0x7EF] =	sst s0  }
0x39: {  	s5 =	sadd.s32 s9, s5;
	[smem:$0x7F1] =	sst s1;
	s0 =	sadd.s32 s9, s15  }
0x3a: {  	s20 =	simm.s32 $0x0;
	s1 =	sadd.s32 s9, s17;
	[smem:$0x7F3] =	sst s0  }
0x3b: {  	s30 =	sadd.s32 s7, s28;
	[smem:$0x7F5] =	sst s1;
	s0 =	sadd.s32 s9, s19  }
0x3c: {  	s31 =	sadd.s32 s9, s28;
	s1 =	sadd.s32 s9, s21;
	[smem:$0x7F7] =	sst s0  }
0x3d: {  	s6 =	sadd.s32 s7, s10;
	[smem:$0x7F9] =	sst s1;
	s0 =	sadd.s32 s9, s23  }
0x3e: {  	s11 =	sadd.s32 $0x48E00, s13;
	s1 =	sadd.s32 s9, s25;
	[smem:$0x7FB] =	sst s0  }
0x3f: {  	s15 =	simm.s32 $0x2;
	s17 =	simm.s32 $0x1;
	[smem:$0x7FD] =	sst s1  }
0x40: {  	s1 =	sadd.s32 s7, s29;
	s0 =	sadd.s32 s9, s29;
	s7 =	sadd.s32 s7, s8  }
0x41: {  	s8 =	sadd.s32 s9, s8;
	s9 =	sadd.s32 s9, s10;
	s10 =	sadd.s32 s10, s13  }
0x42: {  	s19 =	simm.s32 $0x5000;
	s13 =	sadd.s32 $0x70E00, s13;
	s10 =	sadd.s32 $0x16800, s10  }
.LBB2_1:
0x43: {  	[tilespmem:s2], [sflag:$0x2] =	stream.linear.gather [hbm4b:s6+s2], $0x140, $0x38;
	[tilespmem:$0x9280] =	vst v63  }
0x44: {  	_ =	swait.ge [sflag:s15], $0x140  }
0x45: {  	[sflag:s15] =	ssyncset.done $0x0  }
0x46: {  	s21 =	simm.s32 $0x2800;
	[sflag:s15] =	ssyncadd.s32 $0xFFFFFEC0  }
0x47: {  	[tilespmem:s21], [sflag:$0x2] =	stream.linear.gather [hbm4b:s9+s2], $0x140, $0x38;
	[tilespmem:$0x9280] =	vst v63  }
0x48: {  	_ =	swait.ge [sflag:s15], $0x140  }
0x49: {  	[sflag:s15] =	ssyncset.done $0x0  }
0x4a: {  	s22 =	simm.s32 $0x140;
	s24 =	rddreg [dreg:$0x3];
	[sflag:s15] =	ssyncadd.s32 $0xFFFFFEC0  }
0x4b: {  	[tilespmem:s22], [sflag:$0x2] =	stream.linear.gather [hbm4b:s24+s2], $0x140, $0x38;
	[tilespmem:$0x9280] =	vst v63  }
0x4c: {  	_ =	swait.ge [sflag:s15], $0x140  }
0x4d: {  	[sflag:s15] =	ssyncset.done $0x0  }
0x4e: {  	s26 =	simm.s32 $0x2940;
	s25 =	rddreg [dreg:$0x4];
	[sflag:s15] =	ssyncadd.s32 $0xFFFFFEC0  }
0x4f: {  	[tilespmem:s26], [sflag:$0x2] =	stream.linear.gather [hbm4b:s25+s2], $0x140, $0x38;
	[tilespmem:$0x9280] =	vst v63  }
0x50: {  	_ =	swait.ge [sflag:s15], $0x140  }
0x51: {  	[sflag:s15] =	ssyncset.done $0x0  }
0x52: {  	s29 =	simm.s32 $0x280;
	s28 =	rddreg [dreg:$0x5];
	[sflag:s15] =	ssyncadd.s32 $0xFFFFFEC0  }
0x53: {  	[tilespmem:s29], [sflag:$0x2] =	stream.linear.gather [hbm4b:s28+s2], $0x140, $0x38;
	[tilespmem:$0x9280] =	vst v63  }
0x54: {  	_ =	swait.ge [sflag:s15], $0x140  }
0x55: {  	[sflag:s15] =	ssyncset.done $0x0  }
0x56: {  	s24 =	simm.s32 $0x2A80;
	s23 =	rddreg [dreg:$0x6];
	[sflag:s15] =	ssyncadd.s32 $0xFFFFFEC0  }
0x57: {  	[tilespmem:s24], [sflag:$0x2] =	stream.linear.gather [hbm4b:s23+s2], $0x140, $0x38;
	[tilespmem:$0x9280] =	vst v63  }
0x58: {  	_ =	swait.ge [sflag:s15], $0x140  }
0x59: {  	[sflag:s15] =	ssyncset.done $0x0  }
0x5a: {  	s26 =	simm.s32 $0x3C0;
	s25 =	rddreg [dreg:$0x7];
	[sflag:s15] =	ssyncadd.s32 $0xFFFFFEC0  }
0x5b: {  	[tilespmem:s26], [sflag:$0x2] =	stream.linear.gather [hbm4b:s25+s2], $0x140, $0x38;
	[tilespmem:$0x9280] =	vst v63  }
0x5c: {  	_ =	swait.ge [sflag:s15], $0x140  }
0x5d: {  	[sflag:s15] =	ssyncset.done $0x0  }
0x5e: {  	s29 =	simm.s32 $0x2BC0;
	s28 =	rddreg [dreg:$0x8];
	[sflag:s15] =	ssyncadd.s32 $0xFFFFFEC0  }
0x5f: {  	[tilespmem:s29], [sflag:$0x2] =	stream.linear.gather [hbm4b:s28+s2], $0x140, $0x38;
	[tilespmem:$0x9280] =	vst v63  }
0x60: {  	_ =	swait.ge [sflag:s15], $0x140  }
0x61: {  	[sflag:s15] =	ssyncset.done $0x0  }
0x62: {  	s24 =	simm.s32 $0x500;
	s23 =	rddreg [dreg:$0x9];
	[sflag:s15] =	ssyncadd.s32 $0xFFFFFEC0  }
0x63: {  	[tilespmem:s24], [sflag:$0x2] =	stream.linear.gather [hbm4b:s23+s2], $0x140, $0x38;
	[tilespmem:$0x9280] =	vst v63  }
0x64: {  	_ =	swait.ge [sflag:s15], $0x140  }
0x65: {  	[sflag:s15] =	ssyncset.done $0x0  }
0x66: {  	s26 =	simm.s32 $0x2D00;
	s25 =	rddreg [dreg:$0xa];
	[sflag:s15] =	ssyncadd.s32 $0xFFFFFEC0  }
0x67: {  	[tilespmem:s26], [sflag:$0x2] =	stream.linear.gather [hbm4b:s25+s2], $0x140, $0x38;
	[tilespmem:$0x9280] =	vst v63  }
0x68: {  	_ =	swait.ge [sflag:s15], $0x140  }
0x69: {  	[sflag:s15] =	ssyncset.done $0x0  }
0x6a: {  	s29 =	simm.s32 $0x640;
	s28 =	rddreg [dreg:$0xb];
	[sflag:s15] =	ssyncadd.s32 $0xFFFFFEC0  }
0x6b: {  	[tilespmem:s29], [sflag:$0x2] =	stream.linear.gather [hbm4b:s28+s2], $0x140, $0x38;
	[tilespmem:$0x9280] =	vst v63  }
0x6c: {  	_ =	swait.ge [sflag:s15], $0x140  }
0x6d: {  	[sflag:s15] =	ssyncset.done $0x0  }
0x6e: {  	s24 =	simm.s32 $0x2E40;
	s23 =	rddreg [dreg:$0xc];
	[sflag:s15] =	ssyncadd.s32 $0xFFFFFEC0  }
0x6f: {  	[tilespmem:s24], [sflag:$0x2] =	stream.linear.gather [hbm4b:s23+s2], $0x140, $0x38;
	[tilespmem:$0x9280] =	vst v63  }
0x70: {  	_ =	swait.ge [sflag:s15], $0x140  }
0x71: {  	[sflag:s15] =	ssyncset.done $0x0  }
0x72: {  	s26 =	simm.s32 $0x780;
	s25 =	rddreg [dreg:$0xd];
	[sflag:s15] =	ssyncadd.s32 $0xFFFFFEC0  }
0x73: {  	[tilespmem:s26], [sflag:$0x2] =	stream.linear.gather [hbm4b:s25+s2], $0x140, $0x38;
	[tilespmem:$0x9280] =	vst v63  }
0x74: {  	_ =	swait.ge [sflag:s15], $0x140  }
0x75: {  	[sflag:s15] =	ssyncset.done $0x0  }
0x76: {  	s29 =	simm.s32 $0x2F80;
	s28 =	rddreg [dreg:$0xe];
	[sflag:s15] =	ssyncadd.s32 $0xFFFFFEC0  }
0x77: {  	[tilespmem:s29], [sflag:$0x2] =	stream.linear.gather [hbm4b:s28+s2], $0x140, $0x38;
	[tilespmem:$0x9280] =	vst v63  }
0x78: {  	_ =	swait.ge [sflag:s15], $0x140  }
0x79: {  	[sflag:s15] =	ssyncset.done $0x0  }
0x7a: {  	s24 =	simm.s32 $0x8C0;
	s23 =	rddreg [dreg:$0xf];
	[sflag:s15] =	ssyncadd.s32 $0xFFFFFEC0  }
0x7b: {  	[tilespmem:s24], [sflag:$0x2] =	stream.linear.gather [hbm4b:s23+s2], $0x140, $0x38;
	[tilespmem:$0x9280] =	vst v63  }
0x7c: {  	_ =	swait.ge [sflag:s15], $0x140  }
0x7d: {  	[sflag:s15] =	ssyncset.done $0x0  }
0x7e: {  	s26 =	simm.s32 $0x30C0;
	s25 =	rddreg [dreg:$0x10];
	[sflag:s15] =	ssyncadd.s32 $0xFFFFFEC0  }
0x7f: {  	[tilespmem:s26], [sflag:$0x2] =	stream.linear.gather [hbm4b:s25+s2], $0x140, $0x38;
	[tilespmem:$0x9280] =	vst v63  }
0x80: {  	_ =	swait.ge [sflag:s15], $0x140  }
0x81: {  	[sflag:s15] =	ssyncset.done $0x0  }
0x82: {  	s29 =	simm.s32 $0xA00;
	s28 =	rddreg [dreg:$0x11];
	[sflag:s15] =	ssyncadd.s32 $0xFFFFFEC0  }
0x83: {  	[tilespmem:s29], [sflag:$0x2] =	stream.linear.gather [hbm4b:s28+s2], $0x140, $0x38;
	[tilespmem:$0x9280] =	vst v63  }
0x84: {  	_ =	swait.ge [sflag:s15], $0x140  }
0x85: {  	[sflag:s15] =	ssyncset.done $0x0  }
0x86: {  	s24 =	simm.s32 $0x3200;
	s23 =	rddreg [dreg:$0x12];
	[sflag:s15] =	ssyncadd.s32 $0xFFFFFEC0  }
0x87: {  	[tilespmem:s24], [sflag:$0x2] =	stream.linear.gather [hbm4b:s23+s2], $0x140, $0x38;
	[tilespmem:$0x9280] =	vst v63  }
0x88: {  	_ =	swait.ge [sflag:s15], $0x140  }
0x89: {  	[sflag:s15] =	ssyncset.done $0x0  }
0x8a: {  	s26 =	simm.s32 $0xB40;
	s25 =	rddreg [dreg:$0x13];
	[sflag:s15] =	ssyncadd.s32 $0xFFFFFEC0  }
0x8b: {  	[tilespmem:s26], [sflag:$0x2] =	stream.linear.gather [hbm4b:s25+s2], $0x140, $0x38;
	[tilespmem:$0x9280] =	vst v63  }
0x8c: {  	_ =	swait.ge [sflag:s15], $0x140  }
0x8d: {  	[sflag:s15] =	ssyncset.done $0x0  }
0x8e: {  	s29 =	simm.s32 $0x3340;
	s28 =	rddreg [dreg:$0x14];
	[sflag:s15] =	ssyncadd.s32 $0xFFFFFEC0  }
0x8f: {  	[tilespmem:s29], [sflag:$0x2] =	stream.linear.gather [hbm4b:s28+s2], $0x140, $0x38;
	[tilespmem:$0x9280] =	vst v63  }
0x90: {  	_ =	swait.ge [sflag:s15], $0x140  }
0x91: {  	[sflag:s15] =	ssyncset.done $0x0  }
0x92: {  	s24 =	simm.s32 $0xC80;
	s23 =	rddreg [dreg:$0x15];
	[sflag:s15] =	ssyncadd.s32 $0xFFFFFEC0  }
0x93: {  	[tilespmem:s24], [sflag:$0x2] =	stream.linear.gather [hbm4b:s23+s2], $0x140, $0x38;
	[tilespmem:$0x9280] =	vst v63  }
0x94: {  	_ =	swait.ge [sflag:s15], $0x140  }
0x95: {  	[sflag:s15] =	ssyncset.done $0x0  }
0x96: {  	s26 =	simm.s32 $0x3480;
	s25 =	rddreg [dreg:$0x16];
	[sflag:s15] =	ssyncadd.s32 $0xFFFFFEC0  }
0x97: {  	[tilespmem:s26], [sflag:$0x2] =	stream.linear.gather [hbm4b:s25+s2], $0x140, $0x38;
	[tilespmem:$0x9280] =	vst v63  }
0x98: {  	_ =	swait.ge [sflag:s15], $0x140  }
0x99: {  	[sflag:s15] =	ssyncset.done $0x0  }
0x9a: {  	s29 =	simm.s32 $0xDC0;
	s28 =	rddreg [dreg:$0x17];
	[sflag:s15] =	ssyncadd.s32 $0xFFFFFEC0  }
0x9b: {  	[tilespmem:s29], [sflag:$0x2] =	stream.linear.gather [hbm4b:s28+s2], $0x140, $0x38;
	[tilespmem:$0x9280] =	vst v63  }
0x9c: {  	_ =	swait.ge [sflag:s15], $0x140  }
0x9d: {  	[sflag:s15] =	ssyncset.done $0x0  }
0x9e: {  	s24 =	simm.s32 $0x35C0;
	s23 =	rddreg [dreg:$0x18];
	[sflag:s15] =	ssyncadd.s32 $0xFFFFFEC0  }
0x9f: {  	[tilespmem:s24], [sflag:$0x2] =	stream.linear.gather [hbm4b:s23+s2], $0x140, $0x38;
	[tilespmem:$0x9280] =	vst v63  }
0xa0: {  	_ =	swait.ge [sflag:s15], $0x140  }
0xa1: {  	[sflag:s15] =	ssyncset.done $0x0  }
0xa2: {  	s26 =	simm.s32 $0xF00;
	s25 =	rddreg [dreg:$0x19];
	[sflag:s15] =	ssyncadd.s32 $0xFFFFFEC0  }
0xa3: {  	[tilespmem:s26], [sflag:$0x2] =	stream.linear.gather [hbm4b:s25+s2], $0x140, $0x38;
	[tilespmem:$0x9280] =	vst v63  }
0xa4: {  	_ =	swait.ge [sflag:s15], $0x140  }
0xa5: {  	[sflag:s15] =	ssyncset.done $0x0  }
0xa6: {  	s29 =	simm.s32 $0x3700;
	s28 =	rddreg [dreg:$0x1a];
	[sflag:s15] =	ssyncadd.s32 $0xFFFFFEC0  }
0xa7: {  	[tilespmem:s29], [sflag:$0x2] =	stream.linear.gather [hbm4b:s28+s2], $0x140, $0x38;
	[tilespmem:$0x9280] =	vst v63  }
0xa8: {  	_ =	swait.ge [sflag:s15], $0x140  }
0xa9: {  	[sflag:s15] =	ssyncset.done $0x0  }
0xaa: {  	s24 =	simm.s32 $0x1040;
	s23 =	rddreg [dreg:$0x1b];
	[sflag:s15] =	ssyncadd.s32 $0xFFFFFEC0  }
0xab: {  	[tilespmem:s24], [sflag:$0x2] =	stream.linear.gather [hbm4b:s23+s2], $0x140, $0x38;
	[tilespmem:$0x9280] =	vst v63  }
0xac: {  	_ =	swait.ge [sflag:s15], $0x140  }
0xad: {  	[sflag:s15] =	ssyncset.done $0x0  }
0xae: {  	s26 =	simm.s32 $0x3840;
	s25 =	rddreg [dreg:$0x1c];
	[sflag:s15] =	ssyncadd.s32 $0xFFFFFEC0  }
0xaf: {  	[tilespmem:s26], [sflag:$0x2] =	stream.linear.gather [hbm4b:s25+s2], $0x140, $0x38;
	[tilespmem:$0x9280] =	vst v63  }
0xb0: {  	_ =	swait.ge [sflag:s15], $0x140  }
0xb1: {  	[sflag:s15] =	ssyncset.done $0x0  }
0xb2: {  	s29 =	simm.s32 $0x1180;
	s28 =	rddreg [dreg:$0x1d];
	[sflag:s15] =	ssyncadd.s32 $0xFFFFFEC0  }
0xb3: {  	[tilespmem:s29], [sflag:$0x2] =	stream.linear.gather [hbm4b:s28+s2], $0x140, $0x38;
	[tilespmem:$0x9280] =	vst v63  }
0xb4: {  	_ =	swait.ge [sflag:s15], $0x140  }
0xb5: {  	[sflag:s15] =	ssyncset.done $0x0  }
0xb6: {  	s24 =	simm.s32 $0x3980;
	s23 =	rddreg [dreg:$0x1e];
	[sflag:s15] =	ssyncadd.s32 $0xFFFFFEC0  }
0xb7: {  	[tilespmem:s24], [sflag:$0x2] =	stream.linear.gather [hbm4b:s23+s2], $0x140, $0x38;
	[tilespmem:$0x9280] =	vst v63  }
0xb8: {  	_ =	swait.ge [sflag:s15], $0x140  }
0xb9: {  	[sflag:s15] =	ssyncset.done $0x0  }
0xba: {  	s26 =	simm.s32 $0x12C0;
	s25 =	rddreg [dreg:$0x1f];
	[sflag:s15] =	ssyncadd.s32 $0xFFFFFEC0  }
0xbb: {  	[tilespmem:s26], [sflag:$0x2] =	stream.linear.gather [hbm4b:s25+s2], $0x140, $0x38;
	[tilespmem:$0x9280] =	vst v63  }
0xbc: {  	_ =	swait.ge [sflag:s15], $0x140  }
0xbd: {  	s28 =	sld [smem:$0x7E5]  }
0xbe: {  	[sflag:s15] =	ssyncset.done $0x0  }
0xbf: {  	s29 =	simm.s32 $0x3AC0;
	[sflag:s15] =	ssyncadd.s32 $0xFFFFFEC0  }
0xc0: {  	[tilespmem:s29], [sflag:$0x2] =	stream.linear.gather [hbm4b:s28+s2], $0x140, $0x38;
	[tilespmem:$0x9280] =	vst v63  }
0xc1: {  	_ =	swait.ge [sflag:s15], $0x140  }
0xc2: {  	s23 =	sld [smem:$0x7E6]  }
0xc3: {  	[sflag:s15] =	ssyncset.done $0x0  }
0xc4: {  	s24 =	simm.s32 $0x1400;
	[sflag:s15] =	ssyncadd.s32 $0xFFFFFEC0  }
0xc5: {  	[tilespmem:s24], [sflag:$0x2] =	stream.linear.gather [hbm4b:s23+s2], $0x140, $0x38;
	[tilespmem:$0x9280] =	vst v63  }
0xc6: {  	_ =	swait.ge [sflag:s15], $0x140  }
0xc7: {  	s25 =	sld [smem:$0x7E7]  }
0xc8: {  	[sflag:s15] =	ssyncset.done $0x0  }
0xc9: {  	s26 =	simm.s32 $0x3C00;
	[sflag:s15] =	ssyncadd.s32 $0xFFFFFEC0  }
0xca: {  	[tilespmem:s26], [sflag:$0x2] =	stream.linear.gather [hbm4b:s25+s2], $0x140, $0x38;
	[tilespmem:$0x9280] =	vst v63  }
0xcb: {  	_ =	swait.ge [sflag:s15], $0x140  }
0xcc: {  	s28 =	sld [smem:$0x7E8]  }
0xcd: {  	[sflag:s15] =	ssyncset.done $0x0  }
0xce: {  	s29 =	simm.s32 $0x1540;
	[sflag:s15] =	ssyncadd.s32 $0xFFFFFEC0  }
0xcf: {  	[tilespmem:s29], [sflag:$0x2] =	stream.linear.gather [hbm4b:s28+s2], $0x140, $0x38;
	[tilespmem:$0x9280] =	vst v63  }
0xd0: {  	_ =	swait.ge [sflag:s15], $0x140  }
0xd1: {  	s23 =	sld [smem:$0x7E9]  }
0xd2: {  	[sflag:s15] =	ssyncset.done $0x0  }
0xd3: {  	s24 =	simm.s32 $0x3D40;
	[sflag:s15] =	ssyncadd.s32 $0xFFFFFEC0  }
0xd4: {  	[tilespmem:s24], [sflag:$0x2] =	stream.linear.gather [hbm4b:s23+s2], $0x140, $0x38;
	[tilespmem:$0x9280] =	vst v63  }
0xd5: {  	_ =	swait.ge [sflag:s15], $0x140  }
0xd6: {  	s25 =	sld [smem:$0x7EA]  }
0xd7: {  	[sflag:s15] =	ssyncset.done $0x0  }
0xd8: {  	s26 =	simm.s32 $0x1680;
	[sflag:s15] =	ssyncadd.s32 $0xFFFFFEC0  }
0xd9: {  	[tilespmem:s26], [sflag:$0x2] =	stream.linear.gather [hbm4b:s25+s2], $0x140, $0x38;
	[tilespmem:$0x9280] =	vst v63  }
0xda: {  	_ =	swait.ge [sflag:s15], $0x140  }
0xdb: {  	s28 =	sld [smem:$0x7EB]  }
0xdc: {  	[sflag:s15] =	ssyncset.done $0x0  }
0xdd: {  	s29 =	simm.s32 $0x3E80;
	[sflag:s15] =	ssyncadd.s32 $0xFFFFFEC0  }
0xde: {  	[tilespmem:s29], [sflag:$0x2] =	stream.linear.gather [hbm4b:s28+s2], $0x140, $0x38;
	[tilespmem:$0x9280] =	vst v63  }
0xdf: {  	_ =	swait.ge [sflag:s15], $0x140  }
0xe0: {  	s23 =	sld [smem:$0x7EC]  }
0xe1: {  	[sflag:s15] =	ssyncset.done $0x0  }
0xe2: {  	s24 =	simm.s32 $0x17C0;
	[sflag:s15] =	ssyncadd.s32 $0xFFFFFEC0  }
0xe3: {  	[tilespmem:s24], [sflag:$0x2] =	stream.linear.gather [hbm4b:s23+s2], $0x140, $0x38;
	[tilespmem:$0x9280] =	vst v63  }
0xe4: {  	_ =	swait.ge [sflag:s15], $0x140  }
0xe5: {  	s25 =	sld [smem:$0x7ED]  }
0xe6: {  	[sflag:s15] =	ssyncset.done $0x0  }
0xe7: {  	s26 =	simm.s32 $0x3FC0;
	[sflag:s15] =	ssyncadd.s32 $0xFFFFFEC0  }
0xe8: {  	[tilespmem:s26], [sflag:$0x2] =	stream.linear.gather [hbm4b:s25+s2], $0x140, $0x38;
	[tilespmem:$0x9280] =	vst v63  }
0xe9: {  	_ =	swait.ge [sflag:s15], $0x140  }
0xea: {  	s28 =	sld [smem:$0x7EE]  }
0xeb: {  	[sflag:s15] =	ssyncset.done $0x0  }
0xec: {  	s29 =	simm.s32 $0x1900;
	[sflag:s15] =	ssyncadd.s32 $0xFFFFFEC0  }
0xed: {  	[tilespmem:s29], [sflag:$0x2] =	stream.linear.gather [hbm4b:s28+s2], $0x140, $0x38;
	[tilespmem:$0x9280] =	vst v63  }
0xee: {  	_ =	swait.ge [sflag:s15], $0x140  }
0xef: {  	s23 =	sld [smem:$0x7EF]  }
0xf0: {  	[sflag:s15] =	ssyncset.done $0x0  }
0xf1: {  	s24 =	simm.s32 $0x4100;
	[sflag:s15] =	ssyncadd.s32 $0xFFFFFEC0  }
0xf2: {  	[tilespmem:s24], [sflag:$0x2] =	stream.linear.gather [hbm4b:s23+s2], $0x140, $0x38;
	[tilespmem:$0x9280] =	vst v63  }
0xf3: {  	_ =	swait.ge [sflag:s15], $0x140  }
0xf4: {  	s25 =	sld [smem:$0x7F0]  }
0xf5: {  	[sflag:s15] =	ssyncset.done $0x0  }
0xf6: {  	s26 =	simm.s32 $0x1A40;
	[sflag:s15] =	ssyncadd.s32 $0xFFFFFEC0  }
0xf7: {  	[tilespmem:s26], [sflag:$0x2] =	stream.linear.gather [hbm4b:s25+s2], $0x140, $0x38;
	[tilespmem:$0x9280] =	vst v63  }
0xf8: {  	_ =	swait.ge [sflag:s15], $0x140  }
0xf9: {  	s28 =	sld [smem:$0x7F1]  }
0xfa: {  	[sflag:s15] =	ssyncset.done $0x0  }
0xfb: {  	s29 =	simm.s32 $0x4240;
	[sflag:s15] =	ssyncadd.s32 $0xFFFFFEC0  }
0xfc: {  	[tilespmem:s29], [sflag:$0x2] =	stream.linear.gather [hbm4b:s28+s2], $0x140, $0x38;
	[tilespmem:$0x9280] =	vst v63  }
0xfd: {  	_ =	swait.ge [sflag:s15], $0x140  }
0xfe: {  	s23 =	sld [smem:$0x7F2]  }
0xff: {  	[sflag:s15] =	ssyncset.done $0x0  }
0x100: {  	s24 =	simm.s32 $0x1B80;
	[sflag:s15] =	ssyncadd.s32 $0xFFFFFEC0  }
0x101: {  	[tilespmem:s24], [sflag:$0x2] =	stream.linear.gather [hbm4b:s23+s2], $0x140, $0x38;
	[tilespmem:$0x9280] =	vst v63  }
0x102: {  	_ =	swait.ge [sflag:s15], $0x140  }
0x103: {  	s25 =	sld [smem:$0x7F3]  }
0x104: {  	[sflag:s15] =	ssyncset.done $0x0  }
0x105: {  	s26 =	simm.s32 $0x4380;
	[sflag:s15] =	ssyncadd.s32 $0xFFFFFEC0  }
0x106: {  	[tilespmem:s26], [sflag:$0x2] =	stream.linear.gather [hbm4b:s25+s2], $0x140, $0x38;
	[tilespmem:$0x9280] =	vst v63  }
0x107: {  	_ =	swait.ge [sflag:s15], $0x140  }
0x108: {  	s28 =	sld [smem:$0x7F4]  }
0x109: {  	[sflag:s15] =	ssyncset.done $0x0  }
0x10a: {  	s29 =	simm.s32 $0x1CC0;
	[sflag:s15] =	ssyncadd.s32 $0xFFFFFEC0  }
0x10b: {  	[tilespmem:s29], [sflag:$0x2] =	stream.linear.gather [hbm4b:s28+s2], $0x140, $0x38;
	[tilespmem:$0x9280] =	vst v63  }
0x10c: {  	_ =	swait.ge [sflag:s15], $0x140  }
0x10d: {  	s23 =	sld [smem:$0x7F5]  }
0x10e: {  	[sflag:s15] =	ssyncset.done $0x0  }
0x10f: {  	s24 =	simm.s32 $0x44C0;
	[sflag:s15] =	ssyncadd.s32 $0xFFFFFEC0  }
0x110: {  	[tilespmem:s24], [sflag:$0x2] =	stream.linear.gather [hbm4b:s23+s2], $0x140, $0x38;
	[tilespmem:$0x9280] =	vst v63  }
0x111: {  	_ =	swait.ge [sflag:s15], $0x140  }
0x112: {  	s25 =	sld [smem:$0x7F6]  }
0x113: {  	[sflag:s15] =	ssyncset.done $0x0  }
0x114: {  	s26 =	simm.s32 $0x1E00;
	[sflag:s15] =	ssyncadd.s32 $0xFFFFFEC0  }
0x115: {  	[tilespmem:s26], [sflag:$0x2] =	stream.linear.gather [hbm4b:s25+s2], $0x140, $0x38;
	[tilespmem:$0x9280] =	vst v63  }
0x116: {  	_ =	swait.ge [sflag:s15], $0x140  }
0x117: {  	s28 =	sld [smem:$0x7F7]  }
0x118: {  	[sflag:s15] =	ssyncset.done $0x0  }
0x119: {  	s29 =	simm.s32 $0x4600;
	[sflag:s15] =	ssyncadd.s32 $0xFFFFFEC0  }
0x11a: {  	[tilespmem:s29], [sflag:$0x2] =	stream.linear.gather [hbm4b:s28+s2], $0x140, $0x38;
	[tilespmem:$0x9280] =	vst v63  }
0x11b: {  	_ =	swait.ge [sflag:s15], $0x140  }
0x11c: {  	s23 =	sld [smem:$0x7F8]  }
0x11d: {  	[sflag:s15] =	ssyncset.done $0x0  }
0x11e: {  	s24 =	simm.s32 $0x1F40;
	[sflag:s15] =	ssyncadd.s32 $0xFFFFFEC0  }
0x11f: {  	[tilespmem:s24], [sflag:$0x2] =	stream.linear.gather [hbm4b:s23+s2], $0x140, $0x38;
	[tilespmem:$0x9280] =	vst v63  }
0x120: {  	_ =	swait.ge [sflag:s15], $0x140  }
0x121: {  	s25 =	sld [smem:$0x7F9]  }
0x122: {  	[sflag:s15] =	ssyncset.done $0x0  }
0x123: {  	s26 =	simm.s32 $0x4740;
	[sflag:s15] =	ssyncadd.s32 $0xFFFFFEC0  }
0x124: {  	[tilespmem:s26], [sflag:$0x2] =	stream.linear.gather [hbm4b:s25+s2], $0x140, $0x38;
	[tilespmem:$0x9280] =	vst v63  }
0x125: {  	_ =	swait.ge [sflag:s15], $0x140  }
0x126: {  	s28 =	sld [smem:$0x7FA]  }
0x127: {  	[sflag:s15] =	ssyncset.done $0x0  }
0x128: {  	s29 =	simm.s32 $0x2080;
	[sflag:s15] =	ssyncadd.s32 $0xFFFFFEC0  }
0x129: {  	[tilespmem:s29], [sflag:$0x2] =	stream.linear.gather [hbm4b:s28+s2], $0x140, $0x38;
	[tilespmem:$0x9280] =	vst v63  }
0x12a: {  	_ =	swait.ge [sflag:s15], $0x140  }
0x12b: {  	s22 =	sld [smem:$0x7FB]  }
0x12c: {  	[sflag:s15] =	ssyncset.done $0x0  }
0x12d: {  	s23 =	simm.s32 $0x4880;
	[sflag:s15] =	ssyncadd.s32 $0xFFFFFEC0  }
0x12e: {  	[tilespmem:s23], [sflag:$0x2] =	stream.linear.gather [hbm4b:s22+s2], $0x140, $0x38;
	[tilespmem:$0x9280] =	vst v63  }
0x12f: {  	_ =	swait.ge [sflag:s15], $0x140  }
0x130: {  	s24 =	sld [smem:$0x7FC]  }
0x131: {  	[sflag:s15] =	ssyncset.done $0x0  }
0x132: {  	s25 =	simm.s32 $0x21C0;
	[sflag:s15] =	ssyncadd.s32 $0xFFFFFEC0  }
0x133: {  	[tilespmem:s25], [sflag:$0x2] =	stream.linear.gather [hbm4b:s24+s2], $0x140, $0x38;
	[tilespmem:$0x9280] =	vst v63  }
0x134: {  	_ =	swait.ge [sflag:s15], $0x140  }
0x135: {  	s26 =	sld [smem:$0x7FD]  }
0x136: {  	[sflag:s15] =	ssyncset.done $0x0  }
0x137: {  	s28 =	simm.s32 $0x49C0;
	[sflag:s15] =	ssyncadd.s32 $0xFFFFFEC0  }
0x138: {  	[tilespmem:s28], [sflag:$0x2] =	stream.linear.gather [hbm4b:s26+s2], $0x140, $0x38;
	[tilespmem:$0x9280] =	vst v63  }
0x139: {  	_ =	swait.ge [sflag:s15], $0x140  }
0x13a: {  	[sflag:s15] =	ssyncset.done $0x0  }
0x13b: {  	s29 =	simm.s32 $0x2300;
	[sflag:s15] =	ssyncadd.s32 $0xFFFFFEC0  }
0x13c: {  	[tilespmem:s29], [sflag:$0x2] =	stream.linear.gather [hbm4b:s30+s2], $0x140, $0x38;
	[tilespmem:$0x9280] =	vst v63  }
0x13d: {  	_ =	swait.ge [sflag:s15], $0x140  }
0x13e: {  	[sflag:s15] =	ssyncset.done $0x0  }
0x13f: {  	s22 =	simm.s32 $0x4B00;
	[sflag:s15] =	ssyncadd.s32 $0xFFFFFEC0  }
0x140: {  	[tilespmem:s22], [sflag:$0x2] =	stream.linear.gather [hbm4b:s31+s2], $0x140, $0x38;
	[tilespmem:$0x9280] =	vst v63  }
0x141: {  	_ =	swait.ge [sflag:s15], $0x140  }
0x142: {  	[sflag:s15] =	ssyncset.done $0x0  }
0x143: {  	s23 =	simm.s32 $0x2440;
	[sflag:s15] =	ssyncadd.s32 $0xFFFFFEC0  }
0x144: {  	[tilespmem:s23], [sflag:$0x2] =	stream.linear.gather [hbm4b:s1+s2], $0x140, $0x38;
	[tilespmem:$0x9280] =	vst v63  }
0x145: {  	_ =	swait.ge [sflag:s15], $0x140  }
0x146: {  	[sflag:s15] =	ssyncset.done $0x0  }
0x147: {  	s24 =	simm.s32 $0x4C40;
	[sflag:s15] =	ssyncadd.s32 $0xFFFFFEC0  }
0x148: {  	[tilespmem:s24], [sflag:$0x2] =	stream.linear.gather [hbm4b:s0+s2], $0x140, $0x38;
	[tilespmem:$0x9280] =	vst v63  }
0x149: {  	_ =	swait.ge [sflag:s15], $0x140  }
0x14a: {  	[sflag:s15] =	ssyncset.done $0x0  }
0x14b: {  	s25 =	simm.s32 $0x2580;
	[sflag:s15] =	ssyncadd.s32 $0xFFFFFEC0  }
0x14c: {  	[tilespmem:s25], [sflag:$0x2] =	stream.linear.gather [hbm4b:s4+s2], $0x140, $0x38;
	[tilespmem:$0x9280] =	vst v63  }
0x14d: {  	_ =	swait.ge [sflag:s15], $0x140  }
0x14e: {  	[sflag:s15] =	ssyncset.done $0x0  }
0x14f: {  	s26 =	simm.s32 $0x4D80;
	[sflag:s15] =	ssyncadd.s32 $0xFFFFFEC0  }
0x150: {  	[tilespmem:s26], [sflag:$0x2] =	stream.linear.gather [hbm4b:s5+s2], $0x140, $0x38;
	[tilespmem:$0x9280] =	vst v63  }
0x151: {  	_ =	swait.ge [sflag:s15], $0x140  }
0x152: {  	[sflag:s15] =	ssyncset.done $0x0  }
0x153: {  	s28 =	simm.s32 $0x26C0;
	[sflag:s15] =	ssyncadd.s32 $0xFFFFFEC0  }
0x154: {  	[tilespmem:s28], [sflag:$0x2] =	stream.linear.gather [hbm4b:s7+s2], $0x140, $0x38;
	[tilespmem:$0x9280] =	vst v63  }
0x155: {  	_ =	swait.ge [sflag:s15], $0x140  }
0x156: {  	[sflag:s15] =	ssyncset.done $0x0  }
0x157: {  	s29 =	simm.s32 $0x4EC0;
	[sflag:s15] =	ssyncadd.s32 $0xFFFFFEC0  }
0x158: {  	[tilespmem:s29], [sflag:$0x2] =	stream.linear.gather [hbm4b:s8+s2], $0x140, $0x38;
	[tilespmem:$0x9280] =	vst v63  }
0x159: {  	_ =	swait.ge [sflag:s15], $0x140  }
0x15a: {  	[sflag:s15] =	ssyncset.done $0x0  }
0x15b: {  	s21 =	simm.s32 $0x0;
	[sflag:s15] =	ssyncadd.s32 $0xFFFFFEC0  }
0x15c: {  	v0 =	vld [tilespmem:s21+$0x2800]  }
0x15d: {  	v1 =	vld [tilespmem:s21+$0x0]  }
0x15e: {  	v2 =	vld [tilespmem:s21+$0x2940]  }
0x15f: {  	v3 =	vld [tilespmem:s21+$0x140]  }
0x160: {  	v4 =	vld [tilespmem:s21+$0x2A80]  }
0x161: {  	v5 =	vld [tilespmem:s21+$0x280];
	v0 =	vadd.f32 $0.0e+00, v0  }
0x162: {  	v6 =	vld [tilespmem:s21+$0x2BC0];
	v1 =	vadd.f32 $0.0e+00, v1  }
0x163: {  	v0 =	vadd.f32 v2, v0;
	v2 =	vld [tilespmem:s21+$0x3C0]  }
0x164: {  	v7 =	vld [tilespmem:s21+$0x2D00];
	v1 =	vadd.f32 v3, v1  }
0x165: {  	v3 =	vld [tilespmem:s21+$0x500];
	v0 =	vadd.f32 v4, v0  }
0x166: {  	v4 =	vld [tilespmem:s21+$0x2E40];
	v1 =	vadd.f32 v5, v1  }
0x167: {  	v5 =	vld [tilespmem:s21+$0x640];
	v0 =	vadd.f32 v6, v0  }
0x168: {  	v6 =	vld [tilespmem:s21+$0x2F80];
	v1 =	vadd.f32 v2, v1  }
0x169: {  	v2 =	vld [tilespmem:s21+$0x780];
	v0 =	vadd.f32 v7, v0  }
0x16a: {  	v7 =	vld [tilespmem:s21+$0x30C0];
	v1 =	vadd.f32 v3, v1  }
0x16b: {  	v3 =	vld [tilespmem:s21+$0x8C0];
	v0 =	vadd.f32 v4, v0  }
0x16c: {  	v4 =	vld [tilespmem:s21+$0x3200];
	v1 =	vadd.f32 v5, v1  }
0x16d: {  	v5 =	vld [tilespmem:s21+$0xA00];
	v0 =	vadd.f32 v6, v0  }
0x16e: {  	v6 =	vld [tilespmem:s21+$0x3340];
	v1 =	vadd.f32 v2, v1  }
0x16f: {  	v2 =	vld [tilespmem:s21+$0xB40];
	v0 =	vadd.f32 v7, v0  }
0x170: {  	v7 =	vld [tilespmem:s21+$0x3480];
	v1 =	vadd.f32 v3, v1  }
0x171: {  	v3 =	vld [tilespmem:s21+$0xC80];
	v0 =	vadd.f32 v4, v0  }
0x172: {  	v4 =	vld [tilespmem:s21+$0x35C0];
	v1 =	vadd.f32 v5, v1  }
0x173: {  	v5 =	vld [tilespmem:s21+$0xDC0];
	v0 =	vadd.f32 v6, v0  }
0x174: {  	v6 =	vld [tilespmem:s21+$0x3700];
	v1 =	vadd.f32 v2, v1  }
0x175: {  	v2 =	vld [tilespmem:s21+$0xF00];
	v0 =	vadd.f32 v7, v0  }
0x176: {  	v7 =	vld [tilespmem:s21+$0x3840];
	v1 =	vadd.f32 v3, v1  }
0x177: {  	v3 =	vld [tilespmem:s21+$0x1040];
	v0 =	vadd.f32 v4, v0  }
0x178: {  	v4 =	vld [tilespmem:s21+$0x3980];
	v1 =	vadd.f32 v5, v1  }
0x179: {  	v5 =	vld [tilespmem:s21+$0x1180];
	v0 =	vadd.f32 v6, v0  }
0x17a: {  	v6 =	vld [tilespmem:s21+$0x3AC0];
	v1 =	vadd.f32 v2, v1  }
0x17b: {  	v2 =	vld [tilespmem:s21+$0x12C0];
	v0 =	vadd.f32 v7, v0  }
0x17c: {  	v7 =	vld [tilespmem:s21+$0x3C00];
	v1 =	vadd.f32 v3, v1  }
0x17d: {  	v3 =	vld [tilespmem:s21+$0x1400];
	v0 =	vadd.f32 v4, v0  }
0x17e: {  	v4 =	vld [tilespmem:s21+$0x3D40];
	v1 =	vadd.f32 v5, v1  }
0x17f: {  	v5 =	vld [tilespmem:s21+$0x1540];
	v0 =	vadd.f32 v6, v0  }
0x180: {  	v6 =	vld [tilespmem:s21+$0x3E80];
	v1 =	vadd.f32 v2, v1  }
0x181: {  	v2 =	vld [tilespmem:s21+$0x1680];
	v0 =	vadd.f32 v7, v0  }
0x182: {  	v7 =	vld [tilespmem:s21+$0x3FC0];
	v1 =	vadd.f32 v3, v1  }
0x183: {  	v3 =	vld [tilespmem:s21+$0x17C0];
	v0 =	vadd.f32 v4, v0  }
0x184: {  	v4 =	vld [tilespmem:s21+$0x4100];
	v1 =	vadd.f32 v5, v1  }
0x185: {  	v5 =	vld [tilespmem:s21+$0x1900];
	v0 =	vadd.f32 v6, v0  }
0x186: {  	v6 =	vld [tilespmem:s21+$0x4240];
	v1 =	vadd.f32 v2, v1  }
0x187: {  	v2 =	vld [tilespmem:s21+$0x1A40];
	v0 =	vadd.f32 v7, v0  }
0x188: {  	v7 =	vld [tilespmem:s21+$0x4380];
	v1 =	vadd.f32 v3, v1  }
0x189: {  	v3 =	vld [tilespmem:s21+$0x1B80];
	v0 =	vadd.f32 v4, v0  }
0x18a: {  	v4 =	vld [tilespmem:s21+$0x44C0];
	v1 =	vadd.f32 v5, v1  }
0x18b: {  	v5 =	vld [tilespmem:s21+$0x1CC0];
	v0 =	vadd.f32 v6, v0  }
0x18c: {  	v6 =	vld [tilespmem:s21+$0x4600];
	v1 =	vadd.f32 v2, v1  }
0x18d: {  	v2 =	vld [tilespmem:s21+$0x1E00];
	v0 =	vadd.f32 v7, v0  }
0x18e: {  	v7 =	vld [tilespmem:s21+$0x4740];
	v1 =	vadd.f32 v3, v1  }
0x18f: {  	v3 =	vld [tilespmem:s21+$0x1F40];
	v0 =	vadd.f32 v4, v0  }
0x190: {  	v4 =	vld [tilespmem:s21+$0x4880];
	v1 =	vadd.f32 v5, v1  }
0x191: {  	v5 =	vld [tilespmem:s21+$0x2080];
	v0 =	vadd.f32 v6, v0  }
0x192: {  	v6 =	vld [tilespmem:s21+$0x49C0];
	v1 =	vadd.f32 v2, v1  }
0x193: {  	v2 =	vld [tilespmem:s21+$0x21C0];
	v0 =	vadd.f32 v7, v0  }
0x194: {  	v7 =	vld [tilespmem:s21+$0x4B00];
	v1 =	vadd.f32 v3, v1  }
0x195: {  	v0 =	vadd.f32 v4, v0;
	v4 =	vld [tilespmem:s21+$0x2300]  }
0x196: {  	v8 =	vld [tilespmem:s21+$0x4C40];
	v3 =	vadd.f32 v5, v1  }
0x197: {  	v5 =	vadd.f32 v6, v0;
	v0 =	vld [tilespmem:s21+$0x2440]  }
0x198: {  	v1 =	vld [tilespmem:s21+$0x4D80];
	v6 =	vadd.f32 v2, v3  }
0x199: {  	v2 =	vld [tilespmem:s21+$0x2580];
	v7 =	vadd.f32 v7, v5  }
0x19a: {  	v3 =	vld [tilespmem:s21+$0x4EC0];
	v5 =	vadd.f32 v4, v6  }
0x19b: {  	s22 =	simm.s32 $0x10;
	s23 =	simm.s32 $0x80;
	v4 =	vld [tilespmem:s21+$0x26C0];
	v6 =	vadd.f32 v8, v7  }
.LBB2_2:
0x19c: {  	p0 =	sne.s32 s23, $0x4C0;
	v7 =	vld [tilespmem:s22+$0x2800];
	v0 =	vadd.f32 v0, v5  }
0x19d: {  	v5 =	vld [tilespmem:s22+$0x0];
	v1 =	vadd.f32 v1, v6  }
0x19e: {  	v6 =	vld [tilespmem:s22+$0x2940];
	v0 =	vadd.f32 v2, v0  }
0x19f: {  	v2 =	vld [tilespmem:s22+$0x140];
	v1 =	vadd.f32 v3, v1  }
0x1a0: {  	v3 =	vld [tilespmem:s22+$0x2A80];
	v0 =	vadd.f32 v4, v0  }
0x1a1: {  	v4 =	vadd.f32 $0.0e+00, v7;
	v7 =	vld [tilespmem:s22+$0x280];
	vm1 =	vgt.f32 v1, $0.0e+00  }
0x1a2: {  	v5 =	vadd.f32 $0.0e+00, v5;
	v8 =	vld [tilespmem:s22+$0x2BC0];
	vm0 =	vgt.f32 v0, $0.0e+00;
	v1 =	vnsel vm1, $0x3F800000, v1  }
0x1a3: {  	v4 =	vadd.f32 v6, v4;
	v6 =	vld [tilespmem:s22+$0x3C0];
	v0 =	vnsel vm0, $0x3F800000, v0;
	(erf) = vrcp.f32 v1  }
0x1a4: {  	v1 =	vadd.f32 v2, v5;
	v2 =	vld [tilespmem:s22+$0x2D00];
	(erf) = vrcp.f32 v0  }
0x1a5: {  	v0 =	vadd.f32 v3, v4;
	v3 =	vld [tilespmem:s22+$0x500]  }
0x1a6: {  	v1 =	vadd.f32 v7, v1;
	v4 =	vld [tilespmem:s22+$0x2E40]  }
0x1a7: {  	v0 =	vadd.f32 v8, v0;
	v5 =	vld [tilespmem:s22+$0x640]  }
0x1a8: {  	v1 =	vadd.f32 v6, v1;
	v6 =	vld [tilespmem:s22+$0x2F80]  }
0x1a9: {  	v0 =	vadd.f32 v2, v0;
	v2 =	vld [tilespmem:s22+$0x780]  }
0x1aa: {  	v1 =	vadd.f32 v3, v1;
	v3 =	vld [tilespmem:s22+$0x30C0]  }
0x1ab: {  	v0 =	vadd.f32 v4, v0;
	v4 =	vld [tilespmem:s22+$0x8C0]  }
0x1ac: {  	v1 =	vadd.f32 v5, v1;
	v5 =	vld [tilespmem:s22+$0x3200];
	v7 =	vpop (erf)  }
0x1ad: {  	v0 =	vadd.f32 v6, v0;
	v6 =	vld [tilespmem:s22+$0xA00];
	v7 =	vnsel vm1, $0x0, v7;
	v8 =	vpop (erf)  }
0x1ae: {  	v1 =	vadd.f32 v2, v1;
	v2 =	vld [tilespmem:s22+$0x3340];
	v8 =	vnsel vm0, $0x0, v8;
	[tilespmem:s21+$0x5140] =	vst v7  }
0x1af: {  	v0 =	vadd.f32 v3, v0;
	v3 =	vld [tilespmem:s22+$0xB40];
	[tilespmem:s21+$0x5000] =	vst v8;
	s21 =	smov.u32 s22  }
0x1b0: {  	v1 =	vadd.f32 v4, v1;
	v4 =	vld [tilespmem:s21+$0x3480]  }
0x1b1: {  	v0 =	vadd.f32 v5, v0;
	v5 =	vld [tilespmem:s21+$0xC80]  }
0x1b2: {  	v1 =	vadd.f32 v6, v1;
	v6 =	vld [tilespmem:s21+$0x35C0]  }
0x1b3: {  	v0 =	vadd.f32 v2, v0;
	v2 =	vld [tilespmem:s21+$0xDC0]  }
0x1b4: {  	v1 =	vadd.f32 v3, v1;
	v3 =	vld [tilespmem:s21+$0x3700]  }
0x1b5: {  	v0 =	vadd.f32 v4, v0;
	v4 =	vld [tilespmem:s21+$0xF00]  }
0x1b6: {  	v1 =	vadd.f32 v5, v1;
	v5 =	vld [tilespmem:s21+$0x3840]  }
0x1b7: {  	v0 =	vadd.f32 v6, v0;
	v6 =	vld [tilespmem:s21+$0x1040]  }
0x1b8: {  	v1 =	vadd.f32 v2, v1;
	v2 =	vld [tilespmem:s21+$0x3980]  }
0x1b9: {  	v0 =	vadd.f32 v3, v0;
	v3 =	vld [tilespmem:s21+$0x1180]  }
0x1ba: {  	v1 =	vadd.f32 v4, v1;
	v4 =	vld [tilespmem:s21+$0x3AC0]  }
0x1bb: {  	v0 =	vadd.f32 v5, v0;
	v5 =	vld [tilespmem:s21+$0x12C0]  }
0x1bc: {  	v1 =	vadd.f32 v6, v1;
	v6 =	vld [tilespmem:s21+$0x3C00]  }
0x1bd: {  	v0 =	vadd.f32 v2, v0;
	v2 =	vld [tilespmem:s21+$0x1400]  }
0x1be: {  	v1 =	vadd.f32 v3, v1;
	v3 =	vld [tilespmem:s21+$0x3D40]  }
0x1bf: {  	v0 =	vadd.f32 v4, v0;
	v4 =	vld [tilespmem:s21+$0x1540]  }
0x1c0: {  	v1 =	vadd.f32 v5, v1;
	v5 =	vld [tilespmem:s21+$0x3E80]  }
0x1c1: {  	v0 =	vadd.f32 v6, v0;
	v6 =	vld [tilespmem:s21+$0x1680]  }
0x1c2: {  	v1 =	vadd.f32 v2, v1;
	v2 =	vld [tilespmem:s21+$0x3FC0]  }
0x1c3: {  	v0 =	vadd.f32 v3, v0;
	v3 =	vld [tilespmem:s21+$0x17C0]  }
0x1c4: {  	v1 =	vadd.f32 v4, v1;
	v4 =	vld [tilespmem:s21+$0x4100]  }
0x1c5: {  	v0 =	vadd.f32 v5, v0;
	v5 =	vld [tilespmem:s21+$0x1900]  }
0x1c6: {  	v1 =	vadd.f32 v6, v1;
	v6 =	vld [tilespmem:s21+$0x4240]  }
0x1c7: {  	v0 =	vadd.f32 v2, v0;
	v2 =	vld [tilespmem:s21+$0x1A40]  }
0x1c8: {  	v1 =	vadd.f32 v3, v1;
	v3 =	vld [tilespmem:s21+$0x4380]  }
0x1c9: {  	v0 =	vadd.f32 v4, v0;
	v4 =	vld [tilespmem:s21+$0x1B80]  }
0x1ca: {  	v1 =	vadd.f32 v5, v1;
	v5 =	vld [tilespmem:s21+$0x44C0]  }
0x1cb: {  	v0 =	vadd.f32 v6, v0;
	v6 =	vld [tilespmem:s21+$0x1CC0]  }
0x1cc: {  	v1 =	vadd.f32 v2, v1;
	v2 =	vld [tilespmem:s21+$0x4600]  }
0x1cd: {  	v0 =	vadd.f32 v3, v0;
	v3 =	vld [tilespmem:s21+$0x1E00]  }
0x1ce: {  	v1 =	vadd.f32 v4, v1;
	v4 =	vld [tilespmem:s21+$0x4740]  }
0x1cf: {  	v0 =	vadd.f32 v5, v0;
	v5 =	vld [tilespmem:s21+$0x1F40]  }
0x1d0: {  	v1 =	vadd.f32 v6, v1;
	v6 =	vld [tilespmem:s21+$0x4880]  }
0x1d1: {  	v0 =	vadd.f32 v2, v0;
	v2 =	vld [tilespmem:s21+$0x2080]  }
0x1d2: {  	v1 =	vadd.f32 v3, v1;
	v3 =	vld [tilespmem:s21+$0x49C0]  }
0x1d3: {  	v0 =	vadd.f32 v4, v0;
	v4 =	vld [tilespmem:s21+$0x21C0]  }
0x1d4: {  	v1 =	vadd.f32 v5, v1;
	v5 =	vld [tilespmem:s21+$0x4B00]  }
0x1d5: {  	v0 =	vadd.f32 v6, v0;
	v6 =	vld [tilespmem:s21+$0x2300]  }
0x1d6: {  	v1 =	vadd.f32 v2, v1;
	v7 =	vld [tilespmem:s21+$0x4C40]  }
.Ltmp0:
0x1d7: {  	v2 =	vadd.f32 v3, v0;
	v0 =	vld [tilespmem:s21+$0x2440];
	(pc) =	sbr.rel @p0 .LBB2_2-.Ltmp0, $4  }
0x1d8: {  	v3 =	vadd.f32 v4, v1;
	v1 =	vld [tilespmem:s21+$0x4D80]  }
0x1d9: {  	v4 =	vadd.f32 v5, v2;
	v2 =	vld [tilespmem:s21+$0x2580]  }
0x1da: {  	v5 =	vadd.f32 v6, v3;
	v3 =	vld [tilespmem:s21+$0x4EC0]  }
0x1db: {  	s22 =	sshra.s32 s23, $0x2;
	s23 =	sadd.s32 $0x40, s23;
	v6 =	vadd.f32 v7, v4;
	v4 =	vld [tilespmem:s21+$0x26C0]  }
0x1dc: {  	v7 =	vld [tilespmem:s22+$0x2800];
	v0 =	vadd.f32 v0, v5  }
0x1dd: {  	v8 =	vld [tilespmem:s22+$0x0];
	v1 =	vadd.f32 v1, v6  }
0x1de: {  	v52 =	vld [tilespmem:s22+$0x2940];
	v0 =	vadd.f32 v2, v0  }
0x1df: {  	v53 =	vld [tilespmem:s22+$0x140];
	v1 =	vadd.f32 v3, v1  }
0x1e0: {  	v54 =	vld [tilespmem:s22+$0x2A80];
	v0 =	vadd.f32 v4, v0  }
0x1e1: {  	v55 =	vld [tilespmem:s22+$0x280];
	vm0 =	vgt.f32 v1, $0.0e+00;
	v7 =	vadd.f32 $0.0e+00, v7  }
0x1e2: {  	v56 =	vld [tilespmem:s22+$0x2BC0];
	v8 =	vadd.f32 $0.0e+00, v8;
	v1 =	vnsel vm0, $0x3F800000, v1;
	vm1 =	vgt.f32 v0, $0.0e+00  }
0x1e3: {  	v9 =	vld [tilespmem:s22+$0x3C0];
	(erf) = vrcp.f32 v1;
	v5 =	vadd.f32 v52, v7;
	v0 =	vnsel vm1, $0x3F800000, v0  }
0x1e4: {  	v57 =	vld [tilespmem:s22+$0x2D00];
	v6 =	vadd.f32 v53, v8;
	(erf) = vrcp.f32 v0  }
0x1e5: {  	v58 =	vld [tilespmem:s22+$0x500];
	v2 =	vadd.f32 v54, v5  }
0x1e6: {  	v59 =	vld [tilespmem:s22+$0x2E40];
	v3 =	vadd.f32 v55, v6  }
0x1e7: {  	v60 =	vld [tilespmem:s22+$0x640];
	v2 =	vadd.f32 v56, v2  }
0x1e8: {  	v61 =	vld [tilespmem:s22+$0x2F80];
	v3 =	vadd.f32 v9, v3  }
0x1e9: {  	v62 =	vld [tilespmem:s22+$0x780];
	v1 =	vadd.f32 v57, v2  }
0x1ea: {  	v63 =	vld [tilespmem:s22+$0x30C0];
	v3 =	vadd.f32 v58, v3  }
0x1eb: {  	v12 =	vld [tilespmem:s22+$0x8C0];
	v0 =	vadd.f32 v59, v1  }
0x1ec: {  	v13 =	vld [tilespmem:s22+$0x3200];
	v3 =	vadd.f32 v60, v3;
	v14 =	vpop (erf)  }
0x1ed: {  	v15 =	vld [tilespmem:s22+$0xA00];
	v1 =	vnsel vm0, $0x0, v14;
	v0 =	vadd.f32 v61, v0;
	v17 =	vpop (erf)  }
0x1ee: {  	v16 =	vld [tilespmem:s22+$0x3340];
	v3 =	vadd.f32 v62, v3;
	[tilespmem:s21+$0x5140] =	vst v1;
	v1 =	vnsel vm1, $0x0, v17  }
0x1ef: {  	v18 =	vld [tilespmem:s22+$0xB40];
	v0 =	vadd.f32 v63, v0;
	[tilespmem:s21+$0x5000] =	vst v1  }
0x1f0: {  	v19 =	vadd.f32 v12, v3;
	v20 =	vld [tilespmem:s22+$0x3480]  }
0x1f1: {  	v21 =	vld [tilespmem:s22+$0xC80];
	v0 =	vadd.f32 v13, v0  }
0x1f2: {  	v22 =	vld [tilespmem:s22+$0x35C0];
	v1 =	vadd.f32 v15, v19  }
0x1f3: {  	v23 =	vld [tilespmem:s22+$0xDC0];
	v0 =	vadd.f32 v16, v0  }
0x1f4: {  	v24 =	vld [tilespmem:s22+$0x3700];
	v1 =	vadd.f32 v18, v1  }
0x1f5: {  	v25 =	vld [tilespmem:s22+$0xF00];
	v0 =	vadd.f32 v20, v0  }
0x1f6: {  	v26 =	vld [tilespmem:s22+$0x3840];
	v1 =	vadd.f32 v21, v1  }
0x1f7: {  	v27 =	vld [tilespmem:s22+$0x1040];
	v0 =	vadd.f32 v22, v0  }
0x1f8: {  	v28 =	vld [tilespmem:s22+$0x3980];
	v1 =	vadd.f32 v23, v1  }
0x1f9: {  	v29 =	vld [tilespmem:s22+$0x1180];
	v0 =	vadd.f32 v24, v0  }
0x1fa: {  	v30 =	vld [tilespmem:s22+$0x3AC0];
	v1 =	vadd.f32 v25, v1  }
0x1fb: {  	v31 =	vld [tilespmem:s22+$0x12C0];
	v0 =	vadd.f32 v26, v0  }
0x1fc: {  	v32 =	vld [tilespmem:s22+$0x3C00];
	v1 =	vadd.f32 v27, v1  }
0x1fd: {  	v33 =	vld [tilespmem:s22+$0x1400];
	v0 =	vadd.f32 v28, v0  }
0x1fe: {  	v34 =	vld [tilespmem:s22+$0x3D40];
	v1 =	vadd.f32 v29, v1  }
0x1ff: {  	v35 =	vld [tilespmem:s22+$0x1540];
	v0 =	vadd.f32 v30, v0  }
0x200: {  	v36 =	vld [tilespmem:s22+$0x3E80];
	v1 =	vadd.f32 v31, v1  }
0x201: {  	v37 =	vld [tilespmem:s22+$0x1680];
	v0 =	vadd.f32 v32, v0  }
0x202: {  	v38 =	vld [tilespmem:s22+$0x3FC0];
	v1 =	vadd.f32 v33, v1  }
0x203: {  	v39 =	vld [tilespmem:s22+$0x17C0];
	v0 =	vadd.f32 v34, v0  }
0x204: {  	v40 =	vld [tilespmem:s22+$0x4100];
	v1 =	vadd.f32 v35, v1  }
0x205: {  	v41 =	vld [tilespmem:s22+$0x1900];
	v0 =	vadd.f32 v36, v0  }
0x206: {  	v42 =	vld [tilespmem:s22+$0x4240];
	v1 =	vadd.f32 v37, v1  }
0x207: {  	v43 =	vld [tilespmem:s22+$0x1A40];
	v0 =	vadd.f32 v38, v0  }
0x208: {  	v44 =	vld [tilespmem:s22+$0x4380];
	v1 =	vadd.f32 v39, v1  }
0x209: {  	v45 =	vld [tilespmem:s22+$0x1B80];
	v0 =	vadd.f32 v40, v0  }
0x20a: {  	v46 =	vld [tilespmem:s22+$0x44C0];
	v1 =	vadd.f32 v41, v1  }
0x20b: {  	v47 =	vld [tilespmem:s22+$0x1CC0];
	v0 =	vadd.f32 v42, v0  }
0x20c: {  	v48 =	vld [tilespmem:s22+$0x4600];
	v1 =	vadd.f32 v43, v1  }
0x20d: {  	v49 =	vld [tilespmem:s22+$0x1E00];
	v0 =	vadd.f32 v44, v0  }
0x20e: {  	v50 =	vld [tilespmem:s22+$0x4740];
	v1 =	vadd.f32 v45, v1  }
0x20f: {  	v51 =	vld [tilespmem:s22+$0x1F40];
	v0 =	vadd.f32 v46, v0  }
0x210: {  	v52 =	vld [tilespmem:s22+$0x4880];
	v1 =	vadd.f32 v47, v1  }
0x211: {  	v53 =	vld [tilespmem:s22+$0x2080];
	v0 =	vadd.f32 v48, v0  }
0x212: {  	v54 =	vld [tilespmem:s22+$0x49C0];
	v1 =	vadd.f32 v49, v1  }
0x213: {  	v55 =	vld [tilespmem:s22+$0x21C0];
	v0 =	vadd.f32 v50, v0  }
0x214: {  	v56 =	vld [tilespmem:s22+$0x4B00];
	v1 =	vadd.f32 v51, v1  }
0x215: {  	v57 =	vld [tilespmem:s22+$0x2300];
	v0 =	vadd.f32 v52, v0  }
0x216: {  	v58 =	vld [tilespmem:s22+$0x4C40];
	v1 =	vadd.f32 v53, v1  }
0x217: {  	v59 =	vld [tilespmem:s22+$0x2440];
	v0 =	vadd.f32 v54, v0  }
0x218: {  	v60 =	vld [tilespmem:s22+$0x4D80];
	v1 =	vadd.f32 v55, v1  }
0x219: {  	v61 =	vld [tilespmem:s22+$0x2580];
	v0 =	vadd.f32 v56, v0  }
0x21a: {  	v62 =	vld [tilespmem:s22+$0x4EC0];
	v1 =	vadd.f32 v57, v1  }
0x21b: {  	v63 =	vld [tilespmem:s22+$0x26C0];
	v0 =	vadd.f32 v58, v0  }
0x21c: {  	v1 =	vadd.f32 v59, v1  }
0x21d: {  	v0 =	vadd.f32 v60, v0  }
0x21e: {  	v1 =	vadd.f32 v61, v1  }
0x21f: {  	v0 =	vadd.f32 v62, v0  }
0x220: {  	v1 =	vadd.f32 v63, v1  }
0x221: {  	vm14 =	vgt.f32 v0, $0.0e+00  }
0x222: {  	vm15 =	vgt.f32 v1, $0.0e+00;
	v0 =	vnsel vm14, $0x3F800000, v0  }
0x223: {  	v1 =	vnsel vm15, $0x3F800000, v1;
	(erf) = vrcp.f32 v0  }
0x224: {  	(erf) = vrcp.f32 v1;
	_ =	sdelay $0x7  }
0x225: {  	v0 =	vpop (erf)  }
0x226: {  	v0 =	vnsel vm14, $0x0, v0;
	v1 =	vpop (erf)  }
0x227: {  	v1 =	vnsel vm15, $0x0, v1;
	[tilespmem:s22+$0x5140] =	vst v0  }
0x228: {  	s29 =	simm.s32 $0x5140;
	s21 =	simm.s32 $0x0;
	[tilespmem:s22+$0x5000] =	vst v1  }
0x229: {  	[hbm4b:s10+s21] =	stream.linear.scatter [tilespmem:s29], [sflag:$0x2], $0x140, $0x38;
	[tilespmem:$0x9280] =	vst v63  }
0x22a: {  	_ =	swait.ge [sflag:s15], $0x140  }
0x22b: {  	[sflag:s15] =	ssyncset.done $0x0  }
0x22c: {  	s23 =	simm.s32 $0x0;
	s22 =	simm.s32 $0x0;
	[sflag:s15] =	ssyncadd.s32 $0xFFFFFEC0  }
.LBB2_4:
0x22d: {  	s24 =	sshll.u32 s23, $0x6  }
0x22e: {  	s24 =	sadd.s32 s3, s24  }
0x22f: {  	s24 =	sshll.u32 s24, $0x4  }
0x230: {  	s25 =	sadd.s32 s11, s24  }
0x231: {  	[tilespmem:s16], [sflag:$0x1] =	stream.linear.gather [hbm4b:s25+s21], $0x2000, $0x38;
	[tilespmem:$0x9280] =	vst v63  }
0x232: {  	_ =	swait.ge [sflag:s17], $0x2000  }
0x233: {  	[sflag:s17] =	ssyncset.done $0x0  }
0x234: {  	s29 =	sadd.s32 s24, s13;
	[sflag:s17] =	ssyncadd.s32 $0xFFFFE000  }
0x235: {  	[tilespmem:s18], [sflag:$0x1] =	stream.linear.gather [hbm4b:s29+s21], $0x2000, $0x38;
	[tilespmem:$0x9280] =	vst v63  }
0x236: {  	_ =	swait.ge [sflag:s17], $0x2000  }
0x237: {  	[sflag:s17] =	ssyncset.done $0x0  }
0x238: {  	s25 =	simm.s32 $0x0;
	[sflag:s17] =	ssyncadd.s32 $0xFFFFE000  }
0x239: {  	v1 =	vld [tilespmem:s25+$0x72D0]  }
0x23a: {  	v0 =	vld [tilespmem:s25+$0x72F0]  }
0x23b: {  	v11 =	vld [tilespmem:s25+$0x72E0]  }
0x23c: {  	v2 =	vld [tilespmem:s25+$0x72C0]  }
0x23d: {  	v10 =	vld [tilespmem:s25+$0x72A0]  }
0x23e: {  	v13 =	vld [tilespmem:s25+$0x52A0]  }
0x23f: {  	v4 =	vld [tilespmem:s25+$0x7290]  }
0x240: {  	v14 =	vld [tilespmem:s25+$0x52E0]  }
0x241: {  	v3 =	vmov s22;
	v6 =	vld [tilespmem:s25+$0x52B0]  }
0x242: {  	v5 =	vld [tilespmem:s25+$0x7280]  }
0x243: {  	v7 =	vld [tilespmem:s25+$0x52F0]  }
0x244: {  	v9 =	vld [tilespmem:s25+$0x5290]  }
0x245: {  	v12 =	vld [tilespmem:s25+$0x72B0]  }
0x246: {  	v3 =	vld.idx.msk [tilespmem:v3+s19+$0x0], $0xffff  }
0x247: {  	v8 =	vld [tilespmem:s25+$0x5280]  }
0x248: {  	s26 =	simm.s32 $0x200;
	s28 =	sadd.s32 $0x1, s22;
	v10 =	vadd.f32 v10, v13;
	v13 =	vadd.f32 v11, v14;
	v11 =	vld [tilespmem:s25+$0x52D0]  }
.LBB2_5:
0x249: {  	v14 =	vmov s28;
	s29 =	sshra.s32 s26, $0x2;
	p0 =	sne.s32 s26, $0x7E00;
	s26 =	sadd.s32 $0x200, s26;
	v15 =	vld [tilespmem:s25+$0x52C0]  }
0x24a: {  	v7 =	vadd.f32 v0, v7;
	v16 =	vld [tilespmem:s29+$0x72D0]  }
0x24b: {  	v4 =	vadd.f32 v4, v9;
	v6 =	vadd.f32 v12, v6;
	v0 =	vld [tilespmem:s29+$0x72F0]  }
0x24c: {  	v9 =	vmul.f32 v13, v3;
	v17 =	vld [tilespmem:s29+$0x72E0];
	v5 =	vadd.f32 v5, v8;
	v8 =	vmul.f32 v10, v3  }
0x24d: {  	v7 =	vmul.f32 v7, v3;
	v6 =	vmul.f32 v6, v3;
	v10 =	vld [tilespmem:s29+$0x72C0];
	v18 =	vadd.f32 v1, v11  }
0x24e: {  	v11 =	vld [tilespmem:s29+$0x72A0];
	v12 =	vmul.f32 v5, v3;
	v5 =	vmul.f32 v4, v3;
	[tilespmem:s25+$0x52A0] =	vst v8;
	v2 =	vadd.f32 v2, v15  }
0x24f: {  	v8 =	vld [tilespmem:s29+$0x52A0];
	v13 =	vmul.f32 v18, v3;
	[tilespmem:s25+$0x52E0] =	vst v9;
	v1 =	vmov v16  }
0x250: {  	v4 =	vld [tilespmem:s29+$0x7290];
	[tilespmem:s25+$0x52B0] =	vst v6  }
0x251: {  	v15 =	vld [tilespmem:s29+$0x52E0];
	[tilespmem:s25+$0x5290] =	vst v5  }
0x252: {  	v3 =	vmul.f32 v2, v3;
	v6 =	vld [tilespmem:s29+$0x52B0];
	[tilespmem:s25+$0x52D0] =	vst v13;
	v2 =	vmov v10  }
0x253: {  	v5 =	vld [tilespmem:s29+$0x7280];
	[tilespmem:s25+$0x52F0] =	vst v7  }
0x254: {  	v7 =	vld [tilespmem:s29+$0x52F0];
	[tilespmem:s25+$0x52C0] =	vst v3  }
.Ltmp1:
0x255: {  	v10 =	vadd.f32 v11, v8;
	v9 =	vld [tilespmem:s29+$0x5290];
	[tilespmem:s25+$0x5280] =	vst v12;
	s25 =	smov.u32 s29;
	(pc) =	sbr.rel @p0 .LBB2_5-.Ltmp1, $4  }
0x256: {  	v12 =	vld [tilespmem:s25+$0x72B0]  }
0x257: {  	v13 =	vadd.f32 v17, v15;
	v3 =	vld.idx.msk [tilespmem:v14+s19+$0x0], $0xffff  }
0x258: {  	v8 =	vld [tilespmem:s25+$0x5280]  }
0x259: {  	s28 =	sadd.s32 $0x1, s28;
	v11 =	vld [tilespmem:s25+$0x52D0]  }
0x25a: {  	_ =	sdelay $0x1  }
0x25b: {  	v14 =	vld [tilespmem:s25+$0x52C0];
	v4 =	vadd.f32 v4, v9;
	v10 =	vmul.f32 v10, v3  }
0x25c: {  	v0 =	vadd.f32 v0, v7;
	v62 =	vmul.f32 v13, v3  }
0x25d: {  	v6 =	vadd.f32 v12, v6;
	v4 =	vmul.f32 v4, v3;
	[tilespmem:s25+$0x52A0] =	vst v10  }
0x25e: {  	v0 =	vmul.f32 v0, v3;
	v5 =	vadd.f32 v5, v8;
	[tilespmem:s25+$0x52E0] =	vst v62  }
0x25f: {  	v6 =	vmul.f32 v6, v3;
	v1 =	vadd.f32 v1, v11;
	[tilespmem:s25+$0x5290] =	vst v4  }
0x260: {  	[tilespmem:s25+$0x52F0] =	vst v0;
	v2 =	vadd.f32 v2, v14;
	v63 =	vmul.f32 v5, v3  }
0x261: {  	[tilespmem:s25+$0x52B0] =	vst v6;
	v1 =	vmul.f32 v1, v3  }
0x262: {  	s23 =	sadd.s32 $0x1, s23;
	v2 =	vmul.f32 v2, v3;
	[tilespmem:s25+$0x5280] =	vst v63  }
0x263: {  	p0 =	sne.s32 s23, $0x5;
	[tilespmem:s25+$0x52D0] =	vst v1  }
.Ltmp2:
0x264: {  	s24 =	sadd.s32 s12, s24;
	[tilespmem:s25+$0x52C0] =	vst v2;
	(pc) =	sbr.rel @p0 .LBB2_4-.Ltmp2, $4  }
0x265: {  	[hbm4b:s24+s2] =	stream.linear.scatter [tilespmem:s16], [sflag:$0x2], $0x2000, $0x38;
	[tilespmem:$0x9280] =	vst v63  }
0x266: {  	_ =	swait.ge [sflag:s15], $0x2000  }
0x267: {  	[sflag:s15] =	ssyncset.done $0x0  }
0x268: {  	s22 =	sadd.s32 $0x40, s22;
	[sflag:s15] =	ssyncadd.s32 $0xFFFFE000  }
0x269: {  	s20 =	sadd.s32 $0x1, s20  }
0x26a: {  	p0 =	sne.s32 s20, s14  }
.Ltmp3:
0x26b: {  	_ = 	snop;
	(pc) =	sbr.rel @p0 .LBB2_1-.Ltmp3, $1  }
0x26c: {  	_ =	sdelay $0x3  }
0x26d: {  	_ =	sfence.sel $0x180000  }
0x26e: {  	[bflag:$0x0] =	sbarrier.arrive $0xFFFF  }
0x26f: {  	_ =	strace $0x9000004D  }
0x270: {  	s0 =	stileid.u32;
	[bflag:$0x2] =	sbarrier.arrive $0xFFFF  }
0x271: {  	p0 =	sne.s32 s0, $0x0;
	s0 =	rddreg [dreg:$0x2]  }
0x272: {  	s0 =	sadd.s32 @!p0 $0x100000, s0  }
0x273: {  	[sflag:s0] =	ssyncadd.tile.s32 @!p0 $0x1;
	_ =	shalt  }
.Lfunc_end2:
_tile_overlayer_lowered:
.L_overlay_start_2:
0x274: {  	(tag) =	ssettag $0x2  }
0x275: {  	s0 =	rddreg [dreg:$0x0];
	s2 =	stileid.u32  }
0x276: {  	s1 =	rddreg [dreg:$0x1];
	p0 =	sne.s32 s2, $0x0  }
0x277: {  	s3 =	rddreg [dreg:$0x2];
	[bflag:$0x3] =	sbarrier.arrive $0xFFFF;
	s2 =	simm.s32 @!p0 $0x1C02  }
0x278: {  	[timem:s3], [sflag:s2] =	dma.local @!p0 [hbm:s0], s1  }
0x279: {  	s0 =	simm.s32 @!p0 $0x2  }
0x27a: {  	_ =	swait.ge @!p0 [sflag:s0], s1  }
0x27b: {  	s1 =	ssub.s32 @!p0 $0x0, s1;
	[sflag:s0] =	ssyncset.done @!p0 $0x0  }
0x27c: {  	[sflag:s0] =	ssyncadd.s32 @!p0 s1  }
0x27d: {  	[bflag:$0x3] =	sbarrier.arrive $0xFFFF  }
0x27e: {  	_ =	shalt  }

// kernel: kernel.17.cloned.1.call-start
scs
__scs_entry_jumppad:
0x0: {  	(pc) =	sbr.rel $0x88, $3  }
0x1: {  	(tag) =	ssettag $0x0;
	lr =	simm.s32 $0x1  }
0x2: {  	[smem:$0x3F9C] =	sst lr;
	_ =	strace $0xD0000000  }
0x3: {  	_ = 	snop  }
0x4: {  	_ = 	snop  }
0x5: {  	_ = 	snop  }
0x6: {  	_ = 	snop  }
0x7: {  	_ = 	snop  }
__scs_overlays_trampoline_lowered:
0x8: {  	[smem:$0x3FAB] =	sst s0  }
0x9: {  	[smem:$0x3FAC] =	sst s1  }
0xa: {  	[smem:$0x3FAD] =	sst s2  }
0xb: {  	[smem:$0x3FAE] =	sst s3  }
0xc: {  	[smem:$0x3FAF] =	sst s4  }
0xd: {  	[smem:$0x3FB0] =	sst s5  }
0xe: {  	[smem:$0x3FB1] =	sst s6  }
0xf: {  	[smem:$0x3FB2] =	sst s7  }
0x10: {  	[smem:$0x3FB3] =	sst s8  }
0x11: {  	[smem:$0x3FB4] =	sst s9;
	s0 =	simm.s32 @!p0 $0x0  }
0x12: {  	s1 =	sld [smem:$0x3F9A];
	s0 =	simm.s32 @p0 $0x1  }
0x13: {  	[smem:$0x3FB5] =	sst s0;
	s0 =	simm.s32 @!p1 $0x0  }
0x14: {  	s2 =	sld [smem:$0x3F99];
	s0 =	simm.s32 @p1 $0x1  }
0x15: {  	[smem:$0x3FB6] =	sst s0;
	s0 =	simm.s32 @!p2 $0x0  }
0x16: {  	s3 =	sld [smem:$0x3FDB];
	s0 =	simm.s32 @p2 $0x1  }
0x17: {  	s4 =	simm.s32 $0x1BF5;
	[smem:$0x3FB8] =	sst s0  }
0x18: {  	s0 =	sld [smem:$0x3F9B];
	_ =	swait.ge [sflag:s4], $0x0  }
0x19: {  	s7 =	sld [smem:$0x3F9C]  }
0x1a: {  	s8 =	sadd.s32 $0xFFFFE003, lr  }
0x1b: {  	s9 =	sadd.s32 $0xFFFFFEF7, lr;
	s5 =	simm.s32 $0xFFFFFFFF;
	p2 =	slt.u32 s8, $0xFFFFF086  }
0x1c: {  	p1 =	slt.u32 s9, $0xF7A;
	s5 =	simm.s32 @!p2 $0x0  }
0x1d: {  	s5 =	simm.s32 @p1 $0x1;
	p0 =	seq.s32 s7, s2  }
0x1e: {  	s7 =	smul.u32 @!p0 $0xF7A, s2;
	p2 =	seq.s32 @!p0 s5, $0x0  }
0x1f: {  	s9 =	smul.u32 $0xF7A, s1;
	s8 =	simm.s32 @!p0 $0x1BF5;
	p2 =	por !p2, p0  }
0x20: {  	[sflag:s8] =	ssyncset.s32 @!p0 $0xFFFFF086;
	s6 =	sadd.s32 @!p0 s3, s7;
	s7 =	simm.s32 @!p0 $0x108  }
0x21: {  	s3 =	sadd.s32 s3, s9;
	s6 =	sadd.s32 @!p0 $0x88, s6;
	s7 =	simm.s32 @p2 $0x1082  }
0x22: {  	[simem:s7], [sflag:s8] =	dma.local @!p0 [hbm:s6], $0xF7A  }
0x23: {  	s9 =	sor.u32 $0xD0000000, s2;
	s6 =	simm.s32 $0x108;
	_ =	swait.ge @!p0 [sflag:s8], $0x0  }
0x24: {  	s3 =	sadd.s32 $0x88, s3;
	s6 =	simm.s32 @!p1 $0x1082;
	[sflag:s4] =	ssyncset.s32 $0xFFFFF086  }
0x25: {  	[simem:s6], [sflag:s4] =	dma.local [hbm:s3], $0xF7A  }
0x26: {  	[smem:$0x3F9C] =	sst s1;
	(tag) =	ssettag s2;
	_ =	strace s9  }
0x27: {  	s1 =	sld [smem:$0x3FAC]  }
0x28: {  	s2 =	sld [smem:$0x3FAD]  }
0x29: {  	s4 =	sld [smem:$0x3FAF]  }
0x2a: {  	p0 =	seq.s32 s5, $0x0;
	s5 =	sld [smem:$0x3FB0]  }
0x2b: {  	s6 =	sld [smem:$0x3FB1]  }
0x2c: {  	s7 =	sld [smem:$0x3FB2]  }
0x2d: {  	s3 =	simm.s32 $0x108;
	s8 =	sld [smem:$0x3FB3]  }
0x2e: {  	s3 =	simm.s32 @!p0 $0x1082;
	s9 =	sld [smem:$0x3FB4]  }
0x2f: {  	lr =	sadd.s32 s0, s3;
	s0 =	sld [smem:$0x3FAB]  }
0x30: {  	s3 =	sld [smem:$0x3FAE]  }
0x31: {  	[smem:$0x3FB7] =	sst s10  }
0x32: {  	s10 =	sld [smem:$0x3FB5];
	_ =	sdelay $0x3  }
0x33: {  	p0 =	seq.s32 s10, $0x1;
	s10 =	sld [smem:$0x3FB7];
	_ =	sdelay $0x3  }
0x34: {  	[smem:$0x3FB7] =	sst s10  }
0x35: {  	s10 =	sld [smem:$0x3FB6];
	_ =	sdelay $0x3  }
0x36: {  	p1 =	seq.s32 s10, $0x1;
	s10 =	sld [smem:$0x3FB7];
	_ =	sdelay $0x3  }
0x37: {  	[smem:$0x3FB7] =	sst s10  }
0x38: {  	s10 =	sld [smem:$0x3FB8]  }
0x39: {  	_ = 	snop;
	(pc) =	sbr.ind lr, $3  }
0x3a: {  	_ = 	snop  }
0x3b: {  	_ = 	snop  }
0x3c: {  	p2 =	seq.s32 s10, $0x1;
	s10 =	sld [smem:$0x3FB7]  }
0x3d: {  	_ =	shalt  }
0x3e: {  	_ =	shalt  }
0x3f: {  	_ =	shalt  }
0x40: {  	_ =	shalt  }
0x41: {  	_ =	shalt  }
0x42: {  	_ =	shalt  }
0x43: {  	_ =	shalt  }
0x44: {  	_ =	shalt  }
0x45: {  	_ =	shalt  }
0x46: {  	_ =	shalt  }
0x47: {  	_ =	shalt  }
0x48: {  	_ =	shalt  }
0x49: {  	_ =	shalt  }
0x4a: {  	_ =	shalt  }
0x4b: {  	_ =	shalt  }
0x4c: {  	_ =	shalt  }
0x4d: {  	_ =	shalt  }
0x4e: {  	_ =	shalt  }
0x4f: {  	_ =	shalt  }
0x50: {  	_ =	shalt  }
0x51: {  	_ =	shalt  }
0x52: {  	_ =	shalt  }
0x53: {  	_ =	shalt  }
0x54: {  	_ =	shalt  }
0x55: {  	_ =	shalt  }
0x56: {  	_ =	shalt  }
0x57: {  	_ =	shalt  }
0x58: {  	_ =	shalt  }
0x59: {  	_ =	shalt  }
0x5a: {  	_ =	shalt  }
0x5b: {  	_ =	shalt  }
0x5c: {  	_ =	shalt  }
0x5d: {  	_ =	shalt  }
0x5e: {  	_ =	shalt  }
0x5f: {  	_ =	shalt  }
0x60: {  	_ =	shalt  }
0x61: {  	_ =	shalt  }
0x62: {  	_ =	shalt  }
0x63: {  	_ =	shalt  }
0x64: {  	_ =	shalt  }
0x65: {  	_ =	shalt  }
0x66: {  	_ =	shalt  }
0x67: {  	_ =	shalt  }
0x68: {  	_ =	shalt  }
0x69: {  	_ =	shalt  }
0x6a: {  	_ =	shalt  }
0x6b: {  	_ =	shalt  }
0x6c: {  	_ =	shalt  }
0x6d: {  	_ =	shalt  }
0x6e: {  	_ =	shalt  }
0x6f: {  	_ =	shalt  }
0x70: {  	_ =	shalt  }
0x71: {  	_ =	shalt  }
0x72: {  	_ =	shalt  }
0x73: {  	_ =	shalt  }
0x74: {  	_ =	shalt  }
0x75: {  	_ =	shalt  }
0x76: {  	_ =	shalt  }
0x77: {  	_ =	shalt  }
0x78: {  	_ =	shalt  }
0x79: {  	_ =	shalt  }
0x7a: {  	_ =	shalt  }
0x7b: {  	_ =	shalt  }
0x7c: {  	_ =	shalt  }
0x7d: {  	_ =	shalt  }
0x7e: {  	_ =	shalt  }
0x7f: {  	_ =	shalt  }
0x80: {  	_ =	shalt  }
0x81: {  	_ =	shalt  }
0x82: {  	_ =	shalt  }
0x83: {  	_ =	shalt  }
0x84: {  	_ =	shalt  }
0x85: {  	_ =	shalt  }
0x86: {  	_ =	shalt  }
0x87: {  	_ =	shalt  }
.Lfunc_end0:
.L_simem_size_0:
called_computation.3_lowered:
.L_overlay_start_0:
0x88: {  	s2 =	sld [smem:$0x3FD9]  }
0x89: {  	s3 =	sld [smem:$0x3FFE];
	_ =	sdelay $0x1  }
0x8a: {  	s1 =	srdreg.scid  }
0x8b: {  	s0 =	sand.u32 $0x1, s1  }
0x8c: {  	s16 =	sshll.u32 s0, $0xA;
	s2 =	sadd.s32 s3, s2  }
0x8d: {  	s2 =	sadd.s32 s2, s16  }
0x8e: {  	[smem:$0x3FC3] =	sst s2  }
0x8f: {  	_ = 	snop  }
0x90: {  	(tm) =	ssettm $0x1  }
0x91: {  	s17 =	sld [smem:$0x3FFB];
	_ =	sdelay $0x3  }
0x92: {  	_ =	strace s17  }
0x93: {  	s2 =	sld [smem:$0x3FFC];
	_ =	sdelay $0x3  }
0x94: {  	_ =	strace s2  }
0x95: {  	s2 =	sld [smem:$0x3FFD];
	_ =	sdelay $0x3  }
0x96: {  	_ =	strace s2  }
0x97: {  	_ =	strace $0x8FFFFFFF  }
0x98: {  	s18 =	sld [smem:$0x3FDB];
	_ =	sdelay $0x1  }
0x99: {  	s19 =	simm.s32 $_scs_section_size  }
0x9a: {  	s4 =	simm.s32 $_size__tile_overlayer_lowered;
	s5 =	simm.s32 $_tile_overlayer_lowered  }
0x9b: {  	s22 =	simm.s32 $0x1BFF;
	s21 =	sshll.u32 s5, $0x1;
	s2 =	sadd.s32 s19, s18  }
0x9c: {  	s6 =	simm.s32 $0x0;
	s20 =	sshll.u32 s4, $0x1;
	s4 =	sadd.s32 s21, s2  }
0x9d: {  	[timem:s6], [sflag:s22] =	dma.local [hbm:s4], s20  }
0x9e: {  	_ =	swait.ge [sflag:s22], s20  }
0x9f: {  	s3 =	ssub.s32 $0x0, s20;
	[sflag:s22] =	ssyncset.done $0x0  }
0xa0: {  	[sflag:s22] =	ssyncadd.s32 s3;
	_ =	sdelay $0x1  }
0xa1: {  	s23 =	simm.s32 $0x1B8B  }
0xa2: {  	_ =	swait.ge [sflag:s23], $0x1  }
0xa3: {  	[sflag:s23] =	ssyncset.done $0x0  }
0xa4: {  	s25 =	simm.s32 $0x1B8E;
	s24 =	sld [smem:$0x3FFE];
	[sflag:s23] =	ssyncadd.s32 $0xFFFFFFFF  }
0xa5: {  	s26 =	simm.s32 $execute0_lowered;
	[smem:$0x3FD2] =	sst s25  }
0xa6: {  	s4 =	sshll.u32 s26, $0x1;
	_ =	strace $0x8000004F;
	[dreg:$0x1] =	wrdreg $0xFFFFFFFF  }
0xa7: {  	s28 =	simm.s32 $_size_execute0_lowered;
	s2 =	sadd.s32 s2, s4;
	[dreg:$0x0] =	wrdreg $0x0  }
0xa8: {  	s4 =	sshll.u32 s28, $0x1;
	[dreg:$0x2] =	wrdreg s2  }
0xa9: {  	[dreg:$0x3] =	wrdreg s4  }
0xaa: {  	[dreg:$0x4] =	wrdreg $0xC0  }
0xab: {  	_ =	task [dreg:s6], $0x5FFFF  }
0xac: {  	[dreg:$0x1] =	wrdreg $0xFFFFFFFF  }
0xad: {  	[dreg:$0x0] =	wrdreg $0x60  }
0xae: {  	[dreg:$0x2] =	wrdreg s24  }
0xaf: {  	[dreg:$0x3] =	wrdreg $0x8F000  }
0xb0: {  	[dreg:$0x4] =	wrdreg $0x9  }
0xb1: {  	_ =	task.clear_ibuf [dreg:s6], $0x5FFFF;
	_ =	strace $0x9000004F  }
0xb2: {  	s29 =	simm.s32 $0x9;
	_ =	strace $0x80000051  }
0xb3: {  	_ =	swait.ge [sflag:s29], $0x1  }
0xb4: {  	[sflag:s29] =	ssyncadd.s32 $0xFFFFFFFF  }
0xb5: {  	_ =	strace $0x90000051  }
0xb6: {  	_ =	sfence  }
0xb7: {  	s30 =	sld [smem:$0x0];
	_ =	sdelay $0x2  }
0xb8: {  	s31 =	sshll.u32 s1, $0xD;
	s1 =	sshrl.u32 s1, $0x2  }
0xb9: {  	s3 =	sand.u32 $0x4000, s31;
	s1 =	sadd.s32 s1, s30  }
0xba: {  	s0 =	sor.u32 s3, s0;
	s1 =	sshll.u32 s1, $0x11  }
0xbb: {  	s0 =	sor.u32 s1, s0  }
0xbc: {  	s0 =	sadd.s32 $0x8F2B, s0  }
0xbd: {  	[sflag:s0] =	ssyncadd.remote.s32 $0x1  }
0xbe: {  	_ =	sfence.sel $0xFFFF  }
0xbf: {  	[dreg:$0x0] =	wrdreg $0xFFFFFFFF;
	(pc) =	sbr.abs _section_cstart, $3  }
0xc0: {  	[dreg:$0x1] =	wrdreg $0xFFFFFFFF  }
0xc1: {  	_ =	task.clear_ibuf [dreg:s6], $0x2FFFF;
	_ =	strace $0x9FFFFFFF  }
0xc2: {  	(tm) =	ssettm $0x7FFFFFFF  }
0xc3: {  	_ =	shalt  }
tec
execute0_lowered:
.L_overlay_start_1:
0x0: {  	(tag) =	ssettag $0x1  }
0x1: {  	s5 =	rddreg [dreg:$0x0]  }
0x2: {  	s2 =	rddreg [dreg:$0x1];
	s3 =	srdreg.scid  }
0x3: {  	s0 =	rddreg [dreg:$0x2];
	s1 =	stileid.u32  }
0x4: {  	s14 =	simm.s32 $0x4F00;
	s15 =	simm.s32 $0x2;
	s16 =	simm.s32 $0x2780  }
0x5: {  	s17 =	simm.s32 $0x80;
	s18 =	simm.s32 $0x1;
	s7 =	smul.u32 $0x14000, s1  }
0x6: {  	s6 =	sand.u32 $0x1, s3;
	s3 =	simm.s32 $0x0;
	s10 =	smul.u32 $0x50000, s1  }
0x7: {  	s19 =	sshll.u32 s1, $0x6;
	s4 =	sshll.u32 s6, $0x4;
	[smem:$0x7FF] =	sst s3  }
0x8: {  	s8 =	smul.u32 $0x140000, s6;
	s6 =	ssub.s32 $0x2, s6;
	s19 =	sor.u32 $0x1C02, s19  }
0x9: {  	s4 =	sor.u32 s1, s4;
	_ =	strace $0x80000050;
	s29 =	sshrl.u32 s6, $0x1  }
0xa: {  	s30 =	sshrl.u32 s10, $0x2;
	s9 =	smul.u32 $0x4F0, s4;
	s4 =	sadd.s32 $0x20E00, s5  }
0xb: {  	s8 =	sadd.s32 s7, s8;
	s13 =	ssub.s32 s6, s29;
	s31 =	sadd.s32 s30, s2  }
0xc: {  	s8 =	sshrl.u32 s8, $0x3;
	s6 =	sadd.s32 $0x4000, s31;
	s13 =	smax.u32 s13, $0x1  }
0xd: {  	s11 =	sadd.s32 s9, s5;
	s12 =	sadd.s32 s8, s5;
	s5 =	sadd.s32 s7, s2  }
0xe: {  	s7 =	sadd.s32 $0x8000, s31;
	s8 =	sadd.s32 $0xC000, s31;
	s9 =	sadd.s32 $0x10000, s31  }
0xf: {  	v0 =	vimm.f32 $0.0e+00;
	s10 =	sadd.s32 $0xCA00, s11;
	s11 =	sadd.s32 $0x2C00, s11;
	s12 =	sadd.s32 $0x48E00, s12  }
.LBB2_1:
0x10: {  	s20 =	simm.s32 $0x0;
	s21 =	simm.s32 $0x200  }
.LBB2_2:
0x11: {  	p0 =	sne.s32 s21, $0xFE00;
	[tilespmem:s20+$0x4F70] =	vst v0  }
0x12: {  	[tilespmem:s20+$0x4F00] =	vst v0  }
0x13: {  	[tilespmem:s20+$0x4F10] =	vst v0  }
.Ltmp0:
0x14: {  	[tilespmem:s20+$0x4F20] =	vst v0;
	(pc) =	sbr.rel @p0 .LBB2_2-.Ltmp0, $4  }
0x15: {  	[tilespmem:s20+$0x4F30] =	vst v0  }
0x16: {  	[tilespmem:s20+$0x4F40] =	vst v0  }
0x17: {  	[tilespmem:s20+$0x4F50] =	vst v0  }
0x18: {  	[tilespmem:s20+$0x4F60] =	vst v0;
	s20 =	sshra.s32 s21, $0x2;
	s21 =	sadd.s32 $0x200, s21  }
0x19: {  	[tilespmem:s20+$0x4F70] =	vst v0  }
0x1a: {  	[tilespmem:s20+$0x4F00] =	vst v0  }
0x1b: {  	[tilespmem:s20+$0x4F10] =	vst v0  }
0x1c: {  	[tilespmem:s20+$0x4F20] =	vst v0  }
0x1d: {  	[tilespmem:s20+$0x4F30] =	vst v0  }
0x1e: {  	[tilespmem:s20+$0x4F40] =	vst v0  }
0x1f: {  	[tilespmem:s20+$0x4F50] =	vst v0  }
0x20: {  	[tilespmem:s20+$0x4F60] =	vst v0  }
0x21: {  	[spmem:s5] =	stream.linear.scatter [tilespmem:s14], [sflag:$0x2], $0x4000, $0x38;
	[tilespmem:$0x1CF00] =	vst v63  }
0x22: {  	_ =	swait.ge [sflag:s15], $0x4000  }
0x23: {  	[sflag:s15] =	ssyncset.done $0x0  }
0x24: {  	[sflag:s15] =	ssyncadd.s32 $0xFFFFC000  }
0x25: {  	[spmem:s6] =	stream.linear.scatter [tilespmem:s14], [sflag:$0x2], $0x4000, $0x38;
	[tilespmem:$0x1CF00] =	vst v63  }
0x26: {  	_ =	swait.ge [sflag:s15], $0x4000  }
0x27: {  	[sflag:s15] =	ssyncset.done $0x0  }
0x28: {  	[sflag:s15] =	ssyncadd.s32 $0xFFFFC000  }
0x29: {  	[spmem:s7] =	stream.linear.scatter [tilespmem:s14], [sflag:$0x2], $0x4000, $0x38;
	[tilespmem:$0x1CF00] =	vst v63  }
0x2a: {  	_ =	swait.ge [sflag:s15], $0x4000  }
0x2b: {  	[sflag:s15] =	ssyncset.done $0x0  }
0x2c: {  	[sflag:s15] =	ssyncadd.s32 $0xFFFFC000  }
0x2d: {  	[spmem:s8] =	stream.linear.scatter [tilespmem:s14], [sflag:$0x2], $0x4000, $0x38;
	[tilespmem:$0x1CF00] =	vst v63  }
0x2e: {  	_ =	swait.ge [sflag:s15], $0x4000  }
0x2f: {  	[sflag:s15] =	ssyncset.done $0x0  }
0x30: {  	[sflag:s15] =	ssyncadd.s32 $0xFFFFC000  }
0x31: {  	[spmem:s9] =	stream.linear.scatter [tilespmem:s14], [sflag:$0x2], $0x4000, $0x38;
	[tilespmem:$0x1CF00] =	vst v63  }
0x32: {  	_ =	swait.ge [sflag:s15], $0x4000  }
0x33: {  	[sflag:s15] =	ssyncset.done $0x0  }
0x34: {  	s29 =	simm.s32 $0x0;
	[sflag:s15] =	ssyncadd.s32 $0xFFFFC000  }
0x35: {  	[tilespmem:s29], [sflag:$0x2] =	stream.linear.gather [hbm4b:s10+s29], $0x2780, $0x38;
	[tilespmem:$0x1CF00] =	vst v63  }
0x36: {  	_ =	swait.ge [sflag:s15], $0x2780  }
0x37: {  	[sflag:s15] =	ssyncset.done $0x0  }
0x38: {  	[sflag:s15] =	ssyncadd.s32 $0xFFFFD880  }
0x39: {  	[tilespmem:s16], [sflag:$0x2] =	stream.linear.gather [hbm4b:s11+s29], $0x2780, $0x38;
	[tilespmem:$0x1CF00] =	vst v63  }
0x3a: {  	_ =	swait.ge [sflag:s15], $0x2780  }
0x3b: {  	[sflag:s15] =	ssyncset.done $0x0  }
0x3c: {  	[sflag:s15] =	ssyncadd.s32 $0xFFFFD880  }
0x3d: {  	s30 =	simm.s32 $0x0;
	[bflag:$0x0] =	sbarrier.arrive $0xFFFF  }
0x3e: {  	[tilespmem:s14], [sflag:$0x1] =	stream.indirect.gather [hbm4b:s4+s17], $0x80, s30, s17, $0xb8;
	[tilespmem:$0x1CF00] =	vst v63  }
0x3f: {  	_ =	swait.ge [sflag:s18], $0x4000  }
0x40: {  	[sflag:s18] =	ssyncset.done $0x0  }
0x41: {  	s31 =	simm.s32 $0x2780;
	[sflag:s18] =	ssyncadd.s32 $0xFFFFC000  }
0x42: {  	[spmem:s2] =	stream.indirect.scatter.add.f32 [tilespmem:s14], [sflag:$0x2], $0x80, s31, s17, $0xb8;
	[tilespmem:$0x1CF00] =	vst v63  }
0x43: {  	_ =	swait.ge [sflag:s15], $0x4000  }
0x44: {  	s20 =	simm.s32 $0x200;
	s21 =	simm.s32 $0x400;
	[sflag:s15] =	ssyncset.done $0x0  }
.LBB2_4:
0x45: {  	s22 =	sshra.s32 s20, $0x2  }
0x46: {  	[sflag:s15] =	ssyncadd.s32 $0xFFFFC000;
	s20 =	smov.u32 s21;
	s23 =	sadd.s32 $0x200, s21  }
0x47: {  	[tilespmem:s14], [sflag:$0x1] =	stream.indirect.gather [hbm4b:s4+s17], $0x80, s22, s17, $0xb8;
	[tilespmem:$0x1CF00] =	vst v63  }
0x48: {  	p0 =	sne.s32 s21, $0x9C00;
	_ =	swait.ge [sflag:s18], $0x4000  }
.Ltmp1:
0x49: {  	[sflag:s18] =	ssyncset.done $0x0;
	(pc) =	sbr.rel @p0 .LBB2_4-.Ltmp1, $4  }
0x4a: {  	s21 =	sadd.s32 $0x2780, s22;
	[sflag:s18] =	ssyncadd.s32 $0xFFFFC000  }
0x4b: {  	[spmem:s2] =	stream.indirect.scatter.add.f32 [tilespmem:s14], [sflag:$0x2], $0x80, s21, s17, $0xb8;
	[tilespmem:$0x1CF00] =	vst v63  }
0x4c: {  	_ =	swait.ge [sflag:s15], $0x4000  }
0x4d: {  	s21 =	smov.u32 s23;
	[sflag:s15] =	ssyncset.done $0x0  }
0x4e: {  	s20 =	sshra.s32 s20, $0x2;
	[sflag:s15] =	ssyncadd.s32 $0xFFFFC000  }
0x4f: {  	[tilespmem:s14], [sflag:$0x1] =	stream.indirect.gather [hbm4b:s4+s17], $0x80, s20, s17, $0xb8;
	[tilespmem:$0x1CF00] =	vst v63  }
0x50: {  	_ =	swait.ge [sflag:s18], $0x4000  }
0x51: {  	[sflag:s18] =	ssyncset.done $0x0  }
0x52: {  	s20 =	sadd.s32 $0x2780, s20;
	[sflag:s18] =	ssyncadd.s32 $0xFFFFC000  }
0x53: {  	[spmem:s2] =	stream.indirect.scatter.add.f32 [tilespmem:s14], [sflag:$0x2], $0x80, s20, s17, $0xb8;
	[tilespmem:$0x1CF00] =	vst v63  }
0x54: {  	_ =	swait.ge [sflag:s15], $0x4000  }
0x55: {  	s3 =	sadd.s32 $0x1, s3;
	[sflag:s15] =	ssyncset.done $0x0  }
0x56: {  	p0 =	sne.s32 s3, s13;
	[sflag:s15] =	ssyncadd.s32 $0xFFFFC000  }
.Ltmp2:
0x57: {  	s31 =	sshrl.u32 s5, $0x3;
	[bflag:$0x0] =	sbarrier.arrive $0xFFFF;
	(pc) =	sbr.rel @p0 .LBB2_1-.Ltmp2, $4  }
0x58: {  	[hbm:s12], [sflag:s19] =	dma.local [spmem:s31], $0x2800  }
0x59: {  	_ =	swait.ge [sflag:s15], $0x2800  }
0x5a: {  	[sflag:s15] =	ssyncset.done $0x0  }
0x5b: {  	[sflag:s15] =	ssyncadd.s32 $0xFFFFD800  }
0x5c: {  	_ =	sfence.sel $0x180000  }
0x5d: {  	[bflag:$0x0] =	sbarrier.arrive $0xFFFF  }
0x5e: {  	p0 =	sne.s32 s1, $0x0;
	_ =	strace $0x90000050  }
0x5f: {  	s0 =	sadd.s32 @!p0 $0x100000, s0;
	[bflag:$0x2] =	sbarrier.arrive $0xFFFF  }
0x60: {  	[sflag:s0] =	ssyncadd.tile.s32 @!p0 $0x1;
	_ =	shalt  }
.Lfunc_end2:
_tile_overlayer_lowered:
.L_overlay_start_2:
0x61: {  	(tag) =	ssettag $0x2  }
0x62: {  	s0 =	rddreg [dreg:$0x0];
	s2 =	stileid.u32  }
0x63: {  	s1 =	rddreg [dreg:$0x1];
	p0 =	sne.s32 s2, $0x0  }
0x64: {  	s3 =	rddreg [dreg:$0x2];
	[bflag:$0x3] =	sbarrier.arrive $0xFFFF;
	s2 =	simm.s32 @!p0 $0x1C02  }
0x65: {  	[timem:s3], [sflag:s2] =	dma.local @!p0 [hbm:s0], s1  }
0x66: {  	s0 =	simm.s32 @!p0 $0x2  }
0x67: {  	_ =	swait.ge @!p0 [sflag:s0], s1  }
0x68: {  	s1 =	ssub.s32 @!p0 $0x0, s1;
	[sflag:s0] =	ssyncset.done @!p0 $0x0  }
0x69: {  	[sflag:s0] =	ssyncadd.s32 @!p0 s1  }
0x6a: {  	[bflag:$0x3] =	sbarrier.arrive $0xFFFF  }
0x6b: {  	_ =	shalt  }

// kernel: kernel.20.cloned.1.call-start
scs
__scs_entry_jumppad:
0x0: {  	(pc) =	sbr.rel $0x88, $3  }
0x1: {  	(tag) =	ssettag $0x0;
	lr =	simm.s32 $0x1  }
0x2: {  	[smem:$0x3F9C] =	sst lr;
	_ =	strace $0xD0000000  }
0x3: {  	_ = 	snop  }
0x4: {  	_ = 	snop  }
0x5: {  	_ = 	snop  }
0x6: {  	_ = 	snop  }
0x7: {  	_ = 	snop  }
__scs_overlays_trampoline_lowered:
0x8: {  	[smem:$0x3FAB] =	sst s0  }
0x9: {  	[smem:$0x3FAC] =	sst s1  }
0xa: {  	[smem:$0x3FAD] =	sst s2  }
0xb: {  	[smem:$0x3FAE] =	sst s3  }
0xc: {  	[smem:$0x3FAF] =	sst s4  }
0xd: {  	[smem:$0x3FB0] =	sst s5  }
0xe: {  	[smem:$0x3FB1] =	sst s6  }
0xf: {  	[smem:$0x3FB2] =	sst s7  }
0x10: {  	[smem:$0x3FB3] =	sst s8  }
0x11: {  	[smem:$0x3FB4] =	sst s9;
	s0 =	simm.s32 @!p0 $0x0  }
0x12: {  	s1 =	sld [smem:$0x3F9A];
	s0 =	simm.s32 @p0 $0x1  }
0x13: {  	[smem:$0x3FB5] =	sst s0;
	s0 =	simm.s32 @!p1 $0x0  }
0x14: {  	s2 =	sld [smem:$0x3F99];
	s0 =	simm.s32 @p1 $0x1  }
0x15: {  	[smem:$0x3FB6] =	sst s0;
	s0 =	simm.s32 @!p2 $0x0  }
0x16: {  	s3 =	sld [smem:$0x3FDB];
	s0 =	simm.s32 @p2 $0x1  }
0x17: {  	s4 =	simm.s32 $0x1BF5;
	[smem:$0x3FB8] =	sst s0  }
0x18: {  	s0 =	sld [smem:$0x3F9B];
	_ =	swait.ge [sflag:s4], $0x0  }
0x19: {  	s7 =	sld [smem:$0x3F9C]  }
0x1a: {  	s8 =	sadd.s32 $0xFFFFE003, lr  }
0x1b: {  	s9 =	sadd.s32 $0xFFFFFEF7, lr;
	s5 =	simm.s32 $0xFFFFFFFF;
	p2 =	slt.u32 s8, $0xFFFFF086  }
0x1c: {  	p1 =	slt.u32 s9, $0xF7A;
	s5 =	simm.s32 @!p2 $0x0  }
0x1d: {  	s5 =	simm.s32 @p1 $0x1;
	p0 =	seq.s32 s7, s2  }
0x1e: {  	s7 =	smul.u32 @!p0 $0xF7A, s2;
	p2 =	seq.s32 @!p0 s5, $0x0  }
0x1f: {  	s9 =	smul.u32 $0xF7A, s1;
	s8 =	simm.s32 @!p0 $0x1BF5;
	p2 =	por !p2, p0  }
0x20: {  	[sflag:s8] =	ssyncset.s32 @!p0 $0xFFFFF086;
	s6 =	sadd.s32 @!p0 s3, s7;
	s7 =	simm.s32 @!p0 $0x108  }
0x21: {  	s3 =	sadd.s32 s3, s9;
	s6 =	sadd.s32 @!p0 $0x88, s6;
	s7 =	simm.s32 @p2 $0x1082  }
0x22: {  	[simem:s7], [sflag:s8] =	dma.local @!p0 [hbm:s6], $0xF7A  }
0x23: {  	s9 =	sor.u32 $0xD0000000, s2;
	s6 =	simm.s32 $0x108;
	_ =	swait.ge @!p0 [sflag:s8], $0x0  }
0x24: {  	s3 =	sadd.s32 $0x88, s3;
	s6 =	simm.s32 @!p1 $0x1082;
	[sflag:s4] =	ssyncset.s32 $0xFFFFF086  }
0x25: {  	[simem:s6], [sflag:s4] =	dma.local [hbm:s3], $0xF7A  }
0x26: {  	[smem:$0x3F9C] =	sst s1;
	(tag) =	ssettag s2;
	_ =	strace s9  }
0x27: {  	s1 =	sld [smem:$0x3FAC]  }
0x28: {  	s2 =	sld [smem:$0x3FAD]  }
0x29: {  	s4 =	sld [smem:$0x3FAF]  }
0x2a: {  	p0 =	seq.s32 s5, $0x0;
	s5 =	sld [smem:$0x3FB0]  }
0x2b: {  	s6 =	sld [smem:$0x3FB1]  }
0x2c: {  	s7 =	sld [smem:$0x3FB2]  }
0x2d: {  	s3 =	simm.s32 $0x108;
	s8 =	sld [smem:$0x3FB3]  }
0x2e: {  	s3 =	simm.s32 @!p0 $0x1082;
	s9 =	sld [smem:$0x3FB4]  }
0x2f: {  	lr =	sadd.s32 s0, s3;
	s0 =	sld [smem:$0x3FAB]  }
0x30: {  	s3 =	sld [smem:$0x3FAE]  }
0x31: {  	[smem:$0x3FB7] =	sst s10  }
0x32: {  	s10 =	sld [smem:$0x3FB5];
	_ =	sdelay $0x3  }
0x33: {  	p0 =	seq.s32 s10, $0x1;
	s10 =	sld [smem:$0x3FB7];
	_ =	sdelay $0x3  }
0x34: {  	[smem:$0x3FB7] =	sst s10  }
0x35: {  	s10 =	sld [smem:$0x3FB6];
	_ =	sdelay $0x3  }
0x36: {  	p1 =	seq.s32 s10, $0x1;
	s10 =	sld [smem:$0x3FB7];
	_ =	sdelay $0x3  }
0x37: {  	[smem:$0x3FB7] =	sst s10  }
0x38: {  	s10 =	sld [smem:$0x3FB8]  }
0x39: {  	_ = 	snop;
	(pc) =	sbr.ind lr, $3  }
0x3a: {  	_ = 	snop  }
0x3b: {  	_ = 	snop  }
0x3c: {  	p2 =	seq.s32 s10, $0x1;
	s10 =	sld [smem:$0x3FB7]  }
0x3d: {  	_ =	shalt  }
0x3e: {  	_ =	shalt  }
0x3f: {  	_ =	shalt  }
0x40: {  	_ =	shalt  }
0x41: {  	_ =	shalt  }
0x42: {  	_ =	shalt  }
0x43: {  	_ =	shalt  }
0x44: {  	_ =	shalt  }
0x45: {  	_ =	shalt  }
0x46: {  	_ =	shalt  }
0x47: {  	_ =	shalt  }
0x48: {  	_ =	shalt  }
0x49: {  	_ =	shalt  }
0x4a: {  	_ =	shalt  }
0x4b: {  	_ =	shalt  }
0x4c: {  	_ =	shalt  }
0x4d: {  	_ =	shalt  }
0x4e: {  	_ =	shalt  }
0x4f: {  	_ =	shalt  }
0x50: {  	_ =	shalt  }
0x51: {  	_ =	shalt  }
0x52: {  	_ =	shalt  }
0x53: {  	_ =	shalt  }
0x54: {  	_ =	shalt  }
0x55: {  	_ =	shalt  }
0x56: {  	_ =	shalt  }
0x57: {  	_ =	shalt  }
0x58: {  	_ =	shalt  }
0x59: {  	_ =	shalt  }
0x5a: {  	_ =	shalt  }
0x5b: {  	_ =	shalt  }
0x5c: {  	_ =	shalt  }
0x5d: {  	_ =	shalt  }
0x5e: {  	_ =	shalt  }
0x5f: {  	_ =	shalt  }
0x60: {  	_ =	shalt  }
0x61: {  	_ =	shalt  }
0x62: {  	_ =	shalt  }
0x63: {  	_ =	shalt  }
0x64: {  	_ =	shalt  }
0x65: {  	_ =	shalt  }
0x66: {  	_ =	shalt  }
0x67: {  	_ =	shalt  }
0x68: {  	_ =	shalt  }
0x69: {  	_ =	shalt  }
0x6a: {  	_ =	shalt  }
0x6b: {  	_ =	shalt  }
0x6c: {  	_ =	shalt  }
0x6d: {  	_ =	shalt  }
0x6e: {  	_ =	shalt  }
0x6f: {  	_ =	shalt  }
0x70: {  	_ =	shalt  }
0x71: {  	_ =	shalt  }
0x72: {  	_ =	shalt  }
0x73: {  	_ =	shalt  }
0x74: {  	_ =	shalt  }
0x75: {  	_ =	shalt  }
0x76: {  	_ =	shalt  }
0x77: {  	_ =	shalt  }
0x78: {  	_ =	shalt  }
0x79: {  	_ =	shalt  }
0x7a: {  	_ =	shalt  }
0x7b: {  	_ =	shalt  }
0x7c: {  	_ =	shalt  }
0x7d: {  	_ =	shalt  }
0x7e: {  	_ =	shalt  }
0x7f: {  	_ =	shalt  }
0x80: {  	_ =	shalt  }
0x81: {  	_ =	shalt  }
0x82: {  	_ =	shalt  }
0x83: {  	_ =	shalt  }
0x84: {  	_ =	shalt  }
0x85: {  	_ =	shalt  }
0x86: {  	_ =	shalt  }
0x87: {  	_ =	shalt  }
.Lfunc_end0:
.L_simem_size_0:
called_computation.4_lowered:
.L_overlay_start_0:
0x88: {  	s2 =	sld [smem:$0x3FD9]  }
0x89: {  	s3 =	sld [smem:$0x3FFE];
	_ =	sdelay $0x1  }
0x8a: {  	s1 =	srdreg.scid  }
0x8b: {  	s0 =	sand.u32 $0x1, s1  }
0x8c: {  	s17 =	sshll.u32 s0, $0xA;
	s2 =	sadd.s32 s3, s2  }
0x8d: {  	s2 =	sadd.s32 s2, s17  }
0x8e: {  	[smem:$0x3FC3] =	sst s2  }
0x8f: {  	_ = 	snop  }
0x90: {  	s2 =	sld [smem:$0x3FC5];
	(tm) =	ssettm $0x1  }
0x91: {  	s18 =	sld [smem:$0x3FFB];
	_ =	sdelay $0x3  }
0x92: {  	_ =	strace s18  }
0x93: {  	s3 =	sld [smem:$0x3FFC];
	_ =	sdelay $0x3  }
0x94: {  	_ =	strace s3  }
0x95: {  	s3 =	sld [smem:$0x3FFD];
	_ =	sdelay $0x3  }
0x96: {  	_ =	strace s3  }
0x97: {  	_ =	strace $0x8FFFFFFF  }
0x98: {  	s19 =	sld [smem:$0x3FDB];
	_ =	sdelay $0x1  }
0x99: {  	s4 =	simm.s32 $_scs_section_size  }
0x9a: {  	s5 =	simm.s32 $_size__tile_overlayer_lowered;
	s6 =	simm.s32 $_tile_overlayer_lowered  }
0x9b: {  	s22 =	simm.s32 $0x1BFF;
	s21 =	sshll.u32 s6, $0x1;
	s3 =	sadd.s32 s4, s19  }
0x9c: {  	s7 =	simm.s32 $0x0;
	s20 =	sshll.u32 s5, $0x1;
	s5 =	sadd.s32 s21, s3  }
0x9d: {  	[timem:s7], [sflag:s22] =	dma.local [hbm:s5], s20  }
0x9e: {  	_ =	swait.ge [sflag:s22], s20  }
0x9f: {  	s4 =	ssub.s32 $0x0, s20;
	[sflag:s22] =	ssyncset.done $0x0  }
0xa0: {  	[sflag:s22] =	ssyncadd.s32 s4;
	_ =	sdelay $0x1  }
0xa1: {  	s23 =	simm.s32 $0x1B8B  }
0xa2: {  	_ =	swait.ge [sflag:s23], $0x1  }
0xa3: {  	[sflag:s23] =	ssyncset.done $0x0  }
0xa4: {  	s25 =	simm.s32 $0x1B8E;
	s24 =	sld [smem:$0x3FFE];
	[sflag:s23] =	ssyncadd.s32 $0xFFFFFFFF  }
0xa5: {  	s26 =	simm.s32 $execute0_lowered;
	[smem:$0x3FD2] =	sst s25  }
0xa6: {  	s5 =	sshll.u32 s26, $0x1;
	_ =	strace $0x80000052;
	[dreg:$0x1] =	wrdreg $0xFFFFFFFF  }
0xa7: {  	s28 =	simm.s32 $_size_execute0_lowered;
	s3 =	sadd.s32 s3, s5;
	[dreg:$0x0] =	wrdreg $0x0  }
0xa8: {  	s5 =	sshll.u32 s28, $0x1;
	[dreg:$0x2] =	wrdreg s3  }
0xa9: {  	[dreg:$0x3] =	wrdreg s5  }
0xaa: {  	[dreg:$0x4] =	wrdreg $0xC0  }
0xab: {  	_ =	task [dreg:s7], $0x5FFFF  }
0xac: {  	[dreg:$0x1] =	wrdreg $0xFFFFFFFF  }
0xad: {  	[dreg:$0x0] =	wrdreg $0x60  }
0xae: {  	[dreg:$0x2] =	wrdreg s24  }
0xaf: {  	[dreg:$0x3] =	wrdreg s2  }
0xb0: {  	[dreg:$0x4] =	wrdreg $0x9  }
0xb1: {  	_ =	task.clear_ibuf [dreg:s7], $0x5FFFF;
	_ =	strace $0x90000052  }
0xb2: {  	s29 =	simm.s32 $0x9;
	_ =	strace $0x80000054  }
0xb3: {  	_ =	swait.ge [sflag:s29], $0x1  }
0xb4: {  	[sflag:s29] =	ssyncadd.s32 $0xFFFFFFFF  }
0xb5: {  	_ =	strace $0x90000054  }
0xb6: {  	_ =	sfence  }
0xb7: {  	s30 =	sld [smem:$0x0];
	_ =	sdelay $0x2  }
0xb8: {  	s31 =	sshll.u32 s1, $0xD;
	s1 =	sshrl.u32 s1, $0x2  }
0xb9: {  	s3 =	sand.u32 $0x4000, s31;
	s1 =	sadd.s32 s1, s30  }
0xba: {  	s0 =	sor.u32 s3, s0;
	s1 =	sshll.u32 s1, $0x11  }
0xbb: {  	s0 =	sor.u32 s1, s0  }
0xbc: {  	s0 =	sadd.s32 $0x8F2B, s0  }
0xbd: {  	[sflag:s0] =	ssyncadd.remote.s32 $0x1  }
0xbe: {  	_ =	sfence.sel $0xFFFF  }
0xbf: {  	[dreg:$0x0] =	wrdreg $0xFFFFFFFF;
	(pc) =	sbr.abs _section_cstart, $3  }
0xc0: {  	[dreg:$0x1] =	wrdreg $0xFFFFFFFF  }
0xc1: {  	_ =	task.clear_ibuf [dreg:s7], $0x2FFFF;
	_ =	strace $0x9FFFFFFF  }
0xc2: {  	(tm) =	ssettm $0x7FFFFFFF  }
0xc3: {  	_ =	shalt  }
tec
execute0_lowered:
.L_overlay_start_1:
0x0: {  	(tag) =	ssettag $0x1  }
0x1: {  	s0 =	srdreg.scid;
	s8 =	rddreg [dreg:$0x0]  }
0x2: {  	s2 =	rddreg [dreg:$0x1];
	s1 =	stileid.u32  }
0x3: {  	s3 =	simm.s32 $0x0;
	s11 =	simm.s32 $0x140;
	s5 =	sand.u32 $0x1, s0  }
0x4: {  	s12 =	simm.s32 $0x1C0;
	s13 =	simm.s32 $0x1;
	s4 =	sshll.u32 s5, $0x4  }
0x5: {  	s14 =	simm.s32 $0x21C0;
	s15 =	simm.s32 $0x0;
	s4 =	sor.u32 s1, s4  }
0x6: {  	[smem:$0x7FF] =	sst s3;
	s7 =	ssub.s32 $0x2, s5;
	s4 =	smul.u32 $0x140, s4  }
0x7: {  	s0 =	rddreg [dreg:$0x2];
	_ =	strace $0x80000053;
	s9 =	sshrl.u32 s7, $0x1  }
0x8: {  	s5 =	sadd.s32 $0x48E00, s8;
	s9 =	ssub.s32 s7, s9;
	s6 =	sshrl.u32 s4, $0x3  }
0x9: {  	s9 =	smax.u32 s9, $0x1;
	s10 =	sadd.s32 s6, s8;
	s6 =	sadd.s32 $0x16E00, s8  }
0xa: {  	s8 =	sadd.s32 $0x70E00, s8;
	s7 =	sadd.s32 $0x16800, s10;
	s10 =	simm.s32 $0x2  }
.LBB2_1:
0xb: {  	[tilespmem:s3], [sflag:$0x2] =	stream.linear.gather [hbm4b:s7+s3], $0x140, $0x38;
	[tilespmem:$0x41C0] =	vst v63  }
0xc: {  	_ =	swait.ge [sflag:s10], $0x140  }
0xd: {  	[sflag:s10] =	ssyncset.done $0x0  }
0xe: {  	[sflag:s10] =	ssyncadd.s32 $0xFFFFFEC0  }
0xf: {  	[tilespmem:s11], [sflag:$0x2] =	stream.linear.gather [hbm4b:s2+s3], $0x80, $0x38;
	[tilespmem:$0x41C0] =	vst v63  }
0x10: {  	_ =	swait.ge [sflag:s10], $0x80  }
0x11: {  	[sflag:s10] =	ssyncset.done $0x0  }
0x12: {  	s16 =	simm.s32 $0x0;
	s17 =	simm.s32 $0x0;
	[sflag:s10] =	ssyncadd.s32 $0xFFFFFF80  }
.LBB2_2:
0x13: {  	s18 =	sshll.u32 s17, $0x6  }
0x14: {  	s18 =	sadd.s32 s4, s18  }
0x15: {  	s18 =	sshll.u32 s18, $0x4  }
0x16: {  	s20 =	simm.s32 $0x0;
	s19 =	sadd.s32 s5, s18  }
0x17: {  	[tilespmem:s12], [sflag:$0x1] =	stream.linear.gather [hbm4b:s19+s20], $0x2000, $0x38;
	[tilespmem:$0x41C0] =	vst v63  }
0x18: {  	_ =	swait.ge [sflag:s13], $0x2000  }
0x19: {  	[sflag:s13] =	ssyncset.done $0x0  }
0x1a: {  	s31 =	sadd.s32 s18, s8;
	[sflag:s13] =	ssyncadd.s32 $0xFFFFE000  }
0x1b: {  	[tilespmem:s14], [sflag:$0x1] =	stream.linear.gather [hbm4b:s31+s20], $0x2000, $0x38;
	[tilespmem:$0x41C0] =	vst v63  }
0x1c: {  	_ =	swait.ge [sflag:s13], $0x2000  }
0x1d: {  	v0 =	vmov s16;
	[sflag:s13] =	ssyncset.done $0x0  }
0x1e: {  	s20 =	simm.s32 $0x0;
	[sflag:s13] =	ssyncadd.s32 $0xFFFFE000  }
0x1f: {  	v1 =	vld [tilespmem:s20+$0x1C0]  }
0x20: {  	v2 =	vld [tilespmem:s20+$0x21C0];
	_ =	sdelay $0x1  }
0x21: {  	v3 =	vld.idx.msk [tilespmem:v0+s3+$0x0], $0xffff;
	_ =	sdelay $0x1  }
0x22: {  	v0 =	vld [tilespmem:$0x140]  }
0x23: {  	v1 =	vadd.f32 v2, v1;
	_ =	sdelay $0x1  }
0x24: {  	v4 =	vld [tilespmem:s20+$0x1D0];
	v1 =	vmul.f32 v1, v3  }
0x25: {  	v2 =	vld [tilespmem:s20+$0x21D0]  }
0x26: {  	v0 =	vadd.f32 v1, v0;
	_ =	sdelay $0x1  }
0x27: {  	[tilespmem:s20+$0x1C0] =	vst v0  }
0x28: {  	v1 =	vld [tilespmem:$0x150]  }
0x29: {  	v0 =	vadd.f32 v2, v4;
	_ =	sdelay $0x1  }
0x2a: {  	v5 =	vld [tilespmem:s20+$0x1E0];
	v2 =	vmul.f32 v0, v3  }
0x2b: {  	v4 =	vld [tilespmem:s20+$0x21E0]  }
0x2c: {  	s19 =	simm.s32 $0x80;
	v2 =	vadd.f32 v2, v1  }
0x2d: {  	v0 =	vld [tilespmem:s19+$0x1C0]  }
0x2e: {  	v1 =	vld [tilespmem:s19+$0x21C0];
	[tilespmem:s20+$0x1D0] =	vst v2  }
0x2f: {  	v2 =	vld [tilespmem:$0x160]  }
0x30: {  	v4 =	vadd.f32 v4, v5;
	_ =	sdelay $0x1  }
0x31: {  	v6 =	vld [tilespmem:s20+$0x1F0];
	v4 =	vmul.f32 v4, v3  }
0x32: {  	v5 =	vld [tilespmem:s20+$0x21F0]  }
0x33: {  	v2 =	vadd.f32 v4, v2;
	_ =	sdelay $0x1  }
0x34: {  	[tilespmem:s20+$0x1E0] =	vst v2  }
0x35: {  	v2 =	vld [tilespmem:$0x170]  }
0x36: {  	v4 =	vadd.f32 v5, v6;
	_ =	sdelay $0x1  }
0x37: {  	v60 =	vld [tilespmem:s20+$0x200];
	v4 =	vmul.f32 v4, v3  }
0x38: {  	v5 =	vld [tilespmem:s20+$0x2200]  }
0x39: {  	v2 =	vadd.f32 v4, v2;
	_ =	sdelay $0x1  }
0x3a: {  	[tilespmem:s20+$0x1F0] =	vst v2  }
0x3b: {  	v2 =	vld [tilespmem:$0x180]  }
0x3c: {  	v4 =	vadd.f32 v5, v60;
	_ =	sdelay $0x1  }
0x3d: {  	v61 =	vld [tilespmem:s20+$0x210];
	v4 =	vmul.f32 v4, v3  }
0x3e: {  	v5 =	vld [tilespmem:s20+$0x2210]  }
0x3f: {  	v2 =	vadd.f32 v4, v2;
	_ =	sdelay $0x1  }
0x40: {  	[tilespmem:s20+$0x200] =	vst v2  }
0x41: {  	v2 =	vld [tilespmem:$0x190]  }
0x42: {  	v4 =	vadd.f32 v5, v61;
	_ =	sdelay $0x1  }
0x43: {  	v62 =	vld [tilespmem:s20+$0x220];
	v4 =	vmul.f32 v4, v3  }
0x44: {  	v5 =	vld [tilespmem:s20+$0x2220]  }
0x45: {  	v2 =	vadd.f32 v4, v2;
	_ =	sdelay $0x1  }
0x46: {  	[tilespmem:s20+$0x210] =	vst v2  }
0x47: {  	v2 =	vld [tilespmem:$0x1A0]  }
0x48: {  	v4 =	vadd.f32 v5, v62;
	_ =	sdelay $0x1  }
0x49: {  	v63 =	vld [tilespmem:s20+$0x230];
	v4 =	vmul.f32 v4, v3  }
0x4a: {  	v5 =	vld [tilespmem:s20+$0x2230]  }
0x4b: {  	v2 =	vadd.f32 v4, v2;
	_ =	sdelay $0x1  }
0x4c: {  	[tilespmem:s20+$0x220] =	vst v2  }
0x4d: {  	v4 =	vld [tilespmem:$0x1B0]  }
0x4e: {  	v2 =	vadd.f32 v5, v63  }
0x4f: {  	s21 =	sadd.s32 $0x1, s16  }
0x50: {  	v3 =	vmul.f32 v2, v3;
	v2 =	vmov s21;
	_ =	sdelay $0x1  }
0x51: {  	s22 =	simm.s32 $0x400;
	v3 =	vadd.f32 v3, v4  }
.LBB2_3:
0x52: {  	_ = 	snop  }
0x53: {  	p0 =	sne.s32 s22, $0x7E00;
	s23 =	smov.u32 s22;
	s22 =	sadd.s32 $0x200, s22;
	[tilespmem:s20+$0x230] =	vst v3  }
0x54: {  	s20 =	smov.u32 s19;
	v3 =	vld.idx.msk [tilespmem:v2+s3+$0x0], $0xffff;
	_ =	sdelay $0x2  }
0x55: {  	v2 =	vld [tilespmem:$0x140]  }
0x56: {  	v0 =	vadd.f32 v1, v0;
	_ =	sdelay $0x1  }
0x57: {  	v0 =	vmul.f32 v0, v3;
	v1 =	vld [tilespmem:s20+$0x21D0]  }
0x58: {  	v4 =	vld [tilespmem:s20+$0x1D0]  }
0x59: {  	v0 =	vadd.f32 v0, v2;
	_ =	sdelay $0x1  }
0x5a: {  	[tilespmem:s20+$0x1C0] =	vst v0  }
0x5b: {  	s19 =	sshra.s32 s23, $0x2;
	v2 =	vld [tilespmem:$0x150]  }
0x5c: {  	v0 =	vld [tilespmem:s19+$0x1C0];
	v4 =	vadd.f32 v1, v4  }
0x5d: {  	v1 =	vld [tilespmem:s19+$0x21C0]  }
0x5e: {  	v4 =	vmul.f32 v4, v3;
	v5 =	vld [tilespmem:s20+$0x21E0]  }
0x5f: {  	v6 =	vld [tilespmem:s20+$0x1E0]  }
0x60: {  	v2 =	vadd.f32 v4, v2;
	_ =	sdelay $0x1  }
0x61: {  	[tilespmem:s20+$0x1D0] =	vst v2  }
0x62: {  	v2 =	vld [tilespmem:$0x160]  }
0x63: {  	v4 =	vadd.f32 v5, v6;
	_ =	sdelay $0x1  }
0x64: {  	v4 =	vmul.f32 v4, v3;
	v5 =	vld [tilespmem:s20+$0x21F0]  }
0x65: {  	v6 =	vld [tilespmem:s20+$0x1F0]  }
0x66: {  	v2 =	vadd.f32 v4, v2;
	_ =	sdelay $0x1  }
0x67: {  	[tilespmem:s20+$0x1E0] =	vst v2  }
0x68: {  	v2 =	vld [tilespmem:$0x170]  }
0x69: {  	v4 =	vadd.f32 v5, v6;
	_ =	sdelay $0x1  }
0x6a: {  	v4 =	vmul.f32 v4, v3;
	v5 =	vld [tilespmem:s20+$0x2200]  }
0x6b: {  	v6 =	vld [tilespmem:s20+$0x200]  }
0x6c: {  	v2 =	vadd.f32 v4, v2;
	_ =	sdelay $0x1  }
0x6d: {  	[tilespmem:s20+$0x1F0] =	vst v2  }
0x6e: {  	v2 =	vld [tilespmem:$0x180]  }
0x6f: {  	v4 =	vadd.f32 v5, v6;
	_ =	sdelay $0x1  }
0x70: {  	v4 =	vmul.f32 v4, v3;
	v5 =	vld [tilespmem:s20+$0x2210]  }
0x71: {  	v6 =	vld [tilespmem:s20+$0x210]  }
0x72: {  	v2 =	vadd.f32 v4, v2;
	_ =	sdelay $0x1  }
0x73: {  	[tilespmem:s20+$0x200] =	vst v2  }
0x74: {  	v2 =	vld [tilespmem:$0x190]  }
0x75: {  	v4 =	vadd.f32 v5, v6;
	_ =	sdelay $0x1  }
0x76: {  	v4 =	vmul.f32 v4, v3;
	v5 =	vld [tilespmem:s20+$0x2220]  }
0x77: {  	v6 =	vld [tilespmem:s20+$0x220]  }
0x78: {  	v2 =	vadd.f32 v4, v2;
	_ =	sdelay $0x1  }
0x79: {  	[tilespmem:s20+$0x210] =	vst v2  }
0x7a: {  	v2 =	vld [tilespmem:$0x1A0]  }
0x7b: {  	v4 =	vadd.f32 v5, v6;
	_ =	sdelay $0x1  }
0x7c: {  	v4 =	vmul.f32 v4, v3;
	v5 =	vld [tilespmem:s20+$0x2230]  }
0x7d: {  	v6 =	vld [tilespmem:s20+$0x230]  }
0x7e: {  	v2 =	vadd.f32 v4, v2;
	_ =	sdelay $0x1  }
0x7f: {  	[tilespmem:s20+$0x220] =	vst v2  }
0x80: {  	v4 =	vld [tilespmem:$0x1B0]  }
.Ltmp0:
0x81: {  	v5 =	vadd.f32 v5, v6;
	(pc) =	sbr.rel @p0 .LBB2_3-.Ltmp0, $3  }
0x82: {  	s21 =	sadd.s32 $0x1, s21  }
0x83: {  	v2 =	vmov s21;
	v3 =	vmul.f32 v5, v3;
	_ =	sdelay $0x1  }
0x84: {  	v3 =	vadd.f32 v3, v4  }
0x85: {  	_ =	sdelay $0x2  }
0x86: {  	[tilespmem:s20+$0x230] =	vst v3  }
0x87: {  	v2 =	vld.idx.msk [tilespmem:v2+s3+$0x0], $0xffff;
	_ =	sdelay $0x1  }
0x88: {  	v3 =	vld [tilespmem:$0x140]  }
0x89: {  	v0 =	vadd.f32 v1, v0;
	_ =	sdelay $0x1  }
0x8a: {  	v45 =	vld [tilespmem:s19+$0x21D0];
	v0 =	vmul.f32 v0, v2  }
0x8b: {  	v4 =	vld [tilespmem:s19+$0x1D0]  }
0x8c: {  	v0 =	vadd.f32 v0, v3;
	_ =	sdelay $0x1  }
0x8d: {  	[tilespmem:s19+$0x1C0] =	vst v0  }
0x8e: {  	v0 =	vld [tilespmem:$0x150]  }
0x8f: {  	v1 =	vadd.f32 v45, v4;
	_ =	sdelay $0x1  }
0x90: {  	v46 =	vld [tilespmem:s19+$0x21E0];
	v1 =	vmul.f32 v1, v2  }
0x91: {  	v47 =	vld [tilespmem:s19+$0x1E0]  }
0x92: {  	v0 =	vadd.f32 v1, v0;
	_ =	sdelay $0x1  }
0x93: {  	[tilespmem:s19+$0x1D0] =	vst v0  }
0x94: {  	v0 =	vld [tilespmem:$0x160]  }
0x95: {  	v48 =	vadd.f32 v46, v47;
	_ =	sdelay $0x1  }
0x96: {  	v49 =	vld [tilespmem:s19+$0x21F0];
	v1 =	vmul.f32 v48, v2  }
0x97: {  	v50 =	vld [tilespmem:s19+$0x1F0]  }
0x98: {  	v0 =	vadd.f32 v1, v0;
	_ =	sdelay $0x1  }
0x99: {  	[tilespmem:s19+$0x1E0] =	vst v0  }
0x9a: {  	v0 =	vld [tilespmem:$0x170]  }
0x9b: {  	v51 =	vadd.f32 v49, v50;
	_ =	sdelay $0x1  }
0x9c: {  	v52 =	vld [tilespmem:s19+$0x2200];
	v1 =	vmul.f32 v51, v2  }
0x9d: {  	v53 =	vld [tilespmem:s19+$0x200]  }
0x9e: {  	v0 =	vadd.f32 v1, v0;
	_ =	sdelay $0x1  }
0x9f: {  	[tilespmem:s19+$0x1F0] =	vst v0  }
0xa0: {  	v0 =	vld [tilespmem:$0x180]  }
0xa1: {  	v54 =	vadd.f32 v52, v53;
	_ =	sdelay $0x1  }
0xa2: {  	v55 =	vld [tilespmem:s19+$0x2210];
	v1 =	vmul.f32 v54, v2  }
0xa3: {  	v56 =	vld [tilespmem:s19+$0x210]  }
0xa4: {  	v0 =	vadd.f32 v1, v0;
	_ =	sdelay $0x1  }
0xa5: {  	[tilespmem:s19+$0x200] =	vst v0  }
0xa6: {  	v0 =	vld [tilespmem:$0x190]  }
0xa7: {  	v57 =	vadd.f32 v55, v56;
	_ =	sdelay $0x1  }
0xa8: {  	v58 =	vld [tilespmem:s19+$0x2220];
	v1 =	vmul.f32 v57, v2  }
0xa9: {  	v59 =	vld [tilespmem:s19+$0x220]  }
0xaa: {  	v0 =	vadd.f32 v1, v0;
	_ =	sdelay $0x1  }
0xab: {  	[tilespmem:s19+$0x210] =	vst v0  }
0xac: {  	v0 =	vld [tilespmem:$0x1A0]  }
0xad: {  	v60 =	vadd.f32 v58, v59;
	_ =	sdelay $0x1  }
0xae: {  	v61 =	vld [tilespmem:s19+$0x2230];
	v1 =	vmul.f32 v60, v2  }
0xaf: {  	v62 =	vld [tilespmem:s19+$0x230]  }
0xb0: {  	v0 =	vadd.f32 v1, v0;
	_ =	sdelay $0x1  }
0xb1: {  	[tilespmem:s19+$0x220] =	vst v0  }
0xb2: {  	v0 =	vld [tilespmem:$0x1B0]  }
0xb3: {  	v63 =	vadd.f32 v61, v62;
	_ =	sdelay $0x1  }
0xb4: {  	v1 =	vmul.f32 v63, v2;
	_ =	sdelay $0x1  }
0xb5: {  	s17 =	sadd.s32 $0x1, s17;
	v0 =	vadd.f32 v1, v0  }
0xb6: {  	p0 =	sne.s32 s17, $0x5  }
.Ltmp1:
0xb7: {  	s18 =	sadd.s32 s6, s18;
	[tilespmem:s19+$0x230] =	vst v0;
	(pc) =	sbr.rel @p0 .LBB2_2-.Ltmp1, $4  }
0xb8: {  	[hbm4b:s18+s3] =	stream.linear.scatter [tilespmem:s12], [sflag:$0x2], $0x2000, $0x38;
	[tilespmem:$0x41C0] =	vst v63  }
0xb9: {  	_ =	swait.ge [sflag:s10], $0x2000  }
0xba: {  	[sflag:s10] =	ssyncset.done $0x0  }
0xbb: {  	s16 =	sadd.s32 $0x40, s16;
	[sflag:s10] =	ssyncadd.s32 $0xFFFFE000  }
0xbc: {  	s15 =	sadd.s32 $0x1, s15  }
0xbd: {  	p0 =	sne.s32 s15, s9  }
.Ltmp2:
0xbe: {  	_ = 	snop;
	(pc) =	sbr.rel @p0 .LBB2_1-.Ltmp2, $1  }
0xbf: {  	_ =	sdelay $0x3  }
0xc0: {  	_ =	sfence.sel $0x180000  }
0xc1: {  	[bflag:$0x0] =	sbarrier.arrive $0xFFFF  }
0xc2: {  	p0 =	sne.s32 s1, $0x0;
	_ =	strace $0x90000053  }
0xc3: {  	s0 =	sadd.s32 @!p0 $0x100000, s0;
	[bflag:$0x2] =	sbarrier.arrive $0xFFFF  }
0xc4: {  	[sflag:s0] =	ssyncadd.tile.s32 @!p0 $0x1;
	_ =	shalt  }
.Lfunc_end2:
_tile_overlayer_lowered:
.L_overlay_start_2:
0xc5: {  	(tag) =	ssettag $0x2  }
0xc6: {  	s0 =	rddreg [dreg:$0x0];
	s2 =	stileid.u32  }
0xc7: {  	s1 =	rddreg [dreg:$0x1];
	p0 =	sne.s32 s2, $0x0  }
0xc8: {  	s3 =	rddreg [dreg:$0x2];
	[bflag:$0x3] =	sbarrier.arrive $0xFFFF;
	s2 =	simm.s32 @!p0 $0x1C02  }
0xc9: {  	[timem:s3], [sflag:s2] =	dma.local @!p0 [hbm:s0], s1  }
0xca: {  	s0 =	simm.s32 @!p0 $0x2  }
0xcb: {  	_ =	swait.ge @!p0 [sflag:s0], s1  }
0xcc: {  	s1 =	ssub.s32 @!p0 $0x0, s1;
	[sflag:s0] =	ssyncset.done @!p0 $0x0  }
0xcd: {  	[sflag:s0] =	ssyncadd.s32 @!p0 s1  }
0xce: {  	[bflag:$0x3] =	sbarrier.arrive $0xFFFF  }
0xcf: {  	_ =	shalt  }

// kernel: kernel.8.cloned.1.call-start
scs
__scs_entry_jumppad:
0x0: {  	(pc) =	sbr.rel $0x88, $3  }
0x1: {  	(tag) =	ssettag $0x0;
	lr =	simm.s32 $0x1  }
0x2: {  	[smem:$0x3F9C] =	sst lr;
	_ =	strace $0xD0000000  }
0x3: {  	_ = 	snop  }
0x4: {  	_ = 	snop  }
0x5: {  	_ = 	snop  }
0x6: {  	_ = 	snop  }
0x7: {  	_ = 	snop  }
__scs_overlays_trampoline_lowered:
0x8: {  	[smem:$0x3FAB] =	sst s0  }
0x9: {  	[smem:$0x3FAC] =	sst s1  }
0xa: {  	[smem:$0x3FAD] =	sst s2  }
0xb: {  	[smem:$0x3FAE] =	sst s3  }
0xc: {  	[smem:$0x3FAF] =	sst s4  }
0xd: {  	[smem:$0x3FB0] =	sst s5  }
0xe: {  	[smem:$0x3FB1] =	sst s6  }
0xf: {  	[smem:$0x3FB2] =	sst s7  }
0x10: {  	[smem:$0x3FB3] =	sst s8  }
0x11: {  	[smem:$0x3FB4] =	sst s9;
	s0 =	simm.s32 @!p0 $0x0  }
0x12: {  	s1 =	sld [smem:$0x3F9A];
	s0 =	simm.s32 @p0 $0x1  }
0x13: {  	[smem:$0x3FB5] =	sst s0;
	s0 =	simm.s32 @!p1 $0x0  }
0x14: {  	s2 =	sld [smem:$0x3F99];
	s0 =	simm.s32 @p1 $0x1  }
0x15: {  	[smem:$0x3FB6] =	sst s0;
	s0 =	simm.s32 @!p2 $0x0  }
0x16: {  	s3 =	sld [smem:$0x3FDB];
	s0 =	simm.s32 @p2 $0x1  }
0x17: {  	s4 =	simm.s32 $0x1BF5;
	[smem:$0x3FB8] =	sst s0  }
0x18: {  	s0 =	sld [smem:$0x3F9B];
	_ =	swait.ge [sflag:s4], $0x0  }
0x19: {  	s7 =	sld [smem:$0x3F9C]  }
0x1a: {  	s8 =	sadd.s32 $0xFFFFE003, lr  }
0x1b: {  	s9 =	sadd.s32 $0xFFFFFEF7, lr;
	s5 =	simm.s32 $0xFFFFFFFF;
	p2 =	slt.u32 s8, $0xFFFFF086  }
0x1c: {  	p1 =	slt.u32 s9, $0xF7A;
	s5 =	simm.s32 @!p2 $0x0  }
0x1d: {  	s5 =	simm.s32 @p1 $0x1;
	p0 =	seq.s32 s7, s2  }
0x1e: {  	s7 =	smul.u32 @!p0 $0xF7A, s2;
	p2 =	seq.s32 @!p0 s5, $0x0  }
0x1f: {  	s9 =	smul.u32 $0xF7A, s1;
	s8 =	simm.s32 @!p0 $0x1BF5;
	p2 =	por !p2, p0  }
0x20: {  	[sflag:s8] =	ssyncset.s32 @!p0 $0xFFFFF086;
	s6 =	sadd.s32 @!p0 s3, s7;
	s7 =	simm.s32 @!p0 $0x108  }
0x21: {  	s3 =	sadd.s32 s3, s9;
	s6 =	sadd.s32 @!p0 $0x88, s6;
	s7 =	simm.s32 @p2 $0x1082  }
0x22: {  	[simem:s7], [sflag:s8] =	dma.local @!p0 [hbm:s6], $0xF7A  }
0x23: {  	s9 =	sor.u32 $0xD0000000, s2;
	s6 =	simm.s32 $0x108;
	_ =	swait.ge @!p0 [sflag:s8], $0x0  }
0x24: {  	s3 =	sadd.s32 $0x88, s3;
	s6 =	simm.s32 @!p1 $0x1082;
	[sflag:s4] =	ssyncset.s32 $0xFFFFF086  }
0x25: {  	[simem:s6], [sflag:s4] =	dma.local [hbm:s3], $0xF7A  }
0x26: {  	[smem:$0x3F9C] =	sst s1;
	(tag) =	ssettag s2;
	_ =	strace s9  }
0x27: {  	s1 =	sld [smem:$0x3FAC]  }
0x28: {  	s2 =	sld [smem:$0x3FAD]  }
0x29: {  	s4 =	sld [smem:$0x3FAF]  }
0x2a: {  	p0 =	seq.s32 s5, $0x0;
	s5 =	sld [smem:$0x3FB0]  }
0x2b: {  	s6 =	sld [smem:$0x3FB1]  }
0x2c: {  	s7 =	sld [smem:$0x3FB2]  }
0x2d: {  	s3 =	simm.s32 $0x108;
	s8 =	sld [smem:$0x3FB3]  }
0x2e: {  	s3 =	simm.s32 @!p0 $0x1082;
	s9 =	sld [smem:$0x3FB4]  }
0x2f: {  	lr =	sadd.s32 s0, s3;
	s0 =	sld [smem:$0x3FAB]  }
0x30: {  	s3 =	sld [smem:$0x3FAE]  }
0x31: {  	[smem:$0x3FB7] =	sst s10  }
0x32: {  	s10 =	sld [smem:$0x3FB5];
	_ =	sdelay $0x3  }
0x33: {  	p0 =	seq.s32 s10, $0x1;
	s10 =	sld [smem:$0x3FB7];
	_ =	sdelay $0x3  }
0x34: {  	[smem:$0x3FB7] =	sst s10  }
0x35: {  	s10 =	sld [smem:$0x3FB6];
	_ =	sdelay $0x3  }
0x36: {  	p1 =	seq.s32 s10, $0x1;
	s10 =	sld [smem:$0x3FB7];
	_ =	sdelay $0x3  }
0x37: {  	[smem:$0x3FB7] =	sst s10  }
0x38: {  	s10 =	sld [smem:$0x3FB8]  }
0x39: {  	_ = 	snop;
	(pc) =	sbr.ind lr, $3  }
0x3a: {  	_ = 	snop  }
0x3b: {  	_ = 	snop  }
0x3c: {  	p2 =	seq.s32 s10, $0x1;
	s10 =	sld [smem:$0x3FB7]  }
0x3d: {  	_ =	shalt  }
0x3e: {  	_ =	shalt  }
0x3f: {  	_ =	shalt  }
0x40: {  	_ =	shalt  }
0x41: {  	_ =	shalt  }
0x42: {  	_ =	shalt  }
0x43: {  	_ =	shalt  }
0x44: {  	_ =	shalt  }
0x45: {  	_ =	shalt  }
0x46: {  	_ =	shalt  }
0x47: {  	_ =	shalt  }
0x48: {  	_ =	shalt  }
0x49: {  	_ =	shalt  }
0x4a: {  	_ =	shalt  }
0x4b: {  	_ =	shalt  }
0x4c: {  	_ =	shalt  }
0x4d: {  	_ =	shalt  }
0x4e: {  	_ =	shalt  }
0x4f: {  	_ =	shalt  }
0x50: {  	_ =	shalt  }
0x51: {  	_ =	shalt  }
0x52: {  	_ =	shalt  }
0x53: {  	_ =	shalt  }
0x54: {  	_ =	shalt  }
0x55: {  	_ =	shalt  }
0x56: {  	_ =	shalt  }
0x57: {  	_ =	shalt  }
0x58: {  	_ =	shalt  }
0x59: {  	_ =	shalt  }
0x5a: {  	_ =	shalt  }
0x5b: {  	_ =	shalt  }
0x5c: {  	_ =	shalt  }
0x5d: {  	_ =	shalt  }
0x5e: {  	_ =	shalt  }
0x5f: {  	_ =	shalt  }
0x60: {  	_ =	shalt  }
0x61: {  	_ =	shalt  }
0x62: {  	_ =	shalt  }
0x63: {  	_ =	shalt  }
0x64: {  	_ =	shalt  }
0x65: {  	_ =	shalt  }
0x66: {  	_ =	shalt  }
0x67: {  	_ =	shalt  }
0x68: {  	_ =	shalt  }
0x69: {  	_ =	shalt  }
0x6a: {  	_ =	shalt  }
0x6b: {  	_ =	shalt  }
0x6c: {  	_ =	shalt  }
0x6d: {  	_ =	shalt  }
0x6e: {  	_ =	shalt  }
0x6f: {  	_ =	shalt  }
0x70: {  	_ =	shalt  }
0x71: {  	_ =	shalt  }
0x72: {  	_ =	shalt  }
0x73: {  	_ =	shalt  }
0x74: {  	_ =	shalt  }
0x75: {  	_ =	shalt  }
0x76: {  	_ =	shalt  }
0x77: {  	_ =	shalt  }
0x78: {  	_ =	shalt  }
0x79: {  	_ =	shalt  }
0x7a: {  	_ =	shalt  }
0x7b: {  	_ =	shalt  }
0x7c: {  	_ =	shalt  }
0x7d: {  	_ =	shalt  }
0x7e: {  	_ =	shalt  }
0x7f: {  	_ =	shalt  }
0x80: {  	_ =	shalt  }
0x81: {  	_ =	shalt  }
0x82: {  	_ =	shalt  }
0x83: {  	_ =	shalt  }
0x84: {  	_ =	shalt  }
0x85: {  	_ =	shalt  }
0x86: {  	_ =	shalt  }
0x87: {  	_ =	shalt  }
.Lfunc_end0:
.L_simem_size_0:
called_computation_lowered:
.L_overlay_start_0:
0x88: {  	s2 =	sld [smem:$0x3FD9]  }
0x89: {  	s3 =	sld [smem:$0x3FFE];
	_ =	sdelay $0x1  }
0x8a: {  	s1 =	srdreg.scid  }
0x8b: {  	s0 =	sand.u32 $0x1, s1  }
0x8c: {  	s17 =	sshll.u32 s0, $0xA;
	s2 =	sadd.s32 s3, s2  }
0x8d: {  	s2 =	sadd.s32 s2, s17  }
0x8e: {  	[smem:$0x3FC3] =	sst s2  }
0x8f: {  	_ = 	snop  }
0x90: {  	s2 =	sld [smem:$0x3FD0];
	(tm) =	ssettm $0x1  }
0x91: {  	s18 =	sld [smem:$0x3FFB];
	_ =	sdelay $0x3  }
0x92: {  	_ =	strace s18  }
0x93: {  	s3 =	sld [smem:$0x3FFC];
	_ =	sdelay $0x3  }
0x94: {  	_ =	strace s3  }
0x95: {  	s3 =	sld [smem:$0x3FFD];
	_ =	sdelay $0x3  }
0x96: {  	_ =	strace s3  }
0x97: {  	_ =	strace $0x8FFFFFFF  }
0x98: {  	s19 =	sld [smem:$0x3FDB];
	_ =	sdelay $0x1  }
0x99: {  	s4 =	simm.s32 $_scs_section_size  }
0x9a: {  	s5 =	simm.s32 $_size__tile_overlayer_lowered;
	s6 =	simm.s32 $_tile_overlayer_lowered  }
0x9b: {  	s22 =	simm.s32 $0x1BFF;
	s21 =	sshll.u32 s6, $0x1;
	s3 =	sadd.s32 s4, s19  }
0x9c: {  	s7 =	simm.s32 $0x0;
	s20 =	sshll.u32 s5, $0x1;
	s5 =	sadd.s32 s21, s3  }
0x9d: {  	[timem:s7], [sflag:s22] =	dma.local [hbm:s5], s20  }
0x9e: {  	_ =	swait.ge [sflag:s22], s20  }
0x9f: {  	s4 =	ssub.s32 $0x0, s20;
	[sflag:s22] =	ssyncset.done $0x0  }
0xa0: {  	[sflag:s22] =	ssyncadd.s32 s4;
	_ =	sdelay $0x1  }
0xa1: {  	s23 =	simm.s32 $0x1B8B  }
0xa2: {  	_ =	swait.ge [sflag:s23], $0x1  }
0xa3: {  	[sflag:s23] =	ssyncset.done $0x0  }
0xa4: {  	s25 =	simm.s32 $0x1B8E;
	s24 =	sld [smem:$0x3FFE];
	[sflag:s23] =	ssyncadd.s32 $0xFFFFFFFF  }
0xa5: {  	s26 =	simm.s32 $execute0_lowered;
	[smem:$0x3FD2] =	sst s25  }
0xa6: {  	s5 =	sshll.u32 s26, $0x1;
	_ =	strace $0x80000046;
	[dreg:$0x1] =	wrdreg $0xFFFFFFFF  }
0xa7: {  	s28 =	simm.s32 $_size_execute0_lowered;
	s3 =	sadd.s32 s3, s5;
	[dreg:$0x0] =	wrdreg $0x0  }
0xa8: {  	s5 =	sshll.u32 s28, $0x1;
	[dreg:$0x2] =	wrdreg s3  }
0xa9: {  	[dreg:$0x3] =	wrdreg s5  }
0xaa: {  	[dreg:$0x4] =	wrdreg $0xC0  }
0xab: {  	_ =	task [dreg:s7], $0x5FFFF  }
0xac: {  	[dreg:$0x1] =	wrdreg $0xFFFFFFFF  }
0xad: {  	[dreg:$0x0] =	wrdreg $0x60  }
0xae: {  	[dreg:$0x2] =	wrdreg s24  }
0xaf: {  	[dreg:$0x3] =	wrdreg s2  }
0xb0: {  	[dreg:$0x4] =	wrdreg $0x9  }
0xb1: {  	_ =	task.clear_ibuf [dreg:s7], $0x5FFFF;
	_ =	strace $0x90000046  }
0xb2: {  	s29 =	simm.s32 $0x9;
	_ =	strace $0x80000048  }
0xb3: {  	_ =	swait.ge [sflag:s29], $0x1  }
0xb4: {  	[sflag:s29] =	ssyncadd.s32 $0xFFFFFFFF  }
0xb5: {  	_ =	strace $0x90000048  }
0xb6: {  	_ =	sfence  }
0xb7: {  	s30 =	sld [smem:$0x0];
	_ =	sdelay $0x2  }
0xb8: {  	s31 =	sshll.u32 s1, $0xD;
	s1 =	sshrl.u32 s1, $0x2  }
0xb9: {  	s3 =	sand.u32 $0x4000, s31;
	s1 =	sadd.s32 s1, s30  }
0xba: {  	s0 =	sor.u32 s3, s0;
	s1 =	sshll.u32 s1, $0x11  }
0xbb: {  	s0 =	sor.u32 s1, s0  }
0xbc: {  	s0 =	sadd.s32 $0x8F2B, s0  }
0xbd: {  	[sflag:s0] =	ssyncadd.remote.s32 $0x1  }
0xbe: {  	_ =	sfence.sel $0xFFFF  }
0xbf: {  	[dreg:$0x0] =	wrdreg $0xFFFFFFFF;
	(pc) =	sbr.abs _section_cstart, $3  }
0xc0: {  	[dreg:$0x1] =	wrdreg $0xFFFFFFFF  }
0xc1: {  	_ =	task.clear_ibuf [dreg:s7], $0x2FFFF;
	_ =	strace $0x9FFFFFFF  }
0xc2: {  	(tm) =	ssettm $0x7FFFFFFF  }
0xc3: {  	_ =	shalt  }
tec
execute0_lowered:
.L_overlay_start_1:
0x0: {  	(tag) =	ssettag $0x1  }
0x1: {  	s4 =	rddreg [dreg:$0x0]  }
0x2: {  	s0 =	srdreg.scid;
	s6 =	rddreg [dreg:$0x1]  }
0x3: {  	s2 =	simm.s32 $0x0;
	s11 =	simm.s32 $0x4F00;
	s3 =	sand.u32 $0x1, s0  }
0x4: {  	s12 =	simm.s32 $0x7700;
	s0 =	stileid.u32;
	s1 =	sshll.u32 s3, $0x4  }
0x5: {  	s13 =	simm.s32 $0x9F00;
	s14 =	simm.s32 $0x0;
	s5 =	sor.u32 s0, s1  }
0x6: {  	[smem:$0x7FF] =	sst s2;
	s30 =	ssub.s32 $0x2, s3;
	s7 =	smul.u32 $0x4F0, s5  }
0x7: {  	s3 =	sadd.s32 $0x16800, s4;
	s31 =	sshrl.u32 s30, $0x1;
	s8 =	smul.u32 $0x500, s5  }
0x8: {  	s1 =	rddreg [dreg:$0x2];
	_ =	strace $0x80000047;
	s10 =	ssub.s32 s30, s31  }
0x9: {  	s29 =	sadd.s32 s7, s4;
	s9 =	sadd.s32 s8, s4;
	s6 =	sadd.s32 s6, s8  }
0xa: {  	s8 =	smax.u32 s10, $0x1;
	s10 =	simm.s32 $0x2780;
	s4 =	sadd.s32 $0x2C00, s29  }
0xb: {  	v0 =	vimm.f32 $0.0e+00;
	v1 =	vimm.f32 $1.000000000e+00;
	s5 =	sadd.s32 $0xCA00, s29;
	s7 =	sadd.s32 $0x16E00, s9;
	s9 =	simm.s32 $0x1  }
.LBB2_1:
0xc: {  	[tilespmem:s2], [sflag:$0x1] =	stream.linear.gather [hbm4b:s4+s2], $0x2780, $0x38;
	[tilespmem:$0xC700] =	vst v63  }
0xd: {  	_ =	swait.ge [sflag:s9], $0x2780  }
0xe: {  	[sflag:s9] =	ssyncset.done $0x0  }
0xf: {  	[sflag:s9] =	ssyncadd.s32 $0xFFFFD880  }
0x10: {  	[tilespmem:s10], [sflag:$0x1] =	stream.linear.gather [hbm4b:s5+s2], $0x2780, $0x38;
	[tilespmem:$0xC700] =	vst v63  }
0x11: {  	_ =	swait.ge [sflag:s9], $0x2780  }
0x12: {  	[sflag:s9] =	ssyncset.done $0x0  }
0x13: {  	[sflag:s9] =	ssyncadd.s32 $0xFFFFD880  }
0x14: {  	[tilespmem:s11], [sflag:$0x1] =	stream.linear.gather [hbm4b:s3+s2], $0x2800, $0x38;
	[tilespmem:$0xC700] =	vst v63  }
0x15: {  	_ =	swait.ge [sflag:s9], $0x2800  }
0x16: {  	[sflag:s9] =	ssyncset.done $0x0  }
0x17: {  	s15 =	simm.s32 $0x40;
	s16 =	simm.s32 $0x0;
	[sflag:s9] =	ssyncadd.s32 $0xFFFFD800  }
.LBB2_2:
0x18: {  	p0 =	sne.s32 s15, $0x9FC0;
	[tilespmem:s16+$0x7700] =	vst v0;
	s16 =	smov.u32 s15;
	s15 =	sadd.s32 $0x40, s15  }
.Ltmp0:
0x19: {  	(pc) =	sbr.rel @p0 .LBB2_2-.Ltmp0, $2  }
0x1a: {  	_ =	sdelay $0x2  }
0x1b: {  	s16 =	sshra.s32 s16, $0x2  }
0x1c: {  	[tilespmem:s16+$0x7700] =	vst v0;
	s15 =	simm.s32 $0x0;
	s16 =	simm.s32 $0x40;
	s17 =	simm.s32 $0x0  }
.LBB2_4:
0x1d: {  	p0 =	sne.s32 s16, $0x9FC0;
	[tilespmem:s17+$0x9F00] =	vst v0;
	s17 =	smov.u32 s16;
	s16 =	sadd.s32 $0x40, s16  }
.Ltmp1:
0x1e: {  	(pc) =	sbr.rel @p0 .LBB2_4-.Ltmp1, $2  }
0x1f: {  	_ =	sdelay $0x2  }
0x20: {  	s17 =	sshra.s32 s17, $0x2  }
0x21: {  	[tilespmem:s17+$0x9F00] =	vst v0  }
.LBB2_6:
0x22: {  	s16 =	sshra.s32 s15, $0x2  }
0x23: {  	v2 =	vld [tilespmem:s16+$0x2780];
	_ =	sdelay $0x4  }
0x24: {  	v3 =	vld [tilespmem:s16+$0x0];
	_ =	sdelay $0x2  }
0x25: {  	v4 =	vld.idx.msk [tilespmem:v2+s11+$0x0], $0xffff;
	_ =	sdelay $0x4  }
0x26: {  	[tilespmem:v3+s12+$0x0] =	vst.idx.add.f32.msk $0xffff, v4  }
0x27: {  	[tilespmem:v2+s13+$0x0] =	vst.idx.add.f32.msk $0xffff, v1  }
0x28: {  	v2 =	vld [tilespmem:s16+$0x2790];
	_ =	sdelay $0x4  }
0x29: {  	v3 =	vld [tilespmem:s16+$0x10];
	_ =	sdelay $0x2  }
0x2a: {  	v4 =	vld.idx.msk [tilespmem:v2+s11+$0x0], $0xffff;
	_ =	sdelay $0x4  }
0x2b: {  	[tilespmem:v3+s12+$0x0] =	vst.idx.add.f32.msk $0xffff, v4  }
0x2c: {  	[tilespmem:v2+s13+$0x0] =	vst.idx.add.f32.msk $0xffff, v1  }
0x2d: {  	v2 =	vld [tilespmem:s16+$0x27A0];
	_ =	sdelay $0x4  }
0x2e: {  	v3 =	vld [tilespmem:s16+$0x20];
	_ =	sdelay $0x2  }
0x2f: {  	v4 =	vld.idx.msk [tilespmem:v2+s11+$0x0], $0xffff;
	_ =	sdelay $0x4  }
0x30: {  	[tilespmem:v3+s12+$0x0] =	vst.idx.add.f32.msk $0xffff, v4  }
0x31: {  	[tilespmem:v2+s13+$0x0] =	vst.idx.add.f32.msk $0xffff, v1  }
0x32: {  	v2 =	vld [tilespmem:s16+$0x27B0];
	_ =	sdelay $0x4  }
0x33: {  	v3 =	vld [tilespmem:s16+$0x30];
	_ =	sdelay $0x2  }
0x34: {  	v4 =	vld.idx.msk [tilespmem:v2+s11+$0x0], $0xffff;
	_ =	sdelay $0x4  }
0x35: {  	[tilespmem:v3+s12+$0x0] =	vst.idx.add.f32.msk $0xffff, v4  }
0x36: {  	[tilespmem:v2+s13+$0x0] =	vst.idx.add.f32.msk $0xffff, v1  }
0x37: {  	v2 =	vld [tilespmem:s16+$0x27C0];
	_ =	sdelay $0x4  }
0x38: {  	v3 =	vld [tilespmem:s16+$0x40];
	_ =	sdelay $0x2  }
0x39: {  	v4 =	vld.idx.msk [tilespmem:v2+s11+$0x0], $0xffff;
	_ =	sdelay $0x4  }
0x3a: {  	[tilespmem:v3+s12+$0x0] =	vst.idx.add.f32.msk $0xffff, v4  }
0x3b: {  	[tilespmem:v2+s13+$0x0] =	vst.idx.add.f32.msk $0xffff, v1  }
0x3c: {  	v2 =	vld [tilespmem:s16+$0x27D0];
	_ =	sdelay $0x4  }
0x3d: {  	v3 =	vld [tilespmem:s16+$0x50];
	_ =	sdelay $0x2  }
0x3e: {  	v4 =	vld.idx.msk [tilespmem:v2+s11+$0x0], $0xffff;
	_ =	sdelay $0x4  }
0x3f: {  	[tilespmem:v3+s12+$0x0] =	vst.idx.add.f32.msk $0xffff, v4  }
0x40: {  	[tilespmem:v2+s13+$0x0] =	vst.idx.add.f32.msk $0xffff, v1  }
0x41: {  	v2 =	vld [tilespmem:s16+$0x27E0];
	_ =	sdelay $0x4  }
0x42: {  	v3 =	vld [tilespmem:s16+$0x60];
	_ =	sdelay $0x2  }
0x43: {  	v4 =	vld.idx.msk [tilespmem:v2+s11+$0x0], $0xffff;
	_ =	sdelay $0x4  }
0x44: {  	[tilespmem:v3+s12+$0x0] =	vst.idx.add.f32.msk $0xffff, v4  }
0x45: {  	[tilespmem:v2+s13+$0x0] =	vst.idx.add.f32.msk $0xffff, v1  }
0x46: {  	v2 =	vld [tilespmem:s16+$0x27F0];
	_ =	sdelay $0x4  }
0x47: {  	v3 =	vld [tilespmem:s16+$0x70];
	_ =	sdelay $0x2  }
0x48: {  	v4 =	vld.idx.msk [tilespmem:v2+s11+$0x0], $0xffff  }
0x49: {  	p0 =	sne.s32 s15, $0x9C00  }
.Ltmp2:
0x4a: {  	_ = 	snop;
	(pc) =	sbr.rel @p0 .LBB2_6-.Ltmp2, $3  }
0x4b: {  	_ =	sdelay $0x1  }
0x4c: {  	[tilespmem:v3+s12+$0x0] =	vst.idx.add.f32.msk $0xffff, v4  }
0x4d: {  	s15 =	sadd.s32 $0x200, s15;
	[tilespmem:v2+s13+$0x0] =	vst.idx.add.f32.msk $0xffff, v1  }
0x4e: {  	[hbm4b:s6+s2] =	stream.linear.scatter [tilespmem:s12], [sflag:$0x1], $0x2800, $0x38;
	[tilespmem:$0xC700] =	vst v63  }
0x4f: {  	s14 =	sadd.s32 $0x1, s14;
	_ =	swait.ge [sflag:s9], $0x2800  }
0x50: {  	p0 =	sne.s32 s14, s8;
	[sflag:s9] =	ssyncset.done $0x0  }
.Ltmp3:
0x51: {  	[sflag:s9] =	ssyncadd.s32 $0xFFFFD800;
	(pc) =	sbr.rel @p0 .LBB2_1-.Ltmp3, $4  }
0x52: {  	[hbm4b:s7+s2] =	stream.linear.scatter [tilespmem:s13], [sflag:$0x1], $0x2800, $0x38;
	[tilespmem:$0xC700] =	vst v63  }
0x53: {  	_ =	swait.ge [sflag:s9], $0x2800  }
0x54: {  	[sflag:s9] =	ssyncset.done $0x0  }
0x55: {  	[sflag:s9] =	ssyncadd.s32 $0xFFFFD800  }
0x56: {  	_ =	sfence.sel $0x180000  }
0x57: {  	[bflag:$0x0] =	sbarrier.arrive $0xFFFF  }
0x58: {  	p0 =	sne.s32 s0, $0x0;
	_ =	strace $0x90000047  }
0x59: {  	s0 =	sadd.s32 @!p0 $0x100000, s1;
	[bflag:$0x2] =	sbarrier.arrive $0xFFFF  }
0x5a: {  	[sflag:s0] =	ssyncadd.tile.s32 @!p0 $0x1;
	_ =	shalt  }
.Lfunc_end2:
_tile_overlayer_lowered:
.L_overlay_start_2:
0x5b: {  	(tag) =	ssettag $0x2  }
0x5c: {  	s0 =	rddreg [dreg:$0x0];
	s2 =	stileid.u32  }
0x5d: {  	s1 =	rddreg [dreg:$0x1];
	p0 =	sne.s32 s2, $0x0  }
0x5e: {  	s3 =	rddreg [dreg:$0x2];
	[bflag:$0x3] =	sbarrier.arrive $0xFFFF;
	s2 =	simm.s32 @!p0 $0x1C01  }
0x5f: {  	[timem:s3], [sflag:s2] =	dma.local @!p0 [hbm:s0], s1  }
0x60: {  	s0 =	simm.s32 @!p0 $0x1  }
0x61: {  	_ =	swait.ge @!p0 [sflag:s0], s1  }
0x62: {  	s1 =	ssub.s32 @!p0 $0x0, s1;
	[sflag:s0] =	ssyncset.done @!p0 $0x0  }
0x63: {  	[sflag:s0] =	ssyncadd.s32 @!p0 s1  }
0x64: {  	[bflag:$0x3] =	sbarrier.arrive $0xFFFF  }
0x65: {  	_ =	shalt  }

</sc_bundles>
